<compile_context>
chip_gen: v7x
topology: tpu7x:2x2x1
jax: 0.10.2.dev20260603
libtpu: 0.0.44.dev20260713+nightly
codegen_flags: <defaults>
</compile_context>

<pallas_src>
import functools

import jax
import jax.numpy as jnp
from jax import lax
from jax.experimental import pallas as pl
from jax.experimental.pallas import tpu as pltpu
from jax.experimental.pallas import tpu_sc as plsc

NC = 2
NS = 16
NW = NC * NS
LANES = 16

CH = 128
RB = 2048


def _round_up(a, b):
  return ((a + b - 1) // b) * b


def _sc_mesh():
  return plsc.VectorSubcoreMesh(core_axis_name="c", subcore_axis_name="s")


def _make_deg_kernel(n_chunks, n_pad):
  @functools.partial(
      pl.kernel,
      out_type=jax.ShapeDtypeStruct((2, NW, n_pad // CH, CH), jnp.float32),
      mesh=_sc_mesh(),
      compiler_params=pltpu.CompilerParams(needs_layout_passes=False),
      scratch_types=[
          pltpu.VMEM((n_chunks, CH), jnp.int32),
          pltpu.VMEM((n_pad // CH, CH), jnp.float32),
          pltpu.VMEM((n_pad // CH, CH), jnp.float32),
      ],
  )
  def deg_kernel(pk_hbm, out_hbm, pk_v, ho_v, hi_v):
    cid = lax.axis_index("c")
    sid = lax.axis_index("s")
    wid = sid * NC + cid
    base = wid * n_chunks
    pltpu.sync_copy(pk_hbm.at[pl.ds(base, n_chunks)], pk_v)

    zero = jnp.zeros((LANES,), jnp.float32)

    @pl.loop(0, n_pad // CH)
    def _(i):
      for jj in range(CH // LANES):
        ho_v[i, pl.ds(jj * LANES, LANES)] = zero
        hi_v[i, pl.ds(jj * LANES, LANES)] = zero

    ones = jnp.ones((LANES,), jnp.float32)

    @pl.loop(0, n_chunks)
    def _(j):
      for jj in range(CH // LANES):
        pk = pk_v[j, pl.ds(jj * LANES, LANES)]
        s_idx = pk & 0xFFFF
        d_idx = pk >> 16
        plsc.addupdate_scatter(ho_v, [s_idx // CH, s_idx % CH], ones)
        plsc.addupdate_scatter(hi_v, [d_idx // CH, d_idx % CH], ones)

    pltpu.sync_copy(ho_v, out_hbm.at[0, wid])
    pltpu.sync_copy(hi_v, out_hbm.at[1, wid])

  return deg_kernel


SD = 2


def _make_agg_kernel(d, e_w, n_pad, ch, nbuf, n_phases):
  rows_per_tile = n_pad // NS
  n_chunks = e_w // ch
  assert n_chunks % (nbuf * n_phases) == 0
  cpp = n_chunks // n_phases
  groups = cpp // nbuf
  pf = nbuf - SD
  assert groups >= 2 and pf >= 1

  @functools.partial(
      pl.kernel,
      out_type=jax.ShapeDtypeStruct((NC, n_pad, d), jnp.float32),
      mesh=_sc_mesh(),
      compiler_params=pltpu.CompilerParams(
          needs_layout_passes=False, use_tc_tiling_on_sc=False),
      scratch_types=[
          pltpu.VMEM((cpp, ch), jnp.int32),
          pltpu.VMEM((cpp, ch), jnp.int32),
          pltpu.VMEM((nbuf * ch, d), jnp.float32),
          pltpu.VMEM_SHARED((n_pad, d), jnp.float32),
          [pltpu.SemaphoreType.DMA] * nbuf,
          [pltpu.SemaphoreType.DMA] * nbuf,
      ],
  )
  def agg_kernel(table_hbm, src_hbm, dst_hbm, out_hbm, src_v, dst_v, gbuf,
                 acc, gsems, ssems):
    cid = lax.axis_index("c")
    sid = lax.axis_index("s")
    wid = sid * NC + cid

    def buf(b):
      return gbuf.at[pl.ds(b * ch, ch)]

    def g_issue(j, b):
      pltpu.async_copy(table_hbm.at[src_v.at[j]], buf(b), gsems[b])

    def g_wait(j, b):
      pltpu.make_async_copy(table_hbm.at[src_v.at[j]], buf(b), gsems[b]).wait()

    def s_issue(j, b):
      pltpu.async_copy(buf(b), acc.at[dst_v.at[j]], ssems[b], add=True)

    def s_wait(j, b):
      pltpu.make_async_copy(buf(b), acc.at[dst_v.at[j]], ssems[b]).wait()

    zero = jnp.zeros((LANES,), jnp.float32)

    @pl.loop(0, ch)
    def _(r):
      for jj in range(d // LANES):
        gbuf[r, pl.ds(jj * LANES, LANES)] = zero

    r0 = sid * rows_per_tile
    for k in range(rows_per_tile // ch):
      pltpu.sync_copy(buf(0), acc.at[pl.ds(r0 + k * ch, ch)])
    plsc.subcore_barrier()

    for ph in range(n_phases):
      base = wid * n_chunks + ph * cpp
      pltpu.sync_copy(src_hbm.at[pl.ds(base, cpp)], src_v)
      pltpu.sync_copy(dst_hbm.at[pl.ds(base, cpp)], dst_v)

      for b in range(pf):
        g_issue(b, b)

      def step(p, b, do_swait, do_gissue):
        if do_swait:
          s_wait(p - SD, (b - SD) % nbuf)
        if do_gissue:
          g_issue(p + pf, (b + pf) % nbuf)
        g_wait(p, b)
        s_issue(p, b)

      for b in range(nbuf):
        step(b, b, b >= SD, b + pf <= cpp - 1)

      @pl.loop(1, groups - 1)
      def _(g):
        j0 = g * nbuf
        for b in range(nbuf):
          step(j0 + b, b, True, True)

      j0 = (groups - 1) * nbuf
      for b in range(nbuf):
        step(j0 + b, b, True, b <= nbuf - 1 - pf)
      for k in range(SD):
        s_wait(cpp - SD + k, (cpp - SD + k) % nbuf)

    plsc.subcore_barrier()
    pltpu.sync_copy(acc.at[pl.ds(r0, rows_per_tile)],
                    out_hbm.at[cid, pl.ds(r0, rows_per_tile)])

  return agg_kernel


def _prep1_body(dego_ref, degi_ref, x_ref, w0_ref, h_ref, ain_ref, aout_ref):
  dego = jnp.sum(dego_ref[...], axis=0)
  degi = jnp.sum(degi_ref[...], axis=0)
  a_out = lax.rsqrt(jnp.maximum(dego, 1.0))
  a_in = lax.rsqrt(jnp.maximum(degi, 1.0))
  h = jnp.dot(x_ref[...], w0_ref[...], preferred_element_type=jnp.float32)
  h_ref[...] = h * a_out[:, None]
  ain_ref[...] = a_in[:, None]
  aout_ref[...] = a_out[:, None]


def _mid_body(p_ref, ain_ref, aout_ref, w1_ref, out_ref):
  agg = p_ref[0] + p_ref[1]
  h = jnp.maximum(agg * ain_ref[...], 0.0)
  h2 = jnp.dot(h, w1_ref[...], preferred_element_type=jnp.float32)
  out_ref[...] = h2 * aout_ref[...]


def _final_body(p_ref, ain_ref, out_ref):
  s = (p_ref[0] + p_ref[1]) * ain_ref[...]
  m = jnp.max(s, axis=-1, keepdims=True)
  e = jnp.exp(s - m)
  out_ref[...] = e / jnp.sum(e, axis=-1, keepdims=True)


def kernel(x, edge_index, W0, W1):
  n, d_in = x.shape
  d_hid = W0.shape[1]
  d_out = W1.shape[1]
  e = edge_index.shape[1]

  n_pad = _round_up(n + 1, NS * CH)
  e_w = _round_up(e, NW * CH * 8) // NW
  e_pad = e_w * NW
  n_chunks = e_w // CH

  src = edge_index[0]
  dst = edge_index[1]
  pad_e = e_pad - e
  src_p = jnp.concatenate([src, jnp.full((pad_e,), n, jnp.int32)])
  dst_p = jnp.concatenate([dst, jnp.full((pad_e,), n, jnp.int32)])
  pk2d = ((dst_p << 16) | src_p).reshape(e_pad // CH, CH)
  x_pad = jnp.zeros((n_pad, d_in), x.dtype).at[:n].set(x)

  deg_kernel = _make_deg_kernel(n_chunks, n_pad)
  deg_p = deg_kernel(pk2d).reshape(2, NW, n_pad)

  grid = n_pad // RB
  h1, a_in, a_out = pl.pallas_call(
      _prep1_body,
      grid=(grid,),
      in_specs=[
          pl.BlockSpec((NW, RB), lambda i: (0, i)),
          pl.BlockSpec((NW, RB), lambda i: (0, i)),
          pl.BlockSpec((RB, d_in), lambda i: (i, 0)),
          pl.BlockSpec((d_in, d_hid), lambda i: (0, 0)),
      ],
      out_specs=[
          pl.BlockSpec((RB, d_hid), lambda i: (i, 0)),
          pl.BlockSpec((RB, 1), lambda i: (i, 0)),
          pl.BlockSpec((RB, 1), lambda i: (i, 0)),
      ],
      out_shape=[
          jax.ShapeDtypeStruct((n_pad, d_hid), jnp.float32),
          jax.ShapeDtypeStruct((n_pad, 1), jnp.float32),
          jax.ShapeDtypeStruct((n_pad, 1), jnp.float32),
      ],
  )(deg_p[0], deg_p[1], x_pad, W0)

  src64 = src_p.reshape(e_pad // 64, 64)
  dst64 = dst_p.reshape(e_pad // 64, 64)
  agg_h = _make_agg_kernel(d_hid, e_w, n_pad, 64, 4, 2)
  p1 = agg_h(h1, src64, dst64)

  h2 = pl.pallas_call(
      _mid_body,
      grid=(grid,),
      in_specs=[
          pl.BlockSpec((NC, RB, d_hid), lambda i: (0, i, 0)),
          pl.BlockSpec((RB, 1), lambda i: (i, 0)),
          pl.BlockSpec((RB, 1), lambda i: (i, 0)),
          pl.BlockSpec((d_hid, d_out), lambda i: (0, 0)),
      ],
      out_specs=pl.BlockSpec((RB, d_out), lambda i: (i, 0)),
      out_shape=jax.ShapeDtypeStruct((n_pad, d_out), jnp.float32),
  )(p1, a_in, a_out, W1)

  src128 = src_p.reshape(e_pad // CH, CH)
  dst128 = dst_p.reshape(e_pad // CH, CH)
  agg_o = _make_agg_kernel(d_out, e_w, n_pad, CH, 8, 1)
  p2 = agg_o(h2, src128, dst128)

  out = pl.pallas_call(
      _final_body,
      grid=(grid,),
      in_specs=[
          pl.BlockSpec((NC, RB, d_out), lambda i: (0, i, 0)),
          pl.BlockSpec((RB, 1), lambda i: (i, 0)),
      ],
      out_specs=pl.BlockSpec((RB, d_out), lambda i: (i, 0)),
      out_shape=jax.ShapeDtypeStruct((n_pad, d_out), jnp.float32),
  )(p2, a_in)

  return out[:n]

# --- scband reference (transcript-rebuilt; emitter-appended) ---
"""Pipeline reference for scband-gcn-model-39745627357770 (READ-ONLY COPY).

The authoritative reference and input builder live on the scoring server;
editing this copy changes nothing except your own understanding.
"""

import jax, jax.numpy as jnp
import numpy as np

N = 10000
E = 320000
D_IN = 128
D_HID = 128
D_OUT = 64


def setup_inputs(seed: int = 0) -> dict:
    key = jax.random.key(seed)
    k1, k2, k3, k4 = jax.random.split(key, 4)
    x = jax.random.normal(k1, (N, D_IN), dtype=jnp.float32)
    edge_index = jax.random.randint(k2, (2, E), 0, N, dtype=jnp.int32)
    # glorot-uniform initialised GCN layer weights (use_bias=False in module)
    lim0 = np.sqrt(6.0 / (D_IN + D_HID)).astype(np.float32)
    lim1 = np.sqrt(6.0 / (D_HID + D_OUT)).astype(np.float32)
    W0 = jax.random.uniform(k3, (D_IN, D_HID), dtype=jnp.float32, minval=-lim0, maxval=lim0)
    W1 = jax.random.uniform(k4, (D_HID, D_OUT), dtype=jnp.float32, minval=-lim1, maxval=lim1)
    return {"x": x, "edge_index": edge_index, "W0": W0, "W1": W1}


def reference(x, edge_index, W0, W1):
    # 2-layer GCN: out = softmax(A_hat @ relu(A_hat @ X @ W0) @ W1)
    # A_hat applied in sparse form via gather + segment_sum with symmetric
    # degree normalisation. Dropout layers are identity at inference.
    src = edge_index[0]
    dst = edge_index[1]
    n = x.shape[0]
    ones = jnp.ones((src.shape[0],), dtype=x.dtype)
    deg_out = jax.ops.segment_sum(ones, src, num_segments=n)
    deg_in = jax.ops.segment_sum(ones, dst, num_segments=n)
    norm = jax.lax.rsqrt(jnp.maximum(deg_out[src] * deg_in[dst], 1.0))

    # GCN layer 0 (relu)
    h = x @ W0
    msg = jnp.take(h, src, axis=0) * norm[:, None]
    agg = jax.ops.segment_sum(msg, dst, num_segments=n)
    h = jax.nn.relu(agg)

    # GCN layer 1 (softmax)
    h = h @ W1
    msg = jnp.take(h, src, axis=0) * norm[:, None]
    agg = jax.ops.segment_sum(msg, dst, num_segments=n)
    return jax.nn.softmax(agg, axis=-1)

if __name__ == "__main__":
    import jax
    _d = setup_inputs()
    print(jax.jit(kernel)(*tuple(_d.values())))

</pallas_src>

<mosaic_0001>
#map = affine_map<(d0, d1) -> (0, 0)>
#map1 = affine_map<(d0, d1) -> (0, 0, 0)>
module attributes {stable_mosaic.version = 14 : i64} {
  func.func @agg_kernel(%arg0: i32, %arg1: i32, %arg2: memref<10240x64xf32, #tpu.memory_space<hbm>>, %arg3: memref<2560x128xi32, #tpu.memory_space<hbm>>, %arg4: memref<2560x128xi32, #tpu.memory_space<hbm>>, %arg5: memref<2x10240x64xf32, #tpu.memory_space<hbm>>, %arg6: memref<80x128xi32, #tpu.memory_space<vmem>>, %arg7: memref<80x128xi32, #tpu.memory_space<vmem>>, %arg8: memref<1024x64xf32, #tpu.memory_space<vmem>>, %arg9: memref<10240x64xf32, #tpu.memory_space<vmem_shared>>, %arg10: memref<!tpu.dma_semaphore, #tpu.memory_space<semaphore_mem>>, %arg11: memref<!tpu.dma_semaphore, #tpu.memory_space<semaphore_mem>>, %arg12: memref<!tpu.dma_semaphore, #tpu.memory_space<semaphore_mem>>, %arg13: memref<!tpu.dma_semaphore, #tpu.memory_space<semaphore_mem>>, %arg14: memref<!tpu.dma_semaphore, #tpu.memory_space<semaphore_mem>>, %arg15: memref<!tpu.dma_semaphore, #tpu.memory_space<semaphore_mem>>, %arg16: memref<!tpu.dma_semaphore, #tpu.memory_space<semaphore_mem>>, %arg17: memref<!tpu.dma_semaphore, #tpu.memory_space<semaphore_mem>>, %arg18: memref<!tpu.dma_semaphore, #tpu.memory_space<semaphore_mem>>, %arg19: memref<!tpu.dma_semaphore, #tpu.memory_space<semaphore_mem>>, %arg20: memref<!tpu.dma_semaphore, #tpu.memory_space<semaphore_mem>>, %arg21: memref<!tpu.dma_semaphore, #tpu.memory_space<semaphore_mem>>, %arg22: memref<!tpu.dma_semaphore, #tpu.memory_space<semaphore_mem>>, %arg23: memref<!tpu.dma_semaphore, #tpu.memory_space<semaphore_mem>>, %arg24: memref<!tpu.dma_semaphore, #tpu.memory_space<semaphore_mem>>, %arg25: memref<!tpu.dma_semaphore, #tpu.memory_space<semaphore_mem>>) attributes {dimension_semantics = [#tpu.dimension_semantics<core_parallel>, #tpu.dimension_semantics<subcore_parallel>], iteration_bounds = array<i64: 2, 16>, scalar_prefetch = 0 : i64, scratch_operands = 20 : i64, tpu.core_type = #tpu.core_type<sc_vector_subcore>, window_params = [{transform_indices = #map}, {transform_indices = #map}, {transform_indices = #map}, {transform_indices = #map1}]} {
    %mul3A = arith.constant 2 : i32
    %mul3A_0 = arith.muli %arg1, %mul3A : i32
    %add3A = arith.addi %mul3A_0, %arg0 : i32
    %broadcast_in_dim3A = arith.constant 0.000000e+00 : f32
    %broadcast_in_dim3A_1 = vector.broadcast %broadcast_in_dim3A : f32 to vector<16xf32>
    %scan3A = arith.constant 0 : i32
    %scan3A_2 = arith.constant 128 : i32
    %scan3A_3 = arith.addi %scan3A, %scan3A_2 : i32
    %scan3A_4 = arith.constant 1 : i32
    scf.for %scan3A_666 = %scan3A to %scan3A_3 step %scan3A_4  : i32 {
      %mul3A_667 = arith.constant 1 : i32
      %mul3A_668 = arith.muli %scan3A_666, %mul3A_667 : i32
      %add3A_669 = arith.constant 0 : i32
      %add3A_670 = arith.addi %add3A_669, %mul3A_668 : i32
      %swap3A = arith.index_cast %add3A_670 : i32 to index
      %swap3A_671 = arith.constant 0 : index
      %swap3A_672 = tpu.vector_load %arg8[%swap3A, %swap3A_671] {strides = array<i32>} : memref<1024x64xf32, #tpu.memory_space<vmem>>, vector<16xf32>,
      tpu.vector_store %arg8[%swap3A, %swap3A_671], %broadcast_in_dim3A_1 {strides = array<i32>} : memref<1024x64xf32, #tpu.memory_space<vmem>>, vector<16xf32>,
      %swap3A_673 = arith.index_cast %add3A_670 : i32 to index
      %swap3A_674 = arith.constant 16 : index
      %swap3A_675 = tpu.vector_load %arg8[%swap3A_673, %swap3A_674] {strides = array<i32>} : memref<1024x64xf32, #tpu.memory_space<vmem>>, vector<16xf32>,
      tpu.vector_store %arg8[%swap3A_673, %swap3A_674], %broadcast_in_dim3A_1 {strides = array<i32>} : memref<1024x64xf32, #tpu.memory_space<vmem>>, vector<16xf32>,
      %swap3A_676 = arith.index_cast %add3A_670 : i32 to index
      %swap3A_677 = arith.constant 32 : index
      %swap3A_678 = tpu.vector_load %arg8[%swap3A_676, %swap3A_677] {strides = array<i32>} : memref<1024x64xf32, #tpu.memory_space<vmem>>, vector<16xf32>,
      tpu.vector_store %arg8[%swap3A_676, %swap3A_677], %broadcast_in_dim3A_1 {strides = array<i32>} : memref<1024x64xf32, #tpu.memory_space<vmem>>, vector<16xf32>,
      %swap3A_679 = arith.index_cast %add3A_670 : i32 to index
      %swap3A_680 = arith.constant 48 : index
      %swap3A_681 = tpu.vector_load %arg8[%swap3A_679, %swap3A_680] {strides = array<i32>} : memref<1024x64xf32, #tpu.memory_space<vmem>>, vector<16xf32>,
      tpu.vector_store %arg8[%swap3A_679, %swap3A_680], %broadcast_in_dim3A_1 {strides = array<i32>} : memref<1024x64xf32, #tpu.memory_space<vmem>>, vector<16xf32>,
    }
    %scan3A_5 = arith.constant 128 : i32
    %mul3A_6 = arith.constant 640 : i32
    %mul3A_7 = arith.muli %arg1, %mul3A_6 : i32
    %add3A_8 = arith.constant 0 : i32
    %add3A_9 = arith.addi %mul3A_7, %add3A_8 : i32
    "tpu.region"() ({
      %run_scoped3A = tpu.sem_alloc : memref<!tpu.dma_semaphore, #tpu.memory_space<semaphore_mem>>
      %dma_start3A_666 = arith.constant 0 : i32
      %dma_start3A_667 = arith.constant 0 : i32
      %dma_start3A_668 = tpu.memref_slice %arg8[%dma_start3A_666, %dma_start3A_667] : memref<1024x64xf32, #tpu.memory_space<vmem>> -> memref<128x64xf32, #tpu.memory_space<vmem>>
      %dma_start3A_669 = arith.constant 0 : i32
      %dma_start3A_670 = tpu.memref_slice %arg9[%add3A_9, %dma_start3A_669] : memref<10240x64xf32, #tpu.memory_space<vmem_shared>> -> memref<128x64xf32, #tpu.memory_space<vmem_shared>>
      %dma_start3A_671 = arith.constant 0 : i32
      %dma_start3A_672 = tpu.memref_slice %arg9[%add3A_9, %dma_start3A_671] : memref<10240x64xf32, #tpu.memory_space<vmem_shared>> -> memref<128x64xf32, #tpu.memory_space<vmem_shared>>
      %dma_start3A_673 = arith.constant 0 : i32
      %dma_start3A_674 = arith.constant 0 : i32
      %dma_start3A_675 = tpu.memref_slice %arg8[%dma_start3A_673, %dma_start3A_674] : memref<1024x64xf32, #tpu.memory_space<vmem>> -> memref<128x64xf32, #tpu.memory_space<vmem>>
      tpu.enqueue_dma source(%dma_start3A_675 : memref<128x64xf32, #tpu.memory_space<vmem>>) target(%dma_start3A_672 : memref<128x64xf32, #tpu.memory_space<vmem_shared>>) target_semaphore(%run_scoped3A : memref<!tpu.dma_semaphore, #tpu.memory_space<semaphore_mem>>)
      %dma_wait3A_676 = arith.constant 0 : i32
      %dma_wait3A_677 = arith.constant 0 : i32
      %dma_wait3A_678 = tpu.memref_slice %arg8[%dma_wait3A_676, %dma_wait3A_677] : memref<1024x64xf32, #tpu.memory_space<vmem>> -> memref<128x64xf32, #tpu.memory_space<vmem>>
      %dma_wait3A_679 = arith.constant 0 : i32
      %dma_wait3A_680 = tpu.memref_slice %arg9[%add3A_9, %dma_wait3A_679] : memref<10240x64xf32, #tpu.memory_space<vmem_shared>> -> memref<128x64xf32, #tpu.memory_space<vmem_shared>>
      %dma_wait3A_681 = arith.constant 0 : i32
      %dma_wait3A_682 = tpu.memref_slice %arg9[%add3A_9, %dma_wait3A_681] : memref<10240x64xf32, #tpu.memory_space<vmem_shared>> -> memref<128x64xf32, #tpu.memory_space<vmem_shared>>
      %dma_wait3A_683 = arith.constant 0 : i32
      %dma_wait3A_684 = arith.constant 0 : i32
      %dma_wait3A_685 = tpu.memref_slice %arg8[%dma_wait3A_683, %dma_wait3A_684] : memref<1024x64xf32, #tpu.memory_space<vmem>> -> memref<128x64xf32, #tpu.memory_space<vmem>>
      tpu.wait_dma2 semaphore(%run_scoped3A : memref<!tpu.dma_semaphore, #tpu.memory_space<semaphore_mem>>) src(%dma_wait3A_685 : memref<128x64xf32, #tpu.memory_space<vmem>>) dst(%dma_wait3A_682 : memref<128x64xf32, #tpu.memory_space<vmem_shared>>)
      tpu.yield
    }) : () -> ()
    %add3A_10 = arith.constant 128 : i32
    %add3A_11 = arith.addi %mul3A_7, %add3A_10 : i32
    "tpu.region"() ({
      %run_scoped3A = tpu.sem_alloc : memref<!tpu.dma_semaphore, #tpu.memory_space<semaphore_mem>>
      %dma_start3A_666 = arith.constant 0 : i32
      %dma_start3A_667 = arith.constant 0 : i32
      %dma_start3A_668 = tpu.memref_slice %arg8[%dma_start3A_666, %dma_start3A_667] : memref<1024x64xf32, #tpu.memory_space<vmem>> -> memref<128x64xf32, #tpu.memory_space<vmem>>
      %dma_start3A_669 = arith.constant 0 : i32
      %dma_start3A_670 = tpu.memref_slice %arg9[%add3A_11, %dma_start3A_669] : memref<10240x64xf32, #tpu.memory_space<vmem_shared>> -> memref<128x64xf32, #tpu.memory_space<vmem_shared>>
      %dma_start3A_671 = arith.constant 0 : i32
      %dma_start3A_672 = tpu.memref_slice %arg9[%add3A_11, %dma_start3A_671] : memref<10240x64xf32, #tpu.memory_space<vmem_shared>> -> memref<128x64xf32, #tpu.memory_space<vmem_shared>>
      %dma_start3A_673 = arith.constant 0 : i32
      %dma_start3A_674 = arith.constant 0 : i32
      %dma_start3A_675 = tpu.memref_slice %arg8[%dma_start3A_673, %dma_start3A_674] : memref<1024x64xf32, #tpu.memory_space<vmem>> -> memref<128x64xf32, #tpu.memory_space<vmem>>
      tpu.enqueue_dma source(%dma_start3A_675 : memref<128x64xf32, #tpu.memory_space<vmem>>) target(%dma_start3A_672 : memref<128x64xf32, #tpu.memory_space<vmem_shared>>) target_semaphore(%run_scoped3A : memref<!tpu.dma_semaphore, #tpu.memory_space<semaphore_mem>>)
      %dma_wait3A_676 = arith.constant 0 : i32
      %dma_wait3A_677 = arith.constant 0 : i32
      %dma_wait3A_678 = tpu.memref_slice %arg8[%dma_wait3A_676, %dma_wait3A_677] : memref<1024x64xf32, #tpu.memory_space<vmem>> -> memref<128x64xf32, #tpu.memory_space<vmem>>
      %dma_wait3A_679 = arith.constant 0 : i32
      %dma_wait3A_680 = tpu.memref_slice %arg9[%add3A_11, %dma_wait3A_679] : memref<10240x64xf32, #tpu.memory_space<vmem_shared>> -> memref<128x64xf32, #tpu.memory_space<vmem_shared>>
      %dma_wait3A_681 = arith.constant 0 : i32
      %dma_wait3A_682 = tpu.memref_slice %arg9[%add3A_11, %dma_wait3A_681] : memref<10240x64xf32, #tpu.memory_space<vmem_shared>> -> memref<128x64xf32, #tpu.memory_space<vmem_shared>>
      %dma_wait3A_683 = arith.constant 0 : i32
      %dma_wait3A_684 = arith.constant 0 : i32
      %dma_wait3A_685 = tpu.memref_slice %arg8[%dma_wait3A_683, %dma_wait3A_684] : memref<1024x64xf32, #tpu.memory_space<vmem>> -> memref<128x64xf32, #tpu.memory_space<vmem>>
      tpu.wait_dma2 semaphore(%run_scoped3A : memref<!tpu.dma_semaphore, #tpu.memory_space<semaphore_mem>>) src(%dma_wait3A_685 : memref<128x64xf32, #tpu.memory_space<vmem>>) dst(%dma_wait3A_682 : memref<128x64xf32, #tpu.memory_space<vmem_shared>>)
      tpu.yield
    }) : () -> ()
    %add3A_12 = arith.constant 256 : i32
    %add3A_13 = arith.addi %mul3A_7, %add3A_12 : i32
    "tpu.region"() ({
      %run_scoped3A = tpu.sem_alloc : memref<!tpu.dma_semaphore, #tpu.memory_space<semaphore_mem>>
      %dma_start3A_666 = arith.constant 0 : i32
      %dma_start3A_667 = arith.constant 0 : i32
      %dma_start3A_668 = tpu.memref_slice %arg8[%dma_start3A_666, %dma_start3A_667] : memref<1024x64xf32, #tpu.memory_space<vmem>> -> memref<128x64xf32, #tpu.memory_space<vmem>>
      %dma_start3A_669 = arith.constant 0 : i32
      %dma_start3A_670 = tpu.memref_slice %arg9[%add3A_13, %dma_start3A_669] : memref<10240x64xf32, #tpu.memory_space<vmem_shared>> -> memref<128x64xf32, #tpu.memory_space<vmem_shared>>
      %dma_start3A_671 = arith.constant 0 : i32
      %dma_start3A_672 = tpu.memref_slice %arg9[%add3A_13, %dma_start3A_671] : memref<10240x64xf32, #tpu.memory_space<vmem_shared>> -> memref<128x64xf32, #tpu.memory_space<vmem_shared>>
      %dma_start3A_673 = arith.constant 0 : i32
      %dma_start3A_674 = arith.constant 0 : i32
      %dma_start3A_675 = tpu.memref_slice %arg8[%dma_start3A_673, %dma_start3A_674] : memref<1024x64xf32, #tpu.memory_space<vmem>> -> memref<128x64xf32, #tpu.memory_space<vmem>>
      tpu.enqueue_dma source(%dma_start3A_675 : memref<128x64xf32, #tpu.memory_space<vmem>>) target(%dma_start3A_672 : memref<128x64xf32, #tpu.memory_space<vmem_shared>>) target_semaphore(%run_scoped3A : memref<!tpu.dma_semaphore, #tpu.memory_space<semaphore_mem>>)
      %dma_wait3A_676 = arith.constant 0 : i32
      %dma_wait3A_677 = arith.constant 0 : i32
      %dma_wait3A_678 = tpu.memref_slice %arg8[%dma_wait3A_676, %dma_wait3A_677] : memref<1024x64xf32, #tpu.memory_space<vmem>> -> memref<128x64xf32, #tpu.memory_space<vmem>>
      %dma_wait3A_679 = arith.constant 0 : i32
      %dma_wait3A_680 = tpu.memref_slice %arg9[%add3A_13, %dma_wait3A_679] : memref<10240x64xf32, #tpu.memory_space<vmem_shared>> -> memref<128x64xf32, #tpu.memory_space<vmem_shared>>
      %dma_wait3A_681 = arith.constant 0 : i32
      %dma_wait3A_682 = tpu.memref_slice %arg9[%add3A_13, %dma_wait3A_681] : memref<10240x64xf32, #tpu.memory_space<vmem_shared>> -> memref<128x64xf32, #tpu.memory_space<vmem_shared>>
      %dma_wait3A_683 = arith.constant 0 : i32
      %dma_wait3A_684 = arith.constant 0 : i32
      %dma_wait3A_685 = tpu.memref_slice %arg8[%dma_wait3A_683, %dma_wait3A_684] : memref<1024x64xf32, #tpu.memory_space<vmem>> -> memref<128x64xf32, #tpu.memory_space<vmem>>
      tpu.wait_dma2 semaphore(%run_scoped3A : memref<!tpu.dma_semaphore, #tpu.memory_space<semaphore_mem>>) src(%dma_wait3A_685 : memref<128x64xf32, #tpu.memory_space<vmem>>) dst(%dma_wait3A_682 : memref<128x64xf32, #tpu.memory_space<vmem_shared>>)
      tpu.yield
    }) : () -> ()
    %add3A_14 = arith.constant 384 : i32
    %add3A_15 = arith.addi %mul3A_7, %add3A_14 : i32
    "tpu.region"() ({
      %run_scoped3A = tpu.sem_alloc : memref<!tpu.dma_semaphore, #tpu.memory_space<semaphore_mem>>
      %dma_start3A_666 = arith.constant 0 : i32
      %dma_start3A_667 = arith.constant 0 : i32
      %dma_start3A_668 = tpu.memref_slice %arg8[%dma_start3A_666, %dma_start3A_667] : memref<1024x64xf32, #tpu.memory_space<vmem>> -> memref<128x64xf32, #tpu.memory_space<vmem>>
      %dma_start3A_669 = arith.constant 0 : i32
      %dma_start3A_670 = tpu.memref_slice %arg9[%add3A_15, %dma_start3A_669] : memref<10240x64xf32, #tpu.memory_space<vmem_shared>> -> memref<128x64xf32, #tpu.memory_space<vmem_shared>>
      %dma_start3A_671 = arith.constant 0 : i32
      %dma_start3A_672 = tpu.memref_slice %arg9[%add3A_15, %dma_start3A_671] : memref<10240x64xf32, #tpu.memory_space<vmem_shared>> -> memref<128x64xf32, #tpu.memory_space<vmem_shared>>
      %dma_start3A_673 = arith.constant 0 : i32
      %dma_start3A_674 = arith.constant 0 : i32
      %dma_start3A_675 = tpu.memref_slice %arg8[%dma_start3A_673, %dma_start3A_674] : memref<1024x64xf32, #tpu.memory_space<vmem>> -> memref<128x64xf32, #tpu.memory_space<vmem>>
      tpu.enqueue_dma source(%dma_start3A_675 : memref<128x64xf32, #tpu.memory_space<vmem>>) target(%dma_start3A_672 : memref<128x64xf32, #tpu.memory_space<vmem_shared>>) target_semaphore(%run_scoped3A : memref<!tpu.dma_semaphore, #tpu.memory_space<semaphore_mem>>)
      %dma_wait3A_676 = arith.constant 0 : i32
      %dma_wait3A_677 = arith.constant 0 : i32
      %dma_wait3A_678 = tpu.memref_slice %arg8[%dma_wait3A_676, %dma_wait3A_677] : memref<1024x64xf32, #tpu.memory_space<vmem>> -> memref<128x64xf32, #tpu.memory_space<vmem>>
      %dma_wait3A_679 = arith.constant 0 : i32
      %dma_wait3A_680 = tpu.memref_slice %arg9[%add3A_15, %dma_wait3A_679] : memref<10240x64xf32, #tpu.memory_space<vmem_shared>> -> memref<128x64xf32, #tpu.memory_space<vmem_shared>>
      %dma_wait3A_681 = arith.constant 0 : i32
      %dma_wait3A_682 = tpu.memref_slice %arg9[%add3A_15, %dma_wait3A_681] : memref<10240x64xf32, #tpu.memory_space<vmem_shared>> -> memref<128x64xf32, #tpu.memory_space<vmem_shared>>
      %dma_wait3A_683 = arith.constant 0 : i32
      %dma_wait3A_684 = arith.constant 0 : i32
      %dma_wait3A_685 = tpu.memref_slice %arg8[%dma_wait3A_683, %dma_wait3A_684] : memref<1024x64xf32, #tpu.memory_space<vmem>> -> memref<128x64xf32, #tpu.memory_space<vmem>>
      tpu.wait_dma2 semaphore(%run_scoped3A : memref<!tpu.dma_semaphore, #tpu.memory_space<semaphore_mem>>) src(%dma_wait3A_685 : memref<128x64xf32, #tpu.memory_space<vmem>>) dst(%dma_wait3A_682 : memref<128x64xf32, #tpu.memory_space<vmem_shared>>)
      tpu.yield
    }) : () -> ()
    %add3A_16 = arith.constant 512 : i32
    %add3A_17 = arith.addi %mul3A_7, %add3A_16 : i32
    "tpu.region"() ({
      %run_scoped3A = tpu.sem_alloc : memref<!tpu.dma_semaphore, #tpu.memory_space<semaphore_mem>>
      %dma_start3A_666 = arith.constant 0 : i32
      %dma_start3A_667 = arith.constant 0 : i32
      %dma_start3A_668 = tpu.memref_slice %arg8[%dma_start3A_666, %dma_start3A_667] : memref<1024x64xf32, #tpu.memory_space<vmem>> -> memref<128x64xf32, #tpu.memory_space<vmem>>
      %dma_start3A_669 = arith.constant 0 : i32
      %dma_start3A_670 = tpu.memref_slice %arg9[%add3A_17, %dma_start3A_669] : memref<10240x64xf32, #tpu.memory_space<vmem_shared>> -> memref<128x64xf32, #tpu.memory_space<vmem_shared>>
      %dma_start3A_671 = arith.constant 0 : i32
      %dma_start3A_672 = tpu.memref_slice %arg9[%add3A_17, %dma_start3A_671] : memref<10240x64xf32, #tpu.memory_space<vmem_shared>> -> memref<128x64xf32, #tpu.memory_space<vmem_shared>>
      %dma_start3A_673 = arith.constant 0 : i32
      %dma_start3A_674 = arith.constant 0 : i32
      %dma_start3A_675 = tpu.memref_slice %arg8[%dma_start3A_673, %dma_start3A_674] : memref<1024x64xf32, #tpu.memory_space<vmem>> -> memref<128x64xf32, #tpu.memory_space<vmem>>
      tpu.enqueue_dma source(%dma_start3A_675 : memref<128x64xf32, #tpu.memory_space<vmem>>) target(%dma_start3A_672 : memref<128x64xf32, #tpu.memory_space<vmem_shared>>) target_semaphore(%run_scoped3A : memref<!tpu.dma_semaphore, #tpu.memory_space<semaphore_mem>>)
      %dma_wait3A_676 = arith.constant 0 : i32
      %dma_wait3A_677 = arith.constant 0 : i32
      %dma_wait3A_678 = tpu.memref_slice %arg8[%dma_wait3A_676, %dma_wait3A_677] : memref<1024x64xf32, #tpu.memory_space<vmem>> -> memref<128x64xf32, #tpu.memory_space<vmem>>
      %dma_wait3A_679 = arith.constant 0 : i32
      %dma_wait3A_680 = tpu.memref_slice %arg9[%add3A_17, %dma_wait3A_679] : memref<10240x64xf32, #tpu.memory_space<vmem_shared>> -> memref<128x64xf32, #tpu.memory_space<vmem_shared>>
      %dma_wait3A_681 = arith.constant 0 : i32
      %dma_wait3A_682 = tpu.memref_slice %arg9[%add3A_17, %dma_wait3A_681] : memref<10240x64xf32, #tpu.memory_space<vmem_shared>> -> memref<128x64xf32, #tpu.memory_space<vmem_shared>>
      %dma_wait3A_683 = arith.constant 0 : i32
      %dma_wait3A_684 = arith.constant 0 : i32
      %dma_wait3A_685 = tpu.memref_slice %arg8[%dma_wait3A_683, %dma_wait3A_684] : memref<1024x64xf32, #tpu.memory_space<vmem>> -> memref<128x64xf32, #tpu.memory_space<vmem>>
      tpu.wait_dma2 semaphore(%run_scoped3A : memref<!tpu.dma_semaphore, #tpu.memory_space<semaphore_mem>>) src(%dma_wait3A_685 : memref<128x64xf32, #tpu.memory_space<vmem>>) dst(%dma_wait3A_682 : memref<128x64xf32, #tpu.memory_space<vmem_shared>>)
      tpu.yield
    }) : () -> ()
    %barrier3A = arith.constant 0 : index
    tpu.barrier barrier_id(%barrier3A)
    %mul3A_18 = arith.constant 80 : i32
    %mul3A_19 = arith.muli %add3A, %mul3A_18 : i32
    %add3A_20 = arith.constant 0 : i32
    %add3A_21 = arith.addi %mul3A_19, %add3A_20 : i32
    "tpu.region"() ({
      %run_scoped3A = tpu.sem_alloc : memref<!tpu.dma_semaphore, #tpu.memory_space<semaphore_mem>>
      %dma_start3A_666 = arith.constant 0 : i32
      %dma_start3A_667 = tpu.memref_slice %arg3[%add3A_21, %dma_start3A_666] : memref<2560x128xi32, #tpu.memory_space<hbm>> -> memref<80x128xi32, #tpu.memory_space<hbm>>
      %dma_start3A_668 = arith.constant 0 : i32
      %dma_start3A_669 = tpu.memref_slice %arg3[%add3A_21, %dma_start3A_668] : memref<2560x128xi32, #tpu.memory_space<hbm>> -> memref<80x128xi32, #tpu.memory_space<hbm>>
      tpu.enqueue_dma source(%dma_start3A_669 : memref<80x128xi32, #tpu.memory_space<hbm>>) target(%arg6 : memref<80x128xi32, #tpu.memory_space<vmem>>) target_semaphore(%run_scoped3A : memref<!tpu.dma_semaphore, #tpu.memory_space<semaphore_mem>>)
      %dma_wait3A_670 = arith.constant 0 : i32
      %dma_wait3A_671 = tpu.memref_slice %arg3[%add3A_21, %dma_wait3A_670] : memref<2560x128xi32, #tpu.memory_space<hbm>> -> memref<80x128xi32, #tpu.memory_space<hbm>>
      %dma_wait3A_672 = arith.constant 0 : i32
      %dma_wait3A_673 = tpu.memref_slice %arg3[%add3A_21, %dma_wait3A_672] : memref<2560x128xi32, #tpu.memory_space<hbm>> -> memref<80x128xi32, #tpu.memory_space<hbm>>
      tpu.wait_dma2 semaphore(%run_scoped3A : memref<!tpu.dma_semaphore, #tpu.memory_space<semaphore_mem>>) src(%dma_wait3A_673 : memref<80x128xi32, #tpu.memory_space<hbm>>) dst(%arg6 : memref<80x128xi32, #tpu.memory_space<vmem>>)
      tpu.yield
    }) : () -> ()
    "tpu.region"() ({
      %run_scoped3A = tpu.sem_alloc : memref<!tpu.dma_semaphore, #tpu.memory_space<semaphore_mem>>
      %dma_start3A_666 = arith.constant 0 : i32
      %dma_start3A_667 = tpu.memref_slice %arg4[%add3A_21, %dma_start3A_666] : memref<2560x128xi32, #tpu.memory_space<hbm>> -> memref<80x128xi32, #tpu.memory_space<hbm>>
      %dma_start3A_668 = arith.constant 0 : i32
      %dma_start3A_669 = tpu.memref_slice %arg4[%add3A_21, %dma_start3A_668] : memref<2560x128xi32, #tpu.memory_space<hbm>> -> memref<80x128xi32, #tpu.memory_space<hbm>>
      tpu.enqueue_dma source(%dma_start3A_669 : memref<80x128xi32, #tpu.memory_space<hbm>>) target(%arg7 : memref<80x128xi32, #tpu.memory_space<vmem>>) target_semaphore(%run_scoped3A : memref<!tpu.dma_semaphore, #tpu.memory_space<semaphore_mem>>)
      %dma_wait3A_670 = arith.constant 0 : i32
      %dma_wait3A_671 = tpu.memref_slice %arg4[%add3A_21, %dma_wait3A_670] : memref<2560x128xi32, #tpu.memory_space<hbm>> -> memref<80x128xi32, #tpu.memory_space<hbm>>
      %dma_wait3A_672 = arith.constant 0 : i32
      %dma_wait3A_673 = tpu.memref_slice %arg4[%add3A_21, %dma_wait3A_672] : memref<2560x128xi32, #tpu.memory_space<hbm>> -> memref<80x128xi32, #tpu.memory_space<hbm>>
      tpu.wait_dma2 semaphore(%run_scoped3A : memref<!tpu.dma_semaphore, #tpu.memory_space<semaphore_mem>>) src(%dma_wait3A_673 : memref<80x128xi32, #tpu.memory_space<hbm>>) dst(%arg7 : memref<80x128xi32, #tpu.memory_space<vmem>>)
      tpu.yield
    }) : () -> ()
    %dma_start3A = arith.constant 0 : i32
    %dma_start3A_22 = arith.constant 0 : i32
    %dma_start3A_23 = arith.constant 0 : i32
    %dma_start3A_24 = tpu.memref_slice %arg8[%dma_start3A_22, %dma_start3A_23] : memref<1024x64xf32, #tpu.memory_space<vmem>> -> memref<128x64xf32, #tpu.memory_space<vmem>>
    %dma_start3A_25 = arith.constant 0 : i32
    %dma_start3A_26 = tpu.memref_slice %arg6[%dma_start3A, %dma_start3A_25] : memref<80x128xi32, #tpu.memory_space<vmem>> -> memref<1x128xi32, #tpu.memory_space<vmem>>
    %dma_start3A_27 = tpu.memref_squeeze %dma_start3A_26 : memref<1x128xi32, #tpu.memory_space<vmem>> -> memref<128xi32, #tpu.memory_space<vmem>>
    %dma_start3A_28 = arith.constant 0 : i32
    %dma_start3A_29 = arith.constant 0 : i32
    %dma_start3A_30 = tpu.memref_slice %arg2[%dma_start3A_28, %dma_start3A_29] : memref<10240x64xf32, #tpu.memory_space<hbm>> -> memref<10240x64xf32, #tpu.memory_space<hbm>>
    tpu.enqueue_indirect_dma source(%dma_start3A_30 : memref<10240x64xf32, #tpu.memory_space<hbm>>) target(%dma_start3A_24 : memref<128x64xf32, #tpu.memory_space<vmem>>) offsets(%dma_start3A_27 : memref<128xi32, #tpu.memory_space<vmem>>) semaphore(%arg10 : memref<!tpu.dma_semaphore, #tpu.memory_space<semaphore_mem>>)
    %dma_start3A_31 = arith.constant 1 : i32
    %dma_start3A_32 = arith.constant 128 : i32
    %dma_start3A_33 = arith.constant 0 : i32
    %dma_start3A_34 = tpu.memref_slice %arg8[%dma_start3A_32, %dma_start3A_33] : memref<1024x64xf32, #tpu.memory_space<vmem>> -> memref<128x64xf32, #tpu.memory_space<vmem>>
    %dma_start3A_35 = arith.constant 0 : i32
    %dma_start3A_36 = tpu.memref_slice %arg6[%dma_start3A_31, %dma_start3A_35] : memref<80x128xi32, #tpu.memory_space<vmem>> -> memref<1x128xi32, #tpu.memory_space<vmem>>
    %dma_start3A_37 = tpu.memref_squeeze %dma_start3A_36 : memref<1x128xi32, #tpu.memory_space<vmem>> -> memref<128xi32, #tpu.memory_space<vmem>>
    %dma_start3A_38 = arith.constant 0 : i32
    %dma_start3A_39 = arith.constant 0 : i32
    %dma_start3A_40 = tpu.memref_slice %arg2[%dma_start3A_38, %dma_start3A_39] : memref<10240x64xf32, #tpu.memory_space<hbm>> -> memref<10240x64xf32, #tpu.memory_space<hbm>>
    tpu.enqueue_indirect_dma source(%dma_start3A_40 : memref<10240x64xf32, #tpu.memory_space<hbm>>) target(%dma_start3A_34 : memref<128x64xf32, #tpu.memory_space<vmem>>) offsets(%dma_start3A_37 : memref<128xi32, #tpu.memory_space<vmem>>) semaphore(%arg11 : memref<!tpu.dma_semaphore, #tpu.memory_space<semaphore_mem>>)
    %dma_start3A_41 = arith.constant 2 : i32
    %dma_start3A_42 = arith.constant 256 : i32
    %dma_start3A_43 = arith.constant 0 : i32
    %dma_start3A_44 = tpu.memref_slice %arg8[%dma_start3A_42, %dma_start3A_43] : memref<1024x64xf32, #tpu.memory_space<vmem>> -> memref<128x64xf32, #tpu.memory_space<vmem>>
    %dma_start3A_45 = arith.constant 0 : i32
    %dma_start3A_46 = tpu.memref_slice %arg6[%dma_start3A_41, %dma_start3A_45] : memref<80x128xi32, #tpu.memory_space<vmem>> -> memref<1x128xi32, #tpu.memory_space<vmem>>
    %dma_start3A_47 = tpu.memref_squeeze %dma_start3A_46 : memref<1x128xi32, #tpu.memory_space<vmem>> -> memref<128xi32, #tpu.memory_space<vmem>>
    %dma_start3A_48 = arith.constant 0 : i32
    %dma_start3A_49 = arith.constant 0 : i32
    %dma_start3A_50 = tpu.memref_slice %arg2[%dma_start3A_48, %dma_start3A_49] : memref<10240x64xf32, #tpu.memory_space<hbm>> -> memref<10240x64xf32, #tpu.memory_space<hbm>>
    tpu.enqueue_indirect_dma source(%dma_start3A_50 : memref<10240x64xf32, #tpu.memory_space<hbm>>) target(%dma_start3A_44 : memref<128x64xf32, #tpu.memory_space<vmem>>) offsets(%dma_start3A_47 : memref<128xi32, #tpu.memory_space<vmem>>) semaphore(%arg12 : memref<!tpu.dma_semaphore, #tpu.memory_space<semaphore_mem>>)
    %dma_start3A_51 = arith.constant 3 : i32
    %dma_start3A_52 = arith.constant 384 : i32
    %dma_start3A_53 = arith.constant 0 : i32
    %dma_start3A_54 = tpu.memref_slice %arg8[%dma_start3A_52, %dma_start3A_53] : memref<1024x64xf32, #tpu.memory_space<vmem>> -> memref<128x64xf32, #tpu.memory_space<vmem>>
    %dma_start3A_55 = arith.constant 0 : i32
    %dma_start3A_56 = tpu.memref_slice %arg6[%dma_start3A_51, %dma_start3A_55] : memref<80x128xi32, #tpu.memory_space<vmem>> -> memref<1x128xi32, #tpu.memory_space<vmem>>
    %dma_start3A_57 = tpu.memref_squeeze %dma_start3A_56 : memref<1x128xi32, #tpu.memory_space<vmem>> -> memref<128xi32, #tpu.memory_space<vmem>>
    %dma_start3A_58 = arith.constant 0 : i32
    %dma_start3A_59 = arith.constant 0 : i32
    %dma_start3A_60 = tpu.memref_slice %arg2[%dma_start3A_58, %dma_start3A_59] : memref<10240x64xf32, #tpu.memory_space<hbm>> -> memref<10240x64xf32, #tpu.memory_space<hbm>>
    tpu.enqueue_indirect_dma source(%dma_start3A_60 : memref<10240x64xf32, #tpu.memory_space<hbm>>) target(%dma_start3A_54 : memref<128x64xf32, #tpu.memory_space<vmem>>) offsets(%dma_start3A_57 : memref<128xi32, #tpu.memory_space<vmem>>) semaphore(%arg13 : memref<!tpu.dma_semaphore, #tpu.memory_space<semaphore_mem>>)
    %dma_start3A_61 = arith.constant 4 : i32
    %dma_start3A_62 = arith.constant 512 : i32
    %dma_start3A_63 = arith.constant 0 : i32
    %dma_start3A_64 = tpu.memref_slice %arg8[%dma_start3A_62, %dma_start3A_63] : memref<1024x64xf32, #tpu.memory_space<vmem>> -> memref<128x64xf32, #tpu.memory_space<vmem>>
    %dma_start3A_65 = arith.constant 0 : i32
    %dma_start3A_66 = tpu.memref_slice %arg6[%dma_start3A_61, %dma_start3A_65] : memref<80x128xi32, #tpu.memory_space<vmem>> -> memref<1x128xi32, #tpu.memory_space<vmem>>
    %dma_start3A_67 = tpu.memref_squeeze %dma_start3A_66 : memref<1x128xi32, #tpu.memory_space<vmem>> -> memref<128xi32, #tpu.memory_space<vmem>>
    %dma_start3A_68 = arith.constant 0 : i32
    %dma_start3A_69 = arith.constant 0 : i32
    %dma_start3A_70 = tpu.memref_slice %arg2[%dma_start3A_68, %dma_start3A_69] : memref<10240x64xf32, #tpu.memory_space<hbm>> -> memref<10240x64xf32, #tpu.memory_space<hbm>>
    tpu.enqueue_indirect_dma source(%dma_start3A_70 : memref<10240x64xf32, #tpu.memory_space<hbm>>) target(%dma_start3A_64 : memref<128x64xf32, #tpu.memory_space<vmem>>) offsets(%dma_start3A_67 : memref<128xi32, #tpu.memory_space<vmem>>) semaphore(%arg14 : memref<!tpu.dma_semaphore, #tpu.memory_space<semaphore_mem>>)
    %dma_start3A_71 = arith.constant 5 : i32
    %dma_start3A_72 = arith.constant 640 : i32
    %dma_start3A_73 = arith.constant 0 : i32
    %dma_start3A_74 = tpu.memref_slice %arg8[%dma_start3A_72, %dma_start3A_73] : memref<1024x64xf32, #tpu.memory_space<vmem>> -> memref<128x64xf32, #tpu.memory_space<vmem>>
    %dma_start3A_75 = arith.constant 0 : i32
    %dma_start3A_76 = tpu.memref_slice %arg6[%dma_start3A_71, %dma_start3A_75] : memref<80x128xi32, #tpu.memory_space<vmem>> -> memref<1x128xi32, #tpu.memory_space<vmem>>
    %dma_start3A_77 = tpu.memref_squeeze %dma_start3A_76 : memref<1x128xi32, #tpu.memory_space<vmem>> -> memref<128xi32, #tpu.memory_space<vmem>>
    %dma_start3A_78 = arith.constant 0 : i32
    %dma_start3A_79 = arith.constant 0 : i32
    %dma_start3A_80 = tpu.memref_slice %arg2[%dma_start3A_78, %dma_start3A_79] : memref<10240x64xf32, #tpu.memory_space<hbm>> -> memref<10240x64xf32, #tpu.memory_space<hbm>>
    tpu.enqueue_indirect_dma source(%dma_start3A_80 : memref<10240x64xf32, #tpu.memory_space<hbm>>) target(%dma_start3A_74 : memref<128x64xf32, #tpu.memory_space<vmem>>) offsets(%dma_start3A_77 : memref<128xi32, #tpu.memory_space<vmem>>) semaphore(%arg15 : memref<!tpu.dma_semaphore, #tpu.memory_space<semaphore_mem>>)
    %dma_start3A_81 = arith.constant 6 : i32
    %dma_start3A_82 = arith.constant 768 : i32
    %dma_start3A_83 = arith.constant 0 : i32
    %dma_start3A_84 = tpu.memref_slice %arg8[%dma_start3A_82, %dma_start3A_83] : memref<1024x64xf32, #tpu.memory_space<vmem>> -> memref<128x64xf32, #tpu.memory_space<vmem>>
    %dma_start3A_85 = arith.constant 0 : i32
    %dma_start3A_86 = tpu.memref_slice %arg6[%dma_start3A_81, %dma_start3A_85] : memref<80x128xi32, #tpu.memory_space<vmem>> -> memref<1x128xi32, #tpu.memory_space<vmem>>
    %dma_start3A_87 = tpu.memref_squeeze %dma_start3A_86 : memref<1x128xi32, #tpu.memory_space<vmem>> -> memref<128xi32, #tpu.memory_space<vmem>>
    %dma_start3A_88 = arith.constant 0 : i32
    %dma_start3A_89 = arith.constant 0 : i32
    %dma_start3A_90 = tpu.memref_slice %arg2[%dma_start3A_88, %dma_start3A_89] : memref<10240x64xf32, #tpu.memory_space<hbm>> -> memref<10240x64xf32, #tpu.memory_space<hbm>>
    tpu.enqueue_indirect_dma source(%dma_start3A_90 : memref<10240x64xf32, #tpu.memory_space<hbm>>) target(%dma_start3A_84 : memref<128x64xf32, #tpu.memory_space<vmem>>) offsets(%dma_start3A_87 : memref<128xi32, #tpu.memory_space<vmem>>) semaphore(%arg16 : memref<!tpu.dma_semaphore, #tpu.memory_space<semaphore_mem>>)
    %dma_wait3A = arith.constant 0 : i32
    %dma_wait3A_91 = arith.constant 0 : i32
    %dma_wait3A_92 = arith.constant 0 : i32
    %dma_wait3A_93 = tpu.memref_slice %arg8[%dma_wait3A_91, %dma_wait3A_92] : memref<1024x64xf32, #tpu.memory_space<vmem>> -> memref<128x64xf32, #tpu.memory_space<vmem>>
    %dma_wait3A_94 = arith.constant 0 : i32
    %dma_wait3A_95 = tpu.memref_slice %arg6[%dma_wait3A, %dma_wait3A_94] : memref<80x128xi32, #tpu.memory_space<vmem>> -> memref<1x128xi32, #tpu.memory_space<vmem>>
    %dma_wait3A_96 = tpu.memref_squeeze %dma_wait3A_95 : memref<1x128xi32, #tpu.memory_space<vmem>> -> memref<128xi32, #tpu.memory_space<vmem>>
    %dma_wait3A_97 = arith.constant 0 : i32
    %dma_wait3A_98 = arith.constant 0 : i32
    %dma_wait3A_99 = tpu.memref_slice %arg2[%dma_wait3A_97, %dma_wait3A_98] : memref<10240x64xf32, #tpu.memory_space<hbm>> -> memref<10240x64xf32, #tpu.memory_space<hbm>>
    tpu.wait_indirect_dma semaphore(%arg10 : memref<!tpu.dma_semaphore, #tpu.memory_space<semaphore_mem>>) src(%dma_wait3A_99 : memref<10240x64xf32, #tpu.memory_space<hbm>>) dst(%dma_wait3A_93 : memref<128x64xf32, #tpu.memory_space<vmem>>)
    %dma_start3A_100 = arith.constant 0 : i32
    %dma_start3A_101 = arith.constant 0 : i32
    %dma_start3A_102 = arith.constant 0 : i32
    %dma_start3A_103 = tpu.memref_slice %arg8[%dma_start3A_101, %dma_start3A_102] : memref<1024x64xf32, #tpu.memory_space<vmem>> -> memref<128x64xf32, #tpu.memory_space<vmem>>
    %dma_start3A_104 = arith.constant 0 : i32
    %dma_start3A_105 = tpu.memref_slice %arg7[%dma_start3A_100, %dma_start3A_104] : memref<80x128xi32, #tpu.memory_space<vmem>> -> memref<1x128xi32, #tpu.memory_space<vmem>>
    %dma_start3A_106 = tpu.memref_squeeze %dma_start3A_105 : memref<1x128xi32, #tpu.memory_space<vmem>> -> memref<128xi32, #tpu.memory_space<vmem>>
    %dma_start3A_107 = arith.constant 0 : i32
    %dma_start3A_108 = arith.constant 0 : i32
    %dma_start3A_109 = tpu.memref_slice %arg9[%dma_start3A_107, %dma_start3A_108] : memref<10240x64xf32, #tpu.memory_space<vmem_shared>> -> memref<10240x64xf32, #tpu.memory_space<vmem_shared>>
    tpu.enqueue_indirect_dma source(%dma_start3A_103 : memref<128x64xf32, #tpu.memory_space<vmem>>) target(%dma_start3A_109 : memref<10240x64xf32, #tpu.memory_space<vmem_shared>>) offsets(%dma_start3A_106 : memref<128xi32, #tpu.memory_space<vmem>>) semaphore(%arg18 : memref<!tpu.dma_semaphore, #tpu.memory_space<semaphore_mem>>) {add = true}
    %dma_start3A_110 = arith.constant 7 : i32
    %dma_start3A_111 = arith.constant 896 : i32
    %dma_start3A_112 = arith.constant 0 : i32
    %dma_start3A_113 = tpu.memref_slice %arg8[%dma_start3A_111, %dma_start3A_112] : memref<1024x64xf32, #tpu.memory_space<vmem>> -> memref<128x64xf32, #tpu.memory_space<vmem>>
    %dma_start3A_114 = arith.constant 0 : i32
    %dma_start3A_115 = tpu.memref_slice %arg6[%dma_start3A_110, %dma_start3A_114] : memref<80x128xi32, #tpu.memory_space<vmem>> -> memref<1x128xi32, #tpu.memory_space<vmem>>
    %dma_start3A_116 = tpu.memref_squeeze %dma_start3A_115 : memref<1x128xi32, #tpu.memory_space<vmem>> -> memref<128xi32, #tpu.memory_space<vmem>>
    %dma_start3A_117 = arith.constant 0 : i32
    %dma_start3A_118 = arith.constant 0 : i32
    %dma_start3A_119 = tpu.memref_slice %arg2[%dma_start3A_117, %dma_start3A_118] : memref<10240x64xf32, #tpu.memory_space<hbm>> -> memref<10240x64xf32, #tpu.memory_space<hbm>>
    tpu.enqueue_indirect_dma source(%dma_start3A_119 : memref<10240x64xf32, #tpu.memory_space<hbm>>) target(%dma_start3A_113 : memref<128x64xf32, #tpu.memory_space<vmem>>) offsets(%dma_start3A_116 : memref<128xi32, #tpu.memory_space<vmem>>) semaphore(%arg17 : memref<!tpu.dma_semaphore, #tpu.memory_space<semaphore_mem>>)
    %dma_wait3A_120 = arith.constant 1 : i32
    %dma_wait3A_121 = arith.constant 128 : i32
    %dma_wait3A_122 = arith.constant 0 : i32
    %dma_wait3A_123 = tpu.memref_slice %arg8[%dma_wait3A_121, %dma_wait3A_122] : memref<1024x64xf32, #tpu.memory_space<vmem>> -> memref<128x64xf32, #tpu.memory_space<vmem>>
    %dma_wait3A_124 = arith.constant 0 : i32
    %dma_wait3A_125 = tpu.memref_slice %arg6[%dma_wait3A_120, %dma_wait3A_124] : memref<80x128xi32, #tpu.memory_space<vmem>> -> memref<1x128xi32, #tpu.memory_space<vmem>>
    %dma_wait3A_126 = tpu.memref_squeeze %dma_wait3A_125 : memref<1x128xi32, #tpu.memory_space<vmem>> -> memref<128xi32, #tpu.memory_space<vmem>>
    %dma_wait3A_127 = arith.constant 0 : i32
    %dma_wait3A_128 = arith.constant 0 : i32
    %dma_wait3A_129 = tpu.memref_slice %arg2[%dma_wait3A_127, %dma_wait3A_128] : memref<10240x64xf32, #tpu.memory_space<hbm>> -> memref<10240x64xf32, #tpu.memory_space<hbm>>
    tpu.wait_indirect_dma semaphore(%arg11 : memref<!tpu.dma_semaphore, #tpu.memory_space<semaphore_mem>>) src(%dma_wait3A_129 : memref<10240x64xf32, #tpu.memory_space<hbm>>) dst(%dma_wait3A_123 : memref<128x64xf32, #tpu.memory_space<vmem>>)
    %dma_start3A_130 = arith.constant 1 : i32
    %dma_start3A_131 = arith.constant 128 : i32
    %dma_start3A_132 = arith.constant 0 : i32
    %dma_start3A_133 = tpu.memref_slice %arg8[%dma_start3A_131, %dma_start3A_132] : memref<1024x64xf32, #tpu.memory_space<vmem>> -> memref<128x64xf32, #tpu.memory_space<vmem>>
    %dma_start3A_134 = arith.constant 0 : i32
    %dma_start3A_135 = tpu.memref_slice %arg7[%dma_start3A_130, %dma_start3A_134] : memref<80x128xi32, #tpu.memory_space<vmem>> -> memref<1x128xi32, #tpu.memory_space<vmem>>
    %dma_start3A_136 = tpu.memref_squeeze %dma_start3A_135 : memref<1x128xi32, #tpu.memory_space<vmem>> -> memref<128xi32, #tpu.memory_space<vmem>>
    %dma_start3A_137 = arith.constant 0 : i32
    %dma_start3A_138 = arith.constant 0 : i32
    %dma_start3A_139 = tpu.memref_slice %arg9[%dma_start3A_137, %dma_start3A_138] : memref<10240x64xf32, #tpu.memory_space<vmem_shared>> -> memref<10240x64xf32, #tpu.memory_space<vmem_shared>>
    tpu.enqueue_indirect_dma source(%dma_start3A_133 : memref<128x64xf32, #tpu.memory_space<vmem>>) target(%dma_start3A_139 : memref<10240x64xf32, #tpu.memory_space<vmem_shared>>) offsets(%dma_start3A_136 : memref<128xi32, #tpu.memory_space<vmem>>) semaphore(%arg19 : memref<!tpu.dma_semaphore, #tpu.memory_space<semaphore_mem>>) {add = true}
    %dma_wait3A_140 = arith.constant 0 : i32
    %dma_wait3A_141 = arith.constant 0 : i32
    %dma_wait3A_142 = arith.constant 0 : i32
    %dma_wait3A_143 = tpu.memref_slice %arg8[%dma_wait3A_141, %dma_wait3A_142] : memref<1024x64xf32, #tpu.memory_space<vmem>> -> memref<128x64xf32, #tpu.memory_space<vmem>>
    %dma_wait3A_144 = arith.constant 0 : i32
    %dma_wait3A_145 = tpu.memref_slice %arg7[%dma_wait3A_140, %dma_wait3A_144] : memref<80x128xi32, #tpu.memory_space<vmem>> -> memref<1x128xi32, #tpu.memory_space<vmem>>
    %dma_wait3A_146 = tpu.memref_squeeze %dma_wait3A_145 : memref<1x128xi32, #tpu.memory_space<vmem>> -> memref<128xi32, #tpu.memory_space<vmem>>
    %dma_wait3A_147 = arith.constant 0 : i32
    %dma_wait3A_148 = arith.constant 0 : i32
    %dma_wait3A_149 = tpu.memref_slice %arg9[%dma_wait3A_147, %dma_wait3A_148] : memref<10240x64xf32, #tpu.memory_space<vmem_shared>> -> memref<10240x64xf32, #tpu.memory_space<vmem_shared>>
    tpu.wait_indirect_dma semaphore(%arg18 : memref<!tpu.dma_semaphore, #tpu.memory_space<semaphore_mem>>) src(%dma_wait3A_143 : memref<128x64xf32, #tpu.memory_space<vmem>>) dst(%dma_wait3A_149 : memref<10240x64xf32, #tpu.memory_space<vmem_shared>>)
    %dma_start3A_150 = arith.constant 8 : i32
    %dma_start3A_151 = arith.constant 0 : i32
    %dma_start3A_152 = arith.constant 0 : i32
    %dma_start3A_153 = tpu.memref_slice %arg8[%dma_start3A_151, %dma_start3A_152] : memref<1024x64xf32, #tpu.memory_space<vmem>> -> memref<128x64xf32, #tpu.memory_space<vmem>>
    %dma_start3A_154 = arith.constant 0 : i32
    %dma_start3A_155 = tpu.memref_slice %arg6[%dma_start3A_150, %dma_start3A_154] : memref<80x128xi32, #tpu.memory_space<vmem>> -> memref<1x128xi32, #tpu.memory_space<vmem>>
    %dma_start3A_156 = tpu.memref_squeeze %dma_start3A_155 : memref<1x128xi32, #tpu.memory_space<vmem>> -> memref<128xi32, #tpu.memory_space<vmem>>
    %dma_start3A_157 = arith.constant 0 : i32
    %dma_start3A_158 = arith.constant 0 : i32
    %dma_start3A_159 = tpu.memref_slice %arg2[%dma_start3A_157, %dma_start3A_158] : memref<10240x64xf32, #tpu.memory_space<hbm>> -> memref<10240x64xf32, #tpu.memory_space<hbm>>
    tpu.enqueue_indirect_dma source(%dma_start3A_159 : memref<10240x64xf32, #tpu.memory_space<hbm>>) target(%dma_start3A_153 : memref<128x64xf32, #tpu.memory_space<vmem>>) offsets(%dma_start3A_156 : memref<128xi32, #tpu.memory_space<vmem>>) semaphore(%arg10 : memref<!tpu.dma_semaphore, #tpu.memory_space<semaphore_mem>>)
    %dma_wait3A_160 = arith.constant 2 : i32
    %dma_wait3A_161 = arith.constant 256 : i32
    %dma_wait3A_162 = arith.constant 0 : i32
    %dma_wait3A_163 = tpu.memref_slice %arg8[%dma_wait3A_161, %dma_wait3A_162] : memref<1024x64xf32, #tpu.memory_space<vmem>> -> memref<128x64xf32, #tpu.memory_space<vmem>>
    %dma_wait3A_164 = arith.constant 0 : i32
    %dma_wait3A_165 = tpu.memref_slice %arg6[%dma_wait3A_160, %dma_wait3A_164] : memref<80x128xi32, #tpu.memory_space<vmem>> -> memref<1x128xi32, #tpu.memory_space<vmem>>
    %dma_wait3A_166 = tpu.memref_squeeze %dma_wait3A_165 : memref<1x128xi32, #tpu.memory_space<vmem>> -> memref<128xi32, #tpu.memory_space<vmem>>
    %dma_wait3A_167 = arith.constant 0 : i32
    %dma_wait3A_168 = arith.constant 0 : i32
    %dma_wait3A_169 = tpu.memref_slice %arg2[%dma_wait3A_167, %dma_wait3A_168] : memref<10240x64xf32, #tpu.memory_space<hbm>> -> memref<10240x64xf32, #tpu.memory_space<hbm>>
    tpu.wait_indirect_dma semaphore(%arg12 : memref<!tpu.dma_semaphore, #tpu.memory_space<semaphore_mem>>) src(%dma_wait3A_169 : memref<10240x64xf32, #tpu.memory_space<hbm>>) dst(%dma_wait3A_163 : memref<128x64xf32, #tpu.memory_space<vmem>>)
    %dma_start3A_170 = arith.constant 2 : i32
    %dma_start3A_171 = arith.constant 256 : i32
    %dma_start3A_172 = arith.constant 0 : i32
    %dma_start3A_173 = tpu.memref_slice %arg8[%dma_start3A_171, %dma_start3A_172] : memref<1024x64xf32, #tpu.memory_space<vmem>> -> memref<128x64xf32, #tpu.memory_space<vmem>>
    %dma_start3A_174 = arith.constant 0 : i32
    %dma_start3A_175 = tpu.memref_slice %arg7[%dma_start3A_170, %dma_start3A_174] : memref<80x128xi32, #tpu.memory_space<vmem>> -> memref<1x128xi32, #tpu.memory_space<vmem>>
    %dma_start3A_176 = tpu.memref_squeeze %dma_start3A_175 : memref<1x128xi32, #tpu.memory_space<vmem>> -> memref<128xi32, #tpu.memory_space<vmem>>
    %dma_start3A_177 = arith.constant 0 : i32
    %dma_start3A_178 = arith.constant 0 : i32
    %dma_start3A_179 = tpu.memref_slice %arg9[%dma_start3A_177, %dma_start3A_178] : memref<10240x64xf32, #tpu.memory_space<vmem_shared>> -> memref<10240x64xf32, #tpu.memory_space<vmem_shared>>
    tpu.enqueue_indirect_dma source(%dma_start3A_173 : memref<128x64xf32, #tpu.memory_space<vmem>>) target(%dma_start3A_179 : memref<10240x64xf32, #tpu.memory_space<vmem_shared>>) offsets(%dma_start3A_176 : memref<128xi32, #tpu.memory_space<vmem>>) semaphore(%arg20 : memref<!tpu.dma_semaphore, #tpu.memory_space<semaphore_mem>>) {add = true}
    %dma_wait3A_180 = arith.constant 1 : i32
    %dma_wait3A_181 = arith.constant 128 : i32
    %dma_wait3A_182 = arith.constant 0 : i32
    %dma_wait3A_183 = tpu.memref_slice %arg8[%dma_wait3A_181, %dma_wait3A_182] : memref<1024x64xf32, #tpu.memory_space<vmem>> -> memref<128x64xf32, #tpu.memory_space<vmem>>
    %dma_wait3A_184 = arith.constant 0 : i32
    %dma_wait3A_185 = tpu.memref_slice %arg7[%dma_wait3A_180, %dma_wait3A_184] : memref<80x128xi32, #tpu.memory_space<vmem>> -> memref<1x128xi32, #tpu.memory_space<vmem>>
    %dma_wait3A_186 = tpu.memref_squeeze %dma_wait3A_185 : memref<1x128xi32, #tpu.memory_space<vmem>> -> memref<128xi32, #tpu.memory_space<vmem>>
    %dma_wait3A_187 = arith.constant 0 : i32
    %dma_wait3A_188 = arith.constant 0 : i32
    %dma_wait3A_189 = tpu.memref_slice %arg9[%dma_wait3A_187, %dma_wait3A_188] : memref<10240x64xf32, #tpu.memory_space<vmem_shared>> -> memref<10240x64xf32, #tpu.memory_space<vmem_shared>>
    tpu.wait_indirect_dma semaphore(%arg19 : memref<!tpu.dma_semaphore, #tpu.memory_space<semaphore_mem>>) src(%dma_wait3A_183 : memref<128x64xf32, #tpu.memory_space<vmem>>) dst(%dma_wait3A_189 : memref<10240x64xf32, #tpu.memory_space<vmem_shared>>)
    %dma_start3A_190 = arith.constant 9 : i32
    %dma_start3A_191 = arith.constant 128 : i32
    %dma_start3A_192 = arith.constant 0 : i32
    %dma_start3A_193 = tpu.memref_slice %arg8[%dma_start3A_191, %dma_start3A_192] : memref<1024x64xf32, #tpu.memory_space<vmem>> -> memref<128x64xf32, #tpu.memory_space<vmem>>
    %dma_start3A_194 = arith.constant 0 : i32
    %dma_start3A_195 = tpu.memref_slice %arg6[%dma_start3A_190, %dma_start3A_194] : memref<80x128xi32, #tpu.memory_space<vmem>> -> memref<1x128xi32, #tpu.memory_space<vmem>>
    %dma_start3A_196 = tpu.memref_squeeze %dma_start3A_195 : memref<1x128xi32, #tpu.memory_space<vmem>> -> memref<128xi32, #tpu.memory_space<vmem>>
    %dma_start3A_197 = arith.constant 0 : i32
    %dma_start3A_198 = arith.constant 0 : i32
    %dma_start3A_199 = tpu.memref_slice %arg2[%dma_start3A_197, %dma_start3A_198] : memref<10240x64xf32, #tpu.memory_space<hbm>> -> memref<10240x64xf32, #tpu.memory_space<hbm>>
    tpu.enqueue_indirect_dma source(%dma_start3A_199 : memref<10240x64xf32, #tpu.memory_space<hbm>>) target(%dma_start3A_193 : memref<128x64xf32, #tpu.memory_space<vmem>>) offsets(%dma_start3A_196 : memref<128xi32, #tpu.memory_space<vmem>>) semaphore(%arg11 : memref<!tpu.dma_semaphore, #tpu.memory_space<semaphore_mem>>)
    %dma_wait3A_200 = arith.constant 3 : i32
    %dma_wait3A_201 = arith.constant 384 : i32
    %dma_wait3A_202 = arith.constant 0 : i32
    %dma_wait3A_203 = tpu.memref_slice %arg8[%dma_wait3A_201, %dma_wait3A_202] : memref<1024x64xf32, #tpu.memory_space<vmem>> -> memref<128x64xf32, #tpu.memory_space<vmem>>
    %dma_wait3A_204 = arith.constant 0 : i32
    %dma_wait3A_205 = tpu.memref_slice %arg6[%dma_wait3A_200, %dma_wait3A_204] : memref<80x128xi32, #tpu.memory_space<vmem>> -> memref<1x128xi32, #tpu.memory_space<vmem>>
    %dma_wait3A_206 = tpu.memref_squeeze %dma_wait3A_205 : memref<1x128xi32, #tpu.memory_space<vmem>> -> memref<128xi32, #tpu.memory_space<vmem>>
    %dma_wait3A_207 = arith.constant 0 : i32
    %dma_wait3A_208 = arith.constant 0 : i32
    %dma_wait3A_209 = tpu.memref_slice %arg2[%dma_wait3A_207, %dma_wait3A_208] : memref<10240x64xf32, #tpu.memory_space<hbm>> -> memref<10240x64xf32, #tpu.memory_space<hbm>>
    tpu.wait_indirect_dma semaphore(%arg13 : memref<!tpu.dma_semaphore, #tpu.memory_space<semaphore_mem>>) src(%dma_wait3A_209 : memref<10240x64xf32, #tpu.memory_space<hbm>>) dst(%dma_wait3A_203 : memref<128x64xf32, #tpu.memory_space<vmem>>)
    %dma_start3A_210 = arith.constant 3 : i32
    %dma_start3A_211 = arith.constant 384 : i32
    %dma_start3A_212 = arith.constant 0 : i32
    %dma_start3A_213 = tpu.memref_slice %arg8[%dma_start3A_211, %dma_start3A_212] : memref<1024x64xf32, #tpu.memory_space<vmem>> -> memref<128x64xf32, #tpu.memory_space<vmem>>
    %dma_start3A_214 = arith.constant 0 : i32
    %dma_start3A_215 = tpu.memref_slice %arg7[%dma_start3A_210, %dma_start3A_214] : memref<80x128xi32, #tpu.memory_space<vmem>> -> memref<1x128xi32, #tpu.memory_space<vmem>>
    %dma_start3A_216 = tpu.memref_squeeze %dma_start3A_215 : memref<1x128xi32, #tpu.memory_space<vmem>> -> memref<128xi32, #tpu.memory_space<vmem>>
    %dma_start3A_217 = arith.constant 0 : i32
    %dma_start3A_218 = arith.constant 0 : i32
    %dma_start3A_219 = tpu.memref_slice %arg9[%dma_start3A_217, %dma_start3A_218] : memref<10240x64xf32, #tpu.memory_space<vmem_shared>> -> memref<10240x64xf32, #tpu.memory_space<vmem_shared>>
    tpu.enqueue_indirect_dma source(%dma_start3A_213 : memref<128x64xf32, #tpu.memory_space<vmem>>) target(%dma_start3A_219 : memref<10240x64xf32, #tpu.memory_space<vmem_shared>>) offsets(%dma_start3A_216 : memref<128xi32, #tpu.memory_space<vmem>>) semaphore(%arg21 : memref<!tpu.dma_semaphore, #tpu.memory_space<semaphore_mem>>) {add = true}
    %dma_wait3A_220 = arith.constant 2 : i32
    %dma_wait3A_221 = arith.constant 256 : i32
    %dma_wait3A_222 = arith.constant 0 : i32
    %dma_wait3A_223 = tpu.memref_slice %arg8[%dma_wait3A_221, %dma_wait3A_222] : memref<1024x64xf32, #tpu.memory_space<vmem>> -> memref<128x64xf32, #tpu.memory_space<vmem>>
    %dma_wait3A_224 = arith.constant 0 : i32
    %dma_wait3A_225 = tpu.memref_slice %arg7[%dma_wait3A_220, %dma_wait3A_224] : memref<80x128xi32, #tpu.memory_space<vmem>> -> memref<1x128xi32, #tpu.memory_space<vmem>>
    %dma_wait3A_226 = tpu.memref_squeeze %dma_wait3A_225 : memref<1x128xi32, #tpu.memory_space<vmem>> -> memref<128xi32, #tpu.memory_space<vmem>>
    %dma_wait3A_227 = arith.constant 0 : i32
    %dma_wait3A_228 = arith.constant 0 : i32
    %dma_wait3A_229 = tpu.memref_slice %arg9[%dma_wait3A_227, %dma_wait3A_228] : memref<10240x64xf32, #tpu.memory_space<vmem_shared>> -> memref<10240x64xf32, #tpu.memory_space<vmem_shared>>
    tpu.wait_indirect_dma semaphore(%arg20 : memref<!tpu.dma_semaphore, #tpu.memory_space<semaphore_mem>>) src(%dma_wait3A_223 : memref<128x64xf32, #tpu.memory_space<vmem>>) dst(%dma_wait3A_229 : memref<10240x64xf32, #tpu.memory_space<vmem_shared>>)
    %dma_start3A_230 = arith.constant 10 : i32
    %dma_start3A_231 = arith.constant 256 : i32
    %dma_start3A_232 = arith.constant 0 : i32
    %dma_start3A_233 = tpu.memref_slice %arg8[%dma_start3A_231, %dma_start3A_232] : memref<1024x64xf32, #tpu.memory_space<vmem>> -> memref<128x64xf32, #tpu.memory_space<vmem>>
    %dma_start3A_234 = arith.constant 0 : i32
    %dma_start3A_235 = tpu.memref_slice %arg6[%dma_start3A_230, %dma_start3A_234] : memref<80x128xi32, #tpu.memory_space<vmem>> -> memref<1x128xi32, #tpu.memory_space<vmem>>
    %dma_start3A_236 = tpu.memref_squeeze %dma_start3A_235 : memref<1x128xi32, #tpu.memory_space<vmem>> -> memref<128xi32, #tpu.memory_space<vmem>>
    %dma_start3A_237 = arith.constant 0 : i32
    %dma_start3A_238 = arith.constant 0 : i32
    %dma_start3A_239 = tpu.memref_slice %arg2[%dma_start3A_237, %dma_start3A_238] : memref<10240x64xf32, #tpu.memory_space<hbm>> -> memref<10240x64xf32, #tpu.memory_space<hbm>>
    tpu.enqueue_indirect_dma source(%dma_start3A_239 : memref<10240x64xf32, #tpu.memory_space<hbm>>) target(%dma_start3A_233 : memref<128x64xf32, #tpu.memory_space<vmem>>) offsets(%dma_start3A_236 : memref<128xi32, #tpu.memory_space<vmem>>) semaphore(%arg12 : memref<!tpu.dma_semaphore, #tpu.memory_space<semaphore_mem>>)
    %dma_wait3A_240 = arith.constant 4 : i32
    %dma_wait3A_241 = arith.constant 512 : i32
    %dma_wait3A_242 = arith.constant 0 : i32
    %dma_wait3A_243 = tpu.memref_slice %arg8[%dma_wait3A_241, %dma_wait3A_242] : memref<1024x64xf32, #tpu.memory_space<vmem>> -> memref<128x64xf32, #tpu.memory_space<vmem>>
    %dma_wait3A_244 = arith.constant 0 : i32
    %dma_wait3A_245 = tpu.memref_slice %arg6[%dma_wait3A_240, %dma_wait3A_244] : memref<80x128xi32, #tpu.memory_space<vmem>> -> memref<1x128xi32, #tpu.memory_space<vmem>>
    %dma_wait3A_246 = tpu.memref_squeeze %dma_wait3A_245 : memref<1x128xi32, #tpu.memory_space<vmem>> -> memref<128xi32, #tpu.memory_space<vmem>>
    %dma_wait3A_247 = arith.constant 0 : i32
    %dma_wait3A_248 = arith.constant 0 : i32
    %dma_wait3A_249 = tpu.memref_slice %arg2[%dma_wait3A_247, %dma_wait3A_248] : memref<10240x64xf32, #tpu.memory_space<hbm>> -> memref<10240x64xf32, #tpu.memory_space<hbm>>
    tpu.wait_indirect_dma semaphore(%arg14 : memref<!tpu.dma_semaphore, #tpu.memory_space<semaphore_mem>>) src(%dma_wait3A_249 : memref<10240x64xf32, #tpu.memory_space<hbm>>) dst(%dma_wait3A_243 : memref<128x64xf32, #tpu.memory_space<vmem>>)
    %dma_start3A_250 = arith.constant 4 : i32
    %dma_start3A_251 = arith.constant 512 : i32
    %dma_start3A_252 = arith.constant 0 : i32
    %dma_start3A_253 = tpu.memref_slice %arg8[%dma_start3A_251, %dma_start3A_252] : memref<1024x64xf32, #tpu.memory_space<vmem>> -> memref<128x64xf32, #tpu.memory_space<vmem>>
    %dma_start3A_254 = arith.constant 0 : i32
    %dma_start3A_255 = tpu.memref_slice %arg7[%dma_start3A_250, %dma_start3A_254] : memref<80x128xi32, #tpu.memory_space<vmem>> -> memref<1x128xi32, #tpu.memory_space<vmem>>
    %dma_start3A_256 = tpu.memref_squeeze %dma_start3A_255 : memref<1x128xi32, #tpu.memory_space<vmem>> -> memref<128xi32, #tpu.memory_space<vmem>>
    %dma_start3A_257 = arith.constant 0 : i32
    %dma_start3A_258 = arith.constant 0 : i32
    %dma_start3A_259 = tpu.memref_slice %arg9[%dma_start3A_257, %dma_start3A_258] : memref<10240x64xf32, #tpu.memory_space<vmem_shared>> -> memref<10240x64xf32, #tpu.memory_space<vmem_shared>>
    tpu.enqueue_indirect_dma source(%dma_start3A_253 : memref<128x64xf32, #tpu.memory_space<vmem>>) target(%dma_start3A_259 : memref<10240x64xf32, #tpu.memory_space<vmem_shared>>) offsets(%dma_start3A_256 : memref<128xi32, #tpu.memory_space<vmem>>) semaphore(%arg22 : memref<!tpu.dma_semaphore, #tpu.memory_space<semaphore_mem>>) {add = true}
    %dma_wait3A_260 = arith.constant 3 : i32
    %dma_wait3A_261 = arith.constant 384 : i32
    %dma_wait3A_262 = arith.constant 0 : i32
    %dma_wait3A_263 = tpu.memref_slice %arg8[%dma_wait3A_261, %dma_wait3A_262] : memref<1024x64xf32, #tpu.memory_space<vmem>> -> memref<128x64xf32, #tpu.memory_space<vmem>>
    %dma_wait3A_264 = arith.constant 0 : i32
    %dma_wait3A_265 = tpu.memref_slice %arg7[%dma_wait3A_260, %dma_wait3A_264] : memref<80x128xi32, #tpu.memory_space<vmem>> -> memref<1x128xi32, #tpu.memory_space<vmem>>
    %dma_wait3A_266 = tpu.memref_squeeze %dma_wait3A_265 : memref<1x128xi32, #tpu.memory_space<vmem>> -> memref<128xi32, #tpu.memory_space<vmem>>
    %dma_wait3A_267 = arith.constant 0 : i32
    %dma_wait3A_268 = arith.constant 0 : i32
    %dma_wait3A_269 = tpu.memref_slice %arg9[%dma_wait3A_267, %dma_wait3A_268] : memref<10240x64xf32, #tpu.memory_space<vmem_shared>> -> memref<10240x64xf32, #tpu.memory_space<vmem_shared>>
    tpu.wait_indirect_dma semaphore(%arg21 : memref<!tpu.dma_semaphore, #tpu.memory_space<semaphore_mem>>) src(%dma_wait3A_263 : memref<128x64xf32, #tpu.memory_space<vmem>>) dst(%dma_wait3A_269 : memref<10240x64xf32, #tpu.memory_space<vmem_shared>>)
    %dma_start3A_270 = arith.constant 11 : i32
    %dma_start3A_271 = arith.constant 384 : i32
    %dma_start3A_272 = arith.constant 0 : i32
    %dma_start3A_273 = tpu.memref_slice %arg8[%dma_start3A_271, %dma_start3A_272] : memref<1024x64xf32, #tpu.memory_space<vmem>> -> memref<128x64xf32, #tpu.memory_space<vmem>>
    %dma_start3A_274 = arith.constant 0 : i32
    %dma_start3A_275 = tpu.memref_slice %arg6[%dma_start3A_270, %dma_start3A_274] : memref<80x128xi32, #tpu.memory_space<vmem>> -> memref<1x128xi32, #tpu.memory_space<vmem>>
    %dma_start3A_276 = tpu.memref_squeeze %dma_start3A_275 : memref<1x128xi32, #tpu.memory_space<vmem>> -> memref<128xi32, #tpu.memory_space<vmem>>
    %dma_start3A_277 = arith.constant 0 : i32
    %dma_start3A_278 = arith.constant 0 : i32
    %dma_start3A_279 = tpu.memref_slice %arg2[%dma_start3A_277, %dma_start3A_278] : memref<10240x64xf32, #tpu.memory_space<hbm>> -> memref<10240x64xf32, #tpu.memory_space<hbm>>
    tpu.enqueue_indirect_dma source(%dma_start3A_279 : memref<10240x64xf32, #tpu.memory_space<hbm>>) target(%dma_start3A_273 : memref<128x64xf32, #tpu.memory_space<vmem>>) offsets(%dma_start3A_276 : memref<128xi32, #tpu.memory_space<vmem>>) semaphore(%arg13 : memref<!tpu.dma_semaphore, #tpu.memory_space<semaphore_mem>>)
    %dma_wait3A_280 = arith.constant 5 : i32
    %dma_wait3A_281 = arith.constant 640 : i32
    %dma_wait3A_282 = arith.constant 0 : i32
    %dma_wait3A_283 = tpu.memref_slice %arg8[%dma_wait3A_281, %dma_wait3A_282] : memref<1024x64xf32, #tpu.memory_space<vmem>> -> memref<128x64xf32, #tpu.memory_space<vmem>>
    %dma_wait3A_284 = arith.constant 0 : i32
    %dma_wait3A_285 = tpu.memref_slice %arg6[%dma_wait3A_280, %dma_wait3A_284] : memref<80x128xi32, #tpu.memory_space<vmem>> -> memref<1x128xi32, #tpu.memory_space<vmem>>
    %dma_wait3A_286 = tpu.memref_squeeze %dma_wait3A_285 : memref<1x128xi32, #tpu.memory_space<vmem>> -> memref<128xi32, #tpu.memory_space<vmem>>
    %dma_wait3A_287 = arith.constant 0 : i32
    %dma_wait3A_288 = arith.constant 0 : i32
    %dma_wait3A_289 = tpu.memref_slice %arg2[%dma_wait3A_287, %dma_wait3A_288] : memref<10240x64xf32, #tpu.memory_space<hbm>> -> memref<10240x64xf32, #tpu.memory_space<hbm>>
    tpu.wait_indirect_dma semaphore(%arg15 : memref<!tpu.dma_semaphore, #tpu.memory_space<semaphore_mem>>) src(%dma_wait3A_289 : memref<10240x64xf32, #tpu.memory_space<hbm>>) dst(%dma_wait3A_283 : memref<128x64xf32, #tpu.memory_space<vmem>>)
    %dma_start3A_290 = arith.constant 5 : i32
    %dma_start3A_291 = arith.constant 640 : i32
    %dma_start3A_292 = arith.constant 0 : i32
    %dma_start3A_293 = tpu.memref_slice %arg8[%dma_start3A_291, %dma_start3A_292] : memref<1024x64xf32, #tpu.memory_space<vmem>> -> memref<128x64xf32, #tpu.memory_space<vmem>>
    %dma_start3A_294 = arith.constant 0 : i32
    %dma_start3A_295 = tpu.memref_slice %arg7[%dma_start3A_290, %dma_start3A_294] : memref<80x128xi32, #tpu.memory_space<vmem>> -> memref<1x128xi32, #tpu.memory_space<vmem>>
    %dma_start3A_296 = tpu.memref_squeeze %dma_start3A_295 : memref<1x128xi32, #tpu.memory_space<vmem>> -> memref<128xi32, #tpu.memory_space<vmem>>
    %dma_start3A_297 = arith.constant 0 : i32
    %dma_start3A_298 = arith.constant 0 : i32
    %dma_start3A_299 = tpu.memref_slice %arg9[%dma_start3A_297, %dma_start3A_298] : memref<10240x64xf32, #tpu.memory_space<vmem_shared>> -> memref<10240x64xf32, #tpu.memory_space<vmem_shared>>
    tpu.enqueue_indirect_dma source(%dma_start3A_293 : memref<128x64xf32, #tpu.memory_space<vmem>>) target(%dma_start3A_299 : memref<10240x64xf32, #tpu.memory_space<vmem_shared>>) offsets(%dma_start3A_296 : memref<128xi32, #tpu.memory_space<vmem>>) semaphore(%arg23 : memref<!tpu.dma_semaphore, #tpu.memory_space<semaphore_mem>>) {add = true}
    %dma_wait3A_300 = arith.constant 4 : i32
    %dma_wait3A_301 = arith.constant 512 : i32
    %dma_wait3A_302 = arith.constant 0 : i32
    %dma_wait3A_303 = tpu.memref_slice %arg8[%dma_wait3A_301, %dma_wait3A_302] : memref<1024x64xf32, #tpu.memory_space<vmem>> -> memref<128x64xf32, #tpu.memory_space<vmem>>
    %dma_wait3A_304 = arith.constant 0 : i32
    %dma_wait3A_305 = tpu.memref_slice %arg7[%dma_wait3A_300, %dma_wait3A_304] : memref<80x128xi32, #tpu.memory_space<vmem>> -> memref<1x128xi32, #tpu.memory_space<vmem>>
    %dma_wait3A_306 = tpu.memref_squeeze %dma_wait3A_305 : memref<1x128xi32, #tpu.memory_space<vmem>> -> memref<128xi32, #tpu.memory_space<vmem>>
    %dma_wait3A_307 = arith.constant 0 : i32
    %dma_wait3A_308 = arith.constant 0 : i32
    %dma_wait3A_309 = tpu.memref_slice %arg9[%dma_wait3A_307, %dma_wait3A_308] : memref<10240x64xf32, #tpu.memory_space<vmem_shared>> -> memref<10240x64xf32, #tpu.memory_space<vmem_shared>>
    tpu.wait_indirect_dma semaphore(%arg22 : memref<!tpu.dma_semaphore, #tpu.memory_space<semaphore_mem>>) src(%dma_wait3A_303 : memref<128x64xf32, #tpu.memory_space<vmem>>) dst(%dma_wait3A_309 : memref<10240x64xf32, #tpu.memory_space<vmem_shared>>)
    %dma_start3A_310 = arith.constant 12 : i32
    %dma_start3A_311 = arith.constant 512 : i32
    %dma_start3A_312 = arith.constant 0 : i32
    %dma_start3A_313 = tpu.memref_slice %arg8[%dma_start3A_311, %dma_start3A_312] : memref<1024x64xf32, #tpu.memory_space<vmem>> -> memref<128x64xf32, #tpu.memory_space<vmem>>
    %dma_start3A_314 = arith.constant 0 : i32
    %dma_start3A_315 = tpu.memref_slice %arg6[%dma_start3A_310, %dma_start3A_314] : memref<80x128xi32, #tpu.memory_space<vmem>> -> memref<1x128xi32, #tpu.memory_space<vmem>>
    %dma_start3A_316 = tpu.memref_squeeze %dma_start3A_315 : memref<1x128xi32, #tpu.memory_space<vmem>> -> memref<128xi32, #tpu.memory_space<vmem>>
    %dma_start3A_317 = arith.constant 0 : i32
    %dma_start3A_318 = arith.constant 0 : i32
    %dma_start3A_319 = tpu.memref_slice %arg2[%dma_start3A_317, %dma_start3A_318] : memref<10240x64xf32, #tpu.memory_space<hbm>> -> memref<10240x64xf32, #tpu.memory_space<hbm>>
    tpu.enqueue_indirect_dma source(%dma_start3A_319 : memref<10240x64xf32, #tpu.memory_space<hbm>>) target(%dma_start3A_313 : memref<128x64xf32, #tpu.memory_space<vmem>>) offsets(%dma_start3A_316 : memref<128xi32, #tpu.memory_space<vmem>>) semaphore(%arg14 : memref<!tpu.dma_semaphore, #tpu.memory_space<semaphore_mem>>)
    %dma_wait3A_320 = arith.constant 6 : i32
    %dma_wait3A_321 = arith.constant 768 : i32
    %dma_wait3A_322 = arith.constant 0 : i32
    %dma_wait3A_323 = tpu.memref_slice %arg8[%dma_wait3A_321, %dma_wait3A_322] : memref<1024x64xf32, #tpu.memory_space<vmem>> -> memref<128x64xf32, #tpu.memory_space<vmem>>
    %dma_wait3A_324 = arith.constant 0 : i32
    %dma_wait3A_325 = tpu.memref_slice %arg6[%dma_wait3A_320, %dma_wait3A_324] : memref<80x128xi32, #tpu.memory_space<vmem>> -> memref<1x128xi32, #tpu.memory_space<vmem>>
    %dma_wait3A_326 = tpu.memref_squeeze %dma_wait3A_325 : memref<1x128xi32, #tpu.memory_space<vmem>> -> memref<128xi32, #tpu.memory_space<vmem>>
    %dma_wait3A_327 = arith.constant 0 : i32
    %dma_wait3A_328 = arith.constant 0 : i32
    %dma_wait3A_329 = tpu.memref_slice %arg2[%dma_wait3A_327, %dma_wait3A_328] : memref<10240x64xf32, #tpu.memory_space<hbm>> -> memref<10240x64xf32, #tpu.memory_space<hbm>>
    tpu.wait_indirect_dma semaphore(%arg16 : memref<!tpu.dma_semaphore, #tpu.memory_space<semaphore_mem>>) src(%dma_wait3A_329 : memref<10240x64xf32, #tpu.memory_space<hbm>>) dst(%dma_wait3A_323 : memref<128x64xf32, #tpu.memory_space<vmem>>)
    %dma_start3A_330 = arith.constant 6 : i32
    %dma_start3A_331 = arith.constant 768 : i32
    %dma_start3A_332 = arith.constant 0 : i32
    %dma_start3A_333 = tpu.memref_slice %arg8[%dma_start3A_331, %dma_start3A_332] : memref<1024x64xf32, #tpu.memory_space<vmem>> -> memref<128x64xf32, #tpu.memory_space<vmem>>
    %dma_start3A_334 = arith.constant 0 : i32
    %dma_start3A_335 = tpu.memref_slice %arg7[%dma_start3A_330, %dma_start3A_334] : memref<80x128xi32, #tpu.memory_space<vmem>> -> memref<1x128xi32, #tpu.memory_space<vmem>>
    %dma_start3A_336 = tpu.memref_squeeze %dma_start3A_335 : memref<1x128xi32, #tpu.memory_space<vmem>> -> memref<128xi32, #tpu.memory_space<vmem>>
    %dma_start3A_337 = arith.constant 0 : i32
    %dma_start3A_338 = arith.constant 0 : i32
    %dma_start3A_339 = tpu.memref_slice %arg9[%dma_start3A_337, %dma_start3A_338] : memref<10240x64xf32, #tpu.memory_space<vmem_shared>> -> memref<10240x64xf32, #tpu.memory_space<vmem_shared>>
    tpu.enqueue_indirect_dma source(%dma_start3A_333 : memref<128x64xf32, #tpu.memory_space<vmem>>) target(%dma_start3A_339 : memref<10240x64xf32, #tpu.memory_space<vmem_shared>>) offsets(%dma_start3A_336 : memref<128xi32, #tpu.memory_space<vmem>>) semaphore(%arg24 : memref<!tpu.dma_semaphore, #tpu.memory_space<semaphore_mem>>) {add = true}
    %dma_wait3A_340 = arith.constant 5 : i32
    %dma_wait3A_341 = arith.constant 640 : i32
    %dma_wait3A_342 = arith.constant 0 : i32
    %dma_wait3A_343 = tpu.memref_slice %arg8[%dma_wait3A_341, %dma_wait3A_342] : memref<1024x64xf32, #tpu.memory_space<vmem>> -> memref<128x64xf32, #tpu.memory_space<vmem>>
    %dma_wait3A_344 = arith.constant 0 : i32
    %dma_wait3A_345 = tpu.memref_slice %arg7[%dma_wait3A_340, %dma_wait3A_344] : memref<80x128xi32, #tpu.memory_space<vmem>> -> memref<1x128xi32, #tpu.memory_space<vmem>>
    %dma_wait3A_346 = tpu.memref_squeeze %dma_wait3A_345 : memref<1x128xi32, #tpu.memory_space<vmem>> -> memref<128xi32, #tpu.memory_space<vmem>>
    %dma_wait3A_347 = arith.constant 0 : i32
    %dma_wait3A_348 = arith.constant 0 : i32
    %dma_wait3A_349 = tpu.memref_slice %arg9[%dma_wait3A_347, %dma_wait3A_348] : memref<10240x64xf32, #tpu.memory_space<vmem_shared>> -> memref<10240x64xf32, #tpu.memory_space<vmem_shared>>
    tpu.wait_indirect_dma semaphore(%arg23 : memref<!tpu.dma_semaphore, #tpu.memory_space<semaphore_mem>>) src(%dma_wait3A_343 : memref<128x64xf32, #tpu.memory_space<vmem>>) dst(%dma_wait3A_349 : memref<10240x64xf32, #tpu.memory_space<vmem_shared>>)
    %dma_start3A_350 = arith.constant 13 : i32
    %dma_start3A_351 = arith.constant 640 : i32
    %dma_start3A_352 = arith.constant 0 : i32
    %dma_start3A_353 = tpu.memref_slice %arg8[%dma_start3A_351, %dma_start3A_352] : memref<1024x64xf32, #tpu.memory_space<vmem>> -> memref<128x64xf32, #tpu.memory_space<vmem>>
    %dma_start3A_354 = arith.constant 0 : i32
    %dma_start3A_355 = tpu.memref_slice %arg6[%dma_start3A_350, %dma_start3A_354] : memref<80x128xi32, #tpu.memory_space<vmem>> -> memref<1x128xi32, #tpu.memory_space<vmem>>
    %dma_start3A_356 = tpu.memref_squeeze %dma_start3A_355 : memref<1x128xi32, #tpu.memory_space<vmem>> -> memref<128xi32, #tpu.memory_space<vmem>>
    %dma_start3A_357 = arith.constant 0 : i32
    %dma_start3A_358 = arith.constant 0 : i32
    %dma_start3A_359 = tpu.memref_slice %arg2[%dma_start3A_357, %dma_start3A_358] : memref<10240x64xf32, #tpu.memory_space<hbm>> -> memref<10240x64xf32, #tpu.memory_space<hbm>>
    tpu.enqueue_indirect_dma source(%dma_start3A_359 : memref<10240x64xf32, #tpu.memory_space<hbm>>) target(%dma_start3A_353 : memref<128x64xf32, #tpu.memory_space<vmem>>) offsets(%dma_start3A_356 : memref<128xi32, #tpu.memory_space<vmem>>) semaphore(%arg15 : memref<!tpu.dma_semaphore, #tpu.memory_space<semaphore_mem>>)
    %dma_wait3A_360 = arith.constant 7 : i32
    %dma_wait3A_361 = arith.constant 896 : i32
    %dma_wait3A_362 = arith.constant 0 : i32
    %dma_wait3A_363 = tpu.memref_slice %arg8[%dma_wait3A_361, %dma_wait3A_362] : memref<1024x64xf32, #tpu.memory_space<vmem>> -> memref<128x64xf32, #tpu.memory_space<vmem>>
    %dma_wait3A_364 = arith.constant 0 : i32
    %dma_wait3A_365 = tpu.memref_slice %arg6[%dma_wait3A_360, %dma_wait3A_364] : memref<80x128xi32, #tpu.memory_space<vmem>> -> memref<1x128xi32, #tpu.memory_space<vmem>>
    %dma_wait3A_366 = tpu.memref_squeeze %dma_wait3A_365 : memref<1x128xi32, #tpu.memory_space<vmem>> -> memref<128xi32, #tpu.memory_space<vmem>>
    %dma_wait3A_367 = arith.constant 0 : i32
    %dma_wait3A_368 = arith.constant 0 : i32
    %dma_wait3A_369 = tpu.memref_slice %arg2[%dma_wait3A_367, %dma_wait3A_368] : memref<10240x64xf32, #tpu.memory_space<hbm>> -> memref<10240x64xf32, #tpu.memory_space<hbm>>
    tpu.wait_indirect_dma semaphore(%arg17 : memref<!tpu.dma_semaphore, #tpu.memory_space<semaphore_mem>>) src(%dma_wait3A_369 : memref<10240x64xf32, #tpu.memory_space<hbm>>) dst(%dma_wait3A_363 : memref<128x64xf32, #tpu.memory_space<vmem>>)
    %dma_start3A_370 = arith.constant 7 : i32
    %dma_start3A_371 = arith.constant 896 : i32
    %dma_start3A_372 = arith.constant 0 : i32
    %dma_start3A_373 = tpu.memref_slice %arg8[%dma_start3A_371, %dma_start3A_372] : memref<1024x64xf32, #tpu.memory_space<vmem>> -> memref<128x64xf32, #tpu.memory_space<vmem>>
    %dma_start3A_374 = arith.constant 0 : i32
    %dma_start3A_375 = tpu.memref_slice %arg7[%dma_start3A_370, %dma_start3A_374] : memref<80x128xi32, #tpu.memory_space<vmem>> -> memref<1x128xi32, #tpu.memory_space<vmem>>
    %dma_start3A_376 = tpu.memref_squeeze %dma_start3A_375 : memref<1x128xi32, #tpu.memory_space<vmem>> -> memref<128xi32, #tpu.memory_space<vmem>>
    %dma_start3A_377 = arith.constant 0 : i32
    %dma_start3A_378 = arith.constant 0 : i32
    %dma_start3A_379 = tpu.memref_slice %arg9[%dma_start3A_377, %dma_start3A_378] : memref<10240x64xf32, #tpu.memory_space<vmem_shared>> -> memref<10240x64xf32, #tpu.memory_space<vmem_shared>>
    tpu.enqueue_indirect_dma source(%dma_start3A_373 : memref<128x64xf32, #tpu.memory_space<vmem>>) target(%dma_start3A_379 : memref<10240x64xf32, #tpu.memory_space<vmem_shared>>) offsets(%dma_start3A_376 : memref<128xi32, #tpu.memory_space<vmem>>) semaphore(%arg25 : memref<!tpu.dma_semaphore, #tpu.memory_space<semaphore_mem>>) {add = true}
    %scan3A_380 = arith.constant 0 : i32
    %scan3A_381 = arith.constant 8 : i32
    %scan3A_382 = arith.addi %scan3A_380, %scan3A_381 : i32
    %scan3A_383 = arith.constant 1 : i32
    scf.for %scan3A_666 = %scan3A_380 to %scan3A_382 step %scan3A_383  : i32 {
      %mul3A_667 = arith.constant 1 : i32
      %mul3A_668 = arith.muli %scan3A_666, %mul3A_667 : i32
      %add3A_669 = arith.constant 1 : i32
      %add3A_670 = arith.addi %add3A_669, %mul3A_668 : i32
      %mul3A_671 = arith.constant 8 : i32
      %mul3A_672 = arith.muli %add3A_670, %mul3A_671 : i32
      %add3A_673 = arith.constant 0 : i32
      %add3A_674 = arith.addi %mul3A_672, %add3A_673 : i32
      %sub3A = arith.constant 2 : i32
      %sub3A_675 = arith.subi %add3A_674, %sub3A : i32
      %dma_wait3A_676 = arith.constant 768 : i32
      %dma_wait3A_677 = arith.constant 0 : i32
      %dma_wait3A_678 = tpu.memref_slice %arg8[%dma_wait3A_676, %dma_wait3A_677] : memref<1024x64xf32, #tpu.memory_space<vmem>> -> memref<128x64xf32, #tpu.memory_space<vmem>>
      %dma_wait3A_679 = arith.constant 0 : i32
      %dma_wait3A_680 = tpu.memref_slice %arg7[%sub3A_675, %dma_wait3A_679] : memref<80x128xi32, #tpu.memory_space<vmem>> -> memref<1x128xi32, #tpu.memory_space<vmem>>
      %dma_wait3A_681 = tpu.memref_squeeze %dma_wait3A_680 : memref<1x128xi32, #tpu.memory_space<vmem>> -> memref<128xi32, #tpu.memory_space<vmem>>
      %dma_wait3A_682 = arith.constant 0 : i32
      %dma_wait3A_683 = arith.constant 0 : i32
      %dma_wait3A_684 = tpu.memref_slice %arg9[%dma_wait3A_682, %dma_wait3A_683] : memref<10240x64xf32, #tpu.memory_space<vmem_shared>> -> memref<10240x64xf32, #tpu.memory_space<vmem_shared>>
      tpu.wait_indirect_dma semaphore(%arg24 : memref<!tpu.dma_semaphore, #tpu.memory_space<semaphore_mem>>) src(%dma_wait3A_678 : memref<128x64xf32, #tpu.memory_space<vmem>>) dst(%dma_wait3A_684 : memref<10240x64xf32, #tpu.memory_space<vmem_shared>>)
      %add3A_685 = arith.constant 6 : i32
      %add3A_686 = arith.addi %add3A_674, %add3A_685 : i32
      %dma_start3A_687 = arith.constant 768 : i32
      %dma_start3A_688 = arith.constant 0 : i32
      %dma_start3A_689 = tpu.memref_slice %arg8[%dma_start3A_687, %dma_start3A_688] : memref<1024x64xf32, #tpu.memory_space<vmem>> -> memref<128x64xf32, #tpu.memory_space<vmem>>
      %dma_start3A_690 = arith.constant 0 : i32
      %dma_start3A_691 = tpu.memref_slice %arg6[%add3A_686, %dma_start3A_690] : memref<80x128xi32, #tpu.memory_space<vmem>> -> memref<1x128xi32, #tpu.memory_space<vmem>>
      %dma_start3A_692 = tpu.memref_squeeze %dma_start3A_691 : memref<1x128xi32, #tpu.memory_space<vmem>> -> memref<128xi32, #tpu.memory_space<vmem>>
      %dma_start3A_693 = arith.constant 0 : i32
      %dma_start3A_694 = arith.constant 0 : i32
      %dma_start3A_695 = tpu.memref_slice %arg2[%dma_start3A_693, %dma_start3A_694] : memref<10240x64xf32, #tpu.memory_space<hbm>> -> memref<10240x64xf32, #tpu.memory_space<hbm>>
      tpu.enqueue_indirect_dma source(%dma_start3A_695 : memref<10240x64xf32, #tpu.memory_space<hbm>>) target(%dma_start3A_689 : memref<128x64xf32, #tpu.memory_space<vmem>>) offsets(%dma_start3A_692 : memref<128xi32, #tpu.memory_space<vmem>>) semaphore(%arg16 : memref<!tpu.dma_semaphore, #tpu.memory_space<semaphore_mem>>)
      %dma_wait3A_696 = arith.constant 0 : i32
      %dma_wait3A_697 = arith.constant 0 : i32
      %dma_wait3A_698 = tpu.memref_slice %arg8[%dma_wait3A_696, %dma_wait3A_697] : memref<1024x64xf32, #tpu.memory_space<vmem>> -> memref<128x64xf32, #tpu.memory_space<vmem>>
      %dma_wait3A_699 = arith.constant 0 : i32
      %dma_wait3A_700 = tpu.memref_slice %arg6[%add3A_674, %dma_wait3A_699] : memref<80x128xi32, #tpu.memory_space<vmem>> -> memref<1x128xi32, #tpu.memory_space<vmem>>
      %dma_wait3A_701 = tpu.memref_squeeze %dma_wait3A_700 : memref<1x128xi32, #tpu.memory_space<vmem>> -> memref<128xi32, #tpu.memory_space<vmem>>
      %dma_wait3A_702 = arith.constant 0 : i32
      %dma_wait3A_703 = arith.constant 0 : i32
      %dma_wait3A_704 = tpu.memref_slice %arg2[%dma_wait3A_702, %dma_wait3A_703] : memref<10240x64xf32, #tpu.memory_space<hbm>> -> memref<10240x64xf32, #tpu.memory_space<hbm>>
      tpu.wait_indirect_dma semaphore(%arg10 : memref<!tpu.dma_semaphore, #tpu.memory_space<semaphore_mem>>) src(%dma_wait3A_704 : memref<10240x64xf32, #tpu.memory_space<hbm>>) dst(%dma_wait3A_698 : memref<128x64xf32, #tpu.memory_space<vmem>>)
      %dma_start3A_705 = arith.constant 0 : i32
      %dma_start3A_706 = arith.constant 0 : i32
      %dma_start3A_707 = tpu.memref_slice %arg8[%dma_start3A_705, %dma_start3A_706] : memref<1024x64xf32, #tpu.memory_space<vmem>> -> memref<128x64xf32, #tpu.memory_space<vmem>>
      %dma_start3A_708 = arith.constant 0 : i32
      %dma_start3A_709 = tpu.memref_slice %arg7[%add3A_674, %dma_start3A_708] : memref<80x128xi32, #tpu.memory_space<vmem>> -> memref<1x128xi32, #tpu.memory_space<vmem>>
      %dma_start3A_710 = tpu.memref_squeeze %dma_start3A_709 : memref<1x128xi32, #tpu.memory_space<vmem>> -> memref<128xi32, #tpu.memory_space<vmem>>
      %dma_start3A_711 = arith.constant 0 : i32
      %dma_start3A_712 = arith.constant 0 : i32
      %dma_start3A_713 = tpu.memref_slice %arg9[%dma_start3A_711, %dma_start3A_712] : memref<10240x64xf32, #tpu.memory_space<vmem_shared>> -> memref<10240x64xf32, #tpu.memory_space<vmem_shared>>
      tpu.enqueue_indirect_dma source(%dma_start3A_707 : memref<128x64xf32, #tpu.memory_space<vmem>>) target(%dma_start3A_713 : memref<10240x64xf32, #tpu.memory_space<vmem_shared>>) offsets(%dma_start3A_710 : memref<128xi32, #tpu.memory_space<vmem>>) semaphore(%arg18 : memref<!tpu.dma_semaphore, #tpu.memory_space<semaphore_mem>>) {add = true}
      %add3A_714 = arith.constant 1 : i32
      %add3A_715 = arith.addi %mul3A_672, %add3A_714 : i32
      %sub3A_716 = arith.constant 2 : i32
      %sub3A_717 = arith.subi %add3A_715, %sub3A_716 : i32
      %dma_wait3A_718 = arith.constant 896 : i32
      %dma_wait3A_719 = arith.constant 0 : i32
      %dma_wait3A_720 = tpu.memref_slice %arg8[%dma_wait3A_718, %dma_wait3A_719] : memref<1024x64xf32, #tpu.memory_space<vmem>> -> memref<128x64xf32, #tpu.memory_space<vmem>>
      %dma_wait3A_721 = arith.constant 0 : i32
      %dma_wait3A_722 = tpu.memref_slice %arg7[%sub3A_717, %dma_wait3A_721] : memref<80x128xi32, #tpu.memory_space<vmem>> -> memref<1x128xi32, #tpu.memory_space<vmem>>
      %dma_wait3A_723 = tpu.memref_squeeze %dma_wait3A_722 : memref<1x128xi32, #tpu.memory_space<vmem>> -> memref<128xi32, #tpu.memory_space<vmem>>
      %dma_wait3A_724 = arith.constant 0 : i32
      %dma_wait3A_725 = arith.constant 0 : i32
      %dma_wait3A_726 = tpu.memref_slice %arg9[%dma_wait3A_724, %dma_wait3A_725] : memref<10240x64xf32, #tpu.memory_space<vmem_shared>> -> memref<10240x64xf32, #tpu.memory_space<vmem_shared>>
      tpu.wait_indirect_dma semaphore(%arg25 : memref<!tpu.dma_semaphore, #tpu.memory_space<semaphore_mem>>) src(%dma_wait3A_720 : memref<128x64xf32, #tpu.memory_space<vmem>>) dst(%dma_wait3A_726 : memref<10240x64xf32, #tpu.memory_space<vmem_shared>>)
      %add3A_727 = arith.constant 6 : i32
      %add3A_728 = arith.addi %add3A_715, %add3A_727 : i32
      %dma_start3A_729 = arith.constant 896 : i32
      %dma_start3A_730 = arith.constant 0 : i32
      %dma_start3A_731 = tpu.memref_slice %arg8[%dma_start3A_729, %dma_start3A_730] : memref<1024x64xf32, #tpu.memory_space<vmem>> -> memref<128x64xf32, #tpu.memory_space<vmem>>
      %dma_start3A_732 = arith.constant 0 : i32
      %dma_start3A_733 = tpu.memref_slice %arg6[%add3A_728, %dma_start3A_732] : memref<80x128xi32, #tpu.memory_space<vmem>> -> memref<1x128xi32, #tpu.memory_space<vmem>>
      %dma_start3A_734 = tpu.memref_squeeze %dma_start3A_733 : memref<1x128xi32, #tpu.memory_space<vmem>> -> memref<128xi32, #tpu.memory_space<vmem>>
      %dma_start3A_735 = arith.constant 0 : i32
      %dma_start3A_736 = arith.constant 0 : i32
      %dma_start3A_737 = tpu.memref_slice %arg2[%dma_start3A_735, %dma_start3A_736] : memref<10240x64xf32, #tpu.memory_space<hbm>> -> memref<10240x64xf32, #tpu.memory_space<hbm>>
      tpu.enqueue_indirect_dma source(%dma_start3A_737 : memref<10240x64xf32, #tpu.memory_space<hbm>>) target(%dma_start3A_731 : memref<128x64xf32, #tpu.memory_space<vmem>>) offsets(%dma_start3A_734 : memref<128xi32, #tpu.memory_space<vmem>>) semaphore(%arg17 : memref<!tpu.dma_semaphore, #tpu.memory_space<semaphore_mem>>)
      %dma_wait3A_738 = arith.constant 128 : i32
      %dma_wait3A_739 = arith.constant 0 : i32
      %dma_wait3A_740 = tpu.memref_slice %arg8[%dma_wait3A_738, %dma_wait3A_739] : memref<1024x64xf32, #tpu.memory_space<vmem>> -> memref<128x64xf32, #tpu.memory_space<vmem>>
      %dma_wait3A_741 = arith.constant 0 : i32
      %dma_wait3A_742 = tpu.memref_slice %arg6[%add3A_715, %dma_wait3A_741] : memref<80x128xi32, #tpu.memory_space<vmem>> -> memref<1x128xi32, #tpu.memory_space<vmem>>
      %dma_wait3A_743 = tpu.memref_squeeze %dma_wait3A_742 : memref<1x128xi32, #tpu.memory_space<vmem>> -> memref<128xi32, #tpu.memory_space<vmem>>
      %dma_wait3A_744 = arith.constant 0 : i32
      %dma_wait3A_745 = arith.constant 0 : i32
      %dma_wait3A_746 = tpu.memref_slice %arg2[%dma_wait3A_744, %dma_wait3A_745] : memref<10240x64xf32, #tpu.memory_space<hbm>> -> memref<10240x64xf32, #tpu.memory_space<hbm>>
      tpu.wait_indirect_dma semaphore(%arg11 : memref<!tpu.dma_semaphore, #tpu.memory_space<semaphore_mem>>) src(%dma_wait3A_746 : memref<10240x64xf32, #tpu.memory_space<hbm>>) dst(%dma_wait3A_740 : memref<128x64xf32, #tpu.memory_space<vmem>>)
      %dma_start3A_747 = arith.constant 128 : i32
      %dma_start3A_748 = arith.constant 0 : i32
      %dma_start3A_749 = tpu.memref_slice %arg8[%dma_start3A_747, %dma_start3A_748] : memref<1024x64xf32, #tpu.memory_space<vmem>> -> memref<128x64xf32, #tpu.memory_space<vmem>>
      %dma_start3A_750 = arith.constant 0 : i32
      %dma_start3A_751 = tpu.memref_slice %arg7[%add3A_715, %dma_start3A_750] : memref<80x128xi32, #tpu.memory_space<vmem>> -> memref<1x128xi32, #tpu.memory_space<vmem>>
      %dma_start3A_752 = tpu.memref_squeeze %dma_start3A_751 : memref<1x128xi32, #tpu.memory_space<vmem>> -> memref<128xi32, #tpu.memory_space<vmem>>
      %dma_start3A_753 = arith.constant 0 : i32
      %dma_start3A_754 = arith.constant 0 : i32
      %dma_start3A_755 = tpu.memref_slice %arg9[%dma_start3A_753, %dma_start3A_754] : memref<10240x64xf32, #tpu.memory_space<vmem_shared>> -> memref<10240x64xf32, #tpu.memory_space<vmem_shared>>
      tpu.enqueue_indirect_dma source(%dma_start3A_749 : memref<128x64xf32, #tpu.memory_space<vmem>>) target(%dma_start3A_755 : memref<10240x64xf32, #tpu.memory_space<vmem_shared>>) offsets(%dma_start3A_752 : memref<128xi32, #tpu.memory_space<vmem>>) semaphore(%arg19 : memref<!tpu.dma_semaphore, #tpu.memory_space<semaphore_mem>>) {add = true}
      %add3A_756 = arith.constant 2 : i32
      %add3A_757 = arith.addi %mul3A_672, %add3A_756 : i32
      %sub3A_758 = arith.constant 2 : i32
      %sub3A_759 = arith.subi %add3A_757, %sub3A_758 : i32
      %dma_wait3A_760 = arith.constant 0 : i32
      %dma_wait3A_761 = arith.constant 0 : i32
      %dma_wait3A_762 = tpu.memref_slice %arg8[%dma_wait3A_760, %dma_wait3A_761] : memref<1024x64xf32, #tpu.memory_space<vmem>> -> memref<128x64xf32, #tpu.memory_space<vmem>>
      %dma_wait3A_763 = arith.constant 0 : i32
      %dma_wait3A_764 = tpu.memref_slice %arg7[%sub3A_759, %dma_wait3A_763] : memref<80x128xi32, #tpu.memory_space<vmem>> -> memref<1x128xi32, #tpu.memory_space<vmem>>
      %dma_wait3A_765 = tpu.memref_squeeze %dma_wait3A_764 : memref<1x128xi32, #tpu.memory_space<vmem>> -> memref<128xi32, #tpu.memory_space<vmem>>
      %dma_wait3A_766 = arith.constant 0 : i32
      %dma_wait3A_767 = arith.constant 0 : i32
      %dma_wait3A_768 = tpu.memref_slice %arg9[%dma_wait3A_766, %dma_wait3A_767] : memref<10240x64xf32, #tpu.memory_space<vmem_shared>> -> memref<10240x64xf32, #tpu.memory_space<vmem_shared>>
      tpu.wait_indirect_dma semaphore(%arg18 : memref<!tpu.dma_semaphore, #tpu.memory_space<semaphore_mem>>) src(%dma_wait3A_762 : memref<128x64xf32, #tpu.memory_space<vmem>>) dst(%dma_wait3A_768 : memref<10240x64xf32, #tpu.memory_space<vmem_shared>>)
      %add3A_769 = arith.constant 6 : i32
      %add3A_770 = arith.addi %add3A_757, %add3A_769 : i32
      %dma_start3A_771 = arith.constant 0 : i32
      %dma_start3A_772 = arith.constant 0 : i32
      %dma_start3A_773 = tpu.memref_slice %arg8[%dma_start3A_771, %dma_start3A_772] : memref<1024x64xf32, #tpu.memory_space<vmem>> -> memref<128x64xf32, #tpu.memory_space<vmem>>
      %dma_start3A_774 = arith.constant 0 : i32
      %dma_start3A_775 = tpu.memref_slice %arg6[%add3A_770, %dma_start3A_774] : memref<80x128xi32, #tpu.memory_space<vmem>> -> memref<1x128xi32, #tpu.memory_space<vmem>>
      %dma_start3A_776 = tpu.memref_squeeze %dma_start3A_775 : memref<1x128xi32, #tpu.memory_space<vmem>> -> memref<128xi32, #tpu.memory_space<vmem>>
      %dma_start3A_777 = arith.constant 0 : i32
      %dma_start3A_778 = arith.constant 0 : i32
      %dma_start3A_779 = tpu.memref_slice %arg2[%dma_start3A_777, %dma_start3A_778] : memref<10240x64xf32, #tpu.memory_space<hbm>> -> memref<10240x64xf32, #tpu.memory_space<hbm>>
      tpu.enqueue_indirect_dma source(%dma_start3A_779 : memref<10240x64xf32, #tpu.memory_space<hbm>>) target(%dma_start3A_773 : memref<128x64xf32, #tpu.memory_space<vmem>>) offsets(%dma_start3A_776 : memref<128xi32, #tpu.memory_space<vmem>>) semaphore(%arg10 : memref<!tpu.dma_semaphore, #tpu.memory_space<semaphore_mem>>)
      %dma_wait3A_780 = arith.constant 256 : i32
      %dma_wait3A_781 = arith.constant 0 : i32
      %dma_wait3A_782 = tpu.memref_slice %arg8[%dma_wait3A_780, %dma_wait3A_781] : memref<1024x64xf32, #tpu.memory_space<vmem>> -> memref<128x64xf32, #tpu.memory_space<vmem>>
      %dma_wait3A_783 = arith.constant 0 : i32
      %dma_wait3A_784 = tpu.memref_slice %arg6[%add3A_757, %dma_wait3A_783] : memref<80x128xi32, #tpu.memory_space<vmem>> -> memref<1x128xi32, #tpu.memory_space<vmem>>
      %dma_wait3A_785 = tpu.memref_squeeze %dma_wait3A_784 : memref<1x128xi32, #tpu.memory_space<vmem>> -> memref<128xi32, #tpu.memory_space<vmem>>
      %dma_wait3A_786 = arith.constant 0 : i32
      %dma_wait3A_787 = arith.constant 0 : i32
      %dma_wait3A_788 = tpu.memref_slice %arg2[%dma_wait3A_786, %dma_wait3A_787] : memref<10240x64xf32, #tpu.memory_space<hbm>> -> memref<10240x64xf32, #tpu.memory_space<hbm>>
      tpu.wait_indirect_dma semaphore(%arg12 : memref<!tpu.dma_semaphore, #tpu.memory_space<semaphore_mem>>) src(%dma_wait3A_788 : memref<10240x64xf32, #tpu.memory_space<hbm>>) dst(%dma_wait3A_782 : memref<128x64xf32, #tpu.memory_space<vmem>>)
      %dma_start3A_789 = arith.constant 256 : i32
      %dma_start3A_790 = arith.constant 0 : i32
      %dma_start3A_791 = tpu.memref_slice %arg8[%dma_start3A_789, %dma_start3A_790] : memref<1024x64xf32, #tpu.memory_space<vmem>> -> memref<128x64xf32, #tpu.memory_space<vmem>>
      %dma_start3A_792 = arith.constant 0 : i32
      %dma_start3A_793 = tpu.memref_slice %arg7[%add3A_757, %dma_start3A_792] : memref<80x128xi32, #tpu.memory_space<vmem>> -> memref<1x128xi32, #tpu.memory_space<vmem>>
      %dma_start3A_794 = tpu.memref_squeeze %dma_start3A_793 : memref<1x128xi32, #tpu.memory_space<vmem>> -> memref<128xi32, #tpu.memory_space<vmem>>
      %dma_start3A_795 = arith.constant 0 : i32
      %dma_start3A_796 = arith.constant 0 : i32
      %dma_start3A_797 = tpu.memref_slice %arg9[%dma_start3A_795, %dma_start3A_796] : memref<10240x64xf32, #tpu.memory_space<vmem_shared>> -> memref<10240x64xf32, #tpu.memory_space<vmem_shared>>
      tpu.enqueue_indirect_dma source(%dma_start3A_791 : memref<128x64xf32, #tpu.memory_space<vmem>>) target(%dma_start3A_797 : memref<10240x64xf32, #tpu.memory_space<vmem_shared>>) offsets(%dma_start3A_794 : memref<128xi32, #tpu.memory_space<vmem>>) semaphore(%arg20 : memref<!tpu.dma_semaphore, #tpu.memory_space<semaphore_mem>>) {add = true}
      %add3A_798 = arith.constant 3 : i32
      %add3A_799 = arith.addi %mul3A_672, %add3A_798 : i32
      %sub3A_800 = arith.constant 2 : i32
      %sub3A_801 = arith.subi %add3A_799, %sub3A_800 : i32
      %dma_wait3A_802 = arith.constant 128 : i32
      %dma_wait3A_803 = arith.constant 0 : i32
      %dma_wait3A_804 = tpu.memref_slice %arg8[%dma_wait3A_802, %dma_wait3A_803] : memref<1024x64xf32, #tpu.memory_space<vmem>> -> memref<128x64xf32, #tpu.memory_space<vmem>>
      %dma_wait3A_805 = arith.constant 0 : i32
      %dma_wait3A_806 = tpu.memref_slice %arg7[%sub3A_801, %dma_wait3A_805] : memref<80x128xi32, #tpu.memory_space<vmem>> -> memref<1x128xi32, #tpu.memory_space<vmem>>
      %dma_wait3A_807 = tpu.memref_squeeze %dma_wait3A_806 : memref<1x128xi32, #tpu.memory_space<vmem>> -> memref<128xi32, #tpu.memory_space<vmem>>
      %dma_wait3A_808 = arith.constant 0 : i32
      %dma_wait3A_809 = arith.constant 0 : i32
      %dma_wait3A_810 = tpu.memref_slice %arg9[%dma_wait3A_808, %dma_wait3A_809] : memref<10240x64xf32, #tpu.memory_space<vmem_shared>> -> memref<10240x64xf32, #tpu.memory_space<vmem_shared>>
      tpu.wait_indirect_dma semaphore(%arg19 : memref<!tpu.dma_semaphore, #tpu.memory_space<semaphore_mem>>) src(%dma_wait3A_804 : memref<128x64xf32, #tpu.memory_space<vmem>>) dst(%dma_wait3A_810 : memref<10240x64xf32, #tpu.memory_space<vmem_shared>>)
      %add3A_811 = arith.constant 6 : i32
      %add3A_812 = arith.addi %add3A_799, %add3A_811 : i32
      %dma_start3A_813 = arith.constant 128 : i32
      %dma_start3A_814 = arith.constant 0 : i32
      %dma_start3A_815 = tpu.memref_slice %arg8[%dma_start3A_813, %dma_start3A_814] : memref<1024x64xf32, #tpu.memory_space<vmem>> -> memref<128x64xf32, #tpu.memory_space<vmem>>
      %dma_start3A_816 = arith.constant 0 : i32
      %dma_start3A_817 = tpu.memref_slice %arg6[%add3A_812, %dma_start3A_816] : memref<80x128xi32, #tpu.memory_space<vmem>> -> memref<1x128xi32, #tpu.memory_space<vmem>>
      %dma_start3A_818 = tpu.memref_squeeze %dma_start3A_817 : memref<1x128xi32, #tpu.memory_space<vmem>> -> memref<128xi32, #tpu.memory_space<vmem>>
      %dma_start3A_819 = arith.constant 0 : i32
      %dma_start3A_820 = arith.constant 0 : i32
      %dma_start3A_821 = tpu.memref_slice %arg2[%dma_start3A_819, %dma_start3A_820] : memref<10240x64xf32, #tpu.memory_space<hbm>> -> memref<10240x64xf32, #tpu.memory_space<hbm>>
      tpu.enqueue_indirect_dma source(%dma_start3A_821 : memref<10240x64xf32, #tpu.memory_space<hbm>>) target(%dma_start3A_815 : memref<128x64xf32, #tpu.memory_space<vmem>>) offsets(%dma_start3A_818 : memref<128xi32, #tpu.memory_space<vmem>>) semaphore(%arg11 : memref<!tpu.dma_semaphore, #tpu.memory_space<semaphore_mem>>)
      %dma_wait3A_822 = arith.constant 384 : i32
      %dma_wait3A_823 = arith.constant 0 : i32
      %dma_wait3A_824 = tpu.memref_slice %arg8[%dma_wait3A_822, %dma_wait3A_823] : memref<1024x64xf32, #tpu.memory_space<vmem>> -> memref<128x64xf32, #tpu.memory_space<vmem>>
      %dma_wait3A_825 = arith.constant 0 : i32
      %dma_wait3A_826 = tpu.memref_slice %arg6[%add3A_799, %dma_wait3A_825] : memref<80x128xi32, #tpu.memory_space<vmem>> -> memref<1x128xi32, #tpu.memory_space<vmem>>
      %dma_wait3A_827 = tpu.memref_squeeze %dma_wait3A_826 : memref<1x128xi32, #tpu.memory_space<vmem>> -> memref<128xi32, #tpu.memory_space<vmem>>
      %dma_wait3A_828 = arith.constant 0 : i32
      %dma_wait3A_829 = arith.constant 0 : i32
      %dma_wait3A_830 = tpu.memref_slice %arg2[%dma_wait3A_828, %dma_wait3A_829] : memref<10240x64xf32, #tpu.memory_space<hbm>> -> memref<10240x64xf32, #tpu.memory_space<hbm>>
      tpu.wait_indirect_dma semaphore(%arg13 : memref<!tpu.dma_semaphore, #tpu.memory_space<semaphore_mem>>) src(%dma_wait3A_830 : memref<10240x64xf32, #tpu.memory_space<hbm>>) dst(%dma_wait3A_824 : memref<128x64xf32, #tpu.memory_space<vmem>>)
      %dma_start3A_831 = arith.constant 384 : i32
      %dma_start3A_832 = arith.constant 0 : i32
      %dma_start3A_833 = tpu.memref_slice %arg8[%dma_start3A_831, %dma_start3A_832] : memref<1024x64xf32, #tpu.memory_space<vmem>> -> memref<128x64xf32, #tpu.memory_space<vmem>>
      %dma_start3A_834 = arith.constant 0 : i32
      %dma_start3A_835 = tpu.memref_slice %arg7[%add3A_799, %dma_start3A_834] : memref<80x128xi32, #tpu.memory_space<vmem>> -> memref<1x128xi32, #tpu.memory_space<vmem>>
      %dma_start3A_836 = tpu.memref_squeeze %dma_start3A_835 : memref<1x128xi32, #tpu.memory_space<vmem>> -> memref<128xi32, #tpu.memory_space<vmem>>
      %dma_start3A_837 = arith.constant 0 : i32
      %dma_start3A_838 = arith.constant 0 : i32
      %dma_start3A_839 = tpu.memref_slice %arg9[%dma_start3A_837, %dma_start3A_838] : memref<10240x64xf32, #tpu.memory_space<vmem_shared>> -> memref<10240x64xf32, #tpu.memory_space<vmem_shared>>
      tpu.enqueue_indirect_dma source(%dma_start3A_833 : memref<128x64xf32, #tpu.memory_space<vmem>>) target(%dma_start3A_839 : memref<10240x64xf32, #tpu.memory_space<vmem_shared>>) offsets(%dma_start3A_836 : memref<128xi32, #tpu.memory_space<vmem>>) semaphore(%arg21 : memref<!tpu.dma_semaphore, #tpu.memory_space<semaphore_mem>>) {add = true}
      %add3A_840 = arith.constant 4 : i32
      %add3A_841 = arith.addi %mul3A_672, %add3A_840 : i32
      %sub3A_842 = arith.constant 2 : i32
      %sub3A_843 = arith.subi %add3A_841, %sub3A_842 : i32
      %dma_wait3A_844 = arith.constant 256 : i32
      %dma_wait3A_845 = arith.constant 0 : i32
      %dma_wait3A_846 = tpu.memref_slice %arg8[%dma_wait3A_844, %dma_wait3A_845] : memref<1024x64xf32, #tpu.memory_space<vmem>> -> memref<128x64xf32, #tpu.memory_space<vmem>>
      %dma_wait3A_847 = arith.constant 0 : i32
      %dma_wait3A_848 = tpu.memref_slice %arg7[%sub3A_843, %dma_wait3A_847] : memref<80x128xi32, #tpu.memory_space<vmem>> -> memref<1x128xi32, #tpu.memory_space<vmem>>
      %dma_wait3A_849 = tpu.memref_squeeze %dma_wait3A_848 : memref<1x128xi32, #tpu.memory_space<vmem>> -> memref<128xi32, #tpu.memory_space<vmem>>
      %dma_wait3A_850 = arith.constant 0 : i32
      %dma_wait3A_851 = arith.constant 0 : i32
      %dma_wait3A_852 = tpu.memref_slice %arg9[%dma_wait3A_850, %dma_wait3A_851] : memref<10240x64xf32, #tpu.memory_space<vmem_shared>> -> memref<10240x64xf32, #tpu.memory_space<vmem_shared>>
      tpu.wait_indirect_dma semaphore(%arg20 : memref<!tpu.dma_semaphore, #tpu.memory_space<semaphore_mem>>) src(%dma_wait3A_846 : memref<128x64xf32, #tpu.memory_space<vmem>>) dst(%dma_wait3A_852 : memref<10240x64xf32, #tpu.memory_space<vmem_shared>>)
      %add3A_853 = arith.constant 6 : i32
      %add3A_854 = arith.addi %add3A_841, %add3A_853 : i32
      %dma_start3A_855 = arith.constant 256 : i32
      %dma_start3A_856 = arith.constant 0 : i32
      %dma_start3A_857 = tpu.memref_slice %arg8[%dma_start3A_855, %dma_start3A_856] : memref<1024x64xf32, #tpu.memory_space<vmem>> -> memref<128x64xf32, #tpu.memory_space<vmem>>
      %dma_start3A_858 = arith.constant 0 : i32
      %dma_start3A_859 = tpu.memref_slice %arg6[%add3A_854, %dma_start3A_858] : memref<80x128xi32, #tpu.memory_space<vmem>> -> memref<1x128xi32, #tpu.memory_space<vmem>>
      %dma_start3A_860 = tpu.memref_squeeze %dma_start3A_859 : memref<1x128xi32, #tpu.memory_space<vmem>> -> memref<128xi32, #tpu.memory_space<vmem>>
      %dma_start3A_861 = arith.constant 0 : i32
      %dma_start3A_862 = arith.constant 0 : i32
      %dma_start3A_863 = tpu.memref_slice %arg2[%dma_start3A_861, %dma_start3A_862] : memref<10240x64xf32, #tpu.memory_space<hbm>> -> memref<10240x64xf32, #tpu.memory_space<hbm>>
      tpu.enqueue_indirect_dma source(%dma_start3A_863 : memref<10240x64xf32, #tpu.memory_space<hbm>>) target(%dma_start3A_857 : memref<128x64xf32, #tpu.memory_space<vmem>>) offsets(%dma_start3A_860 : memref<128xi32, #tpu.memory_space<vmem>>) semaphore(%arg12 : memref<!tpu.dma_semaphore, #tpu.memory_space<semaphore_mem>>)
      %dma_wait3A_864 = arith.constant 512 : i32
      %dma_wait3A_865 = arith.constant 0 : i32
      %dma_wait3A_866 = tpu.memref_slice %arg8[%dma_wait3A_864, %dma_wait3A_865] : memref<1024x64xf32, #tpu.memory_space<vmem>> -> memref<128x64xf32, #tpu.memory_space<vmem>>
      %dma_wait3A_867 = arith.constant 0 : i32
      %dma_wait3A_868 = tpu.memref_slice %arg6[%add3A_841, %dma_wait3A_867] : memref<80x128xi32, #tpu.memory_space<vmem>> -> memref<1x128xi32, #tpu.memory_space<vmem>>
      %dma_wait3A_869 = tpu.memref_squeeze %dma_wait3A_868 : memref<1x128xi32, #tpu.memory_space<vmem>> -> memref<128xi32, #tpu.memory_space<vmem>>
      %dma_wait3A_870 = arith.constant 0 : i32
      %dma_wait3A_871 = arith.constant 0 : i32
      %dma_wait3A_872 = tpu.memref_slice %arg2[%dma_wait3A_870, %dma_wait3A_871] : memref<10240x64xf32, #tpu.memory_space<hbm>> -> memref<10240x64xf32, #tpu.memory_space<hbm>>
      tpu.wait_indirect_dma semaphore(%arg14 : memref<!tpu.dma_semaphore, #tpu.memory_space<semaphore_mem>>) src(%dma_wait3A_872 : memref<10240x64xf32, #tpu.memory_space<hbm>>) dst(%dma_wait3A_866 : memref<128x64xf32, #tpu.memory_space<vmem>>)
      %dma_start3A_873 = arith.constant 512 : i32
      %dma_start3A_874 = arith.constant 0 : i32
      %dma_start3A_875 = tpu.memref_slice %arg8[%dma_start3A_873, %dma_start3A_874] : memref<1024x64xf32, #tpu.memory_space<vmem>> -> memref<128x64xf32, #tpu.memory_space<vmem>>
      %dma_start3A_876 = arith.constant 0 : i32
      %dma_start3A_877 = tpu.memref_slice %arg7[%add3A_841, %dma_start3A_876] : memref<80x128xi32, #tpu.memory_space<vmem>> -> memref<1x128xi32, #tpu.memory_space<vmem>>
      %dma_start3A_878 = tpu.memref_squeeze %dma_start3A_877 : memref<1x128xi32, #tpu.memory_space<vmem>> -> memref<128xi32, #tpu.memory_space<vmem>>
      %dma_start3A_879 = arith.constant 0 : i32
      %dma_start3A_880 = arith.constant 0 : i32
      %dma_start3A_881 = tpu.memref_slice %arg9[%dma_start3A_879, %dma_start3A_880] : memref<10240x64xf32, #tpu.memory_space<vmem_shared>> -> memref<10240x64xf32, #tpu.memory_space<vmem_shared>>
      tpu.enqueue_indirect_dma source(%dma_start3A_875 : memref<128x64xf32, #tpu.memory_space<vmem>>) target(%dma_start3A_881 : memref<10240x64xf32, #tpu.memory_space<vmem_shared>>) offsets(%dma_start3A_878 : memref<128xi32, #tpu.memory_space<vmem>>) semaphore(%arg22 : memref<!tpu.dma_semaphore, #tpu.memory_space<semaphore_mem>>) {add = true}
      %add3A_882 = arith.constant 5 : i32
      %add3A_883 = arith.addi %mul3A_672, %add3A_882 : i32
      %sub3A_884 = arith.constant 2 : i32
      %sub3A_885 = arith.subi %add3A_883, %sub3A_884 : i32
      %dma_wait3A_886 = arith.constant 384 : i32
      %dma_wait3A_887 = arith.constant 0 : i32
      %dma_wait3A_888 = tpu.memref_slice %arg8[%dma_wait3A_886, %dma_wait3A_887] : memref<1024x64xf32, #tpu.memory_space<vmem>> -> memref<128x64xf32, #tpu.memory_space<vmem>>
      %dma_wait3A_889 = arith.constant 0 : i32
      %dma_wait3A_890 = tpu.memref_slice %arg7[%sub3A_885, %dma_wait3A_889] : memref<80x128xi32, #tpu.memory_space<vmem>> -> memref<1x128xi32, #tpu.memory_space<vmem>>
      %dma_wait3A_891 = tpu.memref_squeeze %dma_wait3A_890 : memref<1x128xi32, #tpu.memory_space<vmem>> -> memref<128xi32, #tpu.memory_space<vmem>>
      %dma_wait3A_892 = arith.constant 0 : i32
      %dma_wait3A_893 = arith.constant 0 : i32
      %dma_wait3A_894 = tpu.memref_slice %arg9[%dma_wait3A_892, %dma_wait3A_893] : memref<10240x64xf32, #tpu.memory_space<vmem_shared>> -> memref<10240x64xf32, #tpu.memory_space<vmem_shared>>
      tpu.wait_indirect_dma semaphore(%arg21 : memref<!tpu.dma_semaphore, #tpu.memory_space<semaphore_mem>>) src(%dma_wait3A_888 : memref<128x64xf32, #tpu.memory_space<vmem>>) dst(%dma_wait3A_894 : memref<10240x64xf32, #tpu.memory_space<vmem_shared>>)
      %add3A_895 = arith.constant 6 : i32
      %add3A_896 = arith.addi %add3A_883, %add3A_895 : i32
      %dma_start3A_897 = arith.constant 384 : i32
      %dma_start3A_898 = arith.constant 0 : i32
      %dma_start3A_899 = tpu.memref_slice %arg8[%dma_start3A_897, %dma_start3A_898] : memref<1024x64xf32, #tpu.memory_space<vmem>> -> memref<128x64xf32, #tpu.memory_space<vmem>>
      %dma_start3A_900 = arith.constant 0 : i32
      %dma_start3A_901 = tpu.memref_slice %arg6[%add3A_896, %dma_start3A_900] : memref<80x128xi32, #tpu.memory_space<vmem>> -> memref<1x128xi32, #tpu.memory_space<vmem>>
      %dma_start3A_902 = tpu.memref_squeeze %dma_start3A_901 : memref<1x128xi32, #tpu.memory_space<vmem>> -> memref<128xi32, #tpu.memory_space<vmem>>
      %dma_start3A_903 = arith.constant 0 : i32
      %dma_start3A_904 = arith.constant 0 : i32
      %dma_start3A_905 = tpu.memref_slice %arg2[%dma_start3A_903, %dma_start3A_904] : memref<10240x64xf32, #tpu.memory_space<hbm>> -> memref<10240x64xf32, #tpu.memory_space<hbm>>
      tpu.enqueue_indirect_dma source(%dma_start3A_905 : memref<10240x64xf32, #tpu.memory_space<hbm>>) target(%dma_start3A_899 : memref<128x64xf32, #tpu.memory_space<vmem>>) offsets(%dma_start3A_902 : memref<128xi32, #tpu.memory_space<vmem>>) semaphore(%arg13 : memref<!tpu.dma_semaphore, #tpu.memory_space<semaphore_mem>>)
      %dma_wait3A_906 = arith.constant 640 : i32
      %dma_wait3A_907 = arith.constant 0 : i32
      %dma_wait3A_908 = tpu.memref_slice %arg8[%dma_wait3A_906, %dma_wait3A_907] : memref<1024x64xf32, #tpu.memory_space<vmem>> -> memref<128x64xf32, #tpu.memory_space<vmem>>
      %dma_wait3A_909 = arith.constant 0 : i32
      %dma_wait3A_910 = tpu.memref_slice %arg6[%add3A_883, %dma_wait3A_909] : memref<80x128xi32, #tpu.memory_space<vmem>> -> memref<1x128xi32, #tpu.memory_space<vmem>>
      %dma_wait3A_911 = tpu.memref_squeeze %dma_wait3A_910 : memref<1x128xi32, #tpu.memory_space<vmem>> -> memref<128xi32, #tpu.memory_space<vmem>>
      %dma_wait3A_912 = arith.constant 0 : i32
      %dma_wait3A_913 = arith.constant 0 : i32
      %dma_wait3A_914 = tpu.memref_slice %arg2[%dma_wait3A_912, %dma_wait3A_913] : memref<10240x64xf32, #tpu.memory_space<hbm>> -> memref<10240x64xf32, #tpu.memory_space<hbm>>
      tpu.wait_indirect_dma semaphore(%arg15 : memref<!tpu.dma_semaphore, #tpu.memory_space<semaphore_mem>>) src(%dma_wait3A_914 : memref<10240x64xf32, #tpu.memory_space<hbm>>) dst(%dma_wait3A_908 : memref<128x64xf32, #tpu.memory_space<vmem>>)
      %dma_start3A_915 = arith.constant 640 : i32
      %dma_start3A_916 = arith.constant 0 : i32
      %dma_start3A_917 = tpu.memref_slice %arg8[%dma_start3A_915, %dma_start3A_916] : memref<1024x64xf32, #tpu.memory_space<vmem>> -> memref<128x64xf32, #tpu.memory_space<vmem>>
      %dma_start3A_918 = arith.constant 0 : i32
      %dma_start3A_919 = tpu.memref_slice %arg7[%add3A_883, %dma_start3A_918] : memref<80x128xi32, #tpu.memory_space<vmem>> -> memref<1x128xi32, #tpu.memory_space<vmem>>
      %dma_start3A_920 = tpu.memref_squeeze %dma_start3A_919 : memref<1x128xi32, #tpu.memory_space<vmem>> -> memref<128xi32, #tpu.memory_space<vmem>>
      %dma_start3A_921 = arith.constant 0 : i32
      %dma_start3A_922 = arith.constant 0 : i32
      %dma_start3A_923 = tpu.memref_slice %arg9[%dma_start3A_921, %dma_start3A_922] : memref<10240x64xf32, #tpu.memory_space<vmem_shared>> -> memref<10240x64xf32, #tpu.memory_space<vmem_shared>>
      tpu.enqueue_indirect_dma source(%dma_start3A_917 : memref<128x64xf32, #tpu.memory_space<vmem>>) target(%dma_start3A_923 : memref<10240x64xf32, #tpu.memory_space<vmem_shared>>) offsets(%dma_start3A_920 : memref<128xi32, #tpu.memory_space<vmem>>) semaphore(%arg23 : memref<!tpu.dma_semaphore, #tpu.memory_space<semaphore_mem>>) {add = true}
      %add3A_924 = arith.constant 6 : i32
      %add3A_925 = arith.addi %mul3A_672, %add3A_924 : i32
      %sub3A_926 = arith.constant 2 : i32
      %sub3A_927 = arith.subi %add3A_925, %sub3A_926 : i32
      %dma_wait3A_928 = arith.constant 512 : i32
      %dma_wait3A_929 = arith.constant 0 : i32
      %dma_wait3A_930 = tpu.memref_slice %arg8[%dma_wait3A_928, %dma_wait3A_929] : memref<1024x64xf32, #tpu.memory_space<vmem>> -> memref<128x64xf32, #tpu.memory_space<vmem>>
      %dma_wait3A_931 = arith.constant 0 : i32
      %dma_wait3A_932 = tpu.memref_slice %arg7[%sub3A_927, %dma_wait3A_931] : memref<80x128xi32, #tpu.memory_space<vmem>> -> memref<1x128xi32, #tpu.memory_space<vmem>>
      %dma_wait3A_933 = tpu.memref_squeeze %dma_wait3A_932 : memref<1x128xi32, #tpu.memory_space<vmem>> -> memref<128xi32, #tpu.memory_space<vmem>>
      %dma_wait3A_934 = arith.constant 0 : i32
      %dma_wait3A_935 = arith.constant 0 : i32
      %dma_wait3A_936 = tpu.memref_slice %arg9[%dma_wait3A_934, %dma_wait3A_935] : memref<10240x64xf32, #tpu.memory_space<vmem_shared>> -> memref<10240x64xf32, #tpu.memory_space<vmem_shared>>
      tpu.wait_indirect_dma semaphore(%arg22 : memref<!tpu.dma_semaphore, #tpu.memory_space<semaphore_mem>>) src(%dma_wait3A_930 : memref<128x64xf32, #tpu.memory_space<vmem>>) dst(%dma_wait3A_936 : memref<10240x64xf32, #tpu.memory_space<vmem_shared>>)
      %add3A_937 = arith.constant 6 : i32
      %add3A_938 = arith.addi %add3A_925, %add3A_937 : i32
      %dma_start3A_939 = arith.constant 512 : i32
      %dma_start3A_940 = arith.constant 0 : i32
      %dma_start3A_941 = tpu.memref_slice %arg8[%dma_start3A_939, %dma_start3A_940] : memref<1024x64xf32, #tpu.memory_space<vmem>> -> memref<128x64xf32, #tpu.memory_space<vmem>>
      %dma_start3A_942 = arith.constant 0 : i32
      %dma_start3A_943 = tpu.memref_slice %arg6[%add3A_938, %dma_start3A_942] : memref<80x128xi32, #tpu.memory_space<vmem>> -> memref<1x128xi32, #tpu.memory_space<vmem>>
      %dma_start3A_944 = tpu.memref_squeeze %dma_start3A_943 : memref<1x128xi32, #tpu.memory_space<vmem>> -> memref<128xi32, #tpu.memory_space<vmem>>
      %dma_start3A_945 = arith.constant 0 : i32
      %dma_start3A_946 = arith.constant 0 : i32
      %dma_start3A_947 = tpu.memref_slice %arg2[%dma_start3A_945, %dma_start3A_946] : memref<10240x64xf32, #tpu.memory_space<hbm>> -> memref<10240x64xf32, #tpu.memory_space<hbm>>
      tpu.enqueue_indirect_dma source(%dma_start3A_947 : memref<10240x64xf32, #tpu.memory_space<hbm>>) target(%dma_start3A_941 : memref<128x64xf32, #tpu.memory_space<vmem>>) offsets(%dma_start3A_944 : memref<128xi32, #tpu.memory_space<vmem>>) semaphore(%arg14 : memref<!tpu.dma_semaphore, #tpu.memory_space<semaphore_mem>>)
      %dma_wait3A_948 = arith.constant 768 : i32
      %dma_wait3A_949 = arith.constant 0 : i32
      %dma_wait3A_950 = tpu.memref_slice %arg8[%dma_wait3A_948, %dma_wait3A_949] : memref<1024x64xf32, #tpu.memory_space<vmem>> -> memref<128x64xf32, #tpu.memory_space<vmem>>
      %dma_wait3A_951 = arith.constant 0 : i32
      %dma_wait3A_952 = tpu.memref_slice %arg6[%add3A_925, %dma_wait3A_951] : memref<80x128xi32, #tpu.memory_space<vmem>> -> memref<1x128xi32, #tpu.memory_space<vmem>>
      %dma_wait3A_953 = tpu.memref_squeeze %dma_wait3A_952 : memref<1x128xi32, #tpu.memory_space<vmem>> -> memref<128xi32, #tpu.memory_space<vmem>>
      %dma_wait3A_954 = arith.constant 0 : i32
      %dma_wait3A_955 = arith.constant 0 : i32
      %dma_wait3A_956 = tpu.memref_slice %arg2[%dma_wait3A_954, %dma_wait3A_955] : memref<10240x64xf32, #tpu.memory_space<hbm>> -> memref<10240x64xf32, #tpu.memory_space<hbm>>
      tpu.wait_indirect_dma semaphore(%arg16 : memref<!tpu.dma_semaphore, #tpu.memory_space<semaphore_mem>>) src(%dma_wait3A_956 : memref<10240x64xf32, #tpu.memory_space<hbm>>) dst(%dma_wait3A_950 : memref<128x64xf32, #tpu.memory_space<vmem>>)
      %dma_start3A_957 = arith.constant 768 : i32
      %dma_start3A_958 = arith.constant 0 : i32
      %dma_start3A_959 = tpu.memref_slice %arg8[%dma_start3A_957, %dma_start3A_958] : memref<1024x64xf32, #tpu.memory_space<vmem>> -> memref<128x64xf32, #tpu.memory_space<vmem>>
      %dma_start3A_960 = arith.constant 0 : i32
      %dma_start3A_961 = tpu.memref_slice %arg7[%add3A_925, %dma_start3A_960] : memref<80x128xi32, #tpu.memory_space<vmem>> -> memref<1x128xi32, #tpu.memory_space<vmem>>
      %dma_start3A_962 = tpu.memref_squeeze %dma_start3A_961 : memref<1x128xi32, #tpu.memory_space<vmem>> -> memref<128xi32, #tpu.memory_space<vmem>>
      %dma_start3A_963 = arith.constant 0 : i32
      %dma_start3A_964 = arith.constant 0 : i32
      %dma_start3A_965 = tpu.memref_slice %arg9[%dma_start3A_963, %dma_start3A_964] : memref<10240x64xf32, #tpu.memory_space<vmem_shared>> -> memref<10240x64xf32, #tpu.memory_space<vmem_shared>>
      tpu.enqueue_indirect_dma source(%dma_start3A_959 : memref<128x64xf32, #tpu.memory_space<vmem>>) target(%dma_start3A_965 : memref<10240x64xf32, #tpu.memory_space<vmem_shared>>) offsets(%dma_start3A_962 : memref<128xi32, #tpu.memory_space<vmem>>) semaphore(%arg24 : memref<!tpu.dma_semaphore, #tpu.memory_space<semaphore_mem>>) {add = true}
      %add3A_966 = arith.constant 7 : i32
      %add3A_967 = arith.addi %mul3A_672, %add3A_966 : i32
      %sub3A_968 = arith.constant 2 : i32
      %sub3A_969 = arith.subi %add3A_967, %sub3A_968 : i32
      %dma_wait3A_970 = arith.constant 640 : i32
      %dma_wait3A_971 = arith.constant 0 : i32
      %dma_wait3A_972 = tpu.memref_slice %arg8[%dma_wait3A_970, %dma_wait3A_971] : memref<1024x64xf32, #tpu.memory_space<vmem>> -> memref<128x64xf32, #tpu.memory_space<vmem>>
      %dma_wait3A_973 = arith.constant 0 : i32
      %dma_wait3A_974 = tpu.memref_slice %arg7[%sub3A_969, %dma_wait3A_973] : memref<80x128xi32, #tpu.memory_space<vmem>> -> memref<1x128xi32, #tpu.memory_space<vmem>>
      %dma_wait3A_975 = tpu.memref_squeeze %dma_wait3A_974 : memref<1x128xi32, #tpu.memory_space<vmem>> -> memref<128xi32, #tpu.memory_space<vmem>>
      %dma_wait3A_976 = arith.constant 0 : i32
      %dma_wait3A_977 = arith.constant 0 : i32
      %dma_wait3A_978 = tpu.memref_slice %arg9[%dma_wait3A_976, %dma_wait3A_977] : memref<10240x64xf32, #tpu.memory_space<vmem_shared>> -> memref<10240x64xf32, #tpu.memory_space<vmem_shared>>
      tpu.wait_indirect_dma semaphore(%arg23 : memref<!tpu.dma_semaphore, #tpu.memory_space<semaphore_mem>>) src(%dma_wait3A_972 : memref<128x64xf32, #tpu.memory_space<vmem>>) dst(%dma_wait3A_978 : memref<10240x64xf32, #tpu.memory_space<vmem_shared>>)
      %add3A_979 = arith.constant 6 : i32
      %add3A_980 = arith.addi %add3A_967, %add3A_979 : i32
      %dma_start3A_981 = arith.constant 640 : i32
      %dma_start3A_982 = arith.constant 0 : i32
      %dma_start3A_983 = tpu.memref_slice %arg8[%dma_start3A_981, %dma_start3A_982] : memref<1024x64xf32, #tpu.memory_space<vmem>> -> memref<128x64xf32, #tpu.memory_space<vmem>>
      %dma_start3A_984 = arith.constant 0 : i32
      %dma_start3A_985 = tpu.memref_slice %arg6[%add3A_980, %dma_start3A_984] : memref<80x128xi32, #tpu.memory_space<vmem>> -> memref<1x128xi32, #tpu.memory_space<vmem>>
      %dma_start3A_986 = tpu.memref_squeeze %dma_start3A_985 : memref<1x128xi32, #tpu.memory_space<vmem>> -> memref<128xi32, #tpu.memory_space<vmem>>
      %dma_start3A_987 = arith.constant 0 : i32
      %dma_start3A_988 = arith.constant 0 : i32
      %dma_start3A_989 = tpu.memref_slice %arg2[%dma_start3A_987, %dma_start3A_988] : memref<10240x64xf32, #tpu.memory_space<hbm>> -> memref<10240x64xf32, #tpu.memory_space<hbm>>
      tpu.enqueue_indirect_dma source(%dma_start3A_989 : memref<10240x64xf32, #tpu.memory_space<hbm>>) target(%dma_start3A_983 : memref<128x64xf32, #tpu.memory_space<vmem>>) offsets(%dma_start3A_986 : memref<128xi32, #tpu.memory_space<vmem>>) semaphore(%arg15 : memref<!tpu.dma_semaphore, #tpu.memory_space<semaphore_mem>>)
      %dma_wait3A_990 = arith.constant 896 : i32
      %dma_wait3A_991 = arith.constant 0 : i32
      %dma_wait3A_992 = tpu.memref_slice %arg8[%dma_wait3A_990, %dma_wait3A_991] : memref<1024x64xf32, #tpu.memory_space<vmem>> -> memref<128x64xf32, #tpu.memory_space<vmem>>
      %dma_wait3A_993 = arith.constant 0 : i32
      %dma_wait3A_994 = tpu.memref_slice %arg6[%add3A_967, %dma_wait3A_993] : memref<80x128xi32, #tpu.memory_space<vmem>> -> memref<1x128xi32, #tpu.memory_space<vmem>>
      %dma_wait3A_995 = tpu.memref_squeeze %dma_wait3A_994 : memref<1x128xi32, #tpu.memory_space<vmem>> -> memref<128xi32, #tpu.memory_space<vmem>>
      %dma_wait3A_996 = arith.constant 0 : i32
      %dma_wait3A_997 = arith.constant 0 : i32
      %dma_wait3A_998 = tpu.memref_slice %arg2[%dma_wait3A_996, %dma_wait3A_997] : memref<10240x64xf32, #tpu.memory_space<hbm>> -> memref<10240x64xf32, #tpu.memory_space<hbm>>
      tpu.wait_indirect_dma semaphore(%arg17 : memref<!tpu.dma_semaphore, #tpu.memory_space<semaphore_mem>>) src(%dma_wait3A_998 : memref<10240x64xf32, #tpu.memory_space<hbm>>) dst(%dma_wait3A_992 : memref<128x64xf32, #tpu.memory_space<vmem>>)
      %dma_start3A_999 = arith.constant 896 : i32
      %dma_start3A_1000 = arith.constant 0 : i32
      %dma_start3A_1001 = tpu.memref_slice %arg8[%dma_start3A_999, %dma_start3A_1000] : memref<1024x64xf32, #tpu.memory_space<vmem>> -> memref<128x64xf32, #tpu.memory_space<vmem>>
      %dma_start3A_1002 = arith.constant 0 : i32
      %dma_start3A_1003 = tpu.memref_slice %arg7[%add3A_967, %dma_start3A_1002] : memref<80x128xi32, #tpu.memory_space<vmem>> -> memref<1x128xi32, #tpu.memory_space<vmem>>
      %dma_start3A_1004 = tpu.memref_squeeze %dma_start3A_1003 : memref<1x128xi32, #tpu.memory_space<vmem>> -> memref<128xi32, #tpu.memory_space<vmem>>
      %dma_start3A_1005 = arith.constant 0 : i32
      %dma_start3A_1006 = arith.constant 0 : i32
      %dma_start3A_1007 = tpu.memref_slice %arg9[%dma_start3A_1005, %dma_start3A_1006] : memref<10240x64xf32, #tpu.memory_space<vmem_shared>> -> memref<10240x64xf32, #tpu.memory_space<vmem_shared>>
      tpu.enqueue_indirect_dma source(%dma_start3A_1001 : memref<128x64xf32, #tpu.memory_space<vmem>>) target(%dma_start3A_1007 : memref<10240x64xf32, #tpu.memory_space<vmem_shared>>) offsets(%dma_start3A_1004 : memref<128xi32, #tpu.memory_space<vmem>>) semaphore(%arg25 : memref<!tpu.dma_semaphore, #tpu.memory_space<semaphore_mem>>) {add = true}
    }
    %scan3A_384 = arith.constant 8 : i32
    %dma_wait3A_385 = arith.constant 70 : i32
    %dma_wait3A_386 = arith.constant 768 : i32
    %dma_wait3A_387 = arith.constant 0 : i32
    %dma_wait3A_388 = tpu.memref_slice %arg8[%dma_wait3A_386, %dma_wait3A_387] : memref<1024x64xf32, #tpu.memory_space<vmem>> -> memref<128x64xf32, #tpu.memory_space<vmem>>
    %dma_wait3A_389 = arith.constant 0 : i32
    %dma_wait3A_390 = tpu.memref_slice %arg7[%dma_wait3A_385, %dma_wait3A_389] : memref<80x128xi32, #tpu.memory_space<vmem>> -> memref<1x128xi32, #tpu.memory_space<vmem>>
    %dma_wait3A_391 = tpu.memref_squeeze %dma_wait3A_390 : memref<1x128xi32, #tpu.memory_space<vmem>> -> memref<128xi32, #tpu.memory_space<vmem>>
    %dma_wait3A_392 = arith.constant 0 : i32
    %dma_wait3A_393 = arith.constant 0 : i32
    %dma_wait3A_394 = tpu.memref_slice %arg9[%dma_wait3A_392, %dma_wait3A_393] : memref<10240x64xf32, #tpu.memory_space<vmem_shared>> -> memref<10240x64xf32, #tpu.memory_space<vmem_shared>>
    tpu.wait_indirect_dma semaphore(%arg24 : memref<!tpu.dma_semaphore, #tpu.memory_space<semaphore_mem>>) src(%dma_wait3A_388 : memref<128x64xf32, #tpu.memory_space<vmem>>) dst(%dma_wait3A_394 : memref<10240x64xf32, #tpu.memory_space<vmem_shared>>)
    %dma_start3A_395 = arith.constant 78 : i32
    %dma_start3A_396 = arith.constant 768 : i32
    %dma_start3A_397 = arith.constant 0 : i32
    %dma_start3A_398 = tpu.memref_slice %arg8[%dma_start3A_396, %dma_start3A_397] : memref<1024x64xf32, #tpu.memory_space<vmem>> -> memref<128x64xf32, #tpu.memory_space<vmem>>
    %dma_start3A_399 = arith.constant 0 : i32
    %dma_start3A_400 = tpu.memref_slice %arg6[%dma_start3A_395, %dma_start3A_399] : memref<80x128xi32, #tpu.memory_space<vmem>> -> memref<1x128xi32, #tpu.memory_space<vmem>>
    %dma_start3A_401 = tpu.memref_squeeze %dma_start3A_400 : memref<1x128xi32, #tpu.memory_space<vmem>> -> memref<128xi32, #tpu.memory_space<vmem>>
    %dma_start3A_402 = arith.constant 0 : i32
    %dma_start3A_403 = arith.constant 0 : i32
    %dma_start3A_404 = tpu.memref_slice %arg2[%dma_start3A_402, %dma_start3A_403] : memref<10240x64xf32, #tpu.memory_space<hbm>> -> memref<10240x64xf32, #tpu.memory_space<hbm>>
    tpu.enqueue_indirect_dma source(%dma_start3A_404 : memref<10240x64xf32, #tpu.memory_space<hbm>>) target(%dma_start3A_398 : memref<128x64xf32, #tpu.memory_space<vmem>>) offsets(%dma_start3A_401 : memref<128xi32, #tpu.memory_space<vmem>>) semaphore(%arg16 : memref<!tpu.dma_semaphore, #tpu.memory_space<semaphore_mem>>)
    %dma_wait3A_405 = arith.constant 72 : i32
    %dma_wait3A_406 = arith.constant 0 : i32
    %dma_wait3A_407 = arith.constant 0 : i32
    %dma_wait3A_408 = tpu.memref_slice %arg8[%dma_wait3A_406, %dma_wait3A_407] : memref<1024x64xf32, #tpu.memory_space<vmem>> -> memref<128x64xf32, #tpu.memory_space<vmem>>
    %dma_wait3A_409 = arith.constant 0 : i32
    %dma_wait3A_410 = tpu.memref_slice %arg6[%dma_wait3A_405, %dma_wait3A_409] : memref<80x128xi32, #tpu.memory_space<vmem>> -> memref<1x128xi32, #tpu.memory_space<vmem>>
    %dma_wait3A_411 = tpu.memref_squeeze %dma_wait3A_410 : memref<1x128xi32, #tpu.memory_space<vmem>> -> memref<128xi32, #tpu.memory_space<vmem>>
    %dma_wait3A_412 = arith.constant 0 : i32
    %dma_wait3A_413 = arith.constant 0 : i32
    %dma_wait3A_414 = tpu.memref_slice %arg2[%dma_wait3A_412, %dma_wait3A_413] : memref<10240x64xf32, #tpu.memory_space<hbm>> -> memref<10240x64xf32, #tpu.memory_space<hbm>>
    tpu.wait_indirect_dma semaphore(%arg10 : memref<!tpu.dma_semaphore, #tpu.memory_space<semaphore_mem>>) src(%dma_wait3A_414 : memref<10240x64xf32, #tpu.memory_space<hbm>>) dst(%dma_wait3A_408 : memref<128x64xf32, #tpu.memory_space<vmem>>)
    %dma_start3A_415 = arith.constant 72 : i32
    %dma_start3A_416 = arith.constant 0 : i32
    %dma_start3A_417 = arith.constant 0 : i32
    %dma_start3A_418 = tpu.memref_slice %arg8[%dma_start3A_416, %dma_start3A_417] : memref<1024x64xf32, #tpu.memory_space<vmem>> -> memref<128x64xf32, #tpu.memory_space<vmem>>
    %dma_start3A_419 = arith.constant 0 : i32
    %dma_start3A_420 = tpu.memref_slice %arg7[%dma_start3A_415, %dma_start3A_419] : memref<80x128xi32, #tpu.memory_space<vmem>> -> memref<1x128xi32, #tpu.memory_space<vmem>>
    %dma_start3A_421 = tpu.memref_squeeze %dma_start3A_420 : memref<1x128xi32, #tpu.memory_space<vmem>> -> memref<128xi32, #tpu.memory_space<vmem>>
    %dma_start3A_422 = arith.constant 0 : i32
    %dma_start3A_423 = arith.constant 0 : i32
    %dma_start3A_424 = tpu.memref_slice %arg9[%dma_start3A_422, %dma_start3A_423] : memref<10240x64xf32, #tpu.memory_space<vmem_shared>> -> memref<10240x64xf32, #tpu.memory_space<vmem_shared>>
    tpu.enqueue_indirect_dma source(%dma_start3A_418 : memref<128x64xf32, #tpu.memory_space<vmem>>) target(%dma_start3A_424 : memref<10240x64xf32, #tpu.memory_space<vmem_shared>>) offsets(%dma_start3A_421 : memref<128xi32, #tpu.memory_space<vmem>>) semaphore(%arg18 : memref<!tpu.dma_semaphore, #tpu.memory_space<semaphore_mem>>) {add = true}
    %dma_wait3A_425 = arith.constant 71 : i32
    %dma_wait3A_426 = arith.constant 896 : i32
    %dma_wait3A_427 = arith.constant 0 : i32
    %dma_wait3A_428 = tpu.memref_slice %arg8[%dma_wait3A_426, %dma_wait3A_427] : memref<1024x64xf32, #tpu.memory_space<vmem>> -> memref<128x64xf32, #tpu.memory_space<vmem>>
    %dma_wait3A_429 = arith.constant 0 : i32
    %dma_wait3A_430 = tpu.memref_slice %arg7[%dma_wait3A_425, %dma_wait3A_429] : memref<80x128xi32, #tpu.memory_space<vmem>> -> memref<1x128xi32, #tpu.memory_space<vmem>>
    %dma_wait3A_431 = tpu.memref_squeeze %dma_wait3A_430 : memref<1x128xi32, #tpu.memory_space<vmem>> -> memref<128xi32, #tpu.memory_space<vmem>>
    %dma_wait3A_432 = arith.constant 0 : i32
    %dma_wait3A_433 = arith.constant 0 : i32
    %dma_wait3A_434 = tpu.memref_slice %arg9[%dma_wait3A_432, %dma_wait3A_433] : memref<10240x64xf32, #tpu.memory_space<vmem_shared>> -> memref<10240x64xf32, #tpu.memory_space<vmem_shared>>
    tpu.wait_indirect_dma semaphore(%arg25 : memref<!tpu.dma_semaphore, #tpu.memory_space<semaphore_mem>>) src(%dma_wait3A_428 : memref<128x64xf32, #tpu.memory_space<vmem>>) dst(%dma_wait3A_434 : memref<10240x64xf32, #tpu.memory_space<vmem_shared>>)
    %dma_start3A_435 = arith.constant 79 : i32
    %dma_start3A_436 = arith.constant 896 : i32
    %dma_start3A_437 = arith.constant 0 : i32
    %dma_start3A_438 = tpu.memref_slice %arg8[%dma_start3A_436, %dma_start3A_437] : memref<1024x64xf32, #tpu.memory_space<vmem>> -> memref<128x64xf32, #tpu.memory_space<vmem>>
    %dma_start3A_439 = arith.constant 0 : i32
    %dma_start3A_440 = tpu.memref_slice %arg6[%dma_start3A_435, %dma_start3A_439] : memref<80x128xi32, #tpu.memory_space<vmem>> -> memref<1x128xi32, #tpu.memory_space<vmem>>
    %dma_start3A_441 = tpu.memref_squeeze %dma_start3A_440 : memref<1x128xi32, #tpu.memory_space<vmem>> -> memref<128xi32, #tpu.memory_space<vmem>>
    %dma_start3A_442 = arith.constant 0 : i32
    %dma_start3A_443 = arith.constant 0 : i32
    %dma_start3A_444 = tpu.memref_slice %arg2[%dma_start3A_442, %dma_start3A_443] : memref<10240x64xf32, #tpu.memory_space<hbm>> -> memref<10240x64xf32, #tpu.memory_space<hbm>>
    tpu.enqueue_indirect_dma source(%dma_start3A_444 : memref<10240x64xf32, #tpu.memory_space<hbm>>) target(%dma_start3A_438 : memref<128x64xf32, #tpu.memory_space<vmem>>) offsets(%dma_start3A_441 : memref<128xi32, #tpu.memory_space<vmem>>) semaphore(%arg17 : memref<!tpu.dma_semaphore, #tpu.memory_space<semaphore_mem>>)
    %dma_wait3A_445 = arith.constant 73 : i32
    %dma_wait3A_446 = arith.constant 128 : i32
    %dma_wait3A_447 = arith.constant 0 : i32
    %dma_wait3A_448 = tpu.memref_slice %arg8[%dma_wait3A_446, %dma_wait3A_447] : memref<1024x64xf32, #tpu.memory_space<vmem>> -> memref<128x64xf32, #tpu.memory_space<vmem>>
    %dma_wait3A_449 = arith.constant 0 : i32
    %dma_wait3A_450 = tpu.memref_slice %arg6[%dma_wait3A_445, %dma_wait3A_449] : memref<80x128xi32, #tpu.memory_space<vmem>> -> memref<1x128xi32, #tpu.memory_space<vmem>>
    %dma_wait3A_451 = tpu.memref_squeeze %dma_wait3A_450 : memref<1x128xi32, #tpu.memory_space<vmem>> -> memref<128xi32, #tpu.memory_space<vmem>>
    %dma_wait3A_452 = arith.constant 0 : i32
    %dma_wait3A_453 = arith.constant 0 : i32
    %dma_wait3A_454 = tpu.memref_slice %arg2[%dma_wait3A_452, %dma_wait3A_453] : memref<10240x64xf32, #tpu.memory_space<hbm>> -> memref<10240x64xf32, #tpu.memory_space<hbm>>
    tpu.wait_indirect_dma semaphore(%arg11 : memref<!tpu.dma_semaphore, #tpu.memory_space<semaphore_mem>>) src(%dma_wait3A_454 : memref<10240x64xf32, #tpu.memory_space<hbm>>) dst(%dma_wait3A_448 : memref<128x64xf32, #tpu.memory_space<vmem>>)
    %dma_start3A_455 = arith.constant 73 : i32
    %dma_start3A_456 = arith.constant 128 : i32
    %dma_start3A_457 = arith.constant 0 : i32
    %dma_start3A_458 = tpu.memref_slice %arg8[%dma_start3A_456, %dma_start3A_457] : memref<1024x64xf32, #tpu.memory_space<vmem>> -> memref<128x64xf32, #tpu.memory_space<vmem>>
    %dma_start3A_459 = arith.constant 0 : i32
    %dma_start3A_460 = tpu.memref_slice %arg7[%dma_start3A_455, %dma_start3A_459] : memref<80x128xi32, #tpu.memory_space<vmem>> -> memref<1x128xi32, #tpu.memory_space<vmem>>
    %dma_start3A_461 = tpu.memref_squeeze %dma_start3A_460 : memref<1x128xi32, #tpu.memory_space<vmem>> -> memref<128xi32, #tpu.memory_space<vmem>>
    %dma_start3A_462 = arith.constant 0 : i32
    %dma_start3A_463 = arith.constant 0 : i32
    %dma_start3A_464 = tpu.memref_slice %arg9[%dma_start3A_462, %dma_start3A_463] : memref<10240x64xf32, #tpu.memory_space<vmem_shared>> -> memref<10240x64xf32, #tpu.memory_space<vmem_shared>>
    tpu.enqueue_indirect_dma source(%dma_start3A_458 : memref<128x64xf32, #tpu.memory_space<vmem>>) target(%dma_start3A_464 : memref<10240x64xf32, #tpu.memory_space<vmem_shared>>) offsets(%dma_start3A_461 : memref<128xi32, #tpu.memory_space<vmem>>) semaphore(%arg19 : memref<!tpu.dma_semaphore, #tpu.memory_space<semaphore_mem>>) {add = true}
    %dma_wait3A_465 = arith.constant 72 : i32
    %dma_wait3A_466 = arith.constant 0 : i32
    %dma_wait3A_467 = arith.constant 0 : i32
    %dma_wait3A_468 = tpu.memref_slice %arg8[%dma_wait3A_466, %dma_wait3A_467] : memref<1024x64xf32, #tpu.memory_space<vmem>> -> memref<128x64xf32, #tpu.memory_space<vmem>>
    %dma_wait3A_469 = arith.constant 0 : i32
    %dma_wait3A_470 = tpu.memref_slice %arg7[%dma_wait3A_465, %dma_wait3A_469] : memref<80x128xi32, #tpu.memory_space<vmem>> -> memref<1x128xi32, #tpu.memory_space<vmem>>
    %dma_wait3A_471 = tpu.memref_squeeze %dma_wait3A_470 : memref<1x128xi32, #tpu.memory_space<vmem>> -> memref<128xi32, #tpu.memory_space<vmem>>
    %dma_wait3A_472 = arith.constant 0 : i32
    %dma_wait3A_473 = arith.constant 0 : i32
    %dma_wait3A_474 = tpu.memref_slice %arg9[%dma_wait3A_472, %dma_wait3A_473] : memref<10240x64xf32, #tpu.memory_space<vmem_shared>> -> memref<10240x64xf32, #tpu.memory_space<vmem_shared>>
    tpu.wait_indirect_dma semaphore(%arg18 : memref<!tpu.dma_semaphore, #tpu.memory_space<semaphore_mem>>) src(%dma_wait3A_468 : memref<128x64xf32, #tpu.memory_space<vmem>>) dst(%dma_wait3A_474 : memref<10240x64xf32, #tpu.memory_space<vmem_shared>>)
    %dma_wait3A_475 = arith.constant 74 : i32
    %dma_wait3A_476 = arith.constant 256 : i32
    %dma_wait3A_477 = arith.constant 0 : i32
    %dma_wait3A_478 = tpu.memref_slice %arg8[%dma_wait3A_476, %dma_wait3A_477] : memref<1024x64xf32, #tpu.memory_space<vmem>> -> memref<128x64xf32, #tpu.memory_space<vmem>>
    %dma_wait3A_479 = arith.constant 0 : i32
    %dma_wait3A_480 = tpu.memref_slice %arg6[%dma_wait3A_475, %dma_wait3A_479] : memref<80x128xi32, #tpu.memory_space<vmem>> -> memref<1x128xi32, #tpu.memory_space<vmem>>
    %dma_wait3A_481 = tpu.memref_squeeze %dma_wait3A_480 : memref<1x128xi32, #tpu.memory_space<vmem>> -> memref<128xi32, #tpu.memory_space<vmem>>
    %dma_wait3A_482 = arith.constant 0 : i32
    %dma_wait3A_483 = arith.constant 0 : i32
    %dma_wait3A_484 = tpu.memref_slice %arg2[%dma_wait3A_482, %dma_wait3A_483] : memref<10240x64xf32, #tpu.memory_space<hbm>> -> memref<10240x64xf32, #tpu.memory_space<hbm>>
    tpu.wait_indirect_dma semaphore(%arg12 : memref<!tpu.dma_semaphore, #tpu.memory_space<semaphore_mem>>) src(%dma_wait3A_484 : memref<10240x64xf32, #tpu.memory_space<hbm>>) dst(%dma_wait3A_478 : memref<128x64xf32, #tpu.memory_space<vmem>>)
    %dma_start3A_485 = arith.constant 74 : i32
    %dma_start3A_486 = arith.constant 256 : i32
    %dma_start3A_487 = arith.constant 0 : i32
    %dma_start3A_488 = tpu.memref_slice %arg8[%dma_start3A_486, %dma_start3A_487] : memref<1024x64xf32, #tpu.memory_space<vmem>> -> memref<128x64xf32, #tpu.memory_space<vmem>>
    %dma_start3A_489 = arith.constant 0 : i32
    %dma_start3A_490 = tpu.memref_slice %arg7[%dma_start3A_485, %dma_start3A_489] : memref<80x128xi32, #tpu.memory_space<vmem>> -> memref<1x128xi32, #tpu.memory_space<vmem>>
    %dma_start3A_491 = tpu.memref_squeeze %dma_start3A_490 : memref<1x128xi32, #tpu.memory_space<vmem>> -> memref<128xi32, #tpu.memory_space<vmem>>
    %dma_start3A_492 = arith.constant 0 : i32
    %dma_start3A_493 = arith.constant 0 : i32
    %dma_start3A_494 = tpu.memref_slice %arg9[%dma_start3A_492, %dma_start3A_493] : memref<10240x64xf32, #tpu.memory_space<vmem_shared>> -> memref<10240x64xf32, #tpu.memory_space<vmem_shared>>
    tpu.enqueue_indirect_dma source(%dma_start3A_488 : memref<128x64xf32, #tpu.memory_space<vmem>>) target(%dma_start3A_494 : memref<10240x64xf32, #tpu.memory_space<vmem_shared>>) offsets(%dma_start3A_491 : memref<128xi32, #tpu.memory_space<vmem>>) semaphore(%arg20 : memref<!tpu.dma_semaphore, #tpu.memory_space<semaphore_mem>>) {add = true}
    %dma_wait3A_495 = arith.constant 73 : i32
    %dma_wait3A_496 = arith.constant 128 : i32
    %dma_wait3A_497 = arith.constant 0 : i32
    %dma_wait3A_498 = tpu.memref_slice %arg8[%dma_wait3A_496, %dma_wait3A_497] : memref<1024x64xf32, #tpu.memory_space<vmem>> -> memref<128x64xf32, #tpu.memory_space<vmem>>
    %dma_wait3A_499 = arith.constant 0 : i32
    %dma_wait3A_500 = tpu.memref_slice %arg7[%dma_wait3A_495, %dma_wait3A_499] : memref<80x128xi32, #tpu.memory_space<vmem>> -> memref<1x128xi32, #tpu.memory_space<vmem>>
    %dma_wait3A_501 = tpu.memref_squeeze %dma_wait3A_500 : memref<1x128xi32, #tpu.memory_space<vmem>> -> memref<128xi32, #tpu.memory_space<vmem>>
    %dma_wait3A_502 = arith.constant 0 : i32
    %dma_wait3A_503 = arith.constant 0 : i32
    %dma_wait3A_504 = tpu.memref_slice %arg9[%dma_wait3A_502, %dma_wait3A_503] : memref<10240x64xf32, #tpu.memory_space<vmem_shared>> -> memref<10240x64xf32, #tpu.memory_space<vmem_shared>>
    tpu.wait_indirect_dma semaphore(%arg19 : memref<!tpu.dma_semaphore, #tpu.memory_space<semaphore_mem>>) src(%dma_wait3A_498 : memref<128x64xf32, #tpu.memory_space<vmem>>) dst(%dma_wait3A_504 : memref<10240x64xf32, #tpu.memory_space<vmem_shared>>)
    %dma_wait3A_505 = arith.constant 75 : i32
    %dma_wait3A_506 = arith.constant 384 : i32
    %dma_wait3A_507 = arith.constant 0 : i32
    %dma_wait3A_508 = tpu.memref_slice %arg8[%dma_wait3A_506, %dma_wait3A_507] : memref<1024x64xf32, #tpu.memory_space<vmem>> -> memref<128x64xf32, #tpu.memory_space<vmem>>
    %dma_wait3A_509 = arith.constant 0 : i32
    %dma_wait3A_510 = tpu.memref_slice %arg6[%dma_wait3A_505, %dma_wait3A_509] : memref<80x128xi32, #tpu.memory_space<vmem>> -> memref<1x128xi32, #tpu.memory_space<vmem>>
    %dma_wait3A_511 = tpu.memref_squeeze %dma_wait3A_510 : memref<1x128xi32, #tpu.memory_space<vmem>> -> memref<128xi32, #tpu.memory_space<vmem>>
    %dma_wait3A_512 = arith.constant 0 : i32
    %dma_wait3A_513 = arith.constant 0 : i32
    %dma_wait3A_514 = tpu.memref_slice %arg2[%dma_wait3A_512, %dma_wait3A_513] : memref<10240x64xf32, #tpu.memory_space<hbm>> -> memref<10240x64xf32, #tpu.memory_space<hbm>>
    tpu.wait_indirect_dma semaphore(%arg13 : memref<!tpu.dma_semaphore, #tpu.memory_space<semaphore_mem>>) src(%dma_wait3A_514 : memref<10240x64xf32, #tpu.memory_space<hbm>>) dst(%dma_wait3A_508 : memref<128x64xf32, #tpu.memory_space<vmem>>)
    %dma_start3A_515 = arith.constant 75 : i32
    %dma_start3A_516 = arith.constant 384 : i32
    %dma_start3A_517 = arith.constant 0 : i32
    %dma_start3A_518 = tpu.memref_slice %arg8[%dma_start3A_516, %dma_start3A_517] : memref<1024x64xf32, #tpu.memory_space<vmem>> -> memref<128x64xf32, #tpu.memory_space<vmem>>
    %dma_start3A_519 = arith.constant 0 : i32
    %dma_start3A_520 = tpu.memref_slice %arg7[%dma_start3A_515, %dma_start3A_519] : memref<80x128xi32, #tpu.memory_space<vmem>> -> memref<1x128xi32, #tpu.memory_space<vmem>>
    %dma_start3A_521 = tpu.memref_squeeze %dma_start3A_520 : memref<1x128xi32, #tpu.memory_space<vmem>> -> memref<128xi32, #tpu.memory_space<vmem>>
    %dma_start3A_522 = arith.constant 0 : i32
    %dma_start3A_523 = arith.constant 0 : i32
    %dma_start3A_524 = tpu.memref_slice %arg9[%dma_start3A_522, %dma_start3A_523] : memref<10240x64xf32, #tpu.memory_space<vmem_shared>> -> memref<10240x64xf32, #tpu.memory_space<vmem_shared>>
    tpu.enqueue_indirect_dma source(%dma_start3A_518 : memref<128x64xf32, #tpu.memory_space<vmem>>) target(%dma_start3A_524 : memref<10240x64xf32, #tpu.memory_space<vmem_shared>>) offsets(%dma_start3A_521 : memref<128xi32, #tpu.memory_space<vmem>>) semaphore(%arg21 : memref<!tpu.dma_semaphore, #tpu.memory_space<semaphore_mem>>) {add = true}
    %dma_wait3A_525 = arith.constant 74 : i32
    %dma_wait3A_526 = arith.constant 256 : i32
    %dma_wait3A_527 = arith.constant 0 : i32
    %dma_wait3A_528 = tpu.memref_slice %arg8[%dma_wait3A_526, %dma_wait3A_527] : memref<1024x64xf32, #tpu.memory_space<vmem>> -> memref<128x64xf32, #tpu.memory_space<vmem>>
    %dma_wait3A_529 = arith.constant 0 : i32
    %dma_wait3A_530 = tpu.memref_slice %arg7[%dma_wait3A_525, %dma_wait3A_529] : memref<80x128xi32, #tpu.memory_space<vmem>> -> memref<1x128xi32, #tpu.memory_space<vmem>>
    %dma_wait3A_531 = tpu.memref_squeeze %dma_wait3A_530 : memref<1x128xi32, #tpu.memory_space<vmem>> -> memref<128xi32, #tpu.memory_space<vmem>>
    %dma_wait3A_532 = arith.constant 0 : i32
    %dma_wait3A_533 = arith.constant 0 : i32
    %dma_wait3A_534 = tpu.memref_slice %arg9[%dma_wait3A_532, %dma_wait3A_533] : memref<10240x64xf32, #tpu.memory_space<vmem_shared>> -> memref<10240x64xf32, #tpu.memory_space<vmem_shared>>
    tpu.wait_indirect_dma semaphore(%arg20 : memref<!tpu.dma_semaphore, #tpu.memory_space<semaphore_mem>>) src(%dma_wait3A_528 : memref<128x64xf32, #tpu.memory_space<vmem>>) dst(%dma_wait3A_534 : memref<10240x64xf32, #tpu.memory_space<vmem_shared>>)
    %dma_wait3A_535 = arith.constant 76 : i32
    %dma_wait3A_536 = arith.constant 512 : i32
    %dma_wait3A_537 = arith.constant 0 : i32
    %dma_wait3A_538 = tpu.memref_slice %arg8[%dma_wait3A_536, %dma_wait3A_537] : memref<1024x64xf32, #tpu.memory_space<vmem>> -> memref<128x64xf32, #tpu.memory_space<vmem>>
    %dma_wait3A_539 = arith.constant 0 : i32
    %dma_wait3A_540 = tpu.memref_slice %arg6[%dma_wait3A_535, %dma_wait3A_539] : memref<80x128xi32, #tpu.memory_space<vmem>> -> memref<1x128xi32, #tpu.memory_space<vmem>>
    %dma_wait3A_541 = tpu.memref_squeeze %dma_wait3A_540 : memref<1x128xi32, #tpu.memory_space<vmem>> -> memref<128xi32, #tpu.memory_space<vmem>>
    %dma_wait3A_542 = arith.constant 0 : i32
    %dma_wait3A_543 = arith.constant 0 : i32
    %dma_wait3A_544 = tpu.memref_slice %arg2[%dma_wait3A_542, %dma_wait3A_543] : memref<10240x64xf32, #tpu.memory_space<hbm>> -> memref<10240x64xf32, #tpu.memory_space<hbm>>
    tpu.wait_indirect_dma semaphore(%arg14 : memref<!tpu.dma_semaphore, #tpu.memory_space<semaphore_mem>>) src(%dma_wait3A_544 : memref<10240x64xf32, #tpu.memory_space<hbm>>) dst(%dma_wait3A_538 : memref<128x64xf32, #tpu.memory_space<vmem>>)
    %dma_start3A_545 = arith.constant 76 : i32
    %dma_start3A_546 = arith.constant 512 : i32
    %dma_start3A_547 = arith.constant 0 : i32
    %dma_start3A_548 = tpu.memref_slice %arg8[%dma_start3A_546, %dma_start3A_547] : memref<1024x64xf32, #tpu.memory_space<vmem>> -> memref<128x64xf32, #tpu.memory_space<vmem>>
    %dma_start3A_549 = arith.constant 0 : i32
    %dma_start3A_550 = tpu.memref_slice %arg7[%dma_start3A_545, %dma_start3A_549] : memref<80x128xi32, #tpu.memory_space<vmem>> -> memref<1x128xi32, #tpu.memory_space<vmem>>
    %dma_start3A_551 = tpu.memref_squeeze %dma_start3A_550 : memref<1x128xi32, #tpu.memory_space<vmem>> -> memref<128xi32, #tpu.memory_space<vmem>>
    %dma_start3A_552 = arith.constant 0 : i32
    %dma_start3A_553 = arith.constant 0 : i32
    %dma_start3A_554 = tpu.memref_slice %arg9[%dma_start3A_552, %dma_start3A_553] : memref<10240x64xf32, #tpu.memory_space<vmem_shared>> -> memref<10240x64xf32, #tpu.memory_space<vmem_shared>>
    tpu.enqueue_indirect_dma source(%dma_start3A_548 : memref<128x64xf32, #tpu.memory_space<vmem>>) target(%dma_start3A_554 : memref<10240x64xf32, #tpu.memory_space<vmem_shared>>) offsets(%dma_start3A_551 : memref<128xi32, #tpu.memory_space<vmem>>) semaphore(%arg22 : memref<!tpu.dma_semaphore, #tpu.memory_space<semaphore_mem>>) {add = true}
    %dma_wait3A_555 = arith.constant 75 : i32
    %dma_wait3A_556 = arith.constant 384 : i32
    %dma_wait3A_557 = arith.constant 0 : i32
    %dma_wait3A_558 = tpu.memref_slice %arg8[%dma_wait3A_556, %dma_wait3A_557] : memref<1024x64xf32, #tpu.memory_space<vmem>> -> memref<128x64xf32, #tpu.memory_space<vmem>>
    %dma_wait3A_559 = arith.constant 0 : i32
    %dma_wait3A_560 = tpu.memref_slice %arg7[%dma_wait3A_555, %dma_wait3A_559] : memref<80x128xi32, #tpu.memory_space<vmem>> -> memref<1x128xi32, #tpu.memory_space<vmem>>
    %dma_wait3A_561 = tpu.memref_squeeze %dma_wait3A_560 : memref<1x128xi32, #tpu.memory_space<vmem>> -> memref<128xi32, #tpu.memory_space<vmem>>
    %dma_wait3A_562 = arith.constant 0 : i32
    %dma_wait3A_563 = arith.constant 0 : i32
    %dma_wait3A_564 = tpu.memref_slice %arg9[%dma_wait3A_562, %dma_wait3A_563] : memref<10240x64xf32, #tpu.memory_space<vmem_shared>> -> memref<10240x64xf32, #tpu.memory_space<vmem_shared>>
    tpu.wait_indirect_dma semaphore(%arg21 : memref<!tpu.dma_semaphore, #tpu.memory_space<semaphore_mem>>) src(%dma_wait3A_558 : memref<128x64xf32, #tpu.memory_space<vmem>>) dst(%dma_wait3A_564 : memref<10240x64xf32, #tpu.memory_space<vmem_shared>>)
    %dma_wait3A_565 = arith.constant 77 : i32
    %dma_wait3A_566 = arith.constant 640 : i32
    %dma_wait3A_567 = arith.constant 0 : i32
    %dma_wait3A_568 = tpu.memref_slice %arg8[%dma_wait3A_566, %dma_wait3A_567] : memref<1024x64xf32, #tpu.memory_space<vmem>> -> memref<128x64xf32, #tpu.memory_space<vmem>>
    %dma_wait3A_569 = arith.constant 0 : i32
    %dma_wait3A_570 = tpu.memref_slice %arg6[%dma_wait3A_565, %dma_wait3A_569] : memref<80x128xi32, #tpu.memory_space<vmem>> -> memref<1x128xi32, #tpu.memory_space<vmem>>
    %dma_wait3A_571 = tpu.memref_squeeze %dma_wait3A_570 : memref<1x128xi32, #tpu.memory_space<vmem>> -> memref<128xi32, #tpu.memory_space<vmem>>
    %dma_wait3A_572 = arith.constant 0 : i32
    %dma_wait3A_573 = arith.constant 0 : i32
    %dma_wait3A_574 = tpu.memref_slice %arg2[%dma_wait3A_572, %dma_wait3A_573] : memref<10240x64xf32, #tpu.memory_space<hbm>> -> memref<10240x64xf32, #tpu.memory_space<hbm>>
    tpu.wait_indirect_dma semaphore(%arg15 : memref<!tpu.dma_semaphore, #tpu.memory_space<semaphore_mem>>) src(%dma_wait3A_574 : memref<10240x64xf32, #tpu.memory_space<hbm>>) dst(%dma_wait3A_568 : memref<128x64xf32, #tpu.memory_space<vmem>>)
    %dma_start3A_575 = arith.constant 77 : i32
    %dma_start3A_576 = arith.constant 640 : i32
    %dma_start3A_577 = arith.constant 0 : i32
    %dma_start3A_578 = tpu.memref_slice %arg8[%dma_start3A_576, %dma_start3A_577] : memref<1024x64xf32, #tpu.memory_space<vmem>> -> memref<128x64xf32, #tpu.memory_space<vmem>>
    %dma_start3A_579 = arith.constant 0 : i32
    %dma_start3A_580 = tpu.memref_slice %arg7[%dma_start3A_575, %dma_start3A_579] : memref<80x128xi32, #tpu.memory_space<vmem>> -> memref<1x128xi32, #tpu.memory_space<vmem>>
    %dma_start3A_581 = tpu.memref_squeeze %dma_start3A_580 : memref<1x128xi32, #tpu.memory_space<vmem>> -> memref<128xi32, #tpu.memory_space<vmem>>
    %dma_start3A_582 = arith.constant 0 : i32
    %dma_start3A_583 = arith.constant 0 : i32
    %dma_start3A_584 = tpu.memref_slice %arg9[%dma_start3A_582, %dma_start3A_583] : memref<10240x64xf32, #tpu.memory_space<vmem_shared>> -> memref<10240x64xf32, #tpu.memory_space<vmem_shared>>
    tpu.enqueue_indirect_dma source(%dma_start3A_578 : memref<128x64xf32, #tpu.memory_space<vmem>>) target(%dma_start3A_584 : memref<10240x64xf32, #tpu.memory_space<vmem_shared>>) offsets(%dma_start3A_581 : memref<128xi32, #tpu.memory_space<vmem>>) semaphore(%arg23 : memref<!tpu.dma_semaphore, #tpu.memory_space<semaphore_mem>>) {add = true}
    %dma_wait3A_585 = arith.constant 76 : i32
    %dma_wait3A_586 = arith.constant 512 : i32
    %dma_wait3A_587 = arith.constant 0 : i32
    %dma_wait3A_588 = tpu.memref_slice %arg8[%dma_wait3A_586, %dma_wait3A_587] : memref<1024x64xf32, #tpu.memory_space<vmem>> -> memref<128x64xf32, #tpu.memory_space<vmem>>
    %dma_wait3A_589 = arith.constant 0 : i32
    %dma_wait3A_590 = tpu.memref_slice %arg7[%dma_wait3A_585, %dma_wait3A_589] : memref<80x128xi32, #tpu.memory_space<vmem>> -> memref<1x128xi32, #tpu.memory_space<vmem>>
    %dma_wait3A_591 = tpu.memref_squeeze %dma_wait3A_590 : memref<1x128xi32, #tpu.memory_space<vmem>> -> memref<128xi32, #tpu.memory_space<vmem>>
    %dma_wait3A_592 = arith.constant 0 : i32
    %dma_wait3A_593 = arith.constant 0 : i32
    %dma_wait3A_594 = tpu.memref_slice %arg9[%dma_wait3A_592, %dma_wait3A_593] : memref<10240x64xf32, #tpu.memory_space<vmem_shared>> -> memref<10240x64xf32, #tpu.memory_space<vmem_shared>>
    tpu.wait_indirect_dma semaphore(%arg22 : memref<!tpu.dma_semaphore, #tpu.memory_space<semaphore_mem>>) src(%dma_wait3A_588 : memref<128x64xf32, #tpu.memory_space<vmem>>) dst(%dma_wait3A_594 : memref<10240x64xf32, #tpu.memory_space<vmem_shared>>)
    %dma_wait3A_595 = arith.constant 78 : i32
    %dma_wait3A_596 = arith.constant 768 : i32
    %dma_wait3A_597 = arith.constant 0 : i32
    %dma_wait3A_598 = tpu.memref_slice %arg8[%dma_wait3A_596, %dma_wait3A_597] : memref<1024x64xf32, #tpu.memory_space<vmem>> -> memref<128x64xf32, #tpu.memory_space<vmem>>
    %dma_wait3A_599 = arith.constant 0 : i32
    %dma_wait3A_600 = tpu.memref_slice %arg6[%dma_wait3A_595, %dma_wait3A_599] : memref<80x128xi32, #tpu.memory_space<vmem>> -> memref<1x128xi32, #tpu.memory_space<vmem>>
    %dma_wait3A_601 = tpu.memref_squeeze %dma_wait3A_600 : memref<1x128xi32, #tpu.memory_space<vmem>> -> memref<128xi32, #tpu.memory_space<vmem>>
    %dma_wait3A_602 = arith.constant 0 : i32
    %dma_wait3A_603 = arith.constant 0 : i32
    %dma_wait3A_604 = tpu.memref_slice %arg2[%dma_wait3A_602, %dma_wait3A_603] : memref<10240x64xf32, #tpu.memory_space<hbm>> -> memref<10240x64xf32, #tpu.memory_space<hbm>>
    tpu.wait_indirect_dma semaphore(%arg16 : memref<!tpu.dma_semaphore, #tpu.memory_space<semaphore_mem>>) src(%dma_wait3A_604 : memref<10240x64xf32, #tpu.memory_space<hbm>>) dst(%dma_wait3A_598 : memref<128x64xf32, #tpu.memory_space<vmem>>)
    %dma_start3A_605 = arith.constant 78 : i32
    %dma_start3A_606 = arith.constant 768 : i32
    %dma_start3A_607 = arith.constant 0 : i32
    %dma_start3A_608 = tpu.memref_slice %arg8[%dma_start3A_606, %dma_start3A_607] : memref<1024x64xf32, #tpu.memory_space<vmem>> -> memref<128x64xf32, #tpu.memory_space<vmem>>
    %dma_start3A_609 = arith.constant 0 : i32
    %dma_start3A_610 = tpu.memref_slice %arg7[%dma_start3A_605, %dma_start3A_609] : memref<80x128xi32, #tpu.memory_space<vmem>> -> memref<1x128xi32, #tpu.memory_space<vmem>>
    %dma_start3A_611 = tpu.memref_squeeze %dma_start3A_610 : memref<1x128xi32, #tpu.memory_space<vmem>> -> memref<128xi32, #tpu.memory_space<vmem>>
    %dma_start3A_612 = arith.constant 0 : i32
    %dma_start3A_613 = arith.constant 0 : i32
    %dma_start3A_614 = tpu.memref_slice %arg9[%dma_start3A_612, %dma_start3A_613] : memref<10240x64xf32, #tpu.memory_space<vmem_shared>> -> memref<10240x64xf32, #tpu.memory_space<vmem_shared>>
    tpu.enqueue_indirect_dma source(%dma_start3A_608 : memref<128x64xf32, #tpu.memory_space<vmem>>) target(%dma_start3A_614 : memref<10240x64xf32, #tpu.memory_space<vmem_shared>>) offsets(%dma_start3A_611 : memref<128xi32, #tpu.memory_space<vmem>>) semaphore(%arg24 : memref<!tpu.dma_semaphore, #tpu.memory_space<semaphore_mem>>) {add = true}
    %dma_wait3A_615 = arith.constant 77 : i32
    %dma_wait3A_616 = arith.constant 640 : i32
    %dma_wait3A_617 = arith.constant 0 : i32
    %dma_wait3A_618 = tpu.memref_slice %arg8[%dma_wait3A_616, %dma_wait3A_617] : memref<1024x64xf32, #tpu.memory_space<vmem>> -> memref<128x64xf32, #tpu.memory_space<vmem>>
    %dma_wait3A_619 = arith.constant 0 : i32
    %dma_wait3A_620 = tpu.memref_slice %arg7[%dma_wait3A_615, %dma_wait3A_619] : memref<80x128xi32, #tpu.memory_space<vmem>> -> memref<1x128xi32, #tpu.memory_space<vmem>>
    %dma_wait3A_621 = tpu.memref_squeeze %dma_wait3A_620 : memref<1x128xi32, #tpu.memory_space<vmem>> -> memref<128xi32, #tpu.memory_space<vmem>>
    %dma_wait3A_622 = arith.constant 0 : i32
    %dma_wait3A_623 = arith.constant 0 : i32
    %dma_wait3A_624 = tpu.memref_slice %arg9[%dma_wait3A_622, %dma_wait3A_623] : memref<10240x64xf32, #tpu.memory_space<vmem_shared>> -> memref<10240x64xf32, #tpu.memory_space<vmem_shared>>
    tpu.wait_indirect_dma semaphore(%arg23 : memref<!tpu.dma_semaphore, #tpu.memory_space<semaphore_mem>>) src(%dma_wait3A_618 : memref<128x64xf32, #tpu.memory_space<vmem>>) dst(%dma_wait3A_624 : memref<10240x64xf32, #tpu.memory_space<vmem_shared>>)
    %dma_wait3A_625 = arith.constant 79 : i32
    %dma_wait3A_626 = arith.constant 896 : i32
    %dma_wait3A_627 = arith.constant 0 : i32
    %dma_wait3A_628 = tpu.memref_slice %arg8[%dma_wait3A_626, %dma_wait3A_627] : memref<1024x64xf32, #tpu.memory_space<vmem>> -> memref<128x64xf32, #tpu.memory_space<vmem>>
    %dma_wait3A_629 = arith.constant 0 : i32
    %dma_wait3A_630 = tpu.memref_slice %arg6[%dma_wait3A_625, %dma_wait3A_629] : memref<80x128xi32, #tpu.memory_space<vmem>> -> memref<1x128xi32, #tpu.memory_space<vmem>>
    %dma_wait3A_631 = tpu.memref_squeeze %dma_wait3A_630 : memref<1x128xi32, #tpu.memory_space<vmem>> -> memref<128xi32, #tpu.memory_space<vmem>>
    %dma_wait3A_632 = arith.constant 0 : i32
    %dma_wait3A_633 = arith.constant 0 : i32
    %dma_wait3A_634 = tpu.memref_slice %arg2[%dma_wait3A_632, %dma_wait3A_633] : memref<10240x64xf32, #tpu.memory_space<hbm>> -> memref<10240x64xf32, #tpu.memory_space<hbm>>
    tpu.wait_indirect_dma semaphore(%arg17 : memref<!tpu.dma_semaphore, #tpu.memory_space<semaphore_mem>>) src(%dma_wait3A_634 : memref<10240x64xf32, #tpu.memory_space<hbm>>) dst(%dma_wait3A_628 : memref<128x64xf32, #tpu.memory_space<vmem>>)
    %dma_start3A_635 = arith.constant 79 : i32
    %dma_start3A_636 = arith.constant 896 : i32
    %dma_start3A_637 = arith.constant 0 : i32
    %dma_start3A_638 = tpu.memref_slice %arg8[%dma_start3A_636, %dma_start3A_637] : memref<1024x64xf32, #tpu.memory_space<vmem>> -> memref<128x64xf32, #tpu.memory_space<vmem>>
    %dma_start3A_639 = arith.constant 0 : i32
    %dma_start3A_640 = tpu.memref_slice %arg7[%dma_start3A_635, %dma_start3A_639] : memref<80x128xi32, #tpu.memory_space<vmem>> -> memref<1x128xi32, #tpu.memory_space<vmem>>
    %dma_start3A_641 = tpu.memref_squeeze %dma_start3A_640 : memref<1x128xi32, #tpu.memory_space<vmem>> -> memref<128xi32, #tpu.memory_space<vmem>>
    %dma_start3A_642 = arith.constant 0 : i32
    %dma_start3A_643 = arith.constant 0 : i32
    %dma_start3A_644 = tpu.memref_slice %arg9[%dma_start3A_642, %dma_start3A_643] : memref<10240x64xf32, #tpu.memory_space<vmem_shared>> -> memref<10240x64xf32, #tpu.memory_space<vmem_shared>>
    tpu.enqueue_indirect_dma source(%dma_start3A_638 : memref<128x64xf32, #tpu.memory_space<vmem>>) target(%dma_start3A_644 : memref<10240x64xf32, #tpu.memory_space<vmem_shared>>) offsets(%dma_start3A_641 : memref<128xi32, #tpu.memory_space<vmem>>) semaphore(%arg25 : memref<!tpu.dma_semaphore, #tpu.memory_space<semaphore_mem>>) {add = true}
    %dma_wait3A_645 = arith.constant 78 : i32
    %dma_wait3A_646 = arith.constant 768 : i32
    %dma_wait3A_647 = arith.constant 0 : i32
    %dma_wait3A_648 = tpu.memref_slice %arg8[%dma_wait3A_646, %dma_wait3A_647] : memref<1024x64xf32, #tpu.memory_space<vmem>> -> memref<128x64xf32, #tpu.memory_space<vmem>>
    %dma_wait3A_649 = arith.constant 0 : i32
    %dma_wait3A_650 = tpu.memref_slice %arg7[%dma_wait3A_645, %dma_wait3A_649] : memref<80x128xi32, #tpu.memory_space<vmem>> -> memref<1x128xi32, #tpu.memory_space<vmem>>
    %dma_wait3A_651 = tpu.memref_squeeze %dma_wait3A_650 : memref<1x128xi32, #tpu.memory_space<vmem>> -> memref<128xi32, #tpu.memory_space<vmem>>
    %dma_wait3A_652 = arith.constant 0 : i32
    %dma_wait3A_653 = arith.constant 0 : i32
    %dma_wait3A_654 = tpu.memref_slice %arg9[%dma_wait3A_652, %dma_wait3A_653] : memref<10240x64xf32, #tpu.memory_space<vmem_shared>> -> memref<10240x64xf32, #tpu.memory_space<vmem_shared>>
    tpu.wait_indirect_dma semaphore(%arg24 : memref<!tpu.dma_semaphore, #tpu.memory_space<semaphore_mem>>) src(%dma_wait3A_648 : memref<128x64xf32, #tpu.memory_space<vmem>>) dst(%dma_wait3A_654 : memref<10240x64xf32, #tpu.memory_space<vmem_shared>>)
    %dma_wait3A_655 = arith.constant 79 : i32
    %dma_wait3A_656 = arith.constant 896 : i32
    %dma_wait3A_657 = arith.constant 0 : i32
    %dma_wait3A_658 = tpu.memref_slice %arg8[%dma_wait3A_656, %dma_wait3A_657] : memref<1024x64xf32, #tpu.memory_space<vmem>> -> memref<128x64xf32, #tpu.memory_space<vmem>>
    %dma_wait3A_659 = arith.constant 0 : i32
    %dma_wait3A_660 = tpu.memref_slice %arg7[%dma_wait3A_655, %dma_wait3A_659] : memref<80x128xi32, #tpu.memory_space<vmem>> -> memref<1x128xi32, #tpu.memory_space<vmem>>
    %dma_wait3A_661 = tpu.memref_squeeze %dma_wait3A_660 : memref<1x128xi32, #tpu.memory_space<vmem>> -> memref<128xi32, #tpu.memory_space<vmem>>
    %dma_wait3A_662 = arith.constant 0 : i32
    %dma_wait3A_663 = arith.constant 0 : i32
    %dma_wait3A_664 = tpu.memref_slice %arg9[%dma_wait3A_662, %dma_wait3A_663] : memref<10240x64xf32, #tpu.memory_space<vmem_shared>> -> memref<10240x64xf32, #tpu.memory_space<vmem_shared>>
    tpu.wait_indirect_dma semaphore(%arg25 : memref<!tpu.dma_semaphore, #tpu.memory_space<semaphore_mem>>) src(%dma_wait3A_658 : memref<128x64xf32, #tpu.memory_space<vmem>>) dst(%dma_wait3A_664 : memref<10240x64xf32, #tpu.memory_space<vmem_shared>>)
    %barrier3A_665 = arith.constant 0 : index
    tpu.barrier barrier_id(%barrier3A_665)
    "tpu.region"() ({
      %run_scoped3A = tpu.sem_alloc : memref<!tpu.dma_semaphore, #tpu.memory_space<semaphore_mem>>
      %dma_start3A_666 = arith.constant 0 : i32
      %dma_start3A_667 = tpu.memref_slice %arg5[%arg0, %mul3A_7, %dma_start3A_666] : memref<2x10240x64xf32, #tpu.memory_space<hbm>> -> memref<1x640x64xf32, #tpu.memory_space<hbm>>
      %dma_start3A_668 = tpu.memref_squeeze %dma_start3A_667 : memref<1x640x64xf32, #tpu.memory_space<hbm>> -> memref<640x64xf32, #tpu.memory_space<hbm>>
      %dma_start3A_669 = arith.constant 0 : i32
      %dma_start3A_670 = tpu.memref_slice %arg9[%mul3A_7, %dma_start3A_669] : memref<10240x64xf32, #tpu.memory_space<vmem_shared>> -> memref<640x64xf32, #tpu.memory_space<vmem_shared>>
      tpu.enqueue_dma source(%dma_start3A_670 : memref<640x64xf32, #tpu.memory_space<vmem_shared>>) target(%dma_start3A_668 : memref<640x64xf32, #tpu.memory_space<hbm>>) target_semaphore(%run_scoped3A : memref<!tpu.dma_semaphore, #tpu.memory_space<semaphore_mem>>)
      %dma_wait3A_671 = arith.constant 0 : i32
      %dma_wait3A_672 = tpu.memref_slice %arg5[%arg0, %mul3A_7, %dma_wait3A_671] : memref<2x10240x64xf32, #tpu.memory_space<hbm>> -> memref<1x640x64xf32, #tpu.memory_space<hbm>>
      %dma_wait3A_673 = tpu.memref_squeeze %dma_wait3A_672 : memref<1x640x64xf32, #tpu.memory_space<hbm>> -> memref<640x64xf32, #tpu.memory_space<hbm>>
      %dma_wait3A_674 = arith.constant 0 : i32
      %dma_wait3A_675 = tpu.memref_slice %arg9[%mul3A_7, %dma_wait3A_674] : memref<10240x64xf32, #tpu.memory_space<vmem_shared>> -> memref<640x64xf32, #tpu.memory_space<vmem_shared>>
      tpu.wait_dma2 semaphore(%run_scoped3A : memref<!tpu.dma_semaphore, #tpu.memory_space<semaphore_mem>>) src(%dma_wait3A_675 : memref<640x64xf32, #tpu.memory_space<vmem_shared>>) dst(%dma_wait3A_673 : memref<640x64xf32, #tpu.memory_space<hbm>>)
      tpu.yield
    }) : () -> ()
    return
  }
}

#map = affine_map<(d0, d1) -> (0, 0)>
#map1 = affine_map<(d0, d1) -> (0, 0, 0, 0)>
module attributes {stable_mosaic.version = 14 : i64} {
  func.func @deg_kernel(%arg0: i32, %arg1: i32, %arg2: memref<2560x128xi32, #tpu.memory_space<hbm>>, %arg3: memref<2x32x80x128xf32, #tpu.memory_space<hbm>>, %arg4: memref<80x128xi32, #tpu.memory_space<vmem>>, %arg5: memref<80x128xf32, #tpu.memory_space<vmem>>, %arg6: memref<80x128xf32, #tpu.memory_space<vmem>>) attributes {dimension_semantics = [#tpu.dimension_semantics<core_parallel>, #tpu.dimension_semantics<subcore_parallel>], iteration_bounds = array<i64: 2, 16>, scalar_prefetch = 0 : i64, scratch_operands = 3 : i64, tpu.core_type = #tpu.core_type<sc_vector_subcore>, window_params = [{transform_indices = #map}, {transform_indices = #map1}]} {
    %mul3A = arith.constant 2 : i32
    %mul3A_0 = arith.muli %arg1, %mul3A : i32
    %add3A = arith.addi %mul3A_0, %arg0 : i32
    %mul3A_1 = arith.constant 80 : i32
    %mul3A_2 = arith.muli %add3A, %mul3A_1 : i32
    "tpu.region"() ({
      %run_scoped3A_16 = tpu.sem_alloc : memref<!tpu.dma_semaphore, #tpu.memory_space<semaphore_mem>>
      %dma_start3A = arith.constant 0 : i32
      %dma_start3A_17 = tpu.memref_slice %arg2[%mul3A_2, %dma_start3A] : memref<2560x128xi32, #tpu.memory_space<hbm>> -> memref<80x128xi32, #tpu.memory_space<hbm>>
      %dma_start3A_18 = arith.constant 0 : i32
      %dma_start3A_19 = tpu.memref_slice %arg2[%mul3A_2, %dma_start3A_18] : memref<2560x128xi32, #tpu.memory_space<hbm>> -> memref<80x128xi32, #tpu.memory_space<hbm>>
      tpu.enqueue_dma source(%dma_start3A_19 : memref<80x128xi32, #tpu.memory_space<hbm>>) target(%arg4 : memref<80x128xi32, #tpu.memory_space<vmem>>) target_semaphore(%run_scoped3A_16 : memref<!tpu.dma_semaphore, #tpu.memory_space<semaphore_mem>>)
      %dma_wait3A = arith.constant 0 : i32
      %dma_wait3A_20 = tpu.memref_slice %arg2[%mul3A_2, %dma_wait3A] : memref<2560x128xi32, #tpu.memory_space<hbm>> -> memref<80x128xi32, #tpu.memory_space<hbm>>
      %dma_wait3A_21 = arith.constant 0 : i32
      %dma_wait3A_22 = tpu.memref_slice %arg2[%mul3A_2, %dma_wait3A_21] : memref<2560x128xi32, #tpu.memory_space<hbm>> -> memref<80x128xi32, #tpu.memory_space<hbm>>
      tpu.wait_dma2 semaphore(%run_scoped3A_16 : memref<!tpu.dma_semaphore, #tpu.memory_space<semaphore_mem>>) src(%dma_wait3A_22 : memref<80x128xi32, #tpu.memory_space<hbm>>) dst(%arg4 : memref<80x128xi32, #tpu.memory_space<vmem>>)
      tpu.yield
    }) : () -> ()
    %broadcast_in_dim3A = arith.constant 0.000000e+00 : f32
    %broadcast_in_dim3A_3 = vector.broadcast %broadcast_in_dim3A : f32 to vector<16xf32>
    %scan3A = arith.constant 0 : i32
    %scan3A_4 = arith.constant 80 : i32
    %scan3A_5 = arith.addi %scan3A, %scan3A_4 : i32
    %scan3A_6 = arith.constant 1 : i32
    scf.for %scan3A_16 = %scan3A to %scan3A_5 step %scan3A_6  : i32 {
      %mul3A_17 = arith.constant 1 : i32
      %mul3A_18 = arith.muli %scan3A_16, %mul3A_17 : i32
      %add3A_19 = arith.constant 0 : i32
      %add3A_20 = arith.addi %add3A_19, %mul3A_18 : i32
      %swap3A = arith.index_cast %add3A_20 : i32 to index
      %swap3A_21 = arith.constant 0 : index
      %swap3A_22 = tpu.vector_load %arg5[%swap3A, %swap3A_21] {strides = array<i32>} : memref<80x128xf32, #tpu.memory_space<vmem>>, vector<16xf32>,
      tpu.vector_store %arg5[%swap3A, %swap3A_21], %broadcast_in_dim3A_3 {strides = array<i32>} : memref<80x128xf32, #tpu.memory_space<vmem>>, vector<16xf32>,
      %swap3A_23 = arith.index_cast %add3A_20 : i32 to index
      %swap3A_24 = arith.constant 0 : index
      %swap3A_25 = tpu.vector_load %arg6[%swap3A_23, %swap3A_24] {strides = array<i32>} : memref<80x128xf32, #tpu.memory_space<vmem>>, vector<16xf32>,
      tpu.vector_store %arg6[%swap3A_23, %swap3A_24], %broadcast_in_dim3A_3 {strides = array<i32>} : memref<80x128xf32, #tpu.memory_space<vmem>>, vector<16xf32>,
      %swap3A_26 = arith.index_cast %add3A_20 : i32 to index
      %swap3A_27 = arith.constant 16 : index
      %swap3A_28 = tpu.vector_load %arg5[%swap3A_26, %swap3A_27] {strides = array<i32>} : memref<80x128xf32, #tpu.memory_space<vmem>>, vector<16xf32>,
      tpu.vector_store %arg5[%swap3A_26, %swap3A_27], %broadcast_in_dim3A_3 {strides = array<i32>} : memref<80x128xf32, #tpu.memory_space<vmem>>, vector<16xf32>,
      %swap3A_29 = arith.index_cast %add3A_20 : i32 to index
      %swap3A_30 = arith.constant 16 : index
      %swap3A_31 = tpu.vector_load %arg6[%swap3A_29, %swap3A_30] {strides = array<i32>} : memref<80x128xf32, #tpu.memory_space<vmem>>, vector<16xf32>,
      tpu.vector_store %arg6[%swap3A_29, %swap3A_30], %broadcast_in_dim3A_3 {strides = array<i32>} : memref<80x128xf32, #tpu.memory_space<vmem>>, vector<16xf32>,
      %swap3A_32 = arith.index_cast %add3A_20 : i32 to index
      %swap3A_33 = arith.constant 32 : index
      %swap3A_34 = tpu.vector_load %arg5[%swap3A_32, %swap3A_33] {strides = array<i32>} : memref<80x128xf32, #tpu.memory_space<vmem>>, vector<16xf32>,
      tpu.vector_store %arg5[%swap3A_32, %swap3A_33], %broadcast_in_dim3A_3 {strides = array<i32>} : memref<80x128xf32, #tpu.memory_space<vmem>>, vector<16xf32>,
      %swap3A_35 = arith.index_cast %add3A_20 : i32 to index
      %swap3A_36 = arith.constant 32 : index
      %swap3A_37 = tpu.vector_load %arg6[%swap3A_35, %swap3A_36] {strides = array<i32>} : memref<80x128xf32, #tpu.memory_space<vmem>>, vector<16xf32>,
      tpu.vector_store %arg6[%swap3A_35, %swap3A_36], %broadcast_in_dim3A_3 {strides = array<i32>} : memref<80x128xf32, #tpu.memory_space<vmem>>, vector<16xf32>,
      %swap3A_38 = arith.index_cast %add3A_20 : i32 to index
      %swap3A_39 = arith.constant 48 : index
      %swap3A_40 = tpu.vector_load %arg5[%swap3A_38, %swap3A_39] {strides = array<i32>} : memref<80x128xf32, #tpu.memory_space<vmem>>, vector<16xf32>,
      tpu.vector_store %arg5[%swap3A_38, %swap3A_39], %broadcast_in_dim3A_3 {strides = array<i32>} : memref<80x128xf32, #tpu.memory_space<vmem>>, vector<16xf32>,
      %swap3A_41 = arith.index_cast %add3A_20 : i32 to index
      %swap3A_42 = arith.constant 48 : index
      %swap3A_43 = tpu.vector_load %arg6[%swap3A_41, %swap3A_42] {strides = array<i32>} : memref<80x128xf32, #tpu.memory_space<vmem>>, vector<16xf32>,
      tpu.vector_store %arg6[%swap3A_41, %swap3A_42], %broadcast_in_dim3A_3 {strides = array<i32>} : memref<80x128xf32, #tpu.memory_space<vmem>>, vector<16xf32>,
      %swap3A_44 = arith.index_cast %add3A_20 : i32 to index
      %swap3A_45 = arith.constant 64 : index
      %swap3A_46 = tpu.vector_load %arg5[%swap3A_44, %swap3A_45] {strides = array<i32>} : memref<80x128xf32, #tpu.memory_space<vmem>>, vector<16xf32>,
      tpu.vector_store %arg5[%swap3A_44, %swap3A_45], %broadcast_in_dim3A_3 {strides = array<i32>} : memref<80x128xf32, #tpu.memory_space<vmem>>, vector<16xf32>,
      %swap3A_47 = arith.index_cast %add3A_20 : i32 to index
      %swap3A_48 = arith.constant 64 : index
      %swap3A_49 = tpu.vector_load %arg6[%swap3A_47, %swap3A_48] {strides = array<i32>} : memref<80x128xf32, #tpu.memory_space<vmem>>, vector<16xf32>,
      tpu.vector_store %arg6[%swap3A_47, %swap3A_48], %broadcast_in_dim3A_3 {strides = array<i32>} : memref<80x128xf32, #tpu.memory_space<vmem>>, vector<16xf32>,
      %swap3A_50 = arith.index_cast %add3A_20 : i32 to index
      %swap3A_51 = arith.constant 80 : index
      %swap3A_52 = tpu.vector_load %arg5[%swap3A_50, %swap3A_51] {strides = array<i32>} : memref<80x128xf32, #tpu.memory_space<vmem>>, vector<16xf32>,
      tpu.vector_store %arg5[%swap3A_50, %swap3A_51], %broadcast_in_dim3A_3 {strides = array<i32>} : memref<80x128xf32, #tpu.memory_space<vmem>>, vector<16xf32>,
      %swap3A_53 = arith.index_cast %add3A_20 : i32 to index
      %swap3A_54 = arith.constant 80 : index
      %swap3A_55 = tpu.vector_load %arg6[%swap3A_53, %swap3A_54] {strides = array<i32>} : memref<80x128xf32, #tpu.memory_space<vmem>>, vector<16xf32>,
      tpu.vector_store %arg6[%swap3A_53, %swap3A_54], %broadcast_in_dim3A_3 {strides = array<i32>} : memref<80x128xf32, #tpu.memory_space<vmem>>, vector<16xf32>,
      %swap3A_56 = arith.index_cast %add3A_20 : i32 to index
      %swap3A_57 = arith.constant 96 : index
      %swap3A_58 = tpu.vector_load %arg5[%swap3A_56, %swap3A_57] {strides = array<i32>} : memref<80x128xf32, #tpu.memory_space<vmem>>, vector<16xf32>,
      tpu.vector_store %arg5[%swap3A_56, %swap3A_57], %broadcast_in_dim3A_3 {strides = array<i32>} : memref<80x128xf32, #tpu.memory_space<vmem>>, vector<16xf32>,
      %swap3A_59 = arith.index_cast %add3A_20 : i32 to index
      %swap3A_60 = arith.constant 96 : index
      %swap3A_61 = tpu.vector_load %arg6[%swap3A_59, %swap3A_60] {strides = array<i32>} : memref<80x128xf32, #tpu.memory_space<vmem>>, vector<16xf32>,
      tpu.vector_store %arg6[%swap3A_59, %swap3A_60], %broadcast_in_dim3A_3 {strides = array<i32>} : memref<80x128xf32, #tpu.memory_space<vmem>>, vector<16xf32>,
      %swap3A_62 = arith.index_cast %add3A_20 : i32 to index
      %swap3A_63 = arith.constant 112 : index
      %swap3A_64 = tpu.vector_load %arg5[%swap3A_62, %swap3A_63] {strides = array<i32>} : memref<80x128xf32, #tpu.memory_space<vmem>>, vector<16xf32>,
      tpu.vector_store %arg5[%swap3A_62, %swap3A_63], %broadcast_in_dim3A_3 {strides = array<i32>} : memref<80x128xf32, #tpu.memory_space<vmem>>, vector<16xf32>,
      %swap3A_65 = arith.index_cast %add3A_20 : i32 to index
      %swap3A_66 = arith.constant 112 : index
      %swap3A_67 = tpu.vector_load %arg6[%swap3A_65, %swap3A_66] {strides = array<i32>} : memref<80x128xf32, #tpu.memory_space<vmem>>, vector<16xf32>,
      tpu.vector_store %arg6[%swap3A_65, %swap3A_66], %broadcast_in_dim3A_3 {strides = array<i32>} : memref<80x128xf32, #tpu.memory_space<vmem>>, vector<16xf32>,
    }
    %scan3A_7 = arith.constant 80 : i32
    %broadcast_in_dim3A_8 = arith.constant 1.000000e+00 : f32
    %broadcast_in_dim3A_9 = vector.broadcast %broadcast_in_dim3A_8 : f32 to vector<16xf32>
    %scan3A_10 = arith.constant 0 : i32
    %scan3A_11 = arith.constant 80 : i32
    %scan3A_12 = arith.addi %scan3A_10, %scan3A_11 : i32
    %scan3A_13 = arith.constant 1 : i32
    scf.for %scan3A_16 = %scan3A_10 to %scan3A_12 step %scan3A_13  : i32 {
      %mul3A_17 = arith.constant 1 : i32
      %mul3A_18 = arith.muli %scan3A_16, %mul3A_17 : i32
      %add3A_19 = arith.constant 0 : i32
      %add3A_20 = arith.addi %add3A_19, %mul3A_18 : i32
      %get3A = arith.index_cast %add3A_20 : i32 to index
      %get3A_21 = arith.constant 0 : index
      %get3A_22 = tpu.vector_load %arg4[%get3A, %get3A_21] {strides = array<i32>} : memref<80x128xi32, #tpu.memory_space<vmem>>, vector<16xi32>,
      %and3A = arith.constant 65535 : i32
      %and3A_23 = vector.broadcast %and3A : i32 to vector<16xi32>
      %and3A_24 = arith.andi %get3A_22, %and3A_23 : vector<16xi32>
      %shift_right_arithmetic3A = arith.constant 16 : i32
      %shift_right_arithmetic3A_25 = vector.broadcast %shift_right_arithmetic3A : i32 to vector<16xi32>
      %shift_right_arithmetic3A_26 = arith.shrsi %get3A_22, %shift_right_arithmetic3A_25 : vector<16xi32>
      %jit3A = arith.constant 128 : i32
      %div3A = vector.broadcast %jit3A : i32 to vector<16xi32>
      %div3A_27 = arith.divsi %and3A_24, %div3A : vector<16xi32>
      %sign3A = arith.constant 0 : i32
      %sign3A_28 = vector.broadcast %sign3A : i32 to vector<16xi32>
      %sign3A_29 = arith.cmpi sgt, %and3A_24, %sign3A_28 : vector<16xi32>
      %sign3A_30 = arith.extui %sign3A_29 : vector<16xi1> to vector<16xi32>
      %sign3A_31 = arith.constant 0 : i32
      %sign3A_32 = vector.broadcast %sign3A_31 : i32 to vector<16xi32>
      %sign3A_33 = arith.cmpi slt, %and3A_24, %sign3A_32 : vector<16xi32>
      %sign3A_34 = arith.extui %sign3A_33 : vector<16xi1> to vector<16xi32>
      %sign3A_35 = arith.subi %sign3A_30, %sign3A_34 : vector<16xi32>
      %sign3A_36 = arith.constant 0 : i32
      %sign3A_37 = arith.cmpi sgt, %jit3A, %sign3A_36 : i32
      %sign3A_38 = arith.extui %sign3A_37 : i1 to i32
      %sign3A_39 = arith.constant 0 : i32
      %sign3A_40 = arith.cmpi slt, %jit3A, %sign3A_39 : i32
      %sign3A_41 = arith.extui %sign3A_40 : i1 to i32
      %sign3A_42 = arith.subi %sign3A_38, %sign3A_41 : i32
      %ne3A = vector.broadcast %sign3A_42 : i32 to vector<16xi32>
      %ne3A_43 = arith.cmpi ne, %sign3A_35, %ne3A : vector<16xi32>
      %rem3A = vector.broadcast %jit3A : i32 to vector<16xi32>
      %rem3A_44 = arith.remsi %and3A_24, %rem3A : vector<16xi32>
      %ne3A_45 = arith.constant 0 : i32
      %ne3A_46 = vector.broadcast %ne3A_45 : i32 to vector<16xi32>
      %ne3A_47 = arith.cmpi ne, %rem3A_44, %ne3A_46 : vector<16xi32>
      %and3A_48 = arith.andi %ne3A_43, %ne3A_47 : vector<16xi1>
      %sub3A = arith.constant 1 : i32
      %sub3A_49 = vector.broadcast %sub3A : i32 to vector<16xi32>
      %sub3A_50 = arith.subi %div3A_27, %sub3A_49 : vector<16xi32>
      %select_n3A = arith.select %and3A_48, %sub3A_50, %div3A_27 : vector<16xi1>, vector<16xi32>
      %jit3A_51 = arith.constant 128 : i32
      %eq3A = arith.constant 0 : i32
      %eq3A_52 = arith.cmpi eq, %jit3A_51, %eq3A : i32
      %jit3A_53 = arith.constant 1 : i32
      %select_n3A_54 = arith.select %eq3A_52, %jit3A_53, %jit3A_51 : i32
      %rem3A_55 = vector.broadcast %select_n3A_54 : i32 to vector<16xi32>
      %rem3A_56 = arith.remsi %and3A_24, %rem3A_55 : vector<16xi32>
      %ne3A_57 = arith.constant 0 : i32
      %ne3A_58 = vector.broadcast %ne3A_57 : i32 to vector<16xi32>
      %ne3A_59 = arith.cmpi ne, %rem3A_56, %ne3A_58 : vector<16xi32>
      %lt3A = arith.constant 0 : i32
      %lt3A_60 = vector.broadcast %lt3A : i32 to vector<16xi32>
      %lt3A_61 = arith.cmpi slt, %rem3A_56, %lt3A_60 : vector<16xi32>
      %lt3A_62 = arith.constant 0 : i32
      %lt3A_63 = arith.cmpi slt, %select_n3A_54, %lt3A_62 : i32
      %ne3A_64 = vector.broadcast %lt3A_63 : i1 to vector<16xi1>
      %ne3A_65 = vector.broadcast %ne3A_64 : vector<16xi1> to vector<16xi1>
      %ne3A_66 = arith.xori %lt3A_61, %ne3A_65 : vector<16xi1>
      %and3A_67 = arith.andi %ne3A_66, %ne3A_59 : vector<16xi1>
      %add3A_68 = vector.broadcast %select_n3A_54 : i32 to vector<16xi32>
      %add3A_69 = arith.addi %rem3A_56, %add3A_68 : vector<16xi32>
      %select_n3A_70 = arith.select %and3A_67, %add3A_69, %rem3A_56 : vector<16xi1>, vector<16xi32>
      tpu.vector_store_idx %arg5[%select_n3A, %select_n3A_70], %broadcast_in_dim3A_9 {add = true} : memref<80x128xf32, #tpu.memory_space<vmem>>[vector<16xi32>, vector<16xi32>], vector<16xf32>,
      %jit3A_71 = arith.constant 128 : i32
      %div3A_72 = vector.broadcast %jit3A_71 : i32 to vector<16xi32>
      %div3A_73 = arith.divsi %shift_right_arithmetic3A_26, %div3A_72 : vector<16xi32>
      %sign3A_74 = arith.constant 0 : i32
      %sign3A_75 = vector.broadcast %sign3A_74 : i32 to vector<16xi32>
      %sign3A_76 = arith.cmpi sgt, %shift_right_arithmetic3A_26, %sign3A_75 : vector<16xi32>
      %sign3A_77 = arith.extui %sign3A_76 : vector<16xi1> to vector<16xi32>
      %sign3A_78 = arith.constant 0 : i32
      %sign3A_79 = vector.broadcast %sign3A_78 : i32 to vector<16xi32>
      %sign3A_80 = arith.cmpi slt, %shift_right_arithmetic3A_26, %sign3A_79 : vector<16xi32>
      %sign3A_81 = arith.extui %sign3A_80 : vector<16xi1> to vector<16xi32>
      %sign3A_82 = arith.subi %sign3A_77, %sign3A_81 : vector<16xi32>
      %sign3A_83 = arith.constant 0 : i32
      %sign3A_84 = arith.cmpi sgt, %jit3A_71, %sign3A_83 : i32
      %sign3A_85 = arith.extui %sign3A_84 : i1 to i32
      %sign3A_86 = arith.constant 0 : i32
      %sign3A_87 = arith.cmpi slt, %jit3A_71, %sign3A_86 : i32
      %sign3A_88 = arith.extui %sign3A_87 : i1 to i32
      %sign3A_89 = arith.subi %sign3A_85, %sign3A_88 : i32
      %ne3A_90 = vector.broadcast %sign3A_89 : i32 to vector<16xi32>
      %ne3A_91 = arith.cmpi ne, %sign3A_82, %ne3A_90 : vector<16xi32>
      %rem3A_92 = vector.broadcast %jit3A_71 : i32 to vector<16xi32>
      %rem3A_93 = arith.remsi %shift_right_arithmetic3A_26, %rem3A_92 : vector<16xi32>
      %ne3A_94 = arith.constant 0 : i32
      %ne3A_95 = vector.broadcast %ne3A_94 : i32 to vector<16xi32>
      %ne3A_96 = arith.cmpi ne, %rem3A_93, %ne3A_95 : vector<16xi32>
      %and3A_97 = arith.andi %ne3A_91, %ne3A_96 : vector<16xi1>
      %sub3A_98 = arith.constant 1 : i32
      %sub3A_99 = vector.broadcast %sub3A_98 : i32 to vector<16xi32>
      %sub3A_100 = arith.subi %div3A_73, %sub3A_99 : vector<16xi32>
      %select_n3A_101 = arith.select %and3A_97, %sub3A_100, %div3A_73 : vector<16xi1>, vector<16xi32>
      %jit3A_102 = arith.constant 128 : i32
      %eq3A_103 = arith.constant 0 : i32
      %eq3A_104 = arith.cmpi eq, %jit3A_102, %eq3A_103 : i32
      %jit3A_105 = arith.constant 1 : i32
      %select_n3A_106 = arith.select %eq3A_104, %jit3A_105, %jit3A_102 : i32
      %rem3A_107 = vector.broadcast %select_n3A_106 : i32 to vector<16xi32>
      %rem3A_108 = arith.remsi %shift_right_arithmetic3A_26, %rem3A_107 : vector<16xi32>
      %ne3A_109 = arith.constant 0 : i32
      %ne3A_110 = vector.broadcast %ne3A_109 : i32 to vector<16xi32>
      %ne3A_111 = arith.cmpi ne, %rem3A_108, %ne3A_110 : vector<16xi32>
      %lt3A_112 = arith.constant 0 : i32
      %lt3A_113 = vector.broadcast %lt3A_112 : i32 to vector<16xi32>
      %lt3A_114 = arith.cmpi slt, %rem3A_108, %lt3A_113 : vector<16xi32>
      %lt3A_115 = arith.constant 0 : i32
      %lt3A_116 = arith.cmpi slt, %select_n3A_106, %lt3A_115 : i32
      %ne3A_117 = vector.broadcast %lt3A_116 : i1 to vector<16xi1>
      %ne3A_118 = vector.broadcast %ne3A_117 : vector<16xi1> to vector<16xi1>
      %ne3A_119 = arith.xori %lt3A_114, %ne3A_118 : vector<16xi1>
      %and3A_120 = arith.andi %ne3A_119, %ne3A_111 : vector<16xi1>
      %add3A_121 = vector.broadcast %select_n3A_106 : i32 to vector<16xi32>
      %add3A_122 = arith.addi %rem3A_108, %add3A_121 : vector<16xi32>
      %select_n3A_123 = arith.select %and3A_120, %add3A_122, %rem3A_108 : vector<16xi1>, vector<16xi32>
      tpu.vector_store_idx %arg6[%select_n3A_101, %select_n3A_123], %broadcast_in_dim3A_9 {add = true} : memref<80x128xf32, #tpu.memory_space<vmem>>[vector<16xi32>, vector<16xi32>], vector<16xf32>,
      %get3A_124 = arith.index_cast %add3A_20 : i32 to index
      %get3A_125 = arith.constant 16 : index
      %get3A_126 = tpu.vector_load %arg4[%get3A_124, %get3A_125] {strides = array<i32>} : memref<80x128xi32, #tpu.memory_space<vmem>>, vector<16xi32>,
      %and3A_127 = arith.constant 65535 : i32
      %and3A_128 = vector.broadcast %and3A_127 : i32 to vector<16xi32>
      %and3A_129 = arith.andi %get3A_126, %and3A_128 : vector<16xi32>
      %shift_right_arithmetic3A_130 = arith.constant 16 : i32
      %shift_right_arithmetic3A_131 = vector.broadcast %shift_right_arithmetic3A_130 : i32 to vector<16xi32>
      %shift_right_arithmetic3A_132 = arith.shrsi %get3A_126, %shift_right_arithmetic3A_131 : vector<16xi32>
      %jit3A_133 = arith.constant 128 : i32
      %div3A_134 = vector.broadcast %jit3A_133 : i32 to vector<16xi32>
      %div3A_135 = arith.divsi %and3A_129, %div3A_134 : vector<16xi32>
      %sign3A_136 = arith.constant 0 : i32
      %sign3A_137 = vector.broadcast %sign3A_136 : i32 to vector<16xi32>
      %sign3A_138 = arith.cmpi sgt, %and3A_129, %sign3A_137 : vector<16xi32>
      %sign3A_139 = arith.extui %sign3A_138 : vector<16xi1> to vector<16xi32>
      %sign3A_140 = arith.constant 0 : i32
      %sign3A_141 = vector.broadcast %sign3A_140 : i32 to vector<16xi32>
      %sign3A_142 = arith.cmpi slt, %and3A_129, %sign3A_141 : vector<16xi32>
      %sign3A_143 = arith.extui %sign3A_142 : vector<16xi1> to vector<16xi32>
      %sign3A_144 = arith.subi %sign3A_139, %sign3A_143 : vector<16xi32>
      %sign3A_145 = arith.constant 0 : i32
      %sign3A_146 = arith.cmpi sgt, %jit3A_133, %sign3A_145 : i32
      %sign3A_147 = arith.extui %sign3A_146 : i1 to i32
      %sign3A_148 = arith.constant 0 : i32
      %sign3A_149 = arith.cmpi slt, %jit3A_133, %sign3A_148 : i32
      %sign3A_150 = arith.extui %sign3A_149 : i1 to i32
      %sign3A_151 = arith.subi %sign3A_147, %sign3A_150 : i32
      %ne3A_152 = vector.broadcast %sign3A_151 : i32 to vector<16xi32>
      %ne3A_153 = arith.cmpi ne, %sign3A_144, %ne3A_152 : vector<16xi32>
      %rem3A_154 = vector.broadcast %jit3A_133 : i32 to vector<16xi32>
      %rem3A_155 = arith.remsi %and3A_129, %rem3A_154 : vector<16xi32>
      %ne3A_156 = arith.constant 0 : i32
      %ne3A_157 = vector.broadcast %ne3A_156 : i32 to vector<16xi32>
      %ne3A_158 = arith.cmpi ne, %rem3A_155, %ne3A_157 : vector<16xi32>
      %and3A_159 = arith.andi %ne3A_153, %ne3A_158 : vector<16xi1>
      %sub3A_160 = arith.constant 1 : i32
      %sub3A_161 = vector.broadcast %sub3A_160 : i32 to vector<16xi32>
      %sub3A_162 = arith.subi %div3A_135, %sub3A_161 : vector<16xi32>
      %select_n3A_163 = arith.select %and3A_159, %sub3A_162, %div3A_135 : vector<16xi1>, vector<16xi32>
      %jit3A_164 = arith.constant 128 : i32
      %eq3A_165 = arith.constant 0 : i32
      %eq3A_166 = arith.cmpi eq, %jit3A_164, %eq3A_165 : i32
      %jit3A_167 = arith.constant 1 : i32
      %select_n3A_168 = arith.select %eq3A_166, %jit3A_167, %jit3A_164 : i32
      %rem3A_169 = vector.broadcast %select_n3A_168 : i32 to vector<16xi32>
      %rem3A_170 = arith.remsi %and3A_129, %rem3A_169 : vector<16xi32>
      %ne3A_171 = arith.constant 0 : i32
      %ne3A_172 = vector.broadcast %ne3A_171 : i32 to vector<16xi32>
      %ne3A_173 = arith.cmpi ne, %rem3A_170, %ne3A_172 : vector<16xi32>
      %lt3A_174 = arith.constant 0 : i32
      %lt3A_175 = vector.broadcast %lt3A_174 : i32 to vector<16xi32>
      %lt3A_176 = arith.cmpi slt, %rem3A_170, %lt3A_175 : vector<16xi32>
      %lt3A_177 = arith.constant 0 : i32
      %lt3A_178 = arith.cmpi slt, %select_n3A_168, %lt3A_177 : i32
      %ne3A_179 = vector.broadcast %lt3A_178 : i1 to vector<16xi1>
      %ne3A_180 = vector.broadcast %ne3A_179 : vector<16xi1> to vector<16xi1>
      %ne3A_181 = arith.xori %lt3A_176, %ne3A_180 : vector<16xi1>
      %and3A_182 = arith.andi %ne3A_181, %ne3A_173 : vector<16xi1>
      %add3A_183 = vector.broadcast %select_n3A_168 : i32 to vector<16xi32>
      %add3A_184 = arith.addi %rem3A_170, %add3A_183 : vector<16xi32>
      %select_n3A_185 = arith.select %and3A_182, %add3A_184, %rem3A_170 : vector<16xi1>, vector<16xi32>
      tpu.vector_store_idx %arg5[%select_n3A_163, %select_n3A_185], %broadcast_in_dim3A_9 {add = true} : memref<80x128xf32, #tpu.memory_space<vmem>>[vector<16xi32>, vector<16xi32>], vector<16xf32>,
      %jit3A_186 = arith.constant 128 : i32
      %div3A_187 = vector.broadcast %jit3A_186 : i32 to vector<16xi32>
      %div3A_188 = arith.divsi %shift_right_arithmetic3A_132, %div3A_187 : vector<16xi32>
      %sign3A_189 = arith.constant 0 : i32
      %sign3A_190 = vector.broadcast %sign3A_189 : i32 to vector<16xi32>
      %sign3A_191 = arith.cmpi sgt, %shift_right_arithmetic3A_132, %sign3A_190 : vector<16xi32>
      %sign3A_192 = arith.extui %sign3A_191 : vector<16xi1> to vector<16xi32>
      %sign3A_193 = arith.constant 0 : i32
      %sign3A_194 = vector.broadcast %sign3A_193 : i32 to vector<16xi32>
      %sign3A_195 = arith.cmpi slt, %shift_right_arithmetic3A_132, %sign3A_194 : vector<16xi32>
      %sign3A_196 = arith.extui %sign3A_195 : vector<16xi1> to vector<16xi32>
      %sign3A_197 = arith.subi %sign3A_192, %sign3A_196 : vector<16xi32>
      %sign3A_198 = arith.constant 0 : i32
      %sign3A_199 = arith.cmpi sgt, %jit3A_186, %sign3A_198 : i32
      %sign3A_200 = arith.extui %sign3A_199 : i1 to i32
      %sign3A_201 = arith.constant 0 : i32
      %sign3A_202 = arith.cmpi slt, %jit3A_186, %sign3A_201 : i32
      %sign3A_203 = arith.extui %sign3A_202 : i1 to i32
      %sign3A_204 = arith.subi %sign3A_200, %sign3A_203 : i32
      %ne3A_205 = vector.broadcast %sign3A_204 : i32 to vector<16xi32>
      %ne3A_206 = arith.cmpi ne, %sign3A_197, %ne3A_205 : vector<16xi32>
      %rem3A_207 = vector.broadcast %jit3A_186 : i32 to vector<16xi32>
      %rem3A_208 = arith.remsi %shift_right_arithmetic3A_132, %rem3A_207 : vector<16xi32>
      %ne3A_209 = arith.constant 0 : i32
      %ne3A_210 = vector.broadcast %ne3A_209 : i32 to vector<16xi32>
      %ne3A_211 = arith.cmpi ne, %rem3A_208, %ne3A_210 : vector<16xi32>
      %and3A_212 = arith.andi %ne3A_206, %ne3A_211 : vector<16xi1>
      %sub3A_213 = arith.constant 1 : i32
      %sub3A_214 = vector.broadcast %sub3A_213 : i32 to vector<16xi32>
      %sub3A_215 = arith.subi %div3A_188, %sub3A_214 : vector<16xi32>
      %select_n3A_216 = arith.select %and3A_212, %sub3A_215, %div3A_188 : vector<16xi1>, vector<16xi32>
      %jit3A_217 = arith.constant 128 : i32
      %eq3A_218 = arith.constant 0 : i32
      %eq3A_219 = arith.cmpi eq, %jit3A_217, %eq3A_218 : i32
      %jit3A_220 = arith.constant 1 : i32
      %select_n3A_221 = arith.select %eq3A_219, %jit3A_220, %jit3A_217 : i32
      %rem3A_222 = vector.broadcast %select_n3A_221 : i32 to vector<16xi32>
      %rem3A_223 = arith.remsi %shift_right_arithmetic3A_132, %rem3A_222 : vector<16xi32>
      %ne3A_224 = arith.constant 0 : i32
      %ne3A_225 = vector.broadcast %ne3A_224 : i32 to vector<16xi32>
      %ne3A_226 = arith.cmpi ne, %rem3A_223, %ne3A_225 : vector<16xi32>
      %lt3A_227 = arith.constant 0 : i32
      %lt3A_228 = vector.broadcast %lt3A_227 : i32 to vector<16xi32>
      %lt3A_229 = arith.cmpi slt, %rem3A_223, %lt3A_228 : vector<16xi32>
      %lt3A_230 = arith.constant 0 : i32
      %lt3A_231 = arith.cmpi slt, %select_n3A_221, %lt3A_230 : i32
      %ne3A_232 = vector.broadcast %lt3A_231 : i1 to vector<16xi1>
      %ne3A_233 = vector.broadcast %ne3A_232 : vector<16xi1> to vector<16xi1>
      %ne3A_234 = arith.xori %lt3A_229, %ne3A_233 : vector<16xi1>
      %and3A_235 = arith.andi %ne3A_234, %ne3A_226 : vector<16xi1>
      %add3A_236 = vector.broadcast %select_n3A_221 : i32 to vector<16xi32>
      %add3A_237 = arith.addi %rem3A_223, %add3A_236 : vector<16xi32>
      %select_n3A_238 = arith.select %and3A_235, %add3A_237, %rem3A_223 : vector<16xi1>, vector<16xi32>
      tpu.vector_store_idx %arg6[%select_n3A_216, %select_n3A_238], %broadcast_in_dim3A_9 {add = true} : memref<80x128xf32, #tpu.memory_space<vmem>>[vector<16xi32>, vector<16xi32>], vector<16xf32>,
      %get3A_239 = arith.index_cast %add3A_20 : i32 to index
      %get3A_240 = arith.constant 32 : index
      %get3A_241 = tpu.vector_load %arg4[%get3A_239, %get3A_240] {strides = array<i32>} : memref<80x128xi32, #tpu.memory_space<vmem>>, vector<16xi32>,
      %and3A_242 = arith.constant 65535 : i32
      %and3A_243 = vector.broadcast %and3A_242 : i32 to vector<16xi32>
      %and3A_244 = arith.andi %get3A_241, %and3A_243 : vector<16xi32>
      %shift_right_arithmetic3A_245 = arith.constant 16 : i32
      %shift_right_arithmetic3A_246 = vector.broadcast %shift_right_arithmetic3A_245 : i32 to vector<16xi32>
      %shift_right_arithmetic3A_247 = arith.shrsi %get3A_241, %shift_right_arithmetic3A_246 : vector<16xi32>
      %jit3A_248 = arith.constant 128 : i32
      %div3A_249 = vector.broadcast %jit3A_248 : i32 to vector<16xi32>
      %div3A_250 = arith.divsi %and3A_244, %div3A_249 : vector<16xi32>
      %sign3A_251 = arith.constant 0 : i32
      %sign3A_252 = vector.broadcast %sign3A_251 : i32 to vector<16xi32>
      %sign3A_253 = arith.cmpi sgt, %and3A_244, %sign3A_252 : vector<16xi32>
      %sign3A_254 = arith.extui %sign3A_253 : vector<16xi1> to vector<16xi32>
      %sign3A_255 = arith.constant 0 : i32
      %sign3A_256 = vector.broadcast %sign3A_255 : i32 to vector<16xi32>
      %sign3A_257 = arith.cmpi slt, %and3A_244, %sign3A_256 : vector<16xi32>
      %sign3A_258 = arith.extui %sign3A_257 : vector<16xi1> to vector<16xi32>
      %sign3A_259 = arith.subi %sign3A_254, %sign3A_258 : vector<16xi32>
      %sign3A_260 = arith.constant 0 : i32
      %sign3A_261 = arith.cmpi sgt, %jit3A_248, %sign3A_260 : i32
      %sign3A_262 = arith.extui %sign3A_261 : i1 to i32
      %sign3A_263 = arith.constant 0 : i32
      %sign3A_264 = arith.cmpi slt, %jit3A_248, %sign3A_263 : i32
      %sign3A_265 = arith.extui %sign3A_264 : i1 to i32
      %sign3A_266 = arith.subi %sign3A_262, %sign3A_265 : i32
      %ne3A_267 = vector.broadcast %sign3A_266 : i32 to vector<16xi32>
      %ne3A_268 = arith.cmpi ne, %sign3A_259, %ne3A_267 : vector<16xi32>
      %rem3A_269 = vector.broadcast %jit3A_248 : i32 to vector<16xi32>
      %rem3A_270 = arith.remsi %and3A_244, %rem3A_269 : vector<16xi32>
      %ne3A_271 = arith.constant 0 : i32
      %ne3A_272 = vector.broadcast %ne3A_271 : i32 to vector<16xi32>
      %ne3A_273 = arith.cmpi ne, %rem3A_270, %ne3A_272 : vector<16xi32>
      %and3A_274 = arith.andi %ne3A_268, %ne3A_273 : vector<16xi1>
      %sub3A_275 = arith.constant 1 : i32
      %sub3A_276 = vector.broadcast %sub3A_275 : i32 to vector<16xi32>
      %sub3A_277 = arith.subi %div3A_250, %sub3A_276 : vector<16xi32>
      %select_n3A_278 = arith.select %and3A_274, %sub3A_277, %div3A_250 : vector<16xi1>, vector<16xi32>
      %jit3A_279 = arith.constant 128 : i32
      %eq3A_280 = arith.constant 0 : i32
      %eq3A_281 = arith.cmpi eq, %jit3A_279, %eq3A_280 : i32
      %jit3A_282 = arith.constant 1 : i32
      %select_n3A_283 = arith.select %eq3A_281, %jit3A_282, %jit3A_279 : i32
      %rem3A_284 = vector.broadcast %select_n3A_283 : i32 to vector<16xi32>
      %rem3A_285 = arith.remsi %and3A_244, %rem3A_284 : vector<16xi32>
      %ne3A_286 = arith.constant 0 : i32
      %ne3A_287 = vector.broadcast %ne3A_286 : i32 to vector<16xi32>
      %ne3A_288 = arith.cmpi ne, %rem3A_285, %ne3A_287 : vector<16xi32>
      %lt3A_289 = arith.constant 0 : i32
      %lt3A_290 = vector.broadcast %lt3A_289 : i32 to vector<16xi32>
      %lt3A_291 = arith.cmpi slt, %rem3A_285, %lt3A_290 : vector<16xi32>
      %lt3A_292 = arith.constant 0 : i32
      %lt3A_293 = arith.cmpi slt, %select_n3A_283, %lt3A_292 : i32
      %ne3A_294 = vector.broadcast %lt3A_293 : i1 to vector<16xi1>
      %ne3A_295 = vector.broadcast %ne3A_294 : vector<16xi1> to vector<16xi1>
      %ne3A_296 = arith.xori %lt3A_291, %ne3A_295 : vector<16xi1>
      %and3A_297 = arith.andi %ne3A_296, %ne3A_288 : vector<16xi1>
      %add3A_298 = vector.broadcast %select_n3A_283 : i32 to vector<16xi32>
      %add3A_299 = arith.addi %rem3A_285, %add3A_298 : vector<16xi32>
      %select_n3A_300 = arith.select %and3A_297, %add3A_299, %rem3A_285 : vector<16xi1>, vector<16xi32>
      tpu.vector_store_idx %arg5[%select_n3A_278, %select_n3A_300], %broadcast_in_dim3A_9 {add = true} : memref<80x128xf32, #tpu.memory_space<vmem>>[vector<16xi32>, vector<16xi32>], vector<16xf32>,
      %jit3A_301 = arith.constant 128 : i32
      %div3A_302 = vector.broadcast %jit3A_301 : i32 to vector<16xi32>
      %div3A_303 = arith.divsi %shift_right_arithmetic3A_247, %div3A_302 : vector<16xi32>
      %sign3A_304 = arith.constant 0 : i32
      %sign3A_305 = vector.broadcast %sign3A_304 : i32 to vector<16xi32>
      %sign3A_306 = arith.cmpi sgt, %shift_right_arithmetic3A_247, %sign3A_305 : vector<16xi32>
      %sign3A_307 = arith.extui %sign3A_306 : vector<16xi1> to vector<16xi32>
      %sign3A_308 = arith.constant 0 : i32
      %sign3A_309 = vector.broadcast %sign3A_308 : i32 to vector<16xi32>
      %sign3A_310 = arith.cmpi slt, %shift_right_arithmetic3A_247, %sign3A_309 : vector<16xi32>
      %sign3A_311 = arith.extui %sign3A_310 : vector<16xi1> to vector<16xi32>
      %sign3A_312 = arith.subi %sign3A_307, %sign3A_311 : vector<16xi32>
      %sign3A_313 = arith.constant 0 : i32
      %sign3A_314 = arith.cmpi sgt, %jit3A_301, %sign3A_313 : i32
      %sign3A_315 = arith.extui %sign3A_314 : i1 to i32
      %sign3A_316 = arith.constant 0 : i32
      %sign3A_317 = arith.cmpi slt, %jit3A_301, %sign3A_316 : i32
      %sign3A_318 = arith.extui %sign3A_317 : i1 to i32
      %sign3A_319 = arith.subi %sign3A_315, %sign3A_318 : i32
      %ne3A_320 = vector.broadcast %sign3A_319 : i32 to vector<16xi32>
      %ne3A_321 = arith.cmpi ne, %sign3A_312, %ne3A_320 : vector<16xi32>
      %rem3A_322 = vector.broadcast %jit3A_301 : i32 to vector<16xi32>
      %rem3A_323 = arith.remsi %shift_right_arithmetic3A_247, %rem3A_322 : vector<16xi32>
      %ne3A_324 = arith.constant 0 : i32
      %ne3A_325 = vector.broadcast %ne3A_324 : i32 to vector<16xi32>
      %ne3A_326 = arith.cmpi ne, %rem3A_323, %ne3A_325 : vector<16xi32>
      %and3A_327 = arith.andi %ne3A_321, %ne3A_326 : vector<16xi1>
      %sub3A_328 = arith.constant 1 : i32
      %sub3A_329 = vector.broadcast %sub3A_328 : i32 to vector<16xi32>
      %sub3A_330 = arith.subi %div3A_303, %sub3A_329 : vector<16xi32>
      %select_n3A_331 = arith.select %and3A_327, %sub3A_330, %div3A_303 : vector<16xi1>, vector<16xi32>
      %jit3A_332 = arith.constant 128 : i32
      %eq3A_333 = arith.constant 0 : i32
      %eq3A_334 = arith.cmpi eq, %jit3A_332, %eq3A_333 : i32
      %jit3A_335 = arith.constant 1 : i32
      %select_n3A_336 = arith.select %eq3A_334, %jit3A_335, %jit3A_332 : i32
      %rem3A_337 = vector.broadcast %select_n3A_336 : i32 to vector<16xi32>
      %rem3A_338 = arith.remsi %shift_right_arithmetic3A_247, %rem3A_337 : vector<16xi32>
      %ne3A_339 = arith.constant 0 : i32
      %ne3A_340 = vector.broadcast %ne3A_339 : i32 to vector<16xi32>
      %ne3A_341 = arith.cmpi ne, %rem3A_338, %ne3A_340 : vector<16xi32>
      %lt3A_342 = arith.constant 0 : i32
      %lt3A_343 = vector.broadcast %lt3A_342 : i32 to vector<16xi32>
      %lt3A_344 = arith.cmpi slt, %rem3A_338, %lt3A_343 : vector<16xi32>
      %lt3A_345 = arith.constant 0 : i32
      %lt3A_346 = arith.cmpi slt, %select_n3A_336, %lt3A_345 : i32
      %ne3A_347 = vector.broadcast %lt3A_346 : i1 to vector<16xi1>
      %ne3A_348 = vector.broadcast %ne3A_347 : vector<16xi1> to vector<16xi1>
      %ne3A_349 = arith.xori %lt3A_344, %ne3A_348 : vector<16xi1>
      %and3A_350 = arith.andi %ne3A_349, %ne3A_341 : vector<16xi1>
      %add3A_351 = vector.broadcast %select_n3A_336 : i32 to vector<16xi32>
      %add3A_352 = arith.addi %rem3A_338, %add3A_351 : vector<16xi32>
      %select_n3A_353 = arith.select %and3A_350, %add3A_352, %rem3A_338 : vector<16xi1>, vector<16xi32>
      tpu.vector_store_idx %arg6[%select_n3A_331, %select_n3A_353], %broadcast_in_dim3A_9 {add = true} : memref<80x128xf32, #tpu.memory_space<vmem>>[vector<16xi32>, vector<16xi32>], vector<16xf32>,
      %get3A_354 = arith.index_cast %add3A_20 : i32 to index
      %get3A_355 = arith.constant 48 : index
      %get3A_356 = tpu.vector_load %arg4[%get3A_354, %get3A_355] {strides = array<i32>} : memref<80x128xi32, #tpu.memory_space<vmem>>, vector<16xi32>,
      %and3A_357 = arith.constant 65535 : i32
      %and3A_358 = vector.broadcast %and3A_357 : i32 to vector<16xi32>
      %and3A_359 = arith.andi %get3A_356, %and3A_358 : vector<16xi32>
      %shift_right_arithmetic3A_360 = arith.constant 16 : i32
      %shift_right_arithmetic3A_361 = vector.broadcast %shift_right_arithmetic3A_360 : i32 to vector<16xi32>
      %shift_right_arithmetic3A_362 = arith.shrsi %get3A_356, %shift_right_arithmetic3A_361 : vector<16xi32>
      %jit3A_363 = arith.constant 128 : i32
      %div3A_364 = vector.broadcast %jit3A_363 : i32 to vector<16xi32>
      %div3A_365 = arith.divsi %and3A_359, %div3A_364 : vector<16xi32>
      %sign3A_366 = arith.constant 0 : i32
      %sign3A_367 = vector.broadcast %sign3A_366 : i32 to vector<16xi32>
      %sign3A_368 = arith.cmpi sgt, %and3A_359, %sign3A_367 : vector<16xi32>
      %sign3A_369 = arith.extui %sign3A_368 : vector<16xi1> to vector<16xi32>
      %sign3A_370 = arith.constant 0 : i32
      %sign3A_371 = vector.broadcast %sign3A_370 : i32 to vector<16xi32>
      %sign3A_372 = arith.cmpi slt, %and3A_359, %sign3A_371 : vector<16xi32>
      %sign3A_373 = arith.extui %sign3A_372 : vector<16xi1> to vector<16xi32>
      %sign3A_374 = arith.subi %sign3A_369, %sign3A_373 : vector<16xi32>
      %sign3A_375 = arith.constant 0 : i32
      %sign3A_376 = arith.cmpi sgt, %jit3A_363, %sign3A_375 : i32
      %sign3A_377 = arith.extui %sign3A_376 : i1 to i32
      %sign3A_378 = arith.constant 0 : i32
      %sign3A_379 = arith.cmpi slt, %jit3A_363, %sign3A_378 : i32
      %sign3A_380 = arith.extui %sign3A_379 : i1 to i32
      %sign3A_381 = arith.subi %sign3A_377, %sign3A_380 : i32
      %ne3A_382 = vector.broadcast %sign3A_381 : i32 to vector<16xi32>
      %ne3A_383 = arith.cmpi ne, %sign3A_374, %ne3A_382 : vector<16xi32>
      %rem3A_384 = vector.broadcast %jit3A_363 : i32 to vector<16xi32>
      %rem3A_385 = arith.remsi %and3A_359, %rem3A_384 : vector<16xi32>
      %ne3A_386 = arith.constant 0 : i32
      %ne3A_387 = vector.broadcast %ne3A_386 : i32 to vector<16xi32>
      %ne3A_388 = arith.cmpi ne, %rem3A_385, %ne3A_387 : vector<16xi32>
      %and3A_389 = arith.andi %ne3A_383, %ne3A_388 : vector<16xi1>
      %sub3A_390 = arith.constant 1 : i32
      %sub3A_391 = vector.broadcast %sub3A_390 : i32 to vector<16xi32>
      %sub3A_392 = arith.subi %div3A_365, %sub3A_391 : vector<16xi32>
      %select_n3A_393 = arith.select %and3A_389, %sub3A_392, %div3A_365 : vector<16xi1>, vector<16xi32>
      %jit3A_394 = arith.constant 128 : i32
      %eq3A_395 = arith.constant 0 : i32
      %eq3A_396 = arith.cmpi eq, %jit3A_394, %eq3A_395 : i32
      %jit3A_397 = arith.constant 1 : i32
      %select_n3A_398 = arith.select %eq3A_396, %jit3A_397, %jit3A_394 : i32
      %rem3A_399 = vector.broadcast %select_n3A_398 : i32 to vector<16xi32>
      %rem3A_400 = arith.remsi %and3A_359, %rem3A_399 : vector<16xi32>
      %ne3A_401 = arith.constant 0 : i32
      %ne3A_402 = vector.broadcast %ne3A_401 : i32 to vector<16xi32>
      %ne3A_403 = arith.cmpi ne, %rem3A_400, %ne3A_402 : vector<16xi32>
      %lt3A_404 = arith.constant 0 : i32
      %lt3A_405 = vector.broadcast %lt3A_404 : i32 to vector<16xi32>
      %lt3A_406 = arith.cmpi slt, %rem3A_400, %lt3A_405 : vector<16xi32>
      %lt3A_407 = arith.constant 0 : i32
      %lt3A_408 = arith.cmpi slt, %select_n3A_398, %lt3A_407 : i32
      %ne3A_409 = vector.broadcast %lt3A_408 : i1 to vector<16xi1>
      %ne3A_410 = vector.broadcast %ne3A_409 : vector<16xi1> to vector<16xi1>
      %ne3A_411 = arith.xori %lt3A_406, %ne3A_410 : vector<16xi1>
      %and3A_412 = arith.andi %ne3A_411, %ne3A_403 : vector<16xi1>
      %add3A_413 = vector.broadcast %select_n3A_398 : i32 to vector<16xi32>
      %add3A_414 = arith.addi %rem3A_400, %add3A_413 : vector<16xi32>
      %select_n3A_415 = arith.select %and3A_412, %add3A_414, %rem3A_400 : vector<16xi1>, vector<16xi32>
      tpu.vector_store_idx %arg5[%select_n3A_393, %select_n3A_415], %broadcast_in_dim3A_9 {add = true} : memref<80x128xf32, #tpu.memory_space<vmem>>[vector<16xi32>, vector<16xi32>], vector<16xf32>,
      %jit3A_416 = arith.constant 128 : i32
      %div3A_417 = vector.broadcast %jit3A_416 : i32 to vector<16xi32>
      %div3A_418 = arith.divsi %shift_right_arithmetic3A_362, %div3A_417 : vector<16xi32>
      %sign3A_419 = arith.constant 0 : i32
      %sign3A_420 = vector.broadcast %sign3A_419 : i32 to vector<16xi32>
      %sign3A_421 = arith.cmpi sgt, %shift_right_arithmetic3A_362, %sign3A_420 : vector<16xi32>
      %sign3A_422 = arith.extui %sign3A_421 : vector<16xi1> to vector<16xi32>
      %sign3A_423 = arith.constant 0 : i32
      %sign3A_424 = vector.broadcast %sign3A_423 : i32 to vector<16xi32>
      %sign3A_425 = arith.cmpi slt, %shift_right_arithmetic3A_362, %sign3A_424 : vector<16xi32>
      %sign3A_426 = arith.extui %sign3A_425 : vector<16xi1> to vector<16xi32>
      %sign3A_427 = arith.subi %sign3A_422, %sign3A_426 : vector<16xi32>
      %sign3A_428 = arith.constant 0 : i32
      %sign3A_429 = arith.cmpi sgt, %jit3A_416, %sign3A_428 : i32
      %sign3A_430 = arith.extui %sign3A_429 : i1 to i32
      %sign3A_431 = arith.constant 0 : i32
      %sign3A_432 = arith.cmpi slt, %jit3A_416, %sign3A_431 : i32
      %sign3A_433 = arith.extui %sign3A_432 : i1 to i32
      %sign3A_434 = arith.subi %sign3A_430, %sign3A_433 : i32
      %ne3A_435 = vector.broadcast %sign3A_434 : i32 to vector<16xi32>
      %ne3A_436 = arith.cmpi ne, %sign3A_427, %ne3A_435 : vector<16xi32>
      %rem3A_437 = vector.broadcast %jit3A_416 : i32 to vector<16xi32>
      %rem3A_438 = arith.remsi %shift_right_arithmetic3A_362, %rem3A_437 : vector<16xi32>
      %ne3A_439 = arith.constant 0 : i32
      %ne3A_440 = vector.broadcast %ne3A_439 : i32 to vector<16xi32>
      %ne3A_441 = arith.cmpi ne, %rem3A_438, %ne3A_440 : vector<16xi32>
      %and3A_442 = arith.andi %ne3A_436, %ne3A_441 : vector<16xi1>
      %sub3A_443 = arith.constant 1 : i32
      %sub3A_444 = vector.broadcast %sub3A_443 : i32 to vector<16xi32>
      %sub3A_445 = arith.subi %div3A_418, %sub3A_444 : vector<16xi32>
      %select_n3A_446 = arith.select %and3A_442, %sub3A_445, %div3A_418 : vector<16xi1>, vector<16xi32>
      %jit3A_447 = arith.constant 128 : i32
      %eq3A_448 = arith.constant 0 : i32
      %eq3A_449 = arith.cmpi eq, %jit3A_447, %eq3A_448 : i32
      %jit3A_450 = arith.constant 1 : i32
      %select_n3A_451 = arith.select %eq3A_449, %jit3A_450, %jit3A_447 : i32
      %rem3A_452 = vector.broadcast %select_n3A_451 : i32 to vector<16xi32>
      %rem3A_453 = arith.remsi %shift_right_arithmetic3A_362, %rem3A_452 : vector<16xi32>
      %ne3A_454 = arith.constant 0 : i32
      %ne3A_455 = vector.broadcast %ne3A_454 : i32 to vector<16xi32>
      %ne3A_456 = arith.cmpi ne, %rem3A_453, %ne3A_455 : vector<16xi32>
      %lt3A_457 = arith.constant 0 : i32
      %lt3A_458 = vector.broadcast %lt3A_457 : i32 to vector<16xi32>
      %lt3A_459 = arith.cmpi slt, %rem3A_453, %lt3A_458 : vector<16xi32>
      %lt3A_460 = arith.constant 0 : i32
      %lt3A_461 = arith.cmpi slt, %select_n3A_451, %lt3A_460 : i32
      %ne3A_462 = vector.broadcast %lt3A_461 : i1 to vector<16xi1>
      %ne3A_463 = vector.broadcast %ne3A_462 : vector<16xi1> to vector<16xi1>
      %ne3A_464 = arith.xori %lt3A_459, %ne3A_463 : vector<16xi1>
      %and3A_465 = arith.andi %ne3A_464, %ne3A_456 : vector<16xi1>
      %add3A_466 = vector.broadcast %select_n3A_451 : i32 to vector<16xi32>
      %add3A_467 = arith.addi %rem3A_453, %add3A_466 : vector<16xi32>
      %select_n3A_468 = arith.select %and3A_465, %add3A_467, %rem3A_453 : vector<16xi1>, vector<16xi32>
      tpu.vector_store_idx %arg6[%select_n3A_446, %select_n3A_468], %broadcast_in_dim3A_9 {add = true} : memref<80x128xf32, #tpu.memory_space<vmem>>[vector<16xi32>, vector<16xi32>], vector<16xf32>,
      %get3A_469 = arith.index_cast %add3A_20 : i32 to index
      %get3A_470 = arith.constant 64 : index
      %get3A_471 = tpu.vector_load %arg4[%get3A_469, %get3A_470] {strides = array<i32>} : memref<80x128xi32, #tpu.memory_space<vmem>>, vector<16xi32>,
      %and3A_472 = arith.constant 65535 : i32
      %and3A_473 = vector.broadcast %and3A_472 : i32 to vector<16xi32>
      %and3A_474 = arith.andi %get3A_471, %and3A_473 : vector<16xi32>
      %shift_right_arithmetic3A_475 = arith.constant 16 : i32
      %shift_right_arithmetic3A_476 = vector.broadcast %shift_right_arithmetic3A_475 : i32 to vector<16xi32>
      %shift_right_arithmetic3A_477 = arith.shrsi %get3A_471, %shift_right_arithmetic3A_476 : vector<16xi32>
      %jit3A_478 = arith.constant 128 : i32
      %div3A_479 = vector.broadcast %jit3A_478 : i32 to vector<16xi32>
      %div3A_480 = arith.divsi %and3A_474, %div3A_479 : vector<16xi32>
      %sign3A_481 = arith.constant 0 : i32
      %sign3A_482 = vector.broadcast %sign3A_481 : i32 to vector<16xi32>
      %sign3A_483 = arith.cmpi sgt, %and3A_474, %sign3A_482 : vector<16xi32>
      %sign3A_484 = arith.extui %sign3A_483 : vector<16xi1> to vector<16xi32>
      %sign3A_485 = arith.constant 0 : i32
      %sign3A_486 = vector.broadcast %sign3A_485 : i32 to vector<16xi32>
      %sign3A_487 = arith.cmpi slt, %and3A_474, %sign3A_486 : vector<16xi32>
      %sign3A_488 = arith.extui %sign3A_487 : vector<16xi1> to vector<16xi32>
      %sign3A_489 = arith.subi %sign3A_484, %sign3A_488 : vector<16xi32>
      %sign3A_490 = arith.constant 0 : i32
      %sign3A_491 = arith.cmpi sgt, %jit3A_478, %sign3A_490 : i32
      %sign3A_492 = arith.extui %sign3A_491 : i1 to i32
      %sign3A_493 = arith.constant 0 : i32
      %sign3A_494 = arith.cmpi slt, %jit3A_478, %sign3A_493 : i32
      %sign3A_495 = arith.extui %sign3A_494 : i1 to i32
      %sign3A_496 = arith.subi %sign3A_492, %sign3A_495 : i32
      %ne3A_497 = vector.broadcast %sign3A_496 : i32 to vector<16xi32>
      %ne3A_498 = arith.cmpi ne, %sign3A_489, %ne3A_497 : vector<16xi32>
      %rem3A_499 = vector.broadcast %jit3A_478 : i32 to vector<16xi32>
      %rem3A_500 = arith.remsi %and3A_474, %rem3A_499 : vector<16xi32>
      %ne3A_501 = arith.constant 0 : i32
      %ne3A_502 = vector.broadcast %ne3A_501 : i32 to vector<16xi32>
      %ne3A_503 = arith.cmpi ne, %rem3A_500, %ne3A_502 : vector<16xi32>
      %and3A_504 = arith.andi %ne3A_498, %ne3A_503 : vector<16xi1>
      %sub3A_505 = arith.constant 1 : i32
      %sub3A_506 = vector.broadcast %sub3A_505 : i32 to vector<16xi32>
      %sub3A_507 = arith.subi %div3A_480, %sub3A_506 : vector<16xi32>
      %select_n3A_508 = arith.select %and3A_504, %sub3A_507, %div3A_480 : vector<16xi1>, vector<16xi32>
      %jit3A_509 = arith.constant 128 : i32
      %eq3A_510 = arith.constant 0 : i32
      %eq3A_511 = arith.cmpi eq, %jit3A_509, %eq3A_510 : i32
      %jit3A_512 = arith.constant 1 : i32
      %select_n3A_513 = arith.select %eq3A_511, %jit3A_512, %jit3A_509 : i32
      %rem3A_514 = vector.broadcast %select_n3A_513 : i32 to vector<16xi32>
      %rem3A_515 = arith.remsi %and3A_474, %rem3A_514 : vector<16xi32>
      %ne3A_516 = arith.constant 0 : i32
      %ne3A_517 = vector.broadcast %ne3A_516 : i32 to vector<16xi32>
      %ne3A_518 = arith.cmpi ne, %rem3A_515, %ne3A_517 : vector<16xi32>
      %lt3A_519 = arith.constant 0 : i32
      %lt3A_520 = vector.broadcast %lt3A_519 : i32 to vector<16xi32>
      %lt3A_521 = arith.cmpi slt, %rem3A_515, %lt3A_520 : vector<16xi32>
      %lt3A_522 = arith.constant 0 : i32
      %lt3A_523 = arith.cmpi slt, %select_n3A_513, %lt3A_522 : i32
      %ne3A_524 = vector.broadcast %lt3A_523 : i1 to vector<16xi1>
      %ne3A_525 = vector.broadcast %ne3A_524 : vector<16xi1> to vector<16xi1>
      %ne3A_526 = arith.xori %lt3A_521, %ne3A_525 : vector<16xi1>
      %and3A_527 = arith.andi %ne3A_526, %ne3A_518 : vector<16xi1>
      %add3A_528 = vector.broadcast %select_n3A_513 : i32 to vector<16xi32>
      %add3A_529 = arith.addi %rem3A_515, %add3A_528 : vector<16xi32>
      %select_n3A_530 = arith.select %and3A_527, %add3A_529, %rem3A_515 : vector<16xi1>, vector<16xi32>
      tpu.vector_store_idx %arg5[%select_n3A_508, %select_n3A_530], %broadcast_in_dim3A_9 {add = true} : memref<80x128xf32, #tpu.memory_space<vmem>>[vector<16xi32>, vector<16xi32>], vector<16xf32>,
      %jit3A_531 = arith.constant 128 : i32
      %div3A_532 = vector.broadcast %jit3A_531 : i32 to vector<16xi32>
      %div3A_533 = arith.divsi %shift_right_arithmetic3A_477, %div3A_532 : vector<16xi32>
      %sign3A_534 = arith.constant 0 : i32
      %sign3A_535 = vector.broadcast %sign3A_534 : i32 to vector<16xi32>
      %sign3A_536 = arith.cmpi sgt, %shift_right_arithmetic3A_477, %sign3A_535 : vector<16xi32>
      %sign3A_537 = arith.extui %sign3A_536 : vector<16xi1> to vector<16xi32>
      %sign3A_538 = arith.constant 0 : i32
      %sign3A_539 = vector.broadcast %sign3A_538 : i32 to vector<16xi32>
      %sign3A_540 = arith.cmpi slt, %shift_right_arithmetic3A_477, %sign3A_539 : vector<16xi32>
      %sign3A_541 = arith.extui %sign3A_540 : vector<16xi1> to vector<16xi32>
      %sign3A_542 = arith.subi %sign3A_537, %sign3A_541 : vector<16xi32>
      %sign3A_543 = arith.constant 0 : i32
      %sign3A_544 = arith.cmpi sgt, %jit3A_531, %sign3A_543 : i32
      %sign3A_545 = arith.extui %sign3A_544 : i1 to i32
      %sign3A_546 = arith.constant 0 : i32
      %sign3A_547 = arith.cmpi slt, %jit3A_531, %sign3A_546 : i32
      %sign3A_548 = arith.extui %sign3A_547 : i1 to i32
      %sign3A_549 = arith.subi %sign3A_545, %sign3A_548 : i32
      %ne3A_550 = vector.broadcast %sign3A_549 : i32 to vector<16xi32>
      %ne3A_551 = arith.cmpi ne, %sign3A_542, %ne3A_550 : vector<16xi32>
      %rem3A_552 = vector.broadcast %jit3A_531 : i32 to vector<16xi32>
      %rem3A_553 = arith.remsi %shift_right_arithmetic3A_477, %rem3A_552 : vector<16xi32>
      %ne3A_554 = arith.constant 0 : i32
      %ne3A_555 = vector.broadcast %ne3A_554 : i32 to vector<16xi32>
      %ne3A_556 = arith.cmpi ne, %rem3A_553, %ne3A_555 : vector<16xi32>
      %and3A_557 = arith.andi %ne3A_551, %ne3A_556 : vector<16xi1>
      %sub3A_558 = arith.constant 1 : i32
      %sub3A_559 = vector.broadcast %sub3A_558 : i32 to vector<16xi32>
      %sub3A_560 = arith.subi %div3A_533, %sub3A_559 : vector<16xi32>
      %select_n3A_561 = arith.select %and3A_557, %sub3A_560, %div3A_533 : vector<16xi1>, vector<16xi32>
      %jit3A_562 = arith.constant 128 : i32
      %eq3A_563 = arith.constant 0 : i32
      %eq3A_564 = arith.cmpi eq, %jit3A_562, %eq3A_563 : i32
      %jit3A_565 = arith.constant 1 : i32
      %select_n3A_566 = arith.select %eq3A_564, %jit3A_565, %jit3A_562 : i32
      %rem3A_567 = vector.broadcast %select_n3A_566 : i32 to vector<16xi32>
      %rem3A_568 = arith.remsi %shift_right_arithmetic3A_477, %rem3A_567 : vector<16xi32>
      %ne3A_569 = arith.constant 0 : i32
      %ne3A_570 = vector.broadcast %ne3A_569 : i32 to vector<16xi32>
      %ne3A_571 = arith.cmpi ne, %rem3A_568, %ne3A_570 : vector<16xi32>
      %lt3A_572 = arith.constant 0 : i32
      %lt3A_573 = vector.broadcast %lt3A_572 : i32 to vector<16xi32>
      %lt3A_574 = arith.cmpi slt, %rem3A_568, %lt3A_573 : vector<16xi32>
      %lt3A_575 = arith.constant 0 : i32
      %lt3A_576 = arith.cmpi slt, %select_n3A_566, %lt3A_575 : i32
      %ne3A_577 = vector.broadcast %lt3A_576 : i1 to vector<16xi1>
      %ne3A_578 = vector.broadcast %ne3A_577 : vector<16xi1> to vector<16xi1>
      %ne3A_579 = arith.xori %lt3A_574, %ne3A_578 : vector<16xi1>
      %and3A_580 = arith.andi %ne3A_579, %ne3A_571 : vector<16xi1>
      %add3A_581 = vector.broadcast %select_n3A_566 : i32 to vector<16xi32>
      %add3A_582 = arith.addi %rem3A_568, %add3A_581 : vector<16xi32>
      %select_n3A_583 = arith.select %and3A_580, %add3A_582, %rem3A_568 : vector<16xi1>, vector<16xi32>
      tpu.vector_store_idx %arg6[%select_n3A_561, %select_n3A_583], %broadcast_in_dim3A_9 {add = true} : memref<80x128xf32, #tpu.memory_space<vmem>>[vector<16xi32>, vector<16xi32>], vector<16xf32>,
      %get3A_584 = arith.index_cast %add3A_20 : i32 to index
      %get3A_585 = arith.constant 80 : index
      %get3A_586 = tpu.vector_load %arg4[%get3A_584, %get3A_585] {strides = array<i32>} : memref<80x128xi32, #tpu.memory_space<vmem>>, vector<16xi32>,
      %and3A_587 = arith.constant 65535 : i32
      %and3A_588 = vector.broadcast %and3A_587 : i32 to vector<16xi32>
      %and3A_589 = arith.andi %get3A_586, %and3A_588 : vector<16xi32>
      %shift_right_arithmetic3A_590 = arith.constant 16 : i32
      %shift_right_arithmetic3A_591 = vector.broadcast %shift_right_arithmetic3A_590 : i32 to vector<16xi32>
      %shift_right_arithmetic3A_592 = arith.shrsi %get3A_586, %shift_right_arithmetic3A_591 : vector<16xi32>
      %jit3A_593 = arith.constant 128 : i32
      %div3A_594 = vector.broadcast %jit3A_593 : i32 to vector<16xi32>
      %div3A_595 = arith.divsi %and3A_589, %div3A_594 : vector<16xi32>
      %sign3A_596 = arith.constant 0 : i32
      %sign3A_597 = vector.broadcast %sign3A_596 : i32 to vector<16xi32>
      %sign3A_598 = arith.cmpi sgt, %and3A_589, %sign3A_597 : vector<16xi32>
      %sign3A_599 = arith.extui %sign3A_598 : vector<16xi1> to vector<16xi32>
      %sign3A_600 = arith.constant 0 : i32
      %sign3A_601 = vector.broadcast %sign3A_600 : i32 to vector<16xi32>
      %sign3A_602 = arith.cmpi slt, %and3A_589, %sign3A_601 : vector<16xi32>
      %sign3A_603 = arith.extui %sign3A_602 : vector<16xi1> to vector<16xi32>
      %sign3A_604 = arith.subi %sign3A_599, %sign3A_603 : vector<16xi32>
      %sign3A_605 = arith.constant 0 : i32
      %sign3A_606 = arith.cmpi sgt, %jit3A_593, %sign3A_605 : i32
      %sign3A_607 = arith.extui %sign3A_606 : i1 to i32
      %sign3A_608 = arith.constant 0 : i32
      %sign3A_609 = arith.cmpi slt, %jit3A_593, %sign3A_608 : i32
      %sign3A_610 = arith.extui %sign3A_609 : i1 to i32
      %sign3A_611 = arith.subi %sign3A_607, %sign3A_610 : i32
      %ne3A_612 = vector.broadcast %sign3A_611 : i32 to vector<16xi32>
      %ne3A_613 = arith.cmpi ne, %sign3A_604, %ne3A_612 : vector<16xi32>
      %rem3A_614 = vector.broadcast %jit3A_593 : i32 to vector<16xi32>
      %rem3A_615 = arith.remsi %and3A_589, %rem3A_614 : vector<16xi32>
      %ne3A_616 = arith.constant 0 : i32
      %ne3A_617 = vector.broadcast %ne3A_616 : i32 to vector<16xi32>
      %ne3A_618 = arith.cmpi ne, %rem3A_615, %ne3A_617 : vector<16xi32>
      %and3A_619 = arith.andi %ne3A_613, %ne3A_618 : vector<16xi1>
      %sub3A_620 = arith.constant 1 : i32
      %sub3A_621 = vector.broadcast %sub3A_620 : i32 to vector<16xi32>
      %sub3A_622 = arith.subi %div3A_595, %sub3A_621 : vector<16xi32>
      %select_n3A_623 = arith.select %and3A_619, %sub3A_622, %div3A_595 : vector<16xi1>, vector<16xi32>
      %jit3A_624 = arith.constant 128 : i32
      %eq3A_625 = arith.constant 0 : i32
      %eq3A_626 = arith.cmpi eq, %jit3A_624, %eq3A_625 : i32
      %jit3A_627 = arith.constant 1 : i32
      %select_n3A_628 = arith.select %eq3A_626, %jit3A_627, %jit3A_624 : i32
      %rem3A_629 = vector.broadcast %select_n3A_628 : i32 to vector<16xi32>
      %rem3A_630 = arith.remsi %and3A_589, %rem3A_629 : vector<16xi32>
      %ne3A_631 = arith.constant 0 : i32
      %ne3A_632 = vector.broadcast %ne3A_631 : i32 to vector<16xi32>
      %ne3A_633 = arith.cmpi ne, %rem3A_630, %ne3A_632 : vector<16xi32>
      %lt3A_634 = arith.constant 0 : i32
      %lt3A_635 = vector.broadcast %lt3A_634 : i32 to vector<16xi32>
      %lt3A_636 = arith.cmpi slt, %rem3A_630, %lt3A_635 : vector<16xi32>
      %lt3A_637 = arith.constant 0 : i32
      %lt3A_638 = arith.cmpi slt, %select_n3A_628, %lt3A_637 : i32
      %ne3A_639 = vector.broadcast %lt3A_638 : i1 to vector<16xi1>
      %ne3A_640 = vector.broadcast %ne3A_639 : vector<16xi1> to vector<16xi1>
      %ne3A_641 = arith.xori %lt3A_636, %ne3A_640 : vector<16xi1>
      %and3A_642 = arith.andi %ne3A_641, %ne3A_633 : vector<16xi1>
      %add3A_643 = vector.broadcast %select_n3A_628 : i32 to vector<16xi32>
      %add3A_644 = arith.addi %rem3A_630, %add3A_643 : vector<16xi32>
      %select_n3A_645 = arith.select %and3A_642, %add3A_644, %rem3A_630 : vector<16xi1>, vector<16xi32>
      tpu.vector_store_idx %arg5[%select_n3A_623, %select_n3A_645], %broadcast_in_dim3A_9 {add = true} : memref<80x128xf32, #tpu.memory_space<vmem>>[vector<16xi32>, vector<16xi32>], vector<16xf32>,
      %jit3A_646 = arith.constant 128 : i32
      %div3A_647 = vector.broadcast %jit3A_646 : i32 to vector<16xi32>
      %div3A_648 = arith.divsi %shift_right_arithmetic3A_592, %div3A_647 : vector<16xi32>
      %sign3A_649 = arith.constant 0 : i32
      %sign3A_650 = vector.broadcast %sign3A_649 : i32 to vector<16xi32>
      %sign3A_651 = arith.cmpi sgt, %shift_right_arithmetic3A_592, %sign3A_650 : vector<16xi32>
      %sign3A_652 = arith.extui %sign3A_651 : vector<16xi1> to vector<16xi32>
      %sign3A_653 = arith.constant 0 : i32
      %sign3A_654 = vector.broadcast %sign3A_653 : i32 to vector<16xi32>
      %sign3A_655 = arith.cmpi slt, %shift_right_arithmetic3A_592, %sign3A_654 : vector<16xi32>
      %sign3A_656 = arith.extui %sign3A_655 : vector<16xi1> to vector<16xi32>
      %sign3A_657 = arith.subi %sign3A_652, %sign3A_656 : vector<16xi32>
      %sign3A_658 = arith.constant 0 : i32
      %sign3A_659 = arith.cmpi sgt, %jit3A_646, %sign3A_658 : i32
      %sign3A_660 = arith.extui %sign3A_659 : i1 to i32
      %sign3A_661 = arith.constant 0 : i32
      %sign3A_662 = arith.cmpi slt, %jit3A_646, %sign3A_661 : i32
      %sign3A_663 = arith.extui %sign3A_662 : i1 to i32
      %sign3A_664 = arith.subi %sign3A_660, %sign3A_663 : i32
      %ne3A_665 = vector.broadcast %sign3A_664 : i32 to vector<16xi32>
      %ne3A_666 = arith.cmpi ne, %sign3A_657, %ne3A_665 : vector<16xi32>
      %rem3A_667 = vector.broadcast %jit3A_646 : i32 to vector<16xi32>
      %rem3A_668 = arith.remsi %shift_right_arithmetic3A_592, %rem3A_667 : vector<16xi32>
      %ne3A_669 = arith.constant 0 : i32
      %ne3A_670 = vector.broadcast %ne3A_669 : i32 to vector<16xi32>
      %ne3A_671 = arith.cmpi ne, %rem3A_668, %ne3A_670 : vector<16xi32>
      %and3A_672 = arith.andi %ne3A_666, %ne3A_671 : vector<16xi1>
      %sub3A_673 = arith.constant 1 : i32
      %sub3A_674 = vector.broadcast %sub3A_673 : i32 to vector<16xi32>
      %sub3A_675 = arith.subi %div3A_648, %sub3A_674 : vector<16xi32>
      %select_n3A_676 = arith.select %and3A_672, %sub3A_675, %div3A_648 : vector<16xi1>, vector<16xi32>
      %jit3A_677 = arith.constant 128 : i32
      %eq3A_678 = arith.constant 0 : i32
      %eq3A_679 = arith.cmpi eq, %jit3A_677, %eq3A_678 : i32
      %jit3A_680 = arith.constant 1 : i32
      %select_n3A_681 = arith.select %eq3A_679, %jit3A_680, %jit3A_677 : i32
      %rem3A_682 = vector.broadcast %select_n3A_681 : i32 to vector<16xi32>
      %rem3A_683 = arith.remsi %shift_right_arithmetic3A_592, %rem3A_682 : vector<16xi32>
      %ne3A_684 = arith.constant 0 : i32
      %ne3A_685 = vector.broadcast %ne3A_684 : i32 to vector<16xi32>
      %ne3A_686 = arith.cmpi ne, %rem3A_683, %ne3A_685 : vector<16xi32>
      %lt3A_687 = arith.constant 0 : i32
      %lt3A_688 = vector.broadcast %lt3A_687 : i32 to vector<16xi32>
      %lt3A_689 = arith.cmpi slt, %rem3A_683, %lt3A_688 : vector<16xi32>
      %lt3A_690 = arith.constant 0 : i32
      %lt3A_691 = arith.cmpi slt, %select_n3A_681, %lt3A_690 : i32
      %ne3A_692 = vector.broadcast %lt3A_691 : i1 to vector<16xi1>
      %ne3A_693 = vector.broadcast %ne3A_692 : vector<16xi1> to vector<16xi1>
      %ne3A_694 = arith.xori %lt3A_689, %ne3A_693 : vector<16xi1>
      %and3A_695 = arith.andi %ne3A_694, %ne3A_686 : vector<16xi1>
      %add3A_696 = vector.broadcast %select_n3A_681 : i32 to vector<16xi32>
      %add3A_697 = arith.addi %rem3A_683, %add3A_696 : vector<16xi32>
      %select_n3A_698 = arith.select %and3A_695, %add3A_697, %rem3A_683 : vector<16xi1>, vector<16xi32>
      tpu.vector_store_idx %arg6[%select_n3A_676, %select_n3A_698], %broadcast_in_dim3A_9 {add = true} : memref<80x128xf32, #tpu.memory_space<vmem>>[vector<16xi32>, vector<16xi32>], vector<16xf32>,
      %get3A_699 = arith.index_cast %add3A_20 : i32 to index
      %get3A_700 = arith.constant 96 : index
      %get3A_701 = tpu.vector_load %arg4[%get3A_699, %get3A_700] {strides = array<i32>} : memref<80x128xi32, #tpu.memory_space<vmem>>, vector<16xi32>,
      %and3A_702 = arith.constant 65535 : i32
      %and3A_703 = vector.broadcast %and3A_702 : i32 to vector<16xi32>
      %and3A_704 = arith.andi %get3A_701, %and3A_703 : vector<16xi32>
      %shift_right_arithmetic3A_705 = arith.constant 16 : i32
      %shift_right_arithmetic3A_706 = vector.broadcast %shift_right_arithmetic3A_705 : i32 to vector<16xi32>
      %shift_right_arithmetic3A_707 = arith.shrsi %get3A_701, %shift_right_arithmetic3A_706 : vector<16xi32>
      %jit3A_708 = arith.constant 128 : i32
      %div3A_709 = vector.broadcast %jit3A_708 : i32 to vector<16xi32>
      %div3A_710 = arith.divsi %and3A_704, %div3A_709 : vector<16xi32>
      %sign3A_711 = arith.constant 0 : i32
      %sign3A_712 = vector.broadcast %sign3A_711 : i32 to vector<16xi32>
      %sign3A_713 = arith.cmpi sgt, %and3A_704, %sign3A_712 : vector<16xi32>
      %sign3A_714 = arith.extui %sign3A_713 : vector<16xi1> to vector<16xi32>
      %sign3A_715 = arith.constant 0 : i32
      %sign3A_716 = vector.broadcast %sign3A_715 : i32 to vector<16xi32>
      %sign3A_717 = arith.cmpi slt, %and3A_704, %sign3A_716 : vector<16xi32>
      %sign3A_718 = arith.extui %sign3A_717 : vector<16xi1> to vector<16xi32>
      %sign3A_719 = arith.subi %sign3A_714, %sign3A_718 : vector<16xi32>
      %sign3A_720 = arith.constant 0 : i32
      %sign3A_721 = arith.cmpi sgt, %jit3A_708, %sign3A_720 : i32
      %sign3A_722 = arith.extui %sign3A_721 : i1 to i32
      %sign3A_723 = arith.constant 0 : i32
      %sign3A_724 = arith.cmpi slt, %jit3A_708, %sign3A_723 : i32
      %sign3A_725 = arith.extui %sign3A_724 : i1 to i32
      %sign3A_726 = arith.subi %sign3A_722, %sign3A_725 : i32
      %ne3A_727 = vector.broadcast %sign3A_726 : i32 to vector<16xi32>
      %ne3A_728 = arith.cmpi ne, %sign3A_719, %ne3A_727 : vector<16xi32>
      %rem3A_729 = vector.broadcast %jit3A_708 : i32 to vector<16xi32>
      %rem3A_730 = arith.remsi %and3A_704, %rem3A_729 : vector<16xi32>
      %ne3A_731 = arith.constant 0 : i32
      %ne3A_732 = vector.broadcast %ne3A_731 : i32 to vector<16xi32>
      %ne3A_733 = arith.cmpi ne, %rem3A_730, %ne3A_732 : vector<16xi32>
      %and3A_734 = arith.andi %ne3A_728, %ne3A_733 : vector<16xi1>
      %sub3A_735 = arith.constant 1 : i32
      %sub3A_736 = vector.broadcast %sub3A_735 : i32 to vector<16xi32>
      %sub3A_737 = arith.subi %div3A_710, %sub3A_736 : vector<16xi32>
      %select_n3A_738 = arith.select %and3A_734, %sub3A_737, %div3A_710 : vector<16xi1>, vector<16xi32>
      %jit3A_739 = arith.constant 128 : i32
      %eq3A_740 = arith.constant 0 : i32
      %eq3A_741 = arith.cmpi eq, %jit3A_739, %eq3A_740 : i32
      %jit3A_742 = arith.constant 1 : i32
      %select_n3A_743 = arith.select %eq3A_741, %jit3A_742, %jit3A_739 : i32
      %rem3A_744 = vector.broadcast %select_n3A_743 : i32 to vector<16xi32>
      %rem3A_745 = arith.remsi %and3A_704, %rem3A_744 : vector<16xi32>
      %ne3A_746 = arith.constant 0 : i32
      %ne3A_747 = vector.broadcast %ne3A_746 : i32 to vector<16xi32>
      %ne3A_748 = arith.cmpi ne, %rem3A_745, %ne3A_747 : vector<16xi32>
      %lt3A_749 = arith.constant 0 : i32
      %lt3A_750 = vector.broadcast %lt3A_749 : i32 to vector<16xi32>
      %lt3A_751 = arith.cmpi slt, %rem3A_745, %lt3A_750 : vector<16xi32>
      %lt3A_752 = arith.constant 0 : i32
      %lt3A_753 = arith.cmpi slt, %select_n3A_743, %lt3A_752 : i32
      %ne3A_754 = vector.broadcast %lt3A_753 : i1 to vector<16xi1>
      %ne3A_755 = vector.broadcast %ne3A_754 : vector<16xi1> to vector<16xi1>
      %ne3A_756 = arith.xori %lt3A_751, %ne3A_755 : vector<16xi1>
      %and3A_757 = arith.andi %ne3A_756, %ne3A_748 : vector<16xi1>
      %add3A_758 = vector.broadcast %select_n3A_743 : i32 to vector<16xi32>
      %add3A_759 = arith.addi %rem3A_745, %add3A_758 : vector<16xi32>
      %select_n3A_760 = arith.select %and3A_757, %add3A_759, %rem3A_745 : vector<16xi1>, vector<16xi32>
      tpu.vector_store_idx %arg5[%select_n3A_738, %select_n3A_760], %broadcast_in_dim3A_9 {add = true} : memref<80x128xf32, #tpu.memory_space<vmem>>[vector<16xi32>, vector<16xi32>], vector<16xf32>,
      %jit3A_761 = arith.constant 128 : i32
      %div3A_762 = vector.broadcast %jit3A_761 : i32 to vector<16xi32>
      %div3A_763 = arith.divsi %shift_right_arithmetic3A_707, %div3A_762 : vector<16xi32>
      %sign3A_764 = arith.constant 0 : i32
      %sign3A_765 = vector.broadcast %sign3A_764 : i32 to vector<16xi32>
      %sign3A_766 = arith.cmpi sgt, %shift_right_arithmetic3A_707, %sign3A_765 : vector<16xi32>
      %sign3A_767 = arith.extui %sign3A_766 : vector<16xi1> to vector<16xi32>
      %sign3A_768 = arith.constant 0 : i32
      %sign3A_769 = vector.broadcast %sign3A_768 : i32 to vector<16xi32>
      %sign3A_770 = arith.cmpi slt, %shift_right_arithmetic3A_707, %sign3A_769 : vector<16xi32>
      %sign3A_771 = arith.extui %sign3A_770 : vector<16xi1> to vector<16xi32>
      %sign3A_772 = arith.subi %sign3A_767, %sign3A_771 : vector<16xi32>
      %sign3A_773 = arith.constant 0 : i32
      %sign3A_774 = arith.cmpi sgt, %jit3A_761, %sign3A_773 : i32
      %sign3A_775 = arith.extui %sign3A_774 : i1 to i32
      %sign3A_776 = arith.constant 0 : i32
      %sign3A_777 = arith.cmpi slt, %jit3A_761, %sign3A_776 : i32
      %sign3A_778 = arith.extui %sign3A_777 : i1 to i32
      %sign3A_779 = arith.subi %sign3A_775, %sign3A_778 : i32
      %ne3A_780 = vector.broadcast %sign3A_779 : i32 to vector<16xi32>
      %ne3A_781 = arith.cmpi ne, %sign3A_772, %ne3A_780 : vector<16xi32>
      %rem3A_782 = vector.broadcast %jit3A_761 : i32 to vector<16xi32>
      %rem3A_783 = arith.remsi %shift_right_arithmetic3A_707, %rem3A_782 : vector<16xi32>
      %ne3A_784 = arith.constant 0 : i32
      %ne3A_785 = vector.broadcast %ne3A_784 : i32 to vector<16xi32>
      %ne3A_786 = arith.cmpi ne, %rem3A_783, %ne3A_785 : vector<16xi32>
      %and3A_787 = arith.andi %ne3A_781, %ne3A_786 : vector<16xi1>
      %sub3A_788 = arith.constant 1 : i32
      %sub3A_789 = vector.broadcast %sub3A_788 : i32 to vector<16xi32>
      %sub3A_790 = arith.subi %div3A_763, %sub3A_789 : vector<16xi32>
      %select_n3A_791 = arith.select %and3A_787, %sub3A_790, %div3A_763 : vector<16xi1>, vector<16xi32>
      %jit3A_792 = arith.constant 128 : i32
      %eq3A_793 = arith.constant 0 : i32
      %eq3A_794 = arith.cmpi eq, %jit3A_792, %eq3A_793 : i32
      %jit3A_795 = arith.constant 1 : i32
      %select_n3A_796 = arith.select %eq3A_794, %jit3A_795, %jit3A_792 : i32
      %rem3A_797 = vector.broadcast %select_n3A_796 : i32 to vector<16xi32>
      %rem3A_798 = arith.remsi %shift_right_arithmetic3A_707, %rem3A_797 : vector<16xi32>
      %ne3A_799 = arith.constant 0 : i32
      %ne3A_800 = vector.broadcast %ne3A_799 : i32 to vector<16xi32>
      %ne3A_801 = arith.cmpi ne, %rem3A_798, %ne3A_800 : vector<16xi32>
      %lt3A_802 = arith.constant 0 : i32
      %lt3A_803 = vector.broadcast %lt3A_802 : i32 to vector<16xi32>
      %lt3A_804 = arith.cmpi slt, %rem3A_798, %lt3A_803 : vector<16xi32>
      %lt3A_805 = arith.constant 0 : i32
      %lt3A_806 = arith.cmpi slt, %select_n3A_796, %lt3A_805 : i32
      %ne3A_807 = vector.broadcast %lt3A_806 : i1 to vector<16xi1>
      %ne3A_808 = vector.broadcast %ne3A_807 : vector<16xi1> to vector<16xi1>
      %ne3A_809 = arith.xori %lt3A_804, %ne3A_808 : vector<16xi1>
      %and3A_810 = arith.andi %ne3A_809, %ne3A_801 : vector<16xi1>
      %add3A_811 = vector.broadcast %select_n3A_796 : i32 to vector<16xi32>
      %add3A_812 = arith.addi %rem3A_798, %add3A_811 : vector<16xi32>
      %select_n3A_813 = arith.select %and3A_810, %add3A_812, %rem3A_798 : vector<16xi1>, vector<16xi32>
      tpu.vector_store_idx %arg6[%select_n3A_791, %select_n3A_813], %broadcast_in_dim3A_9 {add = true} : memref<80x128xf32, #tpu.memory_space<vmem>>[vector<16xi32>, vector<16xi32>], vector<16xf32>,
      %get3A_814 = arith.index_cast %add3A_20 : i32 to index
      %get3A_815 = arith.constant 112 : index
      %get3A_816 = tpu.vector_load %arg4[%get3A_814, %get3A_815] {strides = array<i32>} : memref<80x128xi32, #tpu.memory_space<vmem>>, vector<16xi32>,
      %and3A_817 = arith.constant 65535 : i32
      %and3A_818 = vector.broadcast %and3A_817 : i32 to vector<16xi32>
      %and3A_819 = arith.andi %get3A_816, %and3A_818 : vector<16xi32>
      %shift_right_arithmetic3A_820 = arith.constant 16 : i32
      %shift_right_arithmetic3A_821 = vector.broadcast %shift_right_arithmetic3A_820 : i32 to vector<16xi32>
      %shift_right_arithmetic3A_822 = arith.shrsi %get3A_816, %shift_right_arithmetic3A_821 : vector<16xi32>
      %jit3A_823 = arith.constant 128 : i32
      %div3A_824 = vector.broadcast %jit3A_823 : i32 to vector<16xi32>
      %div3A_825 = arith.divsi %and3A_819, %div3A_824 : vector<16xi32>
      %sign3A_826 = arith.constant 0 : i32
      %sign3A_827 = vector.broadcast %sign3A_826 : i32 to vector<16xi32>
      %sign3A_828 = arith.cmpi sgt, %and3A_819, %sign3A_827 : vector<16xi32>
      %sign3A_829 = arith.extui %sign3A_828 : vector<16xi1> to vector<16xi32>
      %sign3A_830 = arith.constant 0 : i32
      %sign3A_831 = vector.broadcast %sign3A_830 : i32 to vector<16xi32>
      %sign3A_832 = arith.cmpi slt, %and3A_819, %sign3A_831 : vector<16xi32>
      %sign3A_833 = arith.extui %sign3A_832 : vector<16xi1> to vector<16xi32>
      %sign3A_834 = arith.subi %sign3A_829, %sign3A_833 : vector<16xi32>
      %sign3A_835 = arith.constant 0 : i32
      %sign3A_836 = arith.cmpi sgt, %jit3A_823, %sign3A_835 : i32
      %sign3A_837 = arith.extui %sign3A_836 : i1 to i32
      %sign3A_838 = arith.constant 0 : i32
      %sign3A_839 = arith.cmpi slt, %jit3A_823, %sign3A_838 : i32
      %sign3A_840 = arith.extui %sign3A_839 : i1 to i32
      %sign3A_841 = arith.subi %sign3A_837, %sign3A_840 : i32
      %ne3A_842 = vector.broadcast %sign3A_841 : i32 to vector<16xi32>
      %ne3A_843 = arith.cmpi ne, %sign3A_834, %ne3A_842 : vector<16xi32>
      %rem3A_844 = vector.broadcast %jit3A_823 : i32 to vector<16xi32>
      %rem3A_845 = arith.remsi %and3A_819, %rem3A_844 : vector<16xi32>
      %ne3A_846 = arith.constant 0 : i32
      %ne3A_847 = vector.broadcast %ne3A_846 : i32 to vector<16xi32>
      %ne3A_848 = arith.cmpi ne, %rem3A_845, %ne3A_847 : vector<16xi32>
      %and3A_849 = arith.andi %ne3A_843, %ne3A_848 : vector<16xi1>
      %sub3A_850 = arith.constant 1 : i32
      %sub3A_851 = vector.broadcast %sub3A_850 : i32 to vector<16xi32>
      %sub3A_852 = arith.subi %div3A_825, %sub3A_851 : vector<16xi32>
      %select_n3A_853 = arith.select %and3A_849, %sub3A_852, %div3A_825 : vector<16xi1>, vector<16xi32>
      %jit3A_854 = arith.constant 128 : i32
      %eq3A_855 = arith.constant 0 : i32
      %eq3A_856 = arith.cmpi eq, %jit3A_854, %eq3A_855 : i32
      %jit3A_857 = arith.constant 1 : i32
      %select_n3A_858 = arith.select %eq3A_856, %jit3A_857, %jit3A_854 : i32
      %rem3A_859 = vector.broadcast %select_n3A_858 : i32 to vector<16xi32>
      %rem3A_860 = arith.remsi %and3A_819, %rem3A_859 : vector<16xi32>
      %ne3A_861 = arith.constant 0 : i32
      %ne3A_862 = vector.broadcast %ne3A_861 : i32 to vector<16xi32>
      %ne3A_863 = arith.cmpi ne, %rem3A_860, %ne3A_862 : vector<16xi32>
      %lt3A_864 = arith.constant 0 : i32
      %lt3A_865 = vector.broadcast %lt3A_864 : i32 to vector<16xi32>
      %lt3A_866 = arith.cmpi slt, %rem3A_860, %lt3A_865 : vector<16xi32>
      %lt3A_867 = arith.constant 0 : i32
      %lt3A_868 = arith.cmpi slt, %select_n3A_858, %lt3A_867 : i32
      %ne3A_869 = vector.broadcast %lt3A_868 : i1 to vector<16xi1>
      %ne3A_870 = vector.broadcast %ne3A_869 : vector<16xi1> to vector<16xi1>
      %ne3A_871 = arith.xori %lt3A_866, %ne3A_870 : vector<16xi1>
      %and3A_872 = arith.andi %ne3A_871, %ne3A_863 : vector<16xi1>
      %add3A_873 = vector.broadcast %select_n3A_858 : i32 to vector<16xi32>
      %add3A_874 = arith.addi %rem3A_860, %add3A_873 : vector<16xi32>
      %select_n3A_875 = arith.select %and3A_872, %add3A_874, %rem3A_860 : vector<16xi1>, vector<16xi32>
      tpu.vector_store_idx %arg5[%select_n3A_853, %select_n3A_875], %broadcast_in_dim3A_9 {add = true} : memref<80x128xf32, #tpu.memory_space<vmem>>[vector<16xi32>, vector<16xi32>], vector<16xf32>,
      %jit3A_876 = arith.constant 128 : i32
      %div3A_877 = vector.broadcast %jit3A_876 : i32 to vector<16xi32>
      %div3A_878 = arith.divsi %shift_right_arithmetic3A_822, %div3A_877 : vector<16xi32>
      %sign3A_879 = arith.constant 0 : i32
      %sign3A_880 = vector.broadcast %sign3A_879 : i32 to vector<16xi32>
      %sign3A_881 = arith.cmpi sgt, %shift_right_arithmetic3A_822, %sign3A_880 : vector<16xi32>
      %sign3A_882 = arith.extui %sign3A_881 : vector<16xi1> to vector<16xi32>
      %sign3A_883 = arith.constant 0 : i32
      %sign3A_884 = vector.broadcast %sign3A_883 : i32 to vector<16xi32>
      %sign3A_885 = arith.cmpi slt, %shift_right_arithmetic3A_822, %sign3A_884 : vector<16xi32>
      %sign3A_886 = arith.extui %sign3A_885 : vector<16xi1> to vector<16xi32>
      %sign3A_887 = arith.subi %sign3A_882, %sign3A_886 : vector<16xi32>
      %sign3A_888 = arith.constant 0 : i32
      %sign3A_889 = arith.cmpi sgt, %jit3A_876, %sign3A_888 : i32
      %sign3A_890 = arith.extui %sign3A_889 : i1 to i32
      %sign3A_891 = arith.constant 0 : i32
      %sign3A_892 = arith.cmpi slt, %jit3A_876, %sign3A_891 : i32
      %sign3A_893 = arith.extui %sign3A_892 : i1 to i32
      %sign3A_894 = arith.subi %sign3A_890, %sign3A_893 : i32
      %ne3A_895 = vector.broadcast %sign3A_894 : i32 to vector<16xi32>
      %ne3A_896 = arith.cmpi ne, %sign3A_887, %ne3A_895 : vector<16xi32>
      %rem3A_897 = vector.broadcast %jit3A_876 : i32 to vector<16xi32>
      %rem3A_898 = arith.remsi %shift_right_arithmetic3A_822, %rem3A_897 : vector<16xi32>
      %ne3A_899 = arith.constant 0 : i32
      %ne3A_900 = vector.broadcast %ne3A_899 : i32 to vector<16xi32>
      %ne3A_901 = arith.cmpi ne, %rem3A_898, %ne3A_900 : vector<16xi32>
      %and3A_902 = arith.andi %ne3A_896, %ne3A_901 : vector<16xi1>
      %sub3A_903 = arith.constant 1 : i32
      %sub3A_904 = vector.broadcast %sub3A_903 : i32 to vector<16xi32>
      %sub3A_905 = arith.subi %div3A_878, %sub3A_904 : vector<16xi32>
      %select_n3A_906 = arith.select %and3A_902, %sub3A_905, %div3A_878 : vector<16xi1>, vector<16xi32>
      %jit3A_907 = arith.constant 128 : i32
      %eq3A_908 = arith.constant 0 : i32
      %eq3A_909 = arith.cmpi eq, %jit3A_907, %eq3A_908 : i32
      %jit3A_910 = arith.constant 1 : i32
      %select_n3A_911 = arith.select %eq3A_909, %jit3A_910, %jit3A_907 : i32
      %rem3A_912 = vector.broadcast %select_n3A_911 : i32 to vector<16xi32>
      %rem3A_913 = arith.remsi %shift_right_arithmetic3A_822, %rem3A_912 : vector<16xi32>
      %ne3A_914 = arith.constant 0 : i32
      %ne3A_915 = vector.broadcast %ne3A_914 : i32 to vector<16xi32>
      %ne3A_916 = arith.cmpi ne, %rem3A_913, %ne3A_915 : vector<16xi32>
      %lt3A_917 = arith.constant 0 : i32
      %lt3A_918 = vector.broadcast %lt3A_917 : i32 to vector<16xi32>
      %lt3A_919 = arith.cmpi slt, %rem3A_913, %lt3A_918 : vector<16xi32>
      %lt3A_920 = arith.constant 0 : i32
      %lt3A_921 = arith.cmpi slt, %select_n3A_911, %lt3A_920 : i32
      %ne3A_922 = vector.broadcast %lt3A_921 : i1 to vector<16xi1>
      %ne3A_923 = vector.broadcast %ne3A_922 : vector<16xi1> to vector<16xi1>
      %ne3A_924 = arith.xori %lt3A_919, %ne3A_923 : vector<16xi1>
      %and3A_925 = arith.andi %ne3A_924, %ne3A_916 : vector<16xi1>
      %add3A_926 = vector.broadcast %select_n3A_911 : i32 to vector<16xi32>
      %add3A_927 = arith.addi %rem3A_913, %add3A_926 : vector<16xi32>
      %select_n3A_928 = arith.select %and3A_925, %add3A_927, %rem3A_913 : vector<16xi1>, vector<16xi32>
      tpu.vector_store_idx %arg6[%select_n3A_906, %select_n3A_928], %broadcast_in_dim3A_9 {add = true} : memref<80x128xf32, #tpu.memory_space<vmem>>[vector<16xi32>, vector<16xi32>], vector<16xf32>,
    }
    %scan3A_14 = arith.constant 80 : i32
    %run_scoped3A = arith.constant 0 : i32
    "tpu.region"() ({
      %run_scoped3A_16 = tpu.sem_alloc : memref<!tpu.dma_semaphore, #tpu.memory_space<semaphore_mem>>
      %dma_start3A = arith.constant 0 : i32
      %dma_start3A_17 = arith.constant 0 : i32
      %dma_start3A_18 = tpu.memref_slice %arg3[%run_scoped3A, %add3A, %dma_start3A, %dma_start3A_17] : memref<2x32x80x128xf32, #tpu.memory_space<hbm>> -> memref<1x1x80x128xf32, #tpu.memory_space<hbm>>
      %dma_start3A_19 = tpu.memref_squeeze %dma_start3A_18 : memref<1x1x80x128xf32, #tpu.memory_space<hbm>> -> memref<80x128xf32, #tpu.memory_space<hbm>>
      %dma_start3A_20 = arith.constant 0 : i32
      %dma_start3A_21 = arith.constant 0 : i32
      %dma_start3A_22 = tpu.memref_slice %arg3[%run_scoped3A, %add3A, %dma_start3A_20, %dma_start3A_21] : memref<2x32x80x128xf32, #tpu.memory_space<hbm>> -> memref<1x1x80x128xf32, #tpu.memory_space<hbm>>
      %dma_start3A_23 = tpu.memref_squeeze %dma_start3A_22 : memref<1x1x80x128xf32, #tpu.memory_space<hbm>> -> memref<80x128xf32, #tpu.memory_space<hbm>>
      tpu.enqueue_dma source(%arg5 : memref<80x128xf32, #tpu.memory_space<vmem>>) target(%dma_start3A_23 : memref<80x128xf32, #tpu.memory_space<hbm>>) target_semaphore(%run_scoped3A_16 : memref<!tpu.dma_semaphore, #tpu.memory_space<semaphore_mem>>)
      %dma_wait3A = arith.constant 0 : i32
      %dma_wait3A_24 = arith.constant 0 : i32
      %dma_wait3A_25 = tpu.memref_slice %arg3[%run_scoped3A, %add3A, %dma_wait3A, %dma_wait3A_24] : memref<2x32x80x128xf32, #tpu.memory_space<hbm>> -> memref<1x1x80x128xf32, #tpu.memory_space<hbm>>
      %dma_wait3A_26 = tpu.memref_squeeze %dma_wait3A_25 : memref<1x1x80x128xf32, #tpu.memory_space<hbm>> -> memref<80x128xf32, #tpu.memory_space<hbm>>
      %dma_wait3A_27 = arith.constant 0 : i32
      %dma_wait3A_28 = arith.constant 0 : i32
      %dma_wait3A_29 = tpu.memref_slice %arg3[%run_scoped3A, %add3A, %dma_wait3A_27, %dma_wait3A_28] : memref<2x32x80x128xf32, #tpu.memory_space<hbm>> -> memref<1x1x80x128xf32, #tpu.memory_space<hbm>>
      %dma_wait3A_30 = tpu.memref_squeeze %dma_wait3A_29 : memref<1x1x80x128xf32, #tpu.memory_space<hbm>> -> memref<80x128xf32, #tpu.memory_space<hbm>>
      tpu.wait_dma2 semaphore(%run_scoped3A_16 : memref<!tpu.dma_semaphore, #tpu.memory_space<semaphore_mem>>) src(%arg5 : memref<80x128xf32, #tpu.memory_space<vmem>>) dst(%dma_wait3A_30 : memref<80x128xf32, #tpu.memory_space<hbm>>)
      tpu.yield
    }) : () -> ()
    %run_scoped3A_15 = arith.constant 1 : i32
    "tpu.region"() ({
      %run_scoped3A_16 = tpu.sem_alloc : memref<!tpu.dma_semaphore, #tpu.memory_space<semaphore_mem>>
      %dma_start3A = arith.constant 0 : i32
      %dma_start3A_17 = arith.constant 0 : i32
      %dma_start3A_18 = tpu.memref_slice %arg3[%run_scoped3A_15, %add3A, %dma_start3A, %dma_start3A_17] : memref<2x32x80x128xf32, #tpu.memory_space<hbm>> -> memref<1x1x80x128xf32, #tpu.memory_space<hbm>>
      %dma_start3A_19 = tpu.memref_squeeze %dma_start3A_18 : memref<1x1x80x128xf32, #tpu.memory_space<hbm>> -> memref<80x128xf32, #tpu.memory_space<hbm>>
      %dma_start3A_20 = arith.constant 0 : i32
      %dma_start3A_21 = arith.constant 0 : i32
      %dma_start3A_22 = tpu.memref_slice %arg3[%run_scoped3A_15, %add3A, %dma_start3A_20, %dma_start3A_21] : memref<2x32x80x128xf32, #tpu.memory_space<hbm>> -> memref<1x1x80x128xf32, #tpu.memory_space<hbm>>
      %dma_start3A_23 = tpu.memref_squeeze %dma_start3A_22 : memref<1x1x80x128xf32, #tpu.memory_space<hbm>> -> memref<80x128xf32, #tpu.memory_space<hbm>>
      tpu.enqueue_dma source(%arg6 : memref<80x128xf32, #tpu.memory_space<vmem>>) target(%dma_start3A_23 : memref<80x128xf32, #tpu.memory_space<hbm>>) target_semaphore(%run_scoped3A_16 : memref<!tpu.dma_semaphore, #tpu.memory_space<semaphore_mem>>)
      %dma_wait3A = arith.constant 0 : i32
      %dma_wait3A_24 = arith.constant 0 : i32
      %dma_wait3A_25 = tpu.memref_slice %arg3[%run_scoped3A_15, %add3A, %dma_wait3A, %dma_wait3A_24] : memref<2x32x80x128xf32, #tpu.memory_space<hbm>> -> memref<1x1x80x128xf32, #tpu.memory_space<hbm>>
      %dma_wait3A_26 = tpu.memref_squeeze %dma_wait3A_25 : memref<1x1x80x128xf32, #tpu.memory_space<hbm>> -> memref<80x128xf32, #tpu.memory_space<hbm>>
      %dma_wait3A_27 = arith.constant 0 : i32
      %dma_wait3A_28 = arith.constant 0 : i32
      %dma_wait3A_29 = tpu.memref_slice %arg3[%run_scoped3A_15, %add3A, %dma_wait3A_27, %dma_wait3A_28] : memref<2x32x80x128xf32, #tpu.memory_space<hbm>> -> memref<1x1x80x128xf32, #tpu.memory_space<hbm>>
      %dma_wait3A_30 = tpu.memref_squeeze %dma_wait3A_29 : memref<1x1x80x128xf32, #tpu.memory_space<hbm>> -> memref<80x128xf32, #tpu.memory_space<hbm>>
      tpu.wait_dma2 semaphore(%run_scoped3A_16 : memref<!tpu.dma_semaphore, #tpu.memory_space<semaphore_mem>>) src(%arg6 : memref<80x128xf32, #tpu.memory_space<vmem>>) dst(%dma_wait3A_30 : memref<80x128xf32, #tpu.memory_space<hbm>>)
      tpu.yield
    }) : () -> ()
    return
  }
}

#map = affine_map<(d0, d1) -> (0, 0)>
#map1 = affine_map<(d0, d1) -> (0, 0, 0)>
module attributes {stable_mosaic.version = 14 : i64} {
  func.func @agg_kernel(%arg0: i32, %arg1: i32, %arg2: memref<10240x128xf32, #tpu.memory_space<hbm>>, %arg3: memref<5120x64xi32, #tpu.memory_space<hbm>>, %arg4: memref<5120x64xi32, #tpu.memory_space<hbm>>, %arg5: memref<2x10240x128xf32, #tpu.memory_space<hbm>>, %arg6: memref<80x64xi32, #tpu.memory_space<vmem>>, %arg7: memref<80x64xi32, #tpu.memory_space<vmem>>, %arg8: memref<256x128xf32, #tpu.memory_space<vmem>>, %arg9: memref<10240x128xf32, #tpu.memory_space<vmem_shared>>, %arg10: memref<!tpu.dma_semaphore, #tpu.memory_space<semaphore_mem>>, %arg11: memref<!tpu.dma_semaphore, #tpu.memory_space<semaphore_mem>>, %arg12: memref<!tpu.dma_semaphore, #tpu.memory_space<semaphore_mem>>, %arg13: memref<!tpu.dma_semaphore, #tpu.memory_space<semaphore_mem>>, %arg14: memref<!tpu.dma_semaphore, #tpu.memory_space<semaphore_mem>>, %arg15: memref<!tpu.dma_semaphore, #tpu.memory_space<semaphore_mem>>, %arg16: memref<!tpu.dma_semaphore, #tpu.memory_space<semaphore_mem>>, %arg17: memref<!tpu.dma_semaphore, #tpu.memory_space<semaphore_mem>>) attributes {dimension_semantics = [#tpu.dimension_semantics<core_parallel>, #tpu.dimension_semantics<subcore_parallel>], iteration_bounds = array<i64: 2, 16>, scalar_prefetch = 0 : i64, scratch_operands = 12 : i64, tpu.core_type = #tpu.core_type<sc_vector_subcore>, window_params = [{transform_indices = #map}, {transform_indices = #map}, {transform_indices = #map}, {transform_indices = #map1}]} {
    %mul3A = arith.constant 2 : i32
    %mul3A_0 = arith.muli %arg1, %mul3A : i32
    %add3A = arith.addi %mul3A_0, %arg0 : i32
    %broadcast_in_dim3A = arith.constant 0.000000e+00 : f32
    %broadcast_in_dim3A_1 = vector.broadcast %broadcast_in_dim3A : f32 to vector<16xf32>
    %scan3A = arith.constant 0 : i32
    %scan3A_2 = arith.constant 64 : i32
    %scan3A_3 = arith.addi %scan3A, %scan3A_2 : i32
    %scan3A_4 = arith.constant 1 : i32
    scf.for %scan3A_685 = %scan3A to %scan3A_3 step %scan3A_4  : i32 {
      %mul3A_686 = arith.constant 1 : i32
      %mul3A_687 = arith.muli %scan3A_685, %mul3A_686 : i32
      %add3A_688 = arith.constant 0 : i32
      %add3A_689 = arith.addi %add3A_688, %mul3A_687 : i32
      %swap3A = arith.index_cast %add3A_689 : i32 to index
      %swap3A_690 = arith.constant 0 : index
      %swap3A_691 = tpu.vector_load %arg8[%swap3A, %swap3A_690] {strides = array<i32>} : memref<256x128xf32, #tpu.memory_space<vmem>>, vector<16xf32>,
      tpu.vector_store %arg8[%swap3A, %swap3A_690], %broadcast_in_dim3A_1 {strides = array<i32>} : memref<256x128xf32, #tpu.memory_space<vmem>>, vector<16xf32>,
      %swap3A_692 = arith.index_cast %add3A_689 : i32 to index
      %swap3A_693 = arith.constant 16 : index
      %swap3A_694 = tpu.vector_load %arg8[%swap3A_692, %swap3A_693] {strides = array<i32>} : memref<256x128xf32, #tpu.memory_space<vmem>>, vector<16xf32>,
      tpu.vector_store %arg8[%swap3A_692, %swap3A_693], %broadcast_in_dim3A_1 {strides = array<i32>} : memref<256x128xf32, #tpu.memory_space<vmem>>, vector<16xf32>,
      %swap3A_695 = arith.index_cast %add3A_689 : i32 to index
      %swap3A_696 = arith.constant 32 : index
      %swap3A_697 = tpu.vector_load %arg8[%swap3A_695, %swap3A_696] {strides = array<i32>} : memref<256x128xf32, #tpu.memory_space<vmem>>, vector<16xf32>,
      tpu.vector_store %arg8[%swap3A_695, %swap3A_696], %broadcast_in_dim3A_1 {strides = array<i32>} : memref<256x128xf32, #tpu.memory_space<vmem>>, vector<16xf32>,
      %swap3A_698 = arith.index_cast %add3A_689 : i32 to index
      %swap3A_699 = arith.constant 48 : index
      %swap3A_700 = tpu.vector_load %arg8[%swap3A_698, %swap3A_699] {strides = array<i32>} : memref<256x128xf32, #tpu.memory_space<vmem>>, vector<16xf32>,
      tpu.vector_store %arg8[%swap3A_698, %swap3A_699], %broadcast_in_dim3A_1 {strides = array<i32>} : memref<256x128xf32, #tpu.memory_space<vmem>>, vector<16xf32>,
      %swap3A_701 = arith.index_cast %add3A_689 : i32 to index
      %swap3A_702 = arith.constant 64 : index
      %swap3A_703 = tpu.vector_load %arg8[%swap3A_701, %swap3A_702] {strides = array<i32>} : memref<256x128xf32, #tpu.memory_space<vmem>>, vector<16xf32>,
      tpu.vector_store %arg8[%swap3A_701, %swap3A_702], %broadcast_in_dim3A_1 {strides = array<i32>} : memref<256x128xf32, #tpu.memory_space<vmem>>, vector<16xf32>,
      %swap3A_704 = arith.index_cast %add3A_689 : i32 to index
      %swap3A_705 = arith.constant 80 : index
      %swap3A_706 = tpu.vector_load %arg8[%swap3A_704, %swap3A_705] {strides = array<i32>} : memref<256x128xf32, #tpu.memory_space<vmem>>, vector<16xf32>,
      tpu.vector_store %arg8[%swap3A_704, %swap3A_705], %broadcast_in_dim3A_1 {strides = array<i32>} : memref<256x128xf32, #tpu.memory_space<vmem>>, vector<16xf32>,
      %swap3A_707 = arith.index_cast %add3A_689 : i32 to index
      %swap3A_708 = arith.constant 96 : index
      %swap3A_709 = tpu.vector_load %arg8[%swap3A_707, %swap3A_708] {strides = array<i32>} : memref<256x128xf32, #tpu.memory_space<vmem>>, vector<16xf32>,
      tpu.vector_store %arg8[%swap3A_707, %swap3A_708], %broadcast_in_dim3A_1 {strides = array<i32>} : memref<256x128xf32, #tpu.memory_space<vmem>>, vector<16xf32>,
      %swap3A_710 = arith.index_cast %add3A_689 : i32 to index
      %swap3A_711 = arith.constant 112 : index
      %swap3A_712 = tpu.vector_load %arg8[%swap3A_710, %swap3A_711] {strides = array<i32>} : memref<256x128xf32, #tpu.memory_space<vmem>>, vector<16xf32>,
      tpu.vector_store %arg8[%swap3A_710, %swap3A_711], %broadcast_in_dim3A_1 {strides = array<i32>} : memref<256x128xf32, #tpu.memory_space<vmem>>, vector<16xf32>,
    }
    %scan3A_5 = arith.constant 64 : i32
    %mul3A_6 = arith.constant 640 : i32
    %mul3A_7 = arith.muli %arg1, %mul3A_6 : i32
    %add3A_8 = arith.constant 0 : i32
    %add3A_9 = arith.addi %mul3A_7, %add3A_8 : i32
    "tpu.region"() ({
      %run_scoped3A = tpu.sem_alloc : memref<!tpu.dma_semaphore, #tpu.memory_space<semaphore_mem>>
      %dma_start3A_685 = arith.constant 0 : i32
      %dma_start3A_686 = arith.constant 0 : i32
      %dma_start3A_687 = tpu.memref_slice %arg8[%dma_start3A_685, %dma_start3A_686] : memref<256x128xf32, #tpu.memory_space<vmem>> -> memref<64x128xf32, #tpu.memory_space<vmem>>
      %dma_start3A_688 = arith.constant 0 : i32
      %dma_start3A_689 = tpu.memref_slice %arg9[%add3A_9, %dma_start3A_688] : memref<10240x128xf32, #tpu.memory_space<vmem_shared>> -> memref<64x128xf32, #tpu.memory_space<vmem_shared>>
      %dma_start3A_690 = arith.constant 0 : i32
      %dma_start3A_691 = tpu.memref_slice %arg9[%add3A_9, %dma_start3A_690] : memref<10240x128xf32, #tpu.memory_space<vmem_shared>> -> memref<64x128xf32, #tpu.memory_space<vmem_shared>>
      %dma_start3A_692 = arith.constant 0 : i32
      %dma_start3A_693 = arith.constant 0 : i32
      %dma_start3A_694 = tpu.memref_slice %arg8[%dma_start3A_692, %dma_start3A_693] : memref<256x128xf32, #tpu.memory_space<vmem>> -> memref<64x128xf32, #tpu.memory_space<vmem>>
      tpu.enqueue_dma source(%dma_start3A_694 : memref<64x128xf32, #tpu.memory_space<vmem>>) target(%dma_start3A_691 : memref<64x128xf32, #tpu.memory_space<vmem_shared>>) target_semaphore(%run_scoped3A : memref<!tpu.dma_semaphore, #tpu.memory_space<semaphore_mem>>)
      %dma_wait3A_695 = arith.constant 0 : i32
      %dma_wait3A_696 = arith.constant 0 : i32
      %dma_wait3A_697 = tpu.memref_slice %arg8[%dma_wait3A_695, %dma_wait3A_696] : memref<256x128xf32, #tpu.memory_space<vmem>> -> memref<64x128xf32, #tpu.memory_space<vmem>>
      %dma_wait3A_698 = arith.constant 0 : i32
      %dma_wait3A_699 = tpu.memref_slice %arg9[%add3A_9, %dma_wait3A_698] : memref<10240x128xf32, #tpu.memory_space<vmem_shared>> -> memref<64x128xf32, #tpu.memory_space<vmem_shared>>
      %dma_wait3A_700 = arith.constant 0 : i32
      %dma_wait3A_701 = tpu.memref_slice %arg9[%add3A_9, %dma_wait3A_700] : memref<10240x128xf32, #tpu.memory_space<vmem_shared>> -> memref<64x128xf32, #tpu.memory_space<vmem_shared>>
      %dma_wait3A_702 = arith.constant 0 : i32
      %dma_wait3A_703 = arith.constant 0 : i32
      %dma_wait3A_704 = tpu.memref_slice %arg8[%dma_wait3A_702, %dma_wait3A_703] : memref<256x128xf32, #tpu.memory_space<vmem>> -> memref<64x128xf32, #tpu.memory_space<vmem>>
      tpu.wait_dma2 semaphore(%run_scoped3A : memref<!tpu.dma_semaphore, #tpu.memory_space<semaphore_mem>>) src(%dma_wait3A_704 : memref<64x128xf32, #tpu.memory_space<vmem>>) dst(%dma_wait3A_701 : memref<64x128xf32, #tpu.memory_space<vmem_shared>>)
      tpu.yield
    }) : () -> ()
    %add3A_10 = arith.constant 64 : i32
    %add3A_11 = arith.addi %mul3A_7, %add3A_10 : i32
    "tpu.region"() ({
      %run_scoped3A = tpu.sem_alloc : memref<!tpu.dma_semaphore, #tpu.memory_space<semaphore_mem>>
      %dma_start3A_685 = arith.constant 0 : i32
      %dma_start3A_686 = arith.constant 0 : i32
      %dma_start3A_687 = tpu.memref_slice %arg8[%dma_start3A_685, %dma_start3A_686] : memref<256x128xf32, #tpu.memory_space<vmem>> -> memref<64x128xf32, #tpu.memory_space<vmem>>
      %dma_start3A_688 = arith.constant 0 : i32
      %dma_start3A_689 = tpu.memref_slice %arg9[%add3A_11, %dma_start3A_688] : memref<10240x128xf32, #tpu.memory_space<vmem_shared>> -> memref<64x128xf32, #tpu.memory_space<vmem_shared>>
      %dma_start3A_690 = arith.constant 0 : i32
      %dma_start3A_691 = tpu.memref_slice %arg9[%add3A_11, %dma_start3A_690] : memref<10240x128xf32, #tpu.memory_space<vmem_shared>> -> memref<64x128xf32, #tpu.memory_space<vmem_shared>>
      %dma_start3A_692 = arith.constant 0 : i32
      %dma_start3A_693 = arith.constant 0 : i32
      %dma_start3A_694 = tpu.memref_slice %arg8[%dma_start3A_692, %dma_start3A_693] : memref<256x128xf32, #tpu.memory_space<vmem>> -> memref<64x128xf32, #tpu.memory_space<vmem>>
      tpu.enqueue_dma source(%dma_start3A_694 : memref<64x128xf32, #tpu.memory_space<vmem>>) target(%dma_start3A_691 : memref<64x128xf32, #tpu.memory_space<vmem_shared>>) target_semaphore(%run_scoped3A : memref<!tpu.dma_semaphore, #tpu.memory_space<semaphore_mem>>)
      %dma_wait3A_695 = arith.constant 0 : i32
      %dma_wait3A_696 = arith.constant 0 : i32
      %dma_wait3A_697 = tpu.memref_slice %arg8[%dma_wait3A_695, %dma_wait3A_696] : memref<256x128xf32, #tpu.memory_space<vmem>> -> memref<64x128xf32, #tpu.memory_space<vmem>>
      %dma_wait3A_698 = arith.constant 0 : i32
      %dma_wait3A_699 = tpu.memref_slice %arg9[%add3A_11, %dma_wait3A_698] : memref<10240x128xf32, #tpu.memory_space<vmem_shared>> -> memref<64x128xf32, #tpu.memory_space<vmem_shared>>
      %dma_wait3A_700 = arith.constant 0 : i32
      %dma_wait3A_701 = tpu.memref_slice %arg9[%add3A_11, %dma_wait3A_700] : memref<10240x128xf32, #tpu.memory_space<vmem_shared>> -> memref<64x128xf32, #tpu.memory_space<vmem_shared>>
      %dma_wait3A_702 = arith.constant 0 : i32
      %dma_wait3A_703 = arith.constant 0 : i32
      %dma_wait3A_704 = tpu.memref_slice %arg8[%dma_wait3A_702, %dma_wait3A_703] : memref<256x128xf32, #tpu.memory_space<vmem>> -> memref<64x128xf32, #tpu.memory_space<vmem>>
      tpu.wait_dma2 semaphore(%run_scoped3A : memref<!tpu.dma_semaphore, #tpu.memory_space<semaphore_mem>>) src(%dma_wait3A_704 : memref<64x128xf32, #tpu.memory_space<vmem>>) dst(%dma_wait3A_701 : memref<64x128xf32, #tpu.memory_space<vmem_shared>>)
      tpu.yield
    }) : () -> ()
    %add3A_12 = arith.constant 128 : i32
    %add3A_13 = arith.addi %mul3A_7, %add3A_12 : i32
    "tpu.region"() ({
      %run_scoped3A = tpu.sem_alloc : memref<!tpu.dma_semaphore, #tpu.memory_space<semaphore_mem>>
      %dma_start3A_685 = arith.constant 0 : i32
      %dma_start3A_686 = arith.constant 0 : i32
      %dma_start3A_687 = tpu.memref_slice %arg8[%dma_start3A_685, %dma_start3A_686] : memref<256x128xf32, #tpu.memory_space<vmem>> -> memref<64x128xf32, #tpu.memory_space<vmem>>
      %dma_start3A_688 = arith.constant 0 : i32
      %dma_start3A_689 = tpu.memref_slice %arg9[%add3A_13, %dma_start3A_688] : memref<10240x128xf32, #tpu.memory_space<vmem_shared>> -> memref<64x128xf32, #tpu.memory_space<vmem_shared>>
      %dma_start3A_690 = arith.constant 0 : i32
      %dma_start3A_691 = tpu.memref_slice %arg9[%add3A_13, %dma_start3A_690] : memref<10240x128xf32, #tpu.memory_space<vmem_shared>> -> memref<64x128xf32, #tpu.memory_space<vmem_shared>>
      %dma_start3A_692 = arith.constant 0 : i32
      %dma_start3A_693 = arith.constant 0 : i32
      %dma_start3A_694 = tpu.memref_slice %arg8[%dma_start3A_692, %dma_start3A_693] : memref<256x128xf32, #tpu.memory_space<vmem>> -> memref<64x128xf32, #tpu.memory_space<vmem>>
      tpu.enqueue_dma source(%dma_start3A_694 : memref<64x128xf32, #tpu.memory_space<vmem>>) target(%dma_start3A_691 : memref<64x128xf32, #tpu.memory_space<vmem_shared>>) target_semaphore(%run_scoped3A : memref<!tpu.dma_semaphore, #tpu.memory_space<semaphore_mem>>)
      %dma_wait3A_695 = arith.constant 0 : i32
      %dma_wait3A_696 = arith.constant 0 : i32
      %dma_wait3A_697 = tpu.memref_slice %arg8[%dma_wait3A_695, %dma_wait3A_696] : memref<256x128xf32, #tpu.memory_space<vmem>> -> memref<64x128xf32, #tpu.memory_space<vmem>>
      %dma_wait3A_698 = arith.constant 0 : i32
      %dma_wait3A_699 = tpu.memref_slice %arg9[%add3A_13, %dma_wait3A_698] : memref<10240x128xf32, #tpu.memory_space<vmem_shared>> -> memref<64x128xf32, #tpu.memory_space<vmem_shared>>
      %dma_wait3A_700 = arith.constant 0 : i32
      %dma_wait3A_701 = tpu.memref_slice %arg9[%add3A_13, %dma_wait3A_700] : memref<10240x128xf32, #tpu.memory_space<vmem_shared>> -> memref<64x128xf32, #tpu.memory_space<vmem_shared>>
      %dma_wait3A_702 = arith.constant 0 : i32
      %dma_wait3A_703 = arith.constant 0 : i32
      %dma_wait3A_704 = tpu.memref_slice %arg8[%dma_wait3A_702, %dma_wait3A_703] : memref<256x128xf32, #tpu.memory_space<vmem>> -> memref<64x128xf32, #tpu.memory_space<vmem>>
      tpu.wait_dma2 semaphore(%run_scoped3A : memref<!tpu.dma_semaphore, #tpu.memory_space<semaphore_mem>>) src(%dma_wait3A_704 : memref<64x128xf32, #tpu.memory_space<vmem>>) dst(%dma_wait3A_701 : memref<64x128xf32, #tpu.memory_space<vmem_shared>>)
      tpu.yield
    }) : () -> ()
    %add3A_14 = arith.constant 192 : i32
    %add3A_15 = arith.addi %mul3A_7, %add3A_14 : i32
    "tpu.region"() ({
      %run_scoped3A = tpu.sem_alloc : memref<!tpu.dma_semaphore, #tpu.memory_space<semaphore_mem>>
      %dma_start3A_685 = arith.constant 0 : i32
      %dma_start3A_686 = arith.constant 0 : i32
      %dma_start3A_687 = tpu.memref_slice %arg8[%dma_start3A_685, %dma_start3A_686] : memref<256x128xf32, #tpu.memory_space<vmem>> -> memref<64x128xf32, #tpu.memory_space<vmem>>
      %dma_start3A_688 = arith.constant 0 : i32
      %dma_start3A_689 = tpu.memref_slice %arg9[%add3A_15, %dma_start3A_688] : memref<10240x128xf32, #tpu.memory_space<vmem_shared>> -> memref<64x128xf32, #tpu.memory_space<vmem_shared>>
      %dma_start3A_690 = arith.constant 0 : i32
      %dma_start3A_691 = tpu.memref_slice %arg9[%add3A_15, %dma_start3A_690] : memref<10240x128xf32, #tpu.memory_space<vmem_shared>> -> memref<64x128xf32, #tpu.memory_space<vmem_shared>>
      %dma_start3A_692 = arith.constant 0 : i32
      %dma_start3A_693 = arith.constant 0 : i32
      %dma_start3A_694 = tpu.memref_slice %arg8[%dma_start3A_692, %dma_start3A_693] : memref<256x128xf32, #tpu.memory_space<vmem>> -> memref<64x128xf32, #tpu.memory_space<vmem>>
      tpu.enqueue_dma source(%dma_start3A_694 : memref<64x128xf32, #tpu.memory_space<vmem>>) target(%dma_start3A_691 : memref<64x128xf32, #tpu.memory_space<vmem_shared>>) target_semaphore(%run_scoped3A : memref<!tpu.dma_semaphore, #tpu.memory_space<semaphore_mem>>)
      %dma_wait3A_695 = arith.constant 0 : i32
      %dma_wait3A_696 = arith.constant 0 : i32
      %dma_wait3A_697 = tpu.memref_slice %arg8[%dma_wait3A_695, %dma_wait3A_696] : memref<256x128xf32, #tpu.memory_space<vmem>> -> memref<64x128xf32, #tpu.memory_space<vmem>>
      %dma_wait3A_698 = arith.constant 0 : i32
      %dma_wait3A_699 = tpu.memref_slice %arg9[%add3A_15, %dma_wait3A_698] : memref<10240x128xf32, #tpu.memory_space<vmem_shared>> -> memref<64x128xf32, #tpu.memory_space<vmem_shared>>
      %dma_wait3A_700 = arith.constant 0 : i32
      %dma_wait3A_701 = tpu.memref_slice %arg9[%add3A_15, %dma_wait3A_700] : memref<10240x128xf32, #tpu.memory_space<vmem_shared>> -> memref<64x128xf32, #tpu.memory_space<vmem_shared>>
      %dma_wait3A_702 = arith.constant 0 : i32
      %dma_wait3A_703 = arith.constant 0 : i32
      %dma_wait3A_704 = tpu.memref_slice %arg8[%dma_wait3A_702, %dma_wait3A_703] : memref<256x128xf32, #tpu.memory_space<vmem>> -> memref<64x128xf32, #tpu.memory_space<vmem>>
      tpu.wait_dma2 semaphore(%run_scoped3A : memref<!tpu.dma_semaphore, #tpu.memory_space<semaphore_mem>>) src(%dma_wait3A_704 : memref<64x128xf32, #tpu.memory_space<vmem>>) dst(%dma_wait3A_701 : memref<64x128xf32, #tpu.memory_space<vmem_shared>>)
      tpu.yield
    }) : () -> ()
    %add3A_16 = arith.constant 256 : i32
    %add3A_17 = arith.addi %mul3A_7, %add3A_16 : i32
    "tpu.region"() ({
      %run_scoped3A = tpu.sem_alloc : memref<!tpu.dma_semaphore, #tpu.memory_space<semaphore_mem>>
      %dma_start3A_685 = arith.constant 0 : i32
      %dma_start3A_686 = arith.constant 0 : i32
      %dma_start3A_687 = tpu.memref_slice %arg8[%dma_start3A_685, %dma_start3A_686] : memref<256x128xf32, #tpu.memory_space<vmem>> -> memref<64x128xf32, #tpu.memory_space<vmem>>
      %dma_start3A_688 = arith.constant 0 : i32
      %dma_start3A_689 = tpu.memref_slice %arg9[%add3A_17, %dma_start3A_688] : memref<10240x128xf32, #tpu.memory_space<vmem_shared>> -> memref<64x128xf32, #tpu.memory_space<vmem_shared>>
      %dma_start3A_690 = arith.constant 0 : i32
      %dma_start3A_691 = tpu.memref_slice %arg9[%add3A_17, %dma_start3A_690] : memref<10240x128xf32, #tpu.memory_space<vmem_shared>> -> memref<64x128xf32, #tpu.memory_space<vmem_shared>>
      %dma_start3A_692 = arith.constant 0 : i32
      %dma_start3A_693 = arith.constant 0 : i32
      %dma_start3A_694 = tpu.memref_slice %arg8[%dma_start3A_692, %dma_start3A_693] : memref<256x128xf32, #tpu.memory_space<vmem>> -> memref<64x128xf32, #tpu.memory_space<vmem>>
      tpu.enqueue_dma source(%dma_start3A_694 : memref<64x128xf32, #tpu.memory_space<vmem>>) target(%dma_start3A_691 : memref<64x128xf32, #tpu.memory_space<vmem_shared>>) target_semaphore(%run_scoped3A : memref<!tpu.dma_semaphore, #tpu.memory_space<semaphore_mem>>)
      %dma_wait3A_695 = arith.constant 0 : i32
      %dma_wait3A_696 = arith.constant 0 : i32
      %dma_wait3A_697 = tpu.memref_slice %arg8[%dma_wait3A_695, %dma_wait3A_696] : memref<256x128xf32, #tpu.memory_space<vmem>> -> memref<64x128xf32, #tpu.memory_space<vmem>>
      %dma_wait3A_698 = arith.constant 0 : i32
      %dma_wait3A_699 = tpu.memref_slice %arg9[%add3A_17, %dma_wait3A_698] : memref<10240x128xf32, #tpu.memory_space<vmem_shared>> -> memref<64x128xf32, #tpu.memory_space<vmem_shared>>
      %dma_wait3A_700 = arith.constant 0 : i32
      %dma_wait3A_701 = tpu.memref_slice %arg9[%add3A_17, %dma_wait3A_700] : memref<10240x128xf32, #tpu.memory_space<vmem_shared>> -> memref<64x128xf32, #tpu.memory_space<vmem_shared>>
      %dma_wait3A_702 = arith.constant 0 : i32
      %dma_wait3A_703 = arith.constant 0 : i32
      %dma_wait3A_704 = tpu.memref_slice %arg8[%dma_wait3A_702, %dma_wait3A_703] : memref<256x128xf32, #tpu.memory_space<vmem>> -> memref<64x128xf32, #tpu.memory_space<vmem>>
      tpu.wait_dma2 semaphore(%run_scoped3A : memref<!tpu.dma_semaphore, #tpu.memory_space<semaphore_mem>>) src(%dma_wait3A_704 : memref<64x128xf32, #tpu.memory_space<vmem>>) dst(%dma_wait3A_701 : memref<64x128xf32, #tpu.memory_space<vmem_shared>>)
      tpu.yield
    }) : () -> ()
    %add3A_18 = arith.constant 320 : i32
    %add3A_19 = arith.addi %mul3A_7, %add3A_18 : i32
    "tpu.region"() ({
      %run_scoped3A = tpu.sem_alloc : memref<!tpu.dma_semaphore, #tpu.memory_space<semaphore_mem>>
      %dma_start3A_685 = arith.constant 0 : i32
      %dma_start3A_686 = arith.constant 0 : i32
      %dma_start3A_687 = tpu.memref_slice %arg8[%dma_start3A_685, %dma_start3A_686] : memref<256x128xf32, #tpu.memory_space<vmem>> -> memref<64x128xf32, #tpu.memory_space<vmem>>
      %dma_start3A_688 = arith.constant 0 : i32
      %dma_start3A_689 = tpu.memref_slice %arg9[%add3A_19, %dma_start3A_688] : memref<10240x128xf32, #tpu.memory_space<vmem_shared>> -> memref<64x128xf32, #tpu.memory_space<vmem_shared>>
      %dma_start3A_690 = arith.constant 0 : i32
      %dma_start3A_691 = tpu.memref_slice %arg9[%add3A_19, %dma_start3A_690] : memref<10240x128xf32, #tpu.memory_space<vmem_shared>> -> memref<64x128xf32, #tpu.memory_space<vmem_shared>>
      %dma_start3A_692 = arith.constant 0 : i32
      %dma_start3A_693 = arith.constant 0 : i32
      %dma_start3A_694 = tpu.memref_slice %arg8[%dma_start3A_692, %dma_start3A_693] : memref<256x128xf32, #tpu.memory_space<vmem>> -> memref<64x128xf32, #tpu.memory_space<vmem>>
      tpu.enqueue_dma source(%dma_start3A_694 : memref<64x128xf32, #tpu.memory_space<vmem>>) target(%dma_start3A_691 : memref<64x128xf32, #tpu.memory_space<vmem_shared>>) target_semaphore(%run_scoped3A : memref<!tpu.dma_semaphore, #tpu.memory_space<semaphore_mem>>)
      %dma_wait3A_695 = arith.constant 0 : i32
      %dma_wait3A_696 = arith.constant 0 : i32
      %dma_wait3A_697 = tpu.memref_slice %arg8[%dma_wait3A_695, %dma_wait3A_696] : memref<256x128xf32, #tpu.memory_space<vmem>> -> memref<64x128xf32, #tpu.memory_space<vmem>>
      %dma_wait3A_698 = arith.constant 0 : i32
      %dma_wait3A_699 = tpu.memref_slice %arg9[%add3A_19, %dma_wait3A_698] : memref<10240x128xf32, #tpu.memory_space<vmem_shared>> -> memref<64x128xf32, #tpu.memory_space<vmem_shared>>
      %dma_wait3A_700 = arith.constant 0 : i32
      %dma_wait3A_701 = tpu.memref_slice %arg9[%add3A_19, %dma_wait3A_700] : memref<10240x128xf32, #tpu.memory_space<vmem_shared>> -> memref<64x128xf32, #tpu.memory_space<vmem_shared>>
      %dma_wait3A_702 = arith.constant 0 : i32
      %dma_wait3A_703 = arith.constant 0 : i32
      %dma_wait3A_704 = tpu.memref_slice %arg8[%dma_wait3A_702, %dma_wait3A_703] : memref<256x128xf32, #tpu.memory_space<vmem>> -> memref<64x128xf32, #tpu.memory_space<vmem>>
      tpu.wait_dma2 semaphore(%run_scoped3A : memref<!tpu.dma_semaphore, #tpu.memory_space<semaphore_mem>>) src(%dma_wait3A_704 : memref<64x128xf32, #tpu.memory_space<vmem>>) dst(%dma_wait3A_701 : memref<64x128xf32, #tpu.memory_space<vmem_shared>>)
      tpu.yield
    }) : () -> ()
    %add3A_20 = arith.constant 384 : i32
    %add3A_21 = arith.addi %mul3A_7, %add3A_20 : i32
    "tpu.region"() ({
      %run_scoped3A = tpu.sem_alloc : memref<!tpu.dma_semaphore, #tpu.memory_space<semaphore_mem>>
      %dma_start3A_685 = arith.constant 0 : i32
      %dma_start3A_686 = arith.constant 0 : i32
      %dma_start3A_687 = tpu.memref_slice %arg8[%dma_start3A_685, %dma_start3A_686] : memref<256x128xf32, #tpu.memory_space<vmem>> -> memref<64x128xf32, #tpu.memory_space<vmem>>
      %dma_start3A_688 = arith.constant 0 : i32
      %dma_start3A_689 = tpu.memref_slice %arg9[%add3A_21, %dma_start3A_688] : memref<10240x128xf32, #tpu.memory_space<vmem_shared>> -> memref<64x128xf32, #tpu.memory_space<vmem_shared>>
      %dma_start3A_690 = arith.constant 0 : i32
      %dma_start3A_691 = tpu.memref_slice %arg9[%add3A_21, %dma_start3A_690] : memref<10240x128xf32, #tpu.memory_space<vmem_shared>> -> memref<64x128xf32, #tpu.memory_space<vmem_shared>>
      %dma_start3A_692 = arith.constant 0 : i32
      %dma_start3A_693 = arith.constant 0 : i32
      %dma_start3A_694 = tpu.memref_slice %arg8[%dma_start3A_692, %dma_start3A_693] : memref<256x128xf32, #tpu.memory_space<vmem>> -> memref<64x128xf32, #tpu.memory_space<vmem>>
      tpu.enqueue_dma source(%dma_start3A_694 : memref<64x128xf32, #tpu.memory_space<vmem>>) target(%dma_start3A_691 : memref<64x128xf32, #tpu.memory_space<vmem_shared>>) target_semaphore(%run_scoped3A : memref<!tpu.dma_semaphore, #tpu.memory_space<semaphore_mem>>)
      %dma_wait3A_695 = arith.constant 0 : i32
      %dma_wait3A_696 = arith.constant 0 : i32
      %dma_wait3A_697 = tpu.memref_slice %arg8[%dma_wait3A_695, %dma_wait3A_696] : memref<256x128xf32, #tpu.memory_space<vmem>> -> memref<64x128xf32, #tpu.memory_space<vmem>>
      %dma_wait3A_698 = arith.constant 0 : i32
      %dma_wait3A_699 = tpu.memref_slice %arg9[%add3A_21, %dma_wait3A_698] : memref<10240x128xf32, #tpu.memory_space<vmem_shared>> -> memref<64x128xf32, #tpu.memory_space<vmem_shared>>
      %dma_wait3A_700 = arith.constant 0 : i32
      %dma_wait3A_701 = tpu.memref_slice %arg9[%add3A_21, %dma_wait3A_700] : memref<10240x128xf32, #tpu.memory_space<vmem_shared>> -> memref<64x128xf32, #tpu.memory_space<vmem_shared>>
      %dma_wait3A_702 = arith.constant 0 : i32
      %dma_wait3A_703 = arith.constant 0 : i32
      %dma_wait3A_704 = tpu.memref_slice %arg8[%dma_wait3A_702, %dma_wait3A_703] : memref<256x128xf32, #tpu.memory_space<vmem>> -> memref<64x128xf32, #tpu.memory_space<vmem>>
      tpu.wait_dma2 semaphore(%run_scoped3A : memref<!tpu.dma_semaphore, #tpu.memory_space<semaphore_mem>>) src(%dma_wait3A_704 : memref<64x128xf32, #tpu.memory_space<vmem>>) dst(%dma_wait3A_701 : memref<64x128xf32, #tpu.memory_space<vmem_shared>>)
      tpu.yield
    }) : () -> ()
    %add3A_22 = arith.constant 448 : i32
    %add3A_23 = arith.addi %mul3A_7, %add3A_22 : i32
    "tpu.region"() ({
      %run_scoped3A = tpu.sem_alloc : memref<!tpu.dma_semaphore, #tpu.memory_space<semaphore_mem>>
      %dma_start3A_685 = arith.constant 0 : i32
      %dma_start3A_686 = arith.constant 0 : i32
      %dma_start3A_687 = tpu.memref_slice %arg8[%dma_start3A_685, %dma_start3A_686] : memref<256x128xf32, #tpu.memory_space<vmem>> -> memref<64x128xf32, #tpu.memory_space<vmem>>
      %dma_start3A_688 = arith.constant 0 : i32
      %dma_start3A_689 = tpu.memref_slice %arg9[%add3A_23, %dma_start3A_688] : memref<10240x128xf32, #tpu.memory_space<vmem_shared>> -> memref<64x128xf32, #tpu.memory_space<vmem_shared>>
      %dma_start3A_690 = arith.constant 0 : i32
      %dma_start3A_691 = tpu.memref_slice %arg9[%add3A_23, %dma_start3A_690] : memref<10240x128xf32, #tpu.memory_space<vmem_shared>> -> memref<64x128xf32, #tpu.memory_space<vmem_shared>>
      %dma_start3A_692 = arith.constant 0 : i32
      %dma_start3A_693 = arith.constant 0 : i32
      %dma_start3A_694 = tpu.memref_slice %arg8[%dma_start3A_692, %dma_start3A_693] : memref<256x128xf32, #tpu.memory_space<vmem>> -> memref<64x128xf32, #tpu.memory_space<vmem>>
      tpu.enqueue_dma source(%dma_start3A_694 : memref<64x128xf32, #tpu.memory_space<vmem>>) target(%dma_start3A_691 : memref<64x128xf32, #tpu.memory_space<vmem_shared>>) target_semaphore(%run_scoped3A : memref<!tpu.dma_semaphore, #tpu.memory_space<semaphore_mem>>)
      %dma_wait3A_695 = arith.constant 0 : i32
      %dma_wait3A_696 = arith.constant 0 : i32
      %dma_wait3A_697 = tpu.memref_slice %arg8[%dma_wait3A_695, %dma_wait3A_696] : memref<256x128xf32, #tpu.memory_space<vmem>> -> memref<64x128xf32, #tpu.memory_space<vmem>>
      %dma_wait3A_698 = arith.constant 0 : i32
      %dma_wait3A_699 = tpu.memref_slice %arg9[%add3A_23, %dma_wait3A_698] : memref<10240x128xf32, #tpu.memory_space<vmem_shared>> -> memref<64x128xf32, #tpu.memory_space<vmem_shared>>
      %dma_wait3A_700 = arith.constant 0 : i32
      %dma_wait3A_701 = tpu.memref_slice %arg9[%add3A_23, %dma_wait3A_700] : memref<10240x128xf32, #tpu.memory_space<vmem_shared>> -> memref<64x128xf32, #tpu.memory_space<vmem_shared>>
      %dma_wait3A_702 = arith.constant 0 : i32
      %dma_wait3A_703 = arith.constant 0 : i32
      %dma_wait3A_704 = tpu.memref_slice %arg8[%dma_wait3A_702, %dma_wait3A_703] : memref<256x128xf32, #tpu.memory_space<vmem>> -> memref<64x128xf32, #tpu.memory_space<vmem>>
      tpu.wait_dma2 semaphore(%run_scoped3A : memref<!tpu.dma_semaphore, #tpu.memory_space<semaphore_mem>>) src(%dma_wait3A_704 : memref<64x128xf32, #tpu.memory_space<vmem>>) dst(%dma_wait3A_701 : memref<64x128xf32, #tpu.memory_space<vmem_shared>>)
      tpu.yield
    }) : () -> ()
    %add3A_24 = arith.constant 512 : i32
    %add3A_25 = arith.addi %mul3A_7, %add3A_24 : i32
    "tpu.region"() ({
      %run_scoped3A = tpu.sem_alloc : memref<!tpu.dma_semaphore, #tpu.memory_space<semaphore_mem>>
      %dma_start3A_685 = arith.constant 0 : i32
      %dma_start3A_686 = arith.constant 0 : i32
      %dma_start3A_687 = tpu.memref_slice %arg8[%dma_start3A_685, %dma_start3A_686] : memref<256x128xf32, #tpu.memory_space<vmem>> -> memref<64x128xf32, #tpu.memory_space<vmem>>
      %dma_start3A_688 = arith.constant 0 : i32
      %dma_start3A_689 = tpu.memref_slice %arg9[%add3A_25, %dma_start3A_688] : memref<10240x128xf32, #tpu.memory_space<vmem_shared>> -> memref<64x128xf32, #tpu.memory_space<vmem_shared>>
      %dma_start3A_690 = arith.constant 0 : i32
      %dma_start3A_691 = tpu.memref_slice %arg9[%add3A_25, %dma_start3A_690] : memref<10240x128xf32, #tpu.memory_space<vmem_shared>> -> memref<64x128xf32, #tpu.memory_space<vmem_shared>>
      %dma_start3A_692 = arith.constant 0 : i32
      %dma_start3A_693 = arith.constant 0 : i32
      %dma_start3A_694 = tpu.memref_slice %arg8[%dma_start3A_692, %dma_start3A_693] : memref<256x128xf32, #tpu.memory_space<vmem>> -> memref<64x128xf32, #tpu.memory_space<vmem>>
      tpu.enqueue_dma source(%dma_start3A_694 : memref<64x128xf32, #tpu.memory_space<vmem>>) target(%dma_start3A_691 : memref<64x128xf32, #tpu.memory_space<vmem_shared>>) target_semaphore(%run_scoped3A : memref<!tpu.dma_semaphore, #tpu.memory_space<semaphore_mem>>)
      %dma_wait3A_695 = arith.constant 0 : i32
      %dma_wait3A_696 = arith.constant 0 : i32
      %dma_wait3A_697 = tpu.memref_slice %arg8[%dma_wait3A_695, %dma_wait3A_696] : memref<256x128xf32, #tpu.memory_space<vmem>> -> memref<64x128xf32, #tpu.memory_space<vmem>>
      %dma_wait3A_698 = arith.constant 0 : i32
      %dma_wait3A_699 = tpu.memref_slice %arg9[%add3A_25, %dma_wait3A_698] : memref<10240x128xf32, #tpu.memory_space<vmem_shared>> -> memref<64x128xf32, #tpu.memory_space<vmem_shared>>
      %dma_wait3A_700 = arith.constant 0 : i32
      %dma_wait3A_701 = tpu.memref_slice %arg9[%add3A_25, %dma_wait3A_700] : memref<10240x128xf32, #tpu.memory_space<vmem_shared>> -> memref<64x128xf32, #tpu.memory_space<vmem_shared>>
      %dma_wait3A_702 = arith.constant 0 : i32
      %dma_wait3A_703 = arith.constant 0 : i32
      %dma_wait3A_704 = tpu.memref_slice %arg8[%dma_wait3A_702, %dma_wait3A_703] : memref<256x128xf32, #tpu.memory_space<vmem>> -> memref<64x128xf32, #tpu.memory_space<vmem>>
      tpu.wait_dma2 semaphore(%run_scoped3A : memref<!tpu.dma_semaphore, #tpu.memory_space<semaphore_mem>>) src(%dma_wait3A_704 : memref<64x128xf32, #tpu.memory_space<vmem>>) dst(%dma_wait3A_701 : memref<64x128xf32, #tpu.memory_space<vmem_shared>>)
      tpu.yield
    }) : () -> ()
    %add3A_26 = arith.constant 576 : i32
    %add3A_27 = arith.addi %mul3A_7, %add3A_26 : i32
    "tpu.region"() ({
      %run_scoped3A = tpu.sem_alloc : memref<!tpu.dma_semaphore, #tpu.memory_space<semaphore_mem>>
      %dma_start3A_685 = arith.constant 0 : i32
      %dma_start3A_686 = arith.constant 0 : i32
      %dma_start3A_687 = tpu.memref_slice %arg8[%dma_start3A_685, %dma_start3A_686] : memref<256x128xf32, #tpu.memory_space<vmem>> -> memref<64x128xf32, #tpu.memory_space<vmem>>
      %dma_start3A_688 = arith.constant 0 : i32
      %dma_start3A_689 = tpu.memref_slice %arg9[%add3A_27, %dma_start3A_688] : memref<10240x128xf32, #tpu.memory_space<vmem_shared>> -> memref<64x128xf32, #tpu.memory_space<vmem_shared>>
      %dma_start3A_690 = arith.constant 0 : i32
      %dma_start3A_691 = tpu.memref_slice %arg9[%add3A_27, %dma_start3A_690] : memref<10240x128xf32, #tpu.memory_space<vmem_shared>> -> memref<64x128xf32, #tpu.memory_space<vmem_shared>>
      %dma_start3A_692 = arith.constant 0 : i32
      %dma_start3A_693 = arith.constant 0 : i32
      %dma_start3A_694 = tpu.memref_slice %arg8[%dma_start3A_692, %dma_start3A_693] : memref<256x128xf32, #tpu.memory_space<vmem>> -> memref<64x128xf32, #tpu.memory_space<vmem>>
      tpu.enqueue_dma source(%dma_start3A_694 : memref<64x128xf32, #tpu.memory_space<vmem>>) target(%dma_start3A_691 : memref<64x128xf32, #tpu.memory_space<vmem_shared>>) target_semaphore(%run_scoped3A : memref<!tpu.dma_semaphore, #tpu.memory_space<semaphore_mem>>)
      %dma_wait3A_695 = arith.constant 0 : i32
      %dma_wait3A_696 = arith.constant 0 : i32
      %dma_wait3A_697 = tpu.memref_slice %arg8[%dma_wait3A_695, %dma_wait3A_696] : memref<256x128xf32, #tpu.memory_space<vmem>> -> memref<64x128xf32, #tpu.memory_space<vmem>>
      %dma_wait3A_698 = arith.constant 0 : i32
      %dma_wait3A_699 = tpu.memref_slice %arg9[%add3A_27, %dma_wait3A_698] : memref<10240x128xf32, #tpu.memory_space<vmem_shared>> -> memref<64x128xf32, #tpu.memory_space<vmem_shared>>
      %dma_wait3A_700 = arith.constant 0 : i32
      %dma_wait3A_701 = tpu.memref_slice %arg9[%add3A_27, %dma_wait3A_700] : memref<10240x128xf32, #tpu.memory_space<vmem_shared>> -> memref<64x128xf32, #tpu.memory_space<vmem_shared>>
      %dma_wait3A_702 = arith.constant 0 : i32
      %dma_wait3A_703 = arith.constant 0 : i32
      %dma_wait3A_704 = tpu.memref_slice %arg8[%dma_wait3A_702, %dma_wait3A_703] : memref<256x128xf32, #tpu.memory_space<vmem>> -> memref<64x128xf32, #tpu.memory_space<vmem>>
      tpu.wait_dma2 semaphore(%run_scoped3A : memref<!tpu.dma_semaphore, #tpu.memory_space<semaphore_mem>>) src(%dma_wait3A_704 : memref<64x128xf32, #tpu.memory_space<vmem>>) dst(%dma_wait3A_701 : memref<64x128xf32, #tpu.memory_space<vmem_shared>>)
      tpu.yield
    }) : () -> ()
    %barrier3A = arith.constant 0 : index
    tpu.barrier barrier_id(%barrier3A)
    %mul3A_28 = arith.constant 160 : i32
    %mul3A_29 = arith.muli %add3A, %mul3A_28 : i32
    %add3A_30 = arith.constant 0 : i32
    %add3A_31 = arith.addi %mul3A_29, %add3A_30 : i32
    "tpu.region"() ({
      %run_scoped3A = tpu.sem_alloc : memref<!tpu.dma_semaphore, #tpu.memory_space<semaphore_mem>>
      %dma_start3A_685 = arith.constant 0 : i32
      %dma_start3A_686 = tpu.memref_slice %arg3[%add3A_31, %dma_start3A_685] : memref<5120x64xi32, #tpu.memory_space<hbm>> -> memref<80x64xi32, #tpu.memory_space<hbm>>
      %dma_start3A_687 = arith.constant 0 : i32
      %dma_start3A_688 = tpu.memref_slice %arg3[%add3A_31, %dma_start3A_687] : memref<5120x64xi32, #tpu.memory_space<hbm>> -> memref<80x64xi32, #tpu.memory_space<hbm>>
      tpu.enqueue_dma source(%dma_start3A_688 : memref<80x64xi32, #tpu.memory_space<hbm>>) target(%arg6 : memref<80x64xi32, #tpu.memory_space<vmem>>) target_semaphore(%run_scoped3A : memref<!tpu.dma_semaphore, #tpu.memory_space<semaphore_mem>>)
      %dma_wait3A_689 = arith.constant 0 : i32
      %dma_wait3A_690 = tpu.memref_slice %arg3[%add3A_31, %dma_wait3A_689] : memref<5120x64xi32, #tpu.memory_space<hbm>> -> memref<80x64xi32, #tpu.memory_space<hbm>>
      %dma_wait3A_691 = arith.constant 0 : i32
      %dma_wait3A_692 = tpu.memref_slice %arg3[%add3A_31, %dma_wait3A_691] : memref<5120x64xi32, #tpu.memory_space<hbm>> -> memref<80x64xi32, #tpu.memory_space<hbm>>
      tpu.wait_dma2 semaphore(%run_scoped3A : memref<!tpu.dma_semaphore, #tpu.memory_space<semaphore_mem>>) src(%dma_wait3A_692 : memref<80x64xi32, #tpu.memory_space<hbm>>) dst(%arg6 : memref<80x64xi32, #tpu.memory_space<vmem>>)
      tpu.yield
    }) : () -> ()
    "tpu.region"() ({
      %run_scoped3A = tpu.sem_alloc : memref<!tpu.dma_semaphore, #tpu.memory_space<semaphore_mem>>
      %dma_start3A_685 = arith.constant 0 : i32
      %dma_start3A_686 = tpu.memref_slice %arg4[%add3A_31, %dma_start3A_685] : memref<5120x64xi32, #tpu.memory_space<hbm>> -> memref<80x64xi32, #tpu.memory_space<hbm>>
      %dma_start3A_687 = arith.constant 0 : i32
      %dma_start3A_688 = tpu.memref_slice %arg4[%add3A_31, %dma_start3A_687] : memref<5120x64xi32, #tpu.memory_space<hbm>> -> memref<80x64xi32, #tpu.memory_space<hbm>>
      tpu.enqueue_dma source(%dma_start3A_688 : memref<80x64xi32, #tpu.memory_space<hbm>>) target(%arg7 : memref<80x64xi32, #tpu.memory_space<vmem>>) target_semaphore(%run_scoped3A : memref<!tpu.dma_semaphore, #tpu.memory_space<semaphore_mem>>)
      %dma_wait3A_689 = arith.constant 0 : i32
      %dma_wait3A_690 = tpu.memref_slice %arg4[%add3A_31, %dma_wait3A_689] : memref<5120x64xi32, #tpu.memory_space<hbm>> -> memref<80x64xi32, #tpu.memory_space<hbm>>
      %dma_wait3A_691 = arith.constant 0 : i32
      %dma_wait3A_692 = tpu.memref_slice %arg4[%add3A_31, %dma_wait3A_691] : memref<5120x64xi32, #tpu.memory_space<hbm>> -> memref<80x64xi32, #tpu.memory_space<hbm>>
      tpu.wait_dma2 semaphore(%run_scoped3A : memref<!tpu.dma_semaphore, #tpu.memory_space<semaphore_mem>>) src(%dma_wait3A_692 : memref<80x64xi32, #tpu.memory_space<hbm>>) dst(%arg7 : memref<80x64xi32, #tpu.memory_space<vmem>>)
      tpu.yield
    }) : () -> ()
    %dma_start3A = arith.constant 0 : i32
    %dma_start3A_32 = arith.constant 0 : i32
    %dma_start3A_33 = arith.constant 0 : i32
    %dma_start3A_34 = tpu.memref_slice %arg8[%dma_start3A_32, %dma_start3A_33] : memref<256x128xf32, #tpu.memory_space<vmem>> -> memref<64x128xf32, #tpu.memory_space<vmem>>
    %dma_start3A_35 = arith.constant 0 : i32
    %dma_start3A_36 = tpu.memref_slice %arg6[%dma_start3A, %dma_start3A_35] : memref<80x64xi32, #tpu.memory_space<vmem>> -> memref<1x64xi32, #tpu.memory_space<vmem>>
    %dma_start3A_37 = tpu.memref_squeeze %dma_start3A_36 : memref<1x64xi32, #tpu.memory_space<vmem>> -> memref<64xi32, #tpu.memory_space<vmem>>
    %dma_start3A_38 = arith.constant 0 : i32
    %dma_start3A_39 = arith.constant 0 : i32
    %dma_start3A_40 = tpu.memref_slice %arg2[%dma_start3A_38, %dma_start3A_39] : memref<10240x128xf32, #tpu.memory_space<hbm>> -> memref<10240x128xf32, #tpu.memory_space<hbm>>
    tpu.enqueue_indirect_dma source(%dma_start3A_40 : memref<10240x128xf32, #tpu.memory_space<hbm>>) target(%dma_start3A_34 : memref<64x128xf32, #tpu.memory_space<vmem>>) offsets(%dma_start3A_37 : memref<64xi32, #tpu.memory_space<vmem>>) semaphore(%arg10 : memref<!tpu.dma_semaphore, #tpu.memory_space<semaphore_mem>>)
    %dma_start3A_41 = arith.constant 1 : i32
    %dma_start3A_42 = arith.constant 64 : i32
    %dma_start3A_43 = arith.constant 0 : i32
    %dma_start3A_44 = tpu.memref_slice %arg8[%dma_start3A_42, %dma_start3A_43] : memref<256x128xf32, #tpu.memory_space<vmem>> -> memref<64x128xf32, #tpu.memory_space<vmem>>
    %dma_start3A_45 = arith.constant 0 : i32
    %dma_start3A_46 = tpu.memref_slice %arg6[%dma_start3A_41, %dma_start3A_45] : memref<80x64xi32, #tpu.memory_space<vmem>> -> memref<1x64xi32, #tpu.memory_space<vmem>>
    %dma_start3A_47 = tpu.memref_squeeze %dma_start3A_46 : memref<1x64xi32, #tpu.memory_space<vmem>> -> memref<64xi32, #tpu.memory_space<vmem>>
    %dma_start3A_48 = arith.constant 0 : i32
    %dma_start3A_49 = arith.constant 0 : i32
    %dma_start3A_50 = tpu.memref_slice %arg2[%dma_start3A_48, %dma_start3A_49] : memref<10240x128xf32, #tpu.memory_space<hbm>> -> memref<10240x128xf32, #tpu.memory_space<hbm>>
    tpu.enqueue_indirect_dma source(%dma_start3A_50 : memref<10240x128xf32, #tpu.memory_space<hbm>>) target(%dma_start3A_44 : memref<64x128xf32, #tpu.memory_space<vmem>>) offsets(%dma_start3A_47 : memref<64xi32, #tpu.memory_space<vmem>>) semaphore(%arg11 : memref<!tpu.dma_semaphore, #tpu.memory_space<semaphore_mem>>)
    %dma_start3A_51 = arith.constant 2 : i32
    %dma_start3A_52 = arith.constant 128 : i32
    %dma_start3A_53 = arith.constant 0 : i32
    %dma_start3A_54 = tpu.memref_slice %arg8[%dma_start3A_52, %dma_start3A_53] : memref<256x128xf32, #tpu.memory_space<vmem>> -> memref<64x128xf32, #tpu.memory_space<vmem>>
    %dma_start3A_55 = arith.constant 0 : i32
    %dma_start3A_56 = tpu.memref_slice %arg6[%dma_start3A_51, %dma_start3A_55] : memref<80x64xi32, #tpu.memory_space<vmem>> -> memref<1x64xi32, #tpu.memory_space<vmem>>
    %dma_start3A_57 = tpu.memref_squeeze %dma_start3A_56 : memref<1x64xi32, #tpu.memory_space<vmem>> -> memref<64xi32, #tpu.memory_space<vmem>>
    %dma_start3A_58 = arith.constant 0 : i32
    %dma_start3A_59 = arith.constant 0 : i32
    %dma_start3A_60 = tpu.memref_slice %arg2[%dma_start3A_58, %dma_start3A_59] : memref<10240x128xf32, #tpu.memory_space<hbm>> -> memref<10240x128xf32, #tpu.memory_space<hbm>>
    tpu.enqueue_indirect_dma source(%dma_start3A_60 : memref<10240x128xf32, #tpu.memory_space<hbm>>) target(%dma_start3A_54 : memref<64x128xf32, #tpu.memory_space<vmem>>) offsets(%dma_start3A_57 : memref<64xi32, #tpu.memory_space<vmem>>) semaphore(%arg12 : memref<!tpu.dma_semaphore, #tpu.memory_space<semaphore_mem>>)
    %dma_wait3A = arith.constant 0 : i32
    %dma_wait3A_61 = arith.constant 0 : i32
    %dma_wait3A_62 = arith.constant 0 : i32
    %dma_wait3A_63 = tpu.memref_slice %arg8[%dma_wait3A_61, %dma_wait3A_62] : memref<256x128xf32, #tpu.memory_space<vmem>> -> memref<64x128xf32, #tpu.memory_space<vmem>>
    %dma_wait3A_64 = arith.constant 0 : i32
    %dma_wait3A_65 = tpu.memref_slice %arg6[%dma_wait3A, %dma_wait3A_64] : memref<80x64xi32, #tpu.memory_space<vmem>> -> memref<1x64xi32, #tpu.memory_space<vmem>>
    %dma_wait3A_66 = tpu.memref_squeeze %dma_wait3A_65 : memref<1x64xi32, #tpu.memory_space<vmem>> -> memref<64xi32, #tpu.memory_space<vmem>>
    %dma_wait3A_67 = arith.constant 0 : i32
    %dma_wait3A_68 = arith.constant 0 : i32
    %dma_wait3A_69 = tpu.memref_slice %arg2[%dma_wait3A_67, %dma_wait3A_68] : memref<10240x128xf32, #tpu.memory_space<hbm>> -> memref<10240x128xf32, #tpu.memory_space<hbm>>
    tpu.wait_indirect_dma semaphore(%arg10 : memref<!tpu.dma_semaphore, #tpu.memory_space<semaphore_mem>>) src(%dma_wait3A_69 : memref<10240x128xf32, #tpu.memory_space<hbm>>) dst(%dma_wait3A_63 : memref<64x128xf32, #tpu.memory_space<vmem>>)
    %dma_start3A_70 = arith.constant 0 : i32
    %dma_start3A_71 = arith.constant 0 : i32
    %dma_start3A_72 = arith.constant 0 : i32
    %dma_start3A_73 = tpu.memref_slice %arg8[%dma_start3A_71, %dma_start3A_72] : memref<256x128xf32, #tpu.memory_space<vmem>> -> memref<64x128xf32, #tpu.memory_space<vmem>>
    %dma_start3A_74 = arith.constant 0 : i32
    %dma_start3A_75 = tpu.memref_slice %arg7[%dma_start3A_70, %dma_start3A_74] : memref<80x64xi32, #tpu.memory_space<vmem>> -> memref<1x64xi32, #tpu.memory_space<vmem>>
    %dma_start3A_76 = tpu.memref_squeeze %dma_start3A_75 : memref<1x64xi32, #tpu.memory_space<vmem>> -> memref<64xi32, #tpu.memory_space<vmem>>
    %dma_start3A_77 = arith.constant 0 : i32
    %dma_start3A_78 = arith.constant 0 : i32
    %dma_start3A_79 = tpu.memref_slice %arg9[%dma_start3A_77, %dma_start3A_78] : memref<10240x128xf32, #tpu.memory_space<vmem_shared>> -> memref<10240x128xf32, #tpu.memory_space<vmem_shared>>
    tpu.enqueue_indirect_dma source(%dma_start3A_73 : memref<64x128xf32, #tpu.memory_space<vmem>>) target(%dma_start3A_79 : memref<10240x128xf32, #tpu.memory_space<vmem_shared>>) offsets(%dma_start3A_76 : memref<64xi32, #tpu.memory_space<vmem>>) semaphore(%arg14 : memref<!tpu.dma_semaphore, #tpu.memory_space<semaphore_mem>>) {add = true}
    %dma_start3A_80 = arith.constant 3 : i32
    %dma_start3A_81 = arith.constant 192 : i32
    %dma_start3A_82 = arith.constant 0 : i32
    %dma_start3A_83 = tpu.memref_slice %arg8[%dma_start3A_81, %dma_start3A_82] : memref<256x128xf32, #tpu.memory_space<vmem>> -> memref<64x128xf32, #tpu.memory_space<vmem>>
    %dma_start3A_84 = arith.constant 0 : i32
    %dma_start3A_85 = tpu.memref_slice %arg6[%dma_start3A_80, %dma_start3A_84] : memref<80x64xi32, #tpu.memory_space<vmem>> -> memref<1x64xi32, #tpu.memory_space<vmem>>
    %dma_start3A_86 = tpu.memref_squeeze %dma_start3A_85 : memref<1x64xi32, #tpu.memory_space<vmem>> -> memref<64xi32, #tpu.memory_space<vmem>>
    %dma_start3A_87 = arith.constant 0 : i32
    %dma_start3A_88 = arith.constant 0 : i32
    %dma_start3A_89 = tpu.memref_slice %arg2[%dma_start3A_87, %dma_start3A_88] : memref<10240x128xf32, #tpu.memory_space<hbm>> -> memref<10240x128xf32, #tpu.memory_space<hbm>>
    tpu.enqueue_indirect_dma source(%dma_start3A_89 : memref<10240x128xf32, #tpu.memory_space<hbm>>) target(%dma_start3A_83 : memref<64x128xf32, #tpu.memory_space<vmem>>) offsets(%dma_start3A_86 : memref<64xi32, #tpu.memory_space<vmem>>) semaphore(%arg13 : memref<!tpu.dma_semaphore, #tpu.memory_space<semaphore_mem>>)
    %dma_wait3A_90 = arith.constant 1 : i32
    %dma_wait3A_91 = arith.constant 64 : i32
    %dma_wait3A_92 = arith.constant 0 : i32
    %dma_wait3A_93 = tpu.memref_slice %arg8[%dma_wait3A_91, %dma_wait3A_92] : memref<256x128xf32, #tpu.memory_space<vmem>> -> memref<64x128xf32, #tpu.memory_space<vmem>>
    %dma_wait3A_94 = arith.constant 0 : i32
    %dma_wait3A_95 = tpu.memref_slice %arg6[%dma_wait3A_90, %dma_wait3A_94] : memref<80x64xi32, #tpu.memory_space<vmem>> -> memref<1x64xi32, #tpu.memory_space<vmem>>
    %dma_wait3A_96 = tpu.memref_squeeze %dma_wait3A_95 : memref<1x64xi32, #tpu.memory_space<vmem>> -> memref<64xi32, #tpu.memory_space<vmem>>
    %dma_wait3A_97 = arith.constant 0 : i32
    %dma_wait3A_98 = arith.constant 0 : i32
    %dma_wait3A_99 = tpu.memref_slice %arg2[%dma_wait3A_97, %dma_wait3A_98] : memref<10240x128xf32, #tpu.memory_space<hbm>> -> memref<10240x128xf32, #tpu.memory_space<hbm>>
    tpu.wait_indirect_dma semaphore(%arg11 : memref<!tpu.dma_semaphore, #tpu.memory_space<semaphore_mem>>) src(%dma_wait3A_99 : memref<10240x128xf32, #tpu.memory_space<hbm>>) dst(%dma_wait3A_93 : memref<64x128xf32, #tpu.memory_space<vmem>>)
    %dma_start3A_100 = arith.constant 1 : i32
    %dma_start3A_101 = arith.constant 64 : i32
    %dma_start3A_102 = arith.constant 0 : i32
    %dma_start3A_103 = tpu.memref_slice %arg8[%dma_start3A_101, %dma_start3A_102] : memref<256x128xf32, #tpu.memory_space<vmem>> -> memref<64x128xf32, #tpu.memory_space<vmem>>
    %dma_start3A_104 = arith.constant 0 : i32
    %dma_start3A_105 = tpu.memref_slice %arg7[%dma_start3A_100, %dma_start3A_104] : memref<80x64xi32, #tpu.memory_space<vmem>> -> memref<1x64xi32, #tpu.memory_space<vmem>>
    %dma_start3A_106 = tpu.memref_squeeze %dma_start3A_105 : memref<1x64xi32, #tpu.memory_space<vmem>> -> memref<64xi32, #tpu.memory_space<vmem>>
    %dma_start3A_107 = arith.constant 0 : i32
    %dma_start3A_108 = arith.constant 0 : i32
    %dma_start3A_109 = tpu.memref_slice %arg9[%dma_start3A_107, %dma_start3A_108] : memref<10240x128xf32, #tpu.memory_space<vmem_shared>> -> memref<10240x128xf32, #tpu.memory_space<vmem_shared>>
    tpu.enqueue_indirect_dma source(%dma_start3A_103 : memref<64x128xf32, #tpu.memory_space<vmem>>) target(%dma_start3A_109 : memref<10240x128xf32, #tpu.memory_space<vmem_shared>>) offsets(%dma_start3A_106 : memref<64xi32, #tpu.memory_space<vmem>>) semaphore(%arg15 : memref<!tpu.dma_semaphore, #tpu.memory_space<semaphore_mem>>) {add = true}
    %dma_wait3A_110 = arith.constant 0 : i32
    %dma_wait3A_111 = arith.constant 0 : i32
    %dma_wait3A_112 = arith.constant 0 : i32
    %dma_wait3A_113 = tpu.memref_slice %arg8[%dma_wait3A_111, %dma_wait3A_112] : memref<256x128xf32, #tpu.memory_space<vmem>> -> memref<64x128xf32, #tpu.memory_space<vmem>>
    %dma_wait3A_114 = arith.constant 0 : i32
    %dma_wait3A_115 = tpu.memref_slice %arg7[%dma_wait3A_110, %dma_wait3A_114] : memref<80x64xi32, #tpu.memory_space<vmem>> -> memref<1x64xi32, #tpu.memory_space<vmem>>
    %dma_wait3A_116 = tpu.memref_squeeze %dma_wait3A_115 : memref<1x64xi32, #tpu.memory_space<vmem>> -> memref<64xi32, #tpu.memory_space<vmem>>
    %dma_wait3A_117 = arith.constant 0 : i32
    %dma_wait3A_118 = arith.constant 0 : i32
    %dma_wait3A_119 = tpu.memref_slice %arg9[%dma_wait3A_117, %dma_wait3A_118] : memref<10240x128xf32, #tpu.memory_space<vmem_shared>> -> memref<10240x128xf32, #tpu.memory_space<vmem_shared>>
    tpu.wait_indirect_dma semaphore(%arg14 : memref<!tpu.dma_semaphore, #tpu.memory_space<semaphore_mem>>) src(%dma_wait3A_113 : memref<64x128xf32, #tpu.memory_space<vmem>>) dst(%dma_wait3A_119 : memref<10240x128xf32, #tpu.memory_space<vmem_shared>>)
    %dma_start3A_120 = arith.constant 4 : i32
    %dma_start3A_121 = arith.constant 0 : i32
    %dma_start3A_122 = arith.constant 0 : i32
    %dma_start3A_123 = tpu.memref_slice %arg8[%dma_start3A_121, %dma_start3A_122] : memref<256x128xf32, #tpu.memory_space<vmem>> -> memref<64x128xf32, #tpu.memory_space<vmem>>
    %dma_start3A_124 = arith.constant 0 : i32
    %dma_start3A_125 = tpu.memref_slice %arg6[%dma_start3A_120, %dma_start3A_124] : memref<80x64xi32, #tpu.memory_space<vmem>> -> memref<1x64xi32, #tpu.memory_space<vmem>>
    %dma_start3A_126 = tpu.memref_squeeze %dma_start3A_125 : memref<1x64xi32, #tpu.memory_space<vmem>> -> memref<64xi32, #tpu.memory_space<vmem>>
    %dma_start3A_127 = arith.constant 0 : i32
    %dma_start3A_128 = arith.constant 0 : i32
    %dma_start3A_129 = tpu.memref_slice %arg2[%dma_start3A_127, %dma_start3A_128] : memref<10240x128xf32, #tpu.memory_space<hbm>> -> memref<10240x128xf32, #tpu.memory_space<hbm>>
    tpu.enqueue_indirect_dma source(%dma_start3A_129 : memref<10240x128xf32, #tpu.memory_space<hbm>>) target(%dma_start3A_123 : memref<64x128xf32, #tpu.memory_space<vmem>>) offsets(%dma_start3A_126 : memref<64xi32, #tpu.memory_space<vmem>>) semaphore(%arg10 : memref<!tpu.dma_semaphore, #tpu.memory_space<semaphore_mem>>)
    %dma_wait3A_130 = arith.constant 2 : i32
    %dma_wait3A_131 = arith.constant 128 : i32
    %dma_wait3A_132 = arith.constant 0 : i32
    %dma_wait3A_133 = tpu.memref_slice %arg8[%dma_wait3A_131, %dma_wait3A_132] : memref<256x128xf32, #tpu.memory_space<vmem>> -> memref<64x128xf32, #tpu.memory_space<vmem>>
    %dma_wait3A_134 = arith.constant 0 : i32
    %dma_wait3A_135 = tpu.memref_slice %arg6[%dma_wait3A_130, %dma_wait3A_134] : memref<80x64xi32, #tpu.memory_space<vmem>> -> memref<1x64xi32, #tpu.memory_space<vmem>>
    %dma_wait3A_136 = tpu.memref_squeeze %dma_wait3A_135 : memref<1x64xi32, #tpu.memory_space<vmem>> -> memref<64xi32, #tpu.memory_space<vmem>>
    %dma_wait3A_137 = arith.constant 0 : i32
    %dma_wait3A_138 = arith.constant 0 : i32
    %dma_wait3A_139 = tpu.memref_slice %arg2[%dma_wait3A_137, %dma_wait3A_138] : memref<10240x128xf32, #tpu.memory_space<hbm>> -> memref<10240x128xf32, #tpu.memory_space<hbm>>
    tpu.wait_indirect_dma semaphore(%arg12 : memref<!tpu.dma_semaphore, #tpu.memory_space<semaphore_mem>>) src(%dma_wait3A_139 : memref<10240x128xf32, #tpu.memory_space<hbm>>) dst(%dma_wait3A_133 : memref<64x128xf32, #tpu.memory_space<vmem>>)
    %dma_start3A_140 = arith.constant 2 : i32
    %dma_start3A_141 = arith.constant 128 : i32
    %dma_start3A_142 = arith.constant 0 : i32
    %dma_start3A_143 = tpu.memref_slice %arg8[%dma_start3A_141, %dma_start3A_142] : memref<256x128xf32, #tpu.memory_space<vmem>> -> memref<64x128xf32, #tpu.memory_space<vmem>>
    %dma_start3A_144 = arith.constant 0 : i32
    %dma_start3A_145 = tpu.memref_slice %arg7[%dma_start3A_140, %dma_start3A_144] : memref<80x64xi32, #tpu.memory_space<vmem>> -> memref<1x64xi32, #tpu.memory_space<vmem>>
    %dma_start3A_146 = tpu.memref_squeeze %dma_start3A_145 : memref<1x64xi32, #tpu.memory_space<vmem>> -> memref<64xi32, #tpu.memory_space<vmem>>
    %dma_start3A_147 = arith.constant 0 : i32
    %dma_start3A_148 = arith.constant 0 : i32
    %dma_start3A_149 = tpu.memref_slice %arg9[%dma_start3A_147, %dma_start3A_148] : memref<10240x128xf32, #tpu.memory_space<vmem_shared>> -> memref<10240x128xf32, #tpu.memory_space<vmem_shared>>
    tpu.enqueue_indirect_dma source(%dma_start3A_143 : memref<64x128xf32, #tpu.memory_space<vmem>>) target(%dma_start3A_149 : memref<10240x128xf32, #tpu.memory_space<vmem_shared>>) offsets(%dma_start3A_146 : memref<64xi32, #tpu.memory_space<vmem>>) semaphore(%arg16 : memref<!tpu.dma_semaphore, #tpu.memory_space<semaphore_mem>>) {add = true}
    %dma_wait3A_150 = arith.constant 1 : i32
    %dma_wait3A_151 = arith.constant 64 : i32
    %dma_wait3A_152 = arith.constant 0 : i32
    %dma_wait3A_153 = tpu.memref_slice %arg8[%dma_wait3A_151, %dma_wait3A_152] : memref<256x128xf32, #tpu.memory_space<vmem>> -> memref<64x128xf32, #tpu.memory_space<vmem>>
    %dma_wait3A_154 = arith.constant 0 : i32
    %dma_wait3A_155 = tpu.memref_slice %arg7[%dma_wait3A_150, %dma_wait3A_154] : memref<80x64xi32, #tpu.memory_space<vmem>> -> memref<1x64xi32, #tpu.memory_space<vmem>>
    %dma_wait3A_156 = tpu.memref_squeeze %dma_wait3A_155 : memref<1x64xi32, #tpu.memory_space<vmem>> -> memref<64xi32, #tpu.memory_space<vmem>>
    %dma_wait3A_157 = arith.constant 0 : i32
    %dma_wait3A_158 = arith.constant 0 : i32
    %dma_wait3A_159 = tpu.memref_slice %arg9[%dma_wait3A_157, %dma_wait3A_158] : memref<10240x128xf32, #tpu.memory_space<vmem_shared>> -> memref<10240x128xf32, #tpu.memory_space<vmem_shared>>
    tpu.wait_indirect_dma semaphore(%arg15 : memref<!tpu.dma_semaphore, #tpu.memory_space<semaphore_mem>>) src(%dma_wait3A_153 : memref<64x128xf32, #tpu.memory_space<vmem>>) dst(%dma_wait3A_159 : memref<10240x128xf32, #tpu.memory_space<vmem_shared>>)
    %dma_start3A_160 = arith.constant 5 : i32
    %dma_start3A_161 = arith.constant 64 : i32
    %dma_start3A_162 = arith.constant 0 : i32
    %dma_start3A_163 = tpu.memref_slice %arg8[%dma_start3A_161, %dma_start3A_162] : memref<256x128xf32, #tpu.memory_space<vmem>> -> memref<64x128xf32, #tpu.memory_space<vmem>>
    %dma_start3A_164 = arith.constant 0 : i32
    %dma_start3A_165 = tpu.memref_slice %arg6[%dma_start3A_160, %dma_start3A_164] : memref<80x64xi32, #tpu.memory_space<vmem>> -> memref<1x64xi32, #tpu.memory_space<vmem>>
    %dma_start3A_166 = tpu.memref_squeeze %dma_start3A_165 : memref<1x64xi32, #tpu.memory_space<vmem>> -> memref<64xi32, #tpu.memory_space<vmem>>
    %dma_start3A_167 = arith.constant 0 : i32
    %dma_start3A_168 = arith.constant 0 : i32
    %dma_start3A_169 = tpu.memref_slice %arg2[%dma_start3A_167, %dma_start3A_168] : memref<10240x128xf32, #tpu.memory_space<hbm>> -> memref<10240x128xf32, #tpu.memory_space<hbm>>
    tpu.enqueue_indirect_dma source(%dma_start3A_169 : memref<10240x128xf32, #tpu.memory_space<hbm>>) target(%dma_start3A_163 : memref<64x128xf32, #tpu.memory_space<vmem>>) offsets(%dma_start3A_166 : memref<64xi32, #tpu.memory_space<vmem>>) semaphore(%arg11 : memref<!tpu.dma_semaphore, #tpu.memory_space<semaphore_mem>>)
    %dma_wait3A_170 = arith.constant 3 : i32
    %dma_wait3A_171 = arith.constant 192 : i32
    %dma_wait3A_172 = arith.constant 0 : i32
    %dma_wait3A_173 = tpu.memref_slice %arg8[%dma_wait3A_171, %dma_wait3A_172] : memref<256x128xf32, #tpu.memory_space<vmem>> -> memref<64x128xf32, #tpu.memory_space<vmem>>
    %dma_wait3A_174 = arith.constant 0 : i32
    %dma_wait3A_175 = tpu.memref_slice %arg6[%dma_wait3A_170, %dma_wait3A_174] : memref<80x64xi32, #tpu.memory_space<vmem>> -> memref<1x64xi32, #tpu.memory_space<vmem>>
    %dma_wait3A_176 = tpu.memref_squeeze %dma_wait3A_175 : memref<1x64xi32, #tpu.memory_space<vmem>> -> memref<64xi32, #tpu.memory_space<vmem>>
    %dma_wait3A_177 = arith.constant 0 : i32
    %dma_wait3A_178 = arith.constant 0 : i32
    %dma_wait3A_179 = tpu.memref_slice %arg2[%dma_wait3A_177, %dma_wait3A_178] : memref<10240x128xf32, #tpu.memory_space<hbm>> -> memref<10240x128xf32, #tpu.memory_space<hbm>>
    tpu.wait_indirect_dma semaphore(%arg13 : memref<!tpu.dma_semaphore, #tpu.memory_space<semaphore_mem>>) src(%dma_wait3A_179 : memref<10240x128xf32, #tpu.memory_space<hbm>>) dst(%dma_wait3A_173 : memref<64x128xf32, #tpu.memory_space<vmem>>)
    %dma_start3A_180 = arith.constant 3 : i32
    %dma_start3A_181 = arith.constant 192 : i32
    %dma_start3A_182 = arith.constant 0 : i32
    %dma_start3A_183 = tpu.memref_slice %arg8[%dma_start3A_181, %dma_start3A_182] : memref<256x128xf32, #tpu.memory_space<vmem>> -> memref<64x128xf32, #tpu.memory_space<vmem>>
    %dma_start3A_184 = arith.constant 0 : i32
    %dma_start3A_185 = tpu.memref_slice %arg7[%dma_start3A_180, %dma_start3A_184] : memref<80x64xi32, #tpu.memory_space<vmem>> -> memref<1x64xi32, #tpu.memory_space<vmem>>
    %dma_start3A_186 = tpu.memref_squeeze %dma_start3A_185 : memref<1x64xi32, #tpu.memory_space<vmem>> -> memref<64xi32, #tpu.memory_space<vmem>>
    %dma_start3A_187 = arith.constant 0 : i32
    %dma_start3A_188 = arith.constant 0 : i32
    %dma_start3A_189 = tpu.memref_slice %arg9[%dma_start3A_187, %dma_start3A_188] : memref<10240x128xf32, #tpu.memory_space<vmem_shared>> -> memref<10240x128xf32, #tpu.memory_space<vmem_shared>>
    tpu.enqueue_indirect_dma source(%dma_start3A_183 : memref<64x128xf32, #tpu.memory_space<vmem>>) target(%dma_start3A_189 : memref<10240x128xf32, #tpu.memory_space<vmem_shared>>) offsets(%dma_start3A_186 : memref<64xi32, #tpu.memory_space<vmem>>) semaphore(%arg17 : memref<!tpu.dma_semaphore, #tpu.memory_space<semaphore_mem>>) {add = true}
    %scan3A_190 = arith.constant 0 : i32
    %scan3A_191 = arith.constant 18 : i32
    %scan3A_192 = arith.addi %scan3A_190, %scan3A_191 : i32
    %scan3A_193 = arith.constant 1 : i32
    scf.for %scan3A_685 = %scan3A_190 to %scan3A_192 step %scan3A_193  : i32 {
      %mul3A_686 = arith.constant 1 : i32
      %mul3A_687 = arith.muli %scan3A_685, %mul3A_686 : i32
      %add3A_688 = arith.constant 1 : i32
      %add3A_689 = arith.addi %add3A_688, %mul3A_687 : i32
      %mul3A_690 = arith.constant 4 : i32
      %mul3A_691 = arith.muli %add3A_689, %mul3A_690 : i32
      %add3A_692 = arith.constant 0 : i32
      %add3A_693 = arith.addi %mul3A_691, %add3A_692 : i32
      %sub3A = arith.constant 2 : i32
      %sub3A_694 = arith.subi %add3A_693, %sub3A : i32
      %dma_wait3A_695 = arith.constant 128 : i32
      %dma_wait3A_696 = arith.constant 0 : i32
      %dma_wait3A_697 = tpu.memref_slice %arg8[%dma_wait3A_695, %dma_wait3A_696] : memref<256x128xf32, #tpu.memory_space<vmem>> -> memref<64x128xf32, #tpu.memory_space<vmem>>
      %dma_wait3A_698 = arith.constant 0 : i32
      %dma_wait3A_699 = tpu.memref_slice %arg7[%sub3A_694, %dma_wait3A_698] : memref<80x64xi32, #tpu.memory_space<vmem>> -> memref<1x64xi32, #tpu.memory_space<vmem>>
      %dma_wait3A_700 = tpu.memref_squeeze %dma_wait3A_699 : memref<1x64xi32, #tpu.memory_space<vmem>> -> memref<64xi32, #tpu.memory_space<vmem>>
      %dma_wait3A_701 = arith.constant 0 : i32
      %dma_wait3A_702 = arith.constant 0 : i32
      %dma_wait3A_703 = tpu.memref_slice %arg9[%dma_wait3A_701, %dma_wait3A_702] : memref<10240x128xf32, #tpu.memory_space<vmem_shared>> -> memref<10240x128xf32, #tpu.memory_space<vmem_shared>>
      tpu.wait_indirect_dma semaphore(%arg16 : memref<!tpu.dma_semaphore, #tpu.memory_space<semaphore_mem>>) src(%dma_wait3A_697 : memref<64x128xf32, #tpu.memory_space<vmem>>) dst(%dma_wait3A_703 : memref<10240x128xf32, #tpu.memory_space<vmem_shared>>)
      %add3A_704 = arith.constant 2 : i32
      %add3A_705 = arith.addi %add3A_693, %add3A_704 : i32
      %dma_start3A_706 = arith.constant 128 : i32
      %dma_start3A_707 = arith.constant 0 : i32
      %dma_start3A_708 = tpu.memref_slice %arg8[%dma_start3A_706, %dma_start3A_707] : memref<256x128xf32, #tpu.memory_space<vmem>> -> memref<64x128xf32, #tpu.memory_space<vmem>>
      %dma_start3A_709 = arith.constant 0 : i32
      %dma_start3A_710 = tpu.memref_slice %arg6[%add3A_705, %dma_start3A_709] : memref<80x64xi32, #tpu.memory_space<vmem>> -> memref<1x64xi32, #tpu.memory_space<vmem>>
      %dma_start3A_711 = tpu.memref_squeeze %dma_start3A_710 : memref<1x64xi32, #tpu.memory_space<vmem>> -> memref<64xi32, #tpu.memory_space<vmem>>
      %dma_start3A_712 = arith.constant 0 : i32
      %dma_start3A_713 = arith.constant 0 : i32
      %dma_start3A_714 = tpu.memref_slice %arg2[%dma_start3A_712, %dma_start3A_713] : memref<10240x128xf32, #tpu.memory_space<hbm>> -> memref<10240x128xf32, #tpu.memory_space<hbm>>
      tpu.enqueue_indirect_dma source(%dma_start3A_714 : memref<10240x128xf32, #tpu.memory_space<hbm>>) target(%dma_start3A_708 : memref<64x128xf32, #tpu.memory_space<vmem>>) offsets(%dma_start3A_711 : memref<64xi32, #tpu.memory_space<vmem>>) semaphore(%arg12 : memref<!tpu.dma_semaphore, #tpu.memory_space<semaphore_mem>>)
      %dma_wait3A_715 = arith.constant 0 : i32
      %dma_wait3A_716 = arith.constant 0 : i32
      %dma_wait3A_717 = tpu.memref_slice %arg8[%dma_wait3A_715, %dma_wait3A_716] : memref<256x128xf32, #tpu.memory_space<vmem>> -> memref<64x128xf32, #tpu.memory_space<vmem>>
      %dma_wait3A_718 = arith.constant 0 : i32
      %dma_wait3A_719 = tpu.memref_slice %arg6[%add3A_693, %dma_wait3A_718] : memref<80x64xi32, #tpu.memory_space<vmem>> -> memref<1x64xi32, #tpu.memory_space<vmem>>
      %dma_wait3A_720 = tpu.memref_squeeze %dma_wait3A_719 : memref<1x64xi32, #tpu.memory_space<vmem>> -> memref<64xi32, #tpu.memory_space<vmem>>
      %dma_wait3A_721 = arith.constant 0 : i32
      %dma_wait3A_722 = arith.constant 0 : i32
      %dma_wait3A_723 = tpu.memref_slice %arg2[%dma_wait3A_721, %dma_wait3A_722] : memref<10240x128xf32, #tpu.memory_space<hbm>> -> memref<10240x128xf32, #tpu.memory_space<hbm>>
      tpu.wait_indirect_dma semaphore(%arg10 : memref<!tpu.dma_semaphore, #tpu.memory_space<semaphore_mem>>) src(%dma_wait3A_723 : memref<10240x128xf32, #tpu.memory_space<hbm>>) dst(%dma_wait3A_717 : memref<64x128xf32, #tpu.memory_space<vmem>>)
      %dma_start3A_724 = arith.constant 0 : i32
      %dma_start3A_725 = arith.constant 0 : i32
      %dma_start3A_726 = tpu.memref_slice %arg8[%dma_start3A_724, %dma_start3A_725] : memref<256x128xf32, #tpu.memory_space<vmem>> -> memref<64x128xf32, #tpu.memory_space<vmem>>
      %dma_start3A_727 = arith.constant 0 : i32
      %dma_start3A_728 = tpu.memref_slice %arg7[%add3A_693, %dma_start3A_727] : memref<80x64xi32, #tpu.memory_space<vmem>> -> memref<1x64xi32, #tpu.memory_space<vmem>>
      %dma_start3A_729 = tpu.memref_squeeze %dma_start3A_728 : memref<1x64xi32, #tpu.memory_space<vmem>> -> memref<64xi32, #tpu.memory_space<vmem>>
      %dma_start3A_730 = arith.constant 0 : i32
      %dma_start3A_731 = arith.constant 0 : i32
      %dma_start3A_732 = tpu.memref_slice %arg9[%dma_start3A_730, %dma_start3A_731] : memref<10240x128xf32, #tpu.memory_space<vmem_shared>> -> memref<10240x128xf32, #tpu.memory_space<vmem_shared>>
      tpu.enqueue_indirect_dma source(%dma_start3A_726 : memref<64x128xf32, #tpu.memory_space<vmem>>) target(%dma_start3A_732 : memref<10240x128xf32, #tpu.memory_space<vmem_shared>>) offsets(%dma_start3A_729 : memref<64xi32, #tpu.memory_space<vmem>>) semaphore(%arg14 : memref<!tpu.dma_semaphore, #tpu.memory_space<semaphore_mem>>) {add = true}
      %add3A_733 = arith.constant 1 : i32
      %add3A_734 = arith.addi %mul3A_691, %add3A_733 : i32
      %sub3A_735 = arith.constant 2 : i32
      %sub3A_736 = arith.subi %add3A_734, %sub3A_735 : i32
      %dma_wait3A_737 = arith.constant 192 : i32
      %dma_wait3A_738 = arith.constant 0 : i32
      %dma_wait3A_739 = tpu.memref_slice %arg8[%dma_wait3A_737, %dma_wait3A_738] : memref<256x128xf32, #tpu.memory_space<vmem>> -> memref<64x128xf32, #tpu.memory_space<vmem>>
      %dma_wait3A_740 = arith.constant 0 : i32
      %dma_wait3A_741 = tpu.memref_slice %arg7[%sub3A_736, %dma_wait3A_740] : memref<80x64xi32, #tpu.memory_space<vmem>> -> memref<1x64xi32, #tpu.memory_space<vmem>>
      %dma_wait3A_742 = tpu.memref_squeeze %dma_wait3A_741 : memref<1x64xi32, #tpu.memory_space<vmem>> -> memref<64xi32, #tpu.memory_space<vmem>>
      %dma_wait3A_743 = arith.constant 0 : i32
      %dma_wait3A_744 = arith.constant 0 : i32
      %dma_wait3A_745 = tpu.memref_slice %arg9[%dma_wait3A_743, %dma_wait3A_744] : memref<10240x128xf32, #tpu.memory_space<vmem_shared>> -> memref<10240x128xf32, #tpu.memory_space<vmem_shared>>
      tpu.wait_indirect_dma semaphore(%arg17 : memref<!tpu.dma_semaphore, #tpu.memory_space<semaphore_mem>>) src(%dma_wait3A_739 : memref<64x128xf32, #tpu.memory_space<vmem>>) dst(%dma_wait3A_745 : memref<10240x128xf32, #tpu.memory_space<vmem_shared>>)
      %add3A_746 = arith.constant 2 : i32
      %add3A_747 = arith.addi %add3A_734, %add3A_746 : i32
      %dma_start3A_748 = arith.constant 192 : i32
      %dma_start3A_749 = arith.constant 0 : i32
      %dma_start3A_750 = tpu.memref_slice %arg8[%dma_start3A_748, %dma_start3A_749] : memref<256x128xf32, #tpu.memory_space<vmem>> -> memref<64x128xf32, #tpu.memory_space<vmem>>
      %dma_start3A_751 = arith.constant 0 : i32
      %dma_start3A_752 = tpu.memref_slice %arg6[%add3A_747, %dma_start3A_751] : memref<80x64xi32, #tpu.memory_space<vmem>> -> memref<1x64xi32, #tpu.memory_space<vmem>>
      %dma_start3A_753 = tpu.memref_squeeze %dma_start3A_752 : memref<1x64xi32, #tpu.memory_space<vmem>> -> memref<64xi32, #tpu.memory_space<vmem>>
      %dma_start3A_754 = arith.constant 0 : i32
      %dma_start3A_755 = arith.constant 0 : i32
      %dma_start3A_756 = tpu.memref_slice %arg2[%dma_start3A_754, %dma_start3A_755] : memref<10240x128xf32, #tpu.memory_space<hbm>> -> memref<10240x128xf32, #tpu.memory_space<hbm>>
      tpu.enqueue_indirect_dma source(%dma_start3A_756 : memref<10240x128xf32, #tpu.memory_space<hbm>>) target(%dma_start3A_750 : memref<64x128xf32, #tpu.memory_space<vmem>>) offsets(%dma_start3A_753 : memref<64xi32, #tpu.memory_space<vmem>>) semaphore(%arg13 : memref<!tpu.dma_semaphore, #tpu.memory_space<semaphore_mem>>)
      %dma_wait3A_757 = arith.constant 64 : i32
      %dma_wait3A_758 = arith.constant 0 : i32
      %dma_wait3A_759 = tpu.memref_slice %arg8[%dma_wait3A_757, %dma_wait3A_758] : memref<256x128xf32, #tpu.memory_space<vmem>> -> memref<64x128xf32, #tpu.memory_space<vmem>>
      %dma_wait3A_760 = arith.constant 0 : i32
      %dma_wait3A_761 = tpu.memref_slice %arg6[%add3A_734, %dma_wait3A_760] : memref<80x64xi32, #tpu.memory_space<vmem>> -> memref<1x64xi32, #tpu.memory_space<vmem>>
      %dma_wait3A_762 = tpu.memref_squeeze %dma_wait3A_761 : memref<1x64xi32, #tpu.memory_space<vmem>> -> memref<64xi32, #tpu.memory_space<vmem>>
      %dma_wait3A_763 = arith.constant 0 : i32
      %dma_wait3A_764 = arith.constant 0 : i32
      %dma_wait3A_765 = tpu.memref_slice %arg2[%dma_wait3A_763, %dma_wait3A_764] : memref<10240x128xf32, #tpu.memory_space<hbm>> -> memref<10240x128xf32, #tpu.memory_space<hbm>>
      tpu.wait_indirect_dma semaphore(%arg11 : memref<!tpu.dma_semaphore, #tpu.memory_space<semaphore_mem>>) src(%dma_wait3A_765 : memref<10240x128xf32, #tpu.memory_space<hbm>>) dst(%dma_wait3A_759 : memref<64x128xf32, #tpu.memory_space<vmem>>)
      %dma_start3A_766 = arith.constant 64 : i32
      %dma_start3A_767 = arith.constant 0 : i32
      %dma_start3A_768 = tpu.memref_slice %arg8[%dma_start3A_766, %dma_start3A_767] : memref<256x128xf32, #tpu.memory_space<vmem>> -> memref<64x128xf32, #tpu.memory_space<vmem>>
      %dma_start3A_769 = arith.constant 0 : i32
      %dma_start3A_770 = tpu.memref_slice %arg7[%add3A_734, %dma_start3A_769] : memref<80x64xi32, #tpu.memory_space<vmem>> -> memref<1x64xi32, #tpu.memory_space<vmem>>
      %dma_start3A_771 = tpu.memref_squeeze %dma_start3A_770 : memref<1x64xi32, #tpu.memory_space<vmem>> -> memref<64xi32, #tpu.memory_space<vmem>>
      %dma_start3A_772 = arith.constant 0 : i32
      %dma_start3A_773 = arith.constant 0 : i32
      %dma_start3A_774 = tpu.memref_slice %arg9[%dma_start3A_772, %dma_start3A_773] : memref<10240x128xf32, #tpu.memory_space<vmem_shared>> -> memref<10240x128xf32, #tpu.memory_space<vmem_shared>>
      tpu.enqueue_indirect_dma source(%dma_start3A_768 : memref<64x128xf32, #tpu.memory_space<vmem>>) target(%dma_start3A_774 : memref<10240x128xf32, #tpu.memory_space<vmem_shared>>) offsets(%dma_start3A_771 : memref<64xi32, #tpu.memory_space<vmem>>) semaphore(%arg15 : memref<!tpu.dma_semaphore, #tpu.memory_space<semaphore_mem>>) {add = true}
      %add3A_775 = arith.constant 2 : i32
      %add3A_776 = arith.addi %mul3A_691, %add3A_775 : i32
      %sub3A_777 = arith.constant 2 : i32
      %sub3A_778 = arith.subi %add3A_776, %sub3A_777 : i32
      %dma_wait3A_779 = arith.constant 0 : i32
      %dma_wait3A_780 = arith.constant 0 : i32
      %dma_wait3A_781 = tpu.memref_slice %arg8[%dma_wait3A_779, %dma_wait3A_780] : memref<256x128xf32, #tpu.memory_space<vmem>> -> memref<64x128xf32, #tpu.memory_space<vmem>>
      %dma_wait3A_782 = arith.constant 0 : i32
      %dma_wait3A_783 = tpu.memref_slice %arg7[%sub3A_778, %dma_wait3A_782] : memref<80x64xi32, #tpu.memory_space<vmem>> -> memref<1x64xi32, #tpu.memory_space<vmem>>
      %dma_wait3A_784 = tpu.memref_squeeze %dma_wait3A_783 : memref<1x64xi32, #tpu.memory_space<vmem>> -> memref<64xi32, #tpu.memory_space<vmem>>
      %dma_wait3A_785 = arith.constant 0 : i32
      %dma_wait3A_786 = arith.constant 0 : i32
      %dma_wait3A_787 = tpu.memref_slice %arg9[%dma_wait3A_785, %dma_wait3A_786] : memref<10240x128xf32, #tpu.memory_space<vmem_shared>> -> memref<10240x128xf32, #tpu.memory_space<vmem_shared>>
      tpu.wait_indirect_dma semaphore(%arg14 : memref<!tpu.dma_semaphore, #tpu.memory_space<semaphore_mem>>) src(%dma_wait3A_781 : memref<64x128xf32, #tpu.memory_space<vmem>>) dst(%dma_wait3A_787 : memref<10240x128xf32, #tpu.memory_space<vmem_shared>>)
      %add3A_788 = arith.constant 2 : i32
      %add3A_789 = arith.addi %add3A_776, %add3A_788 : i32
      %dma_start3A_790 = arith.constant 0 : i32
      %dma_start3A_791 = arith.constant 0 : i32
      %dma_start3A_792 = tpu.memref_slice %arg8[%dma_start3A_790, %dma_start3A_791] : memref<256x128xf32, #tpu.memory_space<vmem>> -> memref<64x128xf32, #tpu.memory_space<vmem>>
      %dma_start3A_793 = arith.constant 0 : i32
      %dma_start3A_794 = tpu.memref_slice %arg6[%add3A_789, %dma_start3A_793] : memref<80x64xi32, #tpu.memory_space<vmem>> -> memref<1x64xi32, #tpu.memory_space<vmem>>
      %dma_start3A_795 = tpu.memref_squeeze %dma_start3A_794 : memref<1x64xi32, #tpu.memory_space<vmem>> -> memref<64xi32, #tpu.memory_space<vmem>>
      %dma_start3A_796 = arith.constant 0 : i32
      %dma_start3A_797 = arith.constant 0 : i32
      %dma_start3A_798 = tpu.memref_slice %arg2[%dma_start3A_796, %dma_start3A_797] : memref<10240x128xf32, #tpu.memory_space<hbm>> -> memref<10240x128xf32, #tpu.memory_space<hbm>>
      tpu.enqueue_indirect_dma source(%dma_start3A_798 : memref<10240x128xf32, #tpu.memory_space<hbm>>) target(%dma_start3A_792 : memref<64x128xf32, #tpu.memory_space<vmem>>) offsets(%dma_start3A_795 : memref<64xi32, #tpu.memory_space<vmem>>) semaphore(%arg10 : memref<!tpu.dma_semaphore, #tpu.memory_space<semaphore_mem>>)
      %dma_wait3A_799 = arith.constant 128 : i32
      %dma_wait3A_800 = arith.constant 0 : i32
      %dma_wait3A_801 = tpu.memref_slice %arg8[%dma_wait3A_799, %dma_wait3A_800] : memref<256x128xf32, #tpu.memory_space<vmem>> -> memref<64x128xf32, #tpu.memory_space<vmem>>
      %dma_wait3A_802 = arith.constant 0 : i32
      %dma_wait3A_803 = tpu.memref_slice %arg6[%add3A_776, %dma_wait3A_802] : memref<80x64xi32, #tpu.memory_space<vmem>> -> memref<1x64xi32, #tpu.memory_space<vmem>>
      %dma_wait3A_804 = tpu.memref_squeeze %dma_wait3A_803 : memref<1x64xi32, #tpu.memory_space<vmem>> -> memref<64xi32, #tpu.memory_space<vmem>>
      %dma_wait3A_805 = arith.constant 0 : i32
      %dma_wait3A_806 = arith.constant 0 : i32
      %dma_wait3A_807 = tpu.memref_slice %arg2[%dma_wait3A_805, %dma_wait3A_806] : memref<10240x128xf32, #tpu.memory_space<hbm>> -> memref<10240x128xf32, #tpu.memory_space<hbm>>
      tpu.wait_indirect_dma semaphore(%arg12 : memref<!tpu.dma_semaphore, #tpu.memory_space<semaphore_mem>>) src(%dma_wait3A_807 : memref<10240x128xf32, #tpu.memory_space<hbm>>) dst(%dma_wait3A_801 : memref<64x128xf32, #tpu.memory_space<vmem>>)
      %dma_start3A_808 = arith.constant 128 : i32
      %dma_start3A_809 = arith.constant 0 : i32
      %dma_start3A_810 = tpu.memref_slice %arg8[%dma_start3A_808, %dma_start3A_809] : memref<256x128xf32, #tpu.memory_space<vmem>> -> memref<64x128xf32, #tpu.memory_space<vmem>>
      %dma_start3A_811 = arith.constant 0 : i32
      %dma_start3A_812 = tpu.memref_slice %arg7[%add3A_776, %dma_start3A_811] : memref<80x64xi32, #tpu.memory_space<vmem>> -> memref<1x64xi32, #tpu.memory_space<vmem>>
      %dma_start3A_813 = tpu.memref_squeeze %dma_start3A_812 : memref<1x64xi32, #tpu.memory_space<vmem>> -> memref<64xi32, #tpu.memory_space<vmem>>
      %dma_start3A_814 = arith.constant 0 : i32
      %dma_start3A_815 = arith.constant 0 : i32
      %dma_start3A_816 = tpu.memref_slice %arg9[%dma_start3A_814, %dma_start3A_815] : memref<10240x128xf32, #tpu.memory_space<vmem_shared>> -> memref<10240x128xf32, #tpu.memory_space<vmem_shared>>
      tpu.enqueue_indirect_dma source(%dma_start3A_810 : memref<64x128xf32, #tpu.memory_space<vmem>>) target(%dma_start3A_816 : memref<10240x128xf32, #tpu.memory_space<vmem_shared>>) offsets(%dma_start3A_813 : memref<64xi32, #tpu.memory_space<vmem>>) semaphore(%arg16 : memref<!tpu.dma_semaphore, #tpu.memory_space<semaphore_mem>>) {add = true}
      %add3A_817 = arith.constant 3 : i32
      %add3A_818 = arith.addi %mul3A_691, %add3A_817 : i32
      %sub3A_819 = arith.constant 2 : i32
      %sub3A_820 = arith.subi %add3A_818, %sub3A_819 : i32
      %dma_wait3A_821 = arith.constant 64 : i32
      %dma_wait3A_822 = arith.constant 0 : i32
      %dma_wait3A_823 = tpu.memref_slice %arg8[%dma_wait3A_821, %dma_wait3A_822] : memref<256x128xf32, #tpu.memory_space<vmem>> -> memref<64x128xf32, #tpu.memory_space<vmem>>
      %dma_wait3A_824 = arith.constant 0 : i32
      %dma_wait3A_825 = tpu.memref_slice %arg7[%sub3A_820, %dma_wait3A_824] : memref<80x64xi32, #tpu.memory_space<vmem>> -> memref<1x64xi32, #tpu.memory_space<vmem>>
      %dma_wait3A_826 = tpu.memref_squeeze %dma_wait3A_825 : memref<1x64xi32, #tpu.memory_space<vmem>> -> memref<64xi32, #tpu.memory_space<vmem>>
      %dma_wait3A_827 = arith.constant 0 : i32
      %dma_wait3A_828 = arith.constant 0 : i32
      %dma_wait3A_829 = tpu.memref_slice %arg9[%dma_wait3A_827, %dma_wait3A_828] : memref<10240x128xf32, #tpu.memory_space<vmem_shared>> -> memref<10240x128xf32, #tpu.memory_space<vmem_shared>>
      tpu.wait_indirect_dma semaphore(%arg15 : memref<!tpu.dma_semaphore, #tpu.memory_space<semaphore_mem>>) src(%dma_wait3A_823 : memref<64x128xf32, #tpu.memory_space<vmem>>) dst(%dma_wait3A_829 : memref<10240x128xf32, #tpu.memory_space<vmem_shared>>)
      %add3A_830 = arith.constant 2 : i32
      %add3A_831 = arith.addi %add3A_818, %add3A_830 : i32
      %dma_start3A_832 = arith.constant 64 : i32
      %dma_start3A_833 = arith.constant 0 : i32
      %dma_start3A_834 = tpu.memref_slice %arg8[%dma_start3A_832, %dma_start3A_833] : memref<256x128xf32, #tpu.memory_space<vmem>> -> memref<64x128xf32, #tpu.memory_space<vmem>>
      %dma_start3A_835 = arith.constant 0 : i32
      %dma_start3A_836 = tpu.memref_slice %arg6[%add3A_831, %dma_start3A_835] : memref<80x64xi32, #tpu.memory_space<vmem>> -> memref<1x64xi32, #tpu.memory_space<vmem>>
      %dma_start3A_837 = tpu.memref_squeeze %dma_start3A_836 : memref<1x64xi32, #tpu.memory_space<vmem>> -> memref<64xi32, #tpu.memory_space<vmem>>
      %dma_start3A_838 = arith.constant 0 : i32
      %dma_start3A_839 = arith.constant 0 : i32
      %dma_start3A_840 = tpu.memref_slice %arg2[%dma_start3A_838, %dma_start3A_839] : memref<10240x128xf32, #tpu.memory_space<hbm>> -> memref<10240x128xf32, #tpu.memory_space<hbm>>
      tpu.enqueue_indirect_dma source(%dma_start3A_840 : memref<10240x128xf32, #tpu.memory_space<hbm>>) target(%dma_start3A_834 : memref<64x128xf32, #tpu.memory_space<vmem>>) offsets(%dma_start3A_837 : memref<64xi32, #tpu.memory_space<vmem>>) semaphore(%arg11 : memref<!tpu.dma_semaphore, #tpu.memory_space<semaphore_mem>>)
      %dma_wait3A_841 = arith.constant 192 : i32
      %dma_wait3A_842 = arith.constant 0 : i32
      %dma_wait3A_843 = tpu.memref_slice %arg8[%dma_wait3A_841, %dma_wait3A_842] : memref<256x128xf32, #tpu.memory_space<vmem>> -> memref<64x128xf32, #tpu.memory_space<vmem>>
      %dma_wait3A_844 = arith.constant 0 : i32
      %dma_wait3A_845 = tpu.memref_slice %arg6[%add3A_818, %dma_wait3A_844] : memref<80x64xi32, #tpu.memory_space<vmem>> -> memref<1x64xi32, #tpu.memory_space<vmem>>
      %dma_wait3A_846 = tpu.memref_squeeze %dma_wait3A_845 : memref<1x64xi32, #tpu.memory_space<vmem>> -> memref<64xi32, #tpu.memory_space<vmem>>
      %dma_wait3A_847 = arith.constant 0 : i32
      %dma_wait3A_848 = arith.constant 0 : i32
      %dma_wait3A_849 = tpu.memref_slice %arg2[%dma_wait3A_847, %dma_wait3A_848] : memref<10240x128xf32, #tpu.memory_space<hbm>> -> memref<10240x128xf32, #tpu.memory_space<hbm>>
      tpu.wait_indirect_dma semaphore(%arg13 : memref<!tpu.dma_semaphore, #tpu.memory_space<semaphore_mem>>) src(%dma_wait3A_849 : memref<10240x128xf32, #tpu.memory_space<hbm>>) dst(%dma_wait3A_843 : memref<64x128xf32, #tpu.memory_space<vmem>>)
      %dma_start3A_850 = arith.constant 192 : i32
      %dma_start3A_851 = arith.constant 0 : i32
      %dma_start3A_852 = tpu.memref_slice %arg8[%dma_start3A_850, %dma_start3A_851] : memref<256x128xf32, #tpu.memory_space<vmem>> -> memref<64x128xf32, #tpu.memory_space<vmem>>
      %dma_start3A_853 = arith.constant 0 : i32
      %dma_start3A_854 = tpu.memref_slice %arg7[%add3A_818, %dma_start3A_853] : memref<80x64xi32, #tpu.memory_space<vmem>> -> memref<1x64xi32, #tpu.memory_space<vmem>>
      %dma_start3A_855 = tpu.memref_squeeze %dma_start3A_854 : memref<1x64xi32, #tpu.memory_space<vmem>> -> memref<64xi32, #tpu.memory_space<vmem>>
      %dma_start3A_856 = arith.constant 0 : i32
      %dma_start3A_857 = arith.constant 0 : i32
      %dma_start3A_858 = tpu.memref_slice %arg9[%dma_start3A_856, %dma_start3A_857] : memref<10240x128xf32, #tpu.memory_space<vmem_shared>> -> memref<10240x128xf32, #tpu.memory_space<vmem_shared>>
      tpu.enqueue_indirect_dma source(%dma_start3A_852 : memref<64x128xf32, #tpu.memory_space<vmem>>) target(%dma_start3A_858 : memref<10240x128xf32, #tpu.memory_space<vmem_shared>>) offsets(%dma_start3A_855 : memref<64xi32, #tpu.memory_space<vmem>>) semaphore(%arg17 : memref<!tpu.dma_semaphore, #tpu.memory_space<semaphore_mem>>) {add = true}
    }
    %scan3A_194 = arith.constant 18 : i32
    %dma_wait3A_195 = arith.constant 74 : i32
    %dma_wait3A_196 = arith.constant 128 : i32
    %dma_wait3A_197 = arith.constant 0 : i32
    %dma_wait3A_198 = tpu.memref_slice %arg8[%dma_wait3A_196, %dma_wait3A_197] : memref<256x128xf32, #tpu.memory_space<vmem>> -> memref<64x128xf32, #tpu.memory_space<vmem>>
    %dma_wait3A_199 = arith.constant 0 : i32
    %dma_wait3A_200 = tpu.memref_slice %arg7[%dma_wait3A_195, %dma_wait3A_199] : memref<80x64xi32, #tpu.memory_space<vmem>> -> memref<1x64xi32, #tpu.memory_space<vmem>>
    %dma_wait3A_201 = tpu.memref_squeeze %dma_wait3A_200 : memref<1x64xi32, #tpu.memory_space<vmem>> -> memref<64xi32, #tpu.memory_space<vmem>>
    %dma_wait3A_202 = arith.constant 0 : i32
    %dma_wait3A_203 = arith.constant 0 : i32
    %dma_wait3A_204 = tpu.memref_slice %arg9[%dma_wait3A_202, %dma_wait3A_203] : memref<10240x128xf32, #tpu.memory_space<vmem_shared>> -> memref<10240x128xf32, #tpu.memory_space<vmem_shared>>
    tpu.wait_indirect_dma semaphore(%arg16 : memref<!tpu.dma_semaphore, #tpu.memory_space<semaphore_mem>>) src(%dma_wait3A_198 : memref<64x128xf32, #tpu.memory_space<vmem>>) dst(%dma_wait3A_204 : memref<10240x128xf32, #tpu.memory_space<vmem_shared>>)
    %dma_start3A_205 = arith.constant 78 : i32
    %dma_start3A_206 = arith.constant 128 : i32
    %dma_start3A_207 = arith.constant 0 : i32
    %dma_start3A_208 = tpu.memref_slice %arg8[%dma_start3A_206, %dma_start3A_207] : memref<256x128xf32, #tpu.memory_space<vmem>> -> memref<64x128xf32, #tpu.memory_space<vmem>>
    %dma_start3A_209 = arith.constant 0 : i32
    %dma_start3A_210 = tpu.memref_slice %arg6[%dma_start3A_205, %dma_start3A_209] : memref<80x64xi32, #tpu.memory_space<vmem>> -> memref<1x64xi32, #tpu.memory_space<vmem>>
    %dma_start3A_211 = tpu.memref_squeeze %dma_start3A_210 : memref<1x64xi32, #tpu.memory_space<vmem>> -> memref<64xi32, #tpu.memory_space<vmem>>
    %dma_start3A_212 = arith.constant 0 : i32
    %dma_start3A_213 = arith.constant 0 : i32
    %dma_start3A_214 = tpu.memref_slice %arg2[%dma_start3A_212, %dma_start3A_213] : memref<10240x128xf32, #tpu.memory_space<hbm>> -> memref<10240x128xf32, #tpu.memory_space<hbm>>
    tpu.enqueue_indirect_dma source(%dma_start3A_214 : memref<10240x128xf32, #tpu.memory_space<hbm>>) target(%dma_start3A_208 : memref<64x128xf32, #tpu.memory_space<vmem>>) offsets(%dma_start3A_211 : memref<64xi32, #tpu.memory_space<vmem>>) semaphore(%arg12 : memref<!tpu.dma_semaphore, #tpu.memory_space<semaphore_mem>>)
    %dma_wait3A_215 = arith.constant 76 : i32
    %dma_wait3A_216 = arith.constant 0 : i32
    %dma_wait3A_217 = arith.constant 0 : i32
    %dma_wait3A_218 = tpu.memref_slice %arg8[%dma_wait3A_216, %dma_wait3A_217] : memref<256x128xf32, #tpu.memory_space<vmem>> -> memref<64x128xf32, #tpu.memory_space<vmem>>
    %dma_wait3A_219 = arith.constant 0 : i32
    %dma_wait3A_220 = tpu.memref_slice %arg6[%dma_wait3A_215, %dma_wait3A_219] : memref<80x64xi32, #tpu.memory_space<vmem>> -> memref<1x64xi32, #tpu.memory_space<vmem>>
    %dma_wait3A_221 = tpu.memref_squeeze %dma_wait3A_220 : memref<1x64xi32, #tpu.memory_space<vmem>> -> memref<64xi32, #tpu.memory_space<vmem>>
    %dma_wait3A_222 = arith.constant 0 : i32
    %dma_wait3A_223 = arith.constant 0 : i32
    %dma_wait3A_224 = tpu.memref_slice %arg2[%dma_wait3A_222, %dma_wait3A_223] : memref<10240x128xf32, #tpu.memory_space<hbm>> -> memref<10240x128xf32, #tpu.memory_space<hbm>>
    tpu.wait_indirect_dma semaphore(%arg10 : memref<!tpu.dma_semaphore, #tpu.memory_space<semaphore_mem>>) src(%dma_wait3A_224 : memref<10240x128xf32, #tpu.memory_space<hbm>>) dst(%dma_wait3A_218 : memref<64x128xf32, #tpu.memory_space<vmem>>)
    %dma_start3A_225 = arith.constant 76 : i32
    %dma_start3A_226 = arith.constant 0 : i32
    %dma_start3A_227 = arith.constant 0 : i32
    %dma_start3A_228 = tpu.memref_slice %arg8[%dma_start3A_226, %dma_start3A_227] : memref<256x128xf32, #tpu.memory_space<vmem>> -> memref<64x128xf32, #tpu.memory_space<vmem>>
    %dma_start3A_229 = arith.constant 0 : i32
    %dma_start3A_230 = tpu.memref_slice %arg7[%dma_start3A_225, %dma_start3A_229] : memref<80x64xi32, #tpu.memory_space<vmem>> -> memref<1x64xi32, #tpu.memory_space<vmem>>
    %dma_start3A_231 = tpu.memref_squeeze %dma_start3A_230 : memref<1x64xi32, #tpu.memory_space<vmem>> -> memref<64xi32, #tpu.memory_space<vmem>>
    %dma_start3A_232 = arith.constant 0 : i32
    %dma_start3A_233 = arith.constant 0 : i32
    %dma_start3A_234 = tpu.memref_slice %arg9[%dma_start3A_232, %dma_start3A_233] : memref<10240x128xf32, #tpu.memory_space<vmem_shared>> -> memref<10240x128xf32, #tpu.memory_space<vmem_shared>>
    tpu.enqueue_indirect_dma source(%dma_start3A_228 : memref<64x128xf32, #tpu.memory_space<vmem>>) target(%dma_start3A_234 : memref<10240x128xf32, #tpu.memory_space<vmem_shared>>) offsets(%dma_start3A_231 : memref<64xi32, #tpu.memory_space<vmem>>) semaphore(%arg14 : memref<!tpu.dma_semaphore, #tpu.memory_space<semaphore_mem>>) {add = true}
    %dma_wait3A_235 = arith.constant 75 : i32
    %dma_wait3A_236 = arith.constant 192 : i32
    %dma_wait3A_237 = arith.constant 0 : i32
    %dma_wait3A_238 = tpu.memref_slice %arg8[%dma_wait3A_236, %dma_wait3A_237] : memref<256x128xf32, #tpu.memory_space<vmem>> -> memref<64x128xf32, #tpu.memory_space<vmem>>
    %dma_wait3A_239 = arith.constant 0 : i32
    %dma_wait3A_240 = tpu.memref_slice %arg7[%dma_wait3A_235, %dma_wait3A_239] : memref<80x64xi32, #tpu.memory_space<vmem>> -> memref<1x64xi32, #tpu.memory_space<vmem>>
    %dma_wait3A_241 = tpu.memref_squeeze %dma_wait3A_240 : memref<1x64xi32, #tpu.memory_space<vmem>> -> memref<64xi32, #tpu.memory_space<vmem>>
    %dma_wait3A_242 = arith.constant 0 : i32
    %dma_wait3A_243 = arith.constant 0 : i32
    %dma_wait3A_244 = tpu.memref_slice %arg9[%dma_wait3A_242, %dma_wait3A_243] : memref<10240x128xf32, #tpu.memory_space<vmem_shared>> -> memref<10240x128xf32, #tpu.memory_space<vmem_shared>>
    tpu.wait_indirect_dma semaphore(%arg17 : memref<!tpu.dma_semaphore, #tpu.memory_space<semaphore_mem>>) src(%dma_wait3A_238 : memref<64x128xf32, #tpu.memory_space<vmem>>) dst(%dma_wait3A_244 : memref<10240x128xf32, #tpu.memory_space<vmem_shared>>)
    %dma_start3A_245 = arith.constant 79 : i32
    %dma_start3A_246 = arith.constant 192 : i32
    %dma_start3A_247 = arith.constant 0 : i32
    %dma_start3A_248 = tpu.memref_slice %arg8[%dma_start3A_246, %dma_start3A_247] : memref<256x128xf32, #tpu.memory_space<vmem>> -> memref<64x128xf32, #tpu.memory_space<vmem>>
    %dma_start3A_249 = arith.constant 0 : i32
    %dma_start3A_250 = tpu.memref_slice %arg6[%dma_start3A_245, %dma_start3A_249] : memref<80x64xi32, #tpu.memory_space<vmem>> -> memref<1x64xi32, #tpu.memory_space<vmem>>
    %dma_start3A_251 = tpu.memref_squeeze %dma_start3A_250 : memref<1x64xi32, #tpu.memory_space<vmem>> -> memref<64xi32, #tpu.memory_space<vmem>>
    %dma_start3A_252 = arith.constant 0 : i32
    %dma_start3A_253 = arith.constant 0 : i32
    %dma_start3A_254 = tpu.memref_slice %arg2[%dma_start3A_252, %dma_start3A_253] : memref<10240x128xf32, #tpu.memory_space<hbm>> -> memref<10240x128xf32, #tpu.memory_space<hbm>>
    tpu.enqueue_indirect_dma source(%dma_start3A_254 : memref<10240x128xf32, #tpu.memory_space<hbm>>) target(%dma_start3A_248 : memref<64x128xf32, #tpu.memory_space<vmem>>) offsets(%dma_start3A_251 : memref<64xi32, #tpu.memory_space<vmem>>) semaphore(%arg13 : memref<!tpu.dma_semaphore, #tpu.memory_space<semaphore_mem>>)
    %dma_wait3A_255 = arith.constant 77 : i32
    %dma_wait3A_256 = arith.constant 64 : i32
    %dma_wait3A_257 = arith.constant 0 : i32
    %dma_wait3A_258 = tpu.memref_slice %arg8[%dma_wait3A_256, %dma_wait3A_257] : memref<256x128xf32, #tpu.memory_space<vmem>> -> memref<64x128xf32, #tpu.memory_space<vmem>>
    %dma_wait3A_259 = arith.constant 0 : i32
    %dma_wait3A_260 = tpu.memref_slice %arg6[%dma_wait3A_255, %dma_wait3A_259] : memref<80x64xi32, #tpu.memory_space<vmem>> -> memref<1x64xi32, #tpu.memory_space<vmem>>
    %dma_wait3A_261 = tpu.memref_squeeze %dma_wait3A_260 : memref<1x64xi32, #tpu.memory_space<vmem>> -> memref<64xi32, #tpu.memory_space<vmem>>
    %dma_wait3A_262 = arith.constant 0 : i32
    %dma_wait3A_263 = arith.constant 0 : i32
    %dma_wait3A_264 = tpu.memref_slice %arg2[%dma_wait3A_262, %dma_wait3A_263] : memref<10240x128xf32, #tpu.memory_space<hbm>> -> memref<10240x128xf32, #tpu.memory_space<hbm>>
    tpu.wait_indirect_dma semaphore(%arg11 : memref<!tpu.dma_semaphore, #tpu.memory_space<semaphore_mem>>) src(%dma_wait3A_264 : memref<10240x128xf32, #tpu.memory_space<hbm>>) dst(%dma_wait3A_258 : memref<64x128xf32, #tpu.memory_space<vmem>>)
    %dma_start3A_265 = arith.constant 77 : i32
    %dma_start3A_266 = arith.constant 64 : i32
    %dma_start3A_267 = arith.constant 0 : i32
    %dma_start3A_268 = tpu.memref_slice %arg8[%dma_start3A_266, %dma_start3A_267] : memref<256x128xf32, #tpu.memory_space<vmem>> -> memref<64x128xf32, #tpu.memory_space<vmem>>
    %dma_start3A_269 = arith.constant 0 : i32
    %dma_start3A_270 = tpu.memref_slice %arg7[%dma_start3A_265, %dma_start3A_269] : memref<80x64xi32, #tpu.memory_space<vmem>> -> memref<1x64xi32, #tpu.memory_space<vmem>>
    %dma_start3A_271 = tpu.memref_squeeze %dma_start3A_270 : memref<1x64xi32, #tpu.memory_space<vmem>> -> memref<64xi32, #tpu.memory_space<vmem>>
    %dma_start3A_272 = arith.constant 0 : i32
    %dma_start3A_273 = arith.constant 0 : i32
    %dma_start3A_274 = tpu.memref_slice %arg9[%dma_start3A_272, %dma_start3A_273] : memref<10240x128xf32, #tpu.memory_space<vmem_shared>> -> memref<10240x128xf32, #tpu.memory_space<vmem_shared>>
    tpu.enqueue_indirect_dma source(%dma_start3A_268 : memref<64x128xf32, #tpu.memory_space<vmem>>) target(%dma_start3A_274 : memref<10240x128xf32, #tpu.memory_space<vmem_shared>>) offsets(%dma_start3A_271 : memref<64xi32, #tpu.memory_space<vmem>>) semaphore(%arg15 : memref<!tpu.dma_semaphore, #tpu.memory_space<semaphore_mem>>) {add = true}
    %dma_wait3A_275 = arith.constant 76 : i32
    %dma_wait3A_276 = arith.constant 0 : i32
    %dma_wait3A_277 = arith.constant 0 : i32
    %dma_wait3A_278 = tpu.memref_slice %arg8[%dma_wait3A_276, %dma_wait3A_277] : memref<256x128xf32, #tpu.memory_space<vmem>> -> memref<64x128xf32, #tpu.memory_space<vmem>>
    %dma_wait3A_279 = arith.constant 0 : i32
    %dma_wait3A_280 = tpu.memref_slice %arg7[%dma_wait3A_275, %dma_wait3A_279] : memref<80x64xi32, #tpu.memory_space<vmem>> -> memref<1x64xi32, #tpu.memory_space<vmem>>
    %dma_wait3A_281 = tpu.memref_squeeze %dma_wait3A_280 : memref<1x64xi32, #tpu.memory_space<vmem>> -> memref<64xi32, #tpu.memory_space<vmem>>
    %dma_wait3A_282 = arith.constant 0 : i32
    %dma_wait3A_283 = arith.constant 0 : i32
    %dma_wait3A_284 = tpu.memref_slice %arg9[%dma_wait3A_282, %dma_wait3A_283] : memref<10240x128xf32, #tpu.memory_space<vmem_shared>> -> memref<10240x128xf32, #tpu.memory_space<vmem_shared>>
    tpu.wait_indirect_dma semaphore(%arg14 : memref<!tpu.dma_semaphore, #tpu.memory_space<semaphore_mem>>) src(%dma_wait3A_278 : memref<64x128xf32, #tpu.memory_space<vmem>>) dst(%dma_wait3A_284 : memref<10240x128xf32, #tpu.memory_space<vmem_shared>>)
    %dma_wait3A_285 = arith.constant 78 : i32
    %dma_wait3A_286 = arith.constant 128 : i32
    %dma_wait3A_287 = arith.constant 0 : i32
    %dma_wait3A_288 = tpu.memref_slice %arg8[%dma_wait3A_286, %dma_wait3A_287] : memref<256x128xf32, #tpu.memory_space<vmem>> -> memref<64x128xf32, #tpu.memory_space<vmem>>
    %dma_wait3A_289 = arith.constant 0 : i32
    %dma_wait3A_290 = tpu.memref_slice %arg6[%dma_wait3A_285, %dma_wait3A_289] : memref<80x64xi32, #tpu.memory_space<vmem>> -> memref<1x64xi32, #tpu.memory_space<vmem>>
    %dma_wait3A_291 = tpu.memref_squeeze %dma_wait3A_290 : memref<1x64xi32, #tpu.memory_space<vmem>> -> memref<64xi32, #tpu.memory_space<vmem>>
    %dma_wait3A_292 = arith.constant 0 : i32
    %dma_wait3A_293 = arith.constant 0 : i32
    %dma_wait3A_294 = tpu.memref_slice %arg2[%dma_wait3A_292, %dma_wait3A_293] : memref<10240x128xf32, #tpu.memory_space<hbm>> -> memref<10240x128xf32, #tpu.memory_space<hbm>>
    tpu.wait_indirect_dma semaphore(%arg12 : memref<!tpu.dma_semaphore, #tpu.memory_space<semaphore_mem>>) src(%dma_wait3A_294 : memref<10240x128xf32, #tpu.memory_space<hbm>>) dst(%dma_wait3A_288 : memref<64x128xf32, #tpu.memory_space<vmem>>)
    %dma_start3A_295 = arith.constant 78 : i32
    %dma_start3A_296 = arith.constant 128 : i32
    %dma_start3A_297 = arith.constant 0 : i32
    %dma_start3A_298 = tpu.memref_slice %arg8[%dma_start3A_296, %dma_start3A_297] : memref<256x128xf32, #tpu.memory_space<vmem>> -> memref<64x128xf32, #tpu.memory_space<vmem>>
    %dma_start3A_299 = arith.constant 0 : i32
    %dma_start3A_300 = tpu.memref_slice %arg7[%dma_start3A_295, %dma_start3A_299] : memref<80x64xi32, #tpu.memory_space<vmem>> -> memref<1x64xi32, #tpu.memory_space<vmem>>
    %dma_start3A_301 = tpu.memref_squeeze %dma_start3A_300 : memref<1x64xi32, #tpu.memory_space<vmem>> -> memref<64xi32, #tpu.memory_space<vmem>>
    %dma_start3A_302 = arith.constant 0 : i32
    %dma_start3A_303 = arith.constant 0 : i32
    %dma_start3A_304 = tpu.memref_slice %arg9[%dma_start3A_302, %dma_start3A_303] : memref<10240x128xf32, #tpu.memory_space<vmem_shared>> -> memref<10240x128xf32, #tpu.memory_space<vmem_shared>>
    tpu.enqueue_indirect_dma source(%dma_start3A_298 : memref<64x128xf32, #tpu.memory_space<vmem>>) target(%dma_start3A_304 : memref<10240x128xf32, #tpu.memory_space<vmem_shared>>) offsets(%dma_start3A_301 : memref<64xi32, #tpu.memory_space<vmem>>) semaphore(%arg16 : memref<!tpu.dma_semaphore, #tpu.memory_space<semaphore_mem>>) {add = true}
    %dma_wait3A_305 = arith.constant 77 : i32
    %dma_wait3A_306 = arith.constant 64 : i32
    %dma_wait3A_307 = arith.constant 0 : i32
    %dma_wait3A_308 = tpu.memref_slice %arg8[%dma_wait3A_306, %dma_wait3A_307] : memref<256x128xf32, #tpu.memory_space<vmem>> -> memref<64x128xf32, #tpu.memory_space<vmem>>
    %dma_wait3A_309 = arith.constant 0 : i32
    %dma_wait3A_310 = tpu.memref_slice %arg7[%dma_wait3A_305, %dma_wait3A_309] : memref<80x64xi32, #tpu.memory_space<vmem>> -> memref<1x64xi32, #tpu.memory_space<vmem>>
    %dma_wait3A_311 = tpu.memref_squeeze %dma_wait3A_310 : memref<1x64xi32, #tpu.memory_space<vmem>> -> memref<64xi32, #tpu.memory_space<vmem>>
    %dma_wait3A_312 = arith.constant 0 : i32
    %dma_wait3A_313 = arith.constant 0 : i32
    %dma_wait3A_314 = tpu.memref_slice %arg9[%dma_wait3A_312, %dma_wait3A_313] : memref<10240x128xf32, #tpu.memory_space<vmem_shared>> -> memref<10240x128xf32, #tpu.memory_space<vmem_shared>>
    tpu.wait_indirect_dma semaphore(%arg15 : memref<!tpu.dma_semaphore, #tpu.memory_space<semaphore_mem>>) src(%dma_wait3A_308 : memref<64x128xf32, #tpu.memory_space<vmem>>) dst(%dma_wait3A_314 : memref<10240x128xf32, #tpu.memory_space<vmem_shared>>)
    %dma_wait3A_315 = arith.constant 79 : i32
    %dma_wait3A_316 = arith.constant 192 : i32
    %dma_wait3A_317 = arith.constant 0 : i32
    %dma_wait3A_318 = tpu.memref_slice %arg8[%dma_wait3A_316, %dma_wait3A_317] : memref<256x128xf32, #tpu.memory_space<vmem>> -> memref<64x128xf32, #tpu.memory_space<vmem>>
    %dma_wait3A_319 = arith.constant 0 : i32
    %dma_wait3A_320 = tpu.memref_slice %arg6[%dma_wait3A_315, %dma_wait3A_319] : memref<80x64xi32, #tpu.memory_space<vmem>> -> memref<1x64xi32, #tpu.memory_space<vmem>>
    %dma_wait3A_321 = tpu.memref_squeeze %dma_wait3A_320 : memref<1x64xi32, #tpu.memory_space<vmem>> -> memref<64xi32, #tpu.memory_space<vmem>>
    %dma_wait3A_322 = arith.constant 0 : i32
    %dma_wait3A_323 = arith.constant 0 : i32
    %dma_wait3A_324 = tpu.memref_slice %arg2[%dma_wait3A_322, %dma_wait3A_323] : memref<10240x128xf32, #tpu.memory_space<hbm>> -> memref<10240x128xf32, #tpu.memory_space<hbm>>
    tpu.wait_indirect_dma semaphore(%arg13 : memref<!tpu.dma_semaphore, #tpu.memory_space<semaphore_mem>>) src(%dma_wait3A_324 : memref<10240x128xf32, #tpu.memory_space<hbm>>) dst(%dma_wait3A_318 : memref<64x128xf32, #tpu.memory_space<vmem>>)
    %dma_start3A_325 = arith.constant 79 : i32
    %dma_start3A_326 = arith.constant 192 : i32
    %dma_start3A_327 = arith.constant 0 : i32
    %dma_start3A_328 = tpu.memref_slice %arg8[%dma_start3A_326, %dma_start3A_327] : memref<256x128xf32, #tpu.memory_space<vmem>> -> memref<64x128xf32, #tpu.memory_space<vmem>>
    %dma_start3A_329 = arith.constant 0 : i32
    %dma_start3A_330 = tpu.memref_slice %arg7[%dma_start3A_325, %dma_start3A_329] : memref<80x64xi32, #tpu.memory_space<vmem>> -> memref<1x64xi32, #tpu.memory_space<vmem>>
    %dma_start3A_331 = tpu.memref_squeeze %dma_start3A_330 : memref<1x64xi32, #tpu.memory_space<vmem>> -> memref<64xi32, #tpu.memory_space<vmem>>
    %dma_start3A_332 = arith.constant 0 : i32
    %dma_start3A_333 = arith.constant 0 : i32
    %dma_start3A_334 = tpu.memref_slice %arg9[%dma_start3A_332, %dma_start3A_333] : memref<10240x128xf32, #tpu.memory_space<vmem_shared>> -> memref<10240x128xf32, #tpu.memory_space<vmem_shared>>
    tpu.enqueue_indirect_dma source(%dma_start3A_328 : memref<64x128xf32, #tpu.memory_space<vmem>>) target(%dma_start3A_334 : memref<10240x128xf32, #tpu.memory_space<vmem_shared>>) offsets(%dma_start3A_331 : memref<64xi32, #tpu.memory_space<vmem>>) semaphore(%arg17 : memref<!tpu.dma_semaphore, #tpu.memory_space<semaphore_mem>>) {add = true}
    %dma_wait3A_335 = arith.constant 78 : i32
    %dma_wait3A_336 = arith.constant 128 : i32
    %dma_wait3A_337 = arith.constant 0 : i32
    %dma_wait3A_338 = tpu.memref_slice %arg8[%dma_wait3A_336, %dma_wait3A_337] : memref<256x128xf32, #tpu.memory_space<vmem>> -> memref<64x128xf32, #tpu.memory_space<vmem>>
    %dma_wait3A_339 = arith.constant 0 : i32
    %dma_wait3A_340 = tpu.memref_slice %arg7[%dma_wait3A_335, %dma_wait3A_339] : memref<80x64xi32, #tpu.memory_space<vmem>> -> memref<1x64xi32, #tpu.memory_space<vmem>>
    %dma_wait3A_341 = tpu.memref_squeeze %dma_wait3A_340 : memref<1x64xi32, #tpu.memory_space<vmem>> -> memref<64xi32, #tpu.memory_space<vmem>>
    %dma_wait3A_342 = arith.constant 0 : i32
    %dma_wait3A_343 = arith.constant 0 : i32
    %dma_wait3A_344 = tpu.memref_slice %arg9[%dma_wait3A_342, %dma_wait3A_343] : memref<10240x128xf32, #tpu.memory_space<vmem_shared>> -> memref<10240x128xf32, #tpu.memory_space<vmem_shared>>
    tpu.wait_indirect_dma semaphore(%arg16 : memref<!tpu.dma_semaphore, #tpu.memory_space<semaphore_mem>>) src(%dma_wait3A_338 : memref<64x128xf32, #tpu.memory_space<vmem>>) dst(%dma_wait3A_344 : memref<10240x128xf32, #tpu.memory_space<vmem_shared>>)
    %dma_wait3A_345 = arith.constant 79 : i32
    %dma_wait3A_346 = arith.constant 192 : i32
    %dma_wait3A_347 = arith.constant 0 : i32
    %dma_wait3A_348 = tpu.memref_slice %arg8[%dma_wait3A_346, %dma_wait3A_347] : memref<256x128xf32, #tpu.memory_space<vmem>> -> memref<64x128xf32, #tpu.memory_space<vmem>>
    %dma_wait3A_349 = arith.constant 0 : i32
    %dma_wait3A_350 = tpu.memref_slice %arg7[%dma_wait3A_345, %dma_wait3A_349] : memref<80x64xi32, #tpu.memory_space<vmem>> -> memref<1x64xi32, #tpu.memory_space<vmem>>
    %dma_wait3A_351 = tpu.memref_squeeze %dma_wait3A_350 : memref<1x64xi32, #tpu.memory_space<vmem>> -> memref<64xi32, #tpu.memory_space<vmem>>
    %dma_wait3A_352 = arith.constant 0 : i32
    %dma_wait3A_353 = arith.constant 0 : i32
    %dma_wait3A_354 = tpu.memref_slice %arg9[%dma_wait3A_352, %dma_wait3A_353] : memref<10240x128xf32, #tpu.memory_space<vmem_shared>> -> memref<10240x128xf32, #tpu.memory_space<vmem_shared>>
    tpu.wait_indirect_dma semaphore(%arg17 : memref<!tpu.dma_semaphore, #tpu.memory_space<semaphore_mem>>) src(%dma_wait3A_348 : memref<64x128xf32, #tpu.memory_space<vmem>>) dst(%dma_wait3A_354 : memref<10240x128xf32, #tpu.memory_space<vmem_shared>>)
    %mul3A_355 = arith.constant 160 : i32
    %mul3A_356 = arith.muli %add3A, %mul3A_355 : i32
    %add3A_357 = arith.constant 80 : i32
    %add3A_358 = arith.addi %mul3A_356, %add3A_357 : i32
    "tpu.region"() ({
      %run_scoped3A = tpu.sem_alloc : memref<!tpu.dma_semaphore, #tpu.memory_space<semaphore_mem>>
      %dma_start3A_685 = arith.constant 0 : i32
      %dma_start3A_686 = tpu.memref_slice %arg3[%add3A_358, %dma_start3A_685] : memref<5120x64xi32, #tpu.memory_space<hbm>> -> memref<80x64xi32, #tpu.memory_space<hbm>>
      %dma_start3A_687 = arith.constant 0 : i32
      %dma_start3A_688 = tpu.memref_slice %arg3[%add3A_358, %dma_start3A_687] : memref<5120x64xi32, #tpu.memory_space<hbm>> -> memref<80x64xi32, #tpu.memory_space<hbm>>
      tpu.enqueue_dma source(%dma_start3A_688 : memref<80x64xi32, #tpu.memory_space<hbm>>) target(%arg6 : memref<80x64xi32, #tpu.memory_space<vmem>>) target_semaphore(%run_scoped3A : memref<!tpu.dma_semaphore, #tpu.memory_space<semaphore_mem>>)
      %dma_wait3A_689 = arith.constant 0 : i32
      %dma_wait3A_690 = tpu.memref_slice %arg3[%add3A_358, %dma_wait3A_689] : memref<5120x64xi32, #tpu.memory_space<hbm>> -> memref<80x64xi32, #tpu.memory_space<hbm>>
      %dma_wait3A_691 = arith.constant 0 : i32
      %dma_wait3A_692 = tpu.memref_slice %arg3[%add3A_358, %dma_wait3A_691] : memref<5120x64xi32, #tpu.memory_space<hbm>> -> memref<80x64xi32, #tpu.memory_space<hbm>>
      tpu.wait_dma2 semaphore(%run_scoped3A : memref<!tpu.dma_semaphore, #tpu.memory_space<semaphore_mem>>) src(%dma_wait3A_692 : memref<80x64xi32, #tpu.memory_space<hbm>>) dst(%arg6 : memref<80x64xi32, #tpu.memory_space<vmem>>)
      tpu.yield
    }) : () -> ()
    "tpu.region"() ({
      %run_scoped3A = tpu.sem_alloc : memref<!tpu.dma_semaphore, #tpu.memory_space<semaphore_mem>>
      %dma_start3A_685 = arith.constant 0 : i32
      %dma_start3A_686 = tpu.memref_slice %arg4[%add3A_358, %dma_start3A_685] : memref<5120x64xi32, #tpu.memory_space<hbm>> -> memref<80x64xi32, #tpu.memory_space<hbm>>
      %dma_start3A_687 = arith.constant 0 : i32
      %dma_start3A_688 = tpu.memref_slice %arg4[%add3A_358, %dma_start3A_687] : memref<5120x64xi32, #tpu.memory_space<hbm>> -> memref<80x64xi32, #tpu.memory_space<hbm>>
      tpu.enqueue_dma source(%dma_start3A_688 : memref<80x64xi32, #tpu.memory_space<hbm>>) target(%arg7 : memref<80x64xi32, #tpu.memory_space<vmem>>) target_semaphore(%run_scoped3A : memref<!tpu.dma_semaphore, #tpu.memory_space<semaphore_mem>>)
      %dma_wait3A_689 = arith.constant 0 : i32
      %dma_wait3A_690 = tpu.memref_slice %arg4[%add3A_358, %dma_wait3A_689] : memref<5120x64xi32, #tpu.memory_space<hbm>> -> memref<80x64xi32, #tpu.memory_space<hbm>>
      %dma_wait3A_691 = arith.constant 0 : i32
      %dma_wait3A_692 = tpu.memref_slice %arg4[%add3A_358, %dma_wait3A_691] : memref<5120x64xi32, #tpu.memory_space<hbm>> -> memref<80x64xi32, #tpu.memory_space<hbm>>
      tpu.wait_dma2 semaphore(%run_scoped3A : memref<!tpu.dma_semaphore, #tpu.memory_space<semaphore_mem>>) src(%dma_wait3A_692 : memref<80x64xi32, #tpu.memory_space<hbm>>) dst(%arg7 : memref<80x64xi32, #tpu.memory_space<vmem>>)
      tpu.yield
    }) : () -> ()
    %dma_start3A_359 = arith.constant 0 : i32
    %dma_start3A_360 = arith.constant 0 : i32
    %dma_start3A_361 = arith.constant 0 : i32
    %dma_start3A_362 = tpu.memref_slice %arg8[%dma_start3A_360, %dma_start3A_361] : memref<256x128xf32, #tpu.memory_space<vmem>> -> memref<64x128xf32, #tpu.memory_space<vmem>>
    %dma_start3A_363 = arith.constant 0 : i32
    %dma_start3A_364 = tpu.memref_slice %arg6[%dma_start3A_359, %dma_start3A_363] : memref<80x64xi32, #tpu.memory_space<vmem>> -> memref<1x64xi32, #tpu.memory_space<vmem>>
    %dma_start3A_365 = tpu.memref_squeeze %dma_start3A_364 : memref<1x64xi32, #tpu.memory_space<vmem>> -> memref<64xi32, #tpu.memory_space<vmem>>
    %dma_start3A_366 = arith.constant 0 : i32
    %dma_start3A_367 = arith.constant 0 : i32
    %dma_start3A_368 = tpu.memref_slice %arg2[%dma_start3A_366, %dma_start3A_367] : memref<10240x128xf32, #tpu.memory_space<hbm>> -> memref<10240x128xf32, #tpu.memory_space<hbm>>
    tpu.enqueue_indirect_dma source(%dma_start3A_368 : memref<10240x128xf32, #tpu.memory_space<hbm>>) target(%dma_start3A_362 : memref<64x128xf32, #tpu.memory_space<vmem>>) offsets(%dma_start3A_365 : memref<64xi32, #tpu.memory_space<vmem>>) semaphore(%arg10 : memref<!tpu.dma_semaphore, #tpu.memory_space<semaphore_mem>>)
    %dma_start3A_369 = arith.constant 1 : i32
    %dma_start3A_370 = arith.constant 64 : i32
    %dma_start3A_371 = arith.constant 0 : i32
    %dma_start3A_372 = tpu.memref_slice %arg8[%dma_start3A_370, %dma_start3A_371] : memref<256x128xf32, #tpu.memory_space<vmem>> -> memref<64x128xf32, #tpu.memory_space<vmem>>
    %dma_start3A_373 = arith.constant 0 : i32
    %dma_start3A_374 = tpu.memref_slice %arg6[%dma_start3A_369, %dma_start3A_373] : memref<80x64xi32, #tpu.memory_space<vmem>> -> memref<1x64xi32, #tpu.memory_space<vmem>>
    %dma_start3A_375 = tpu.memref_squeeze %dma_start3A_374 : memref<1x64xi32, #tpu.memory_space<vmem>> -> memref<64xi32, #tpu.memory_space<vmem>>
    %dma_start3A_376 = arith.constant 0 : i32
    %dma_start3A_377 = arith.constant 0 : i32
    %dma_start3A_378 = tpu.memref_slice %arg2[%dma_start3A_376, %dma_start3A_377] : memref<10240x128xf32, #tpu.memory_space<hbm>> -> memref<10240x128xf32, #tpu.memory_space<hbm>>
    tpu.enqueue_indirect_dma source(%dma_start3A_378 : memref<10240x128xf32, #tpu.memory_space<hbm>>) target(%dma_start3A_372 : memref<64x128xf32, #tpu.memory_space<vmem>>) offsets(%dma_start3A_375 : memref<64xi32, #tpu.memory_space<vmem>>) semaphore(%arg11 : memref<!tpu.dma_semaphore, #tpu.memory_space<semaphore_mem>>)
    %dma_start3A_379 = arith.constant 2 : i32
    %dma_start3A_380 = arith.constant 128 : i32
    %dma_start3A_381 = arith.constant 0 : i32
    %dma_start3A_382 = tpu.memref_slice %arg8[%dma_start3A_380, %dma_start3A_381] : memref<256x128xf32, #tpu.memory_space<vmem>> -> memref<64x128xf32, #tpu.memory_space<vmem>>
    %dma_start3A_383 = arith.constant 0 : i32
    %dma_start3A_384 = tpu.memref_slice %arg6[%dma_start3A_379, %dma_start3A_383] : memref<80x64xi32, #tpu.memory_space<vmem>> -> memref<1x64xi32, #tpu.memory_space<vmem>>
    %dma_start3A_385 = tpu.memref_squeeze %dma_start3A_384 : memref<1x64xi32, #tpu.memory_space<vmem>> -> memref<64xi32, #tpu.memory_space<vmem>>
    %dma_start3A_386 = arith.constant 0 : i32
    %dma_start3A_387 = arith.constant 0 : i32
    %dma_start3A_388 = tpu.memref_slice %arg2[%dma_start3A_386, %dma_start3A_387] : memref<10240x128xf32, #tpu.memory_space<hbm>> -> memref<10240x128xf32, #tpu.memory_space<hbm>>
    tpu.enqueue_indirect_dma source(%dma_start3A_388 : memref<10240x128xf32, #tpu.memory_space<hbm>>) target(%dma_start3A_382 : memref<64x128xf32, #tpu.memory_space<vmem>>) offsets(%dma_start3A_385 : memref<64xi32, #tpu.memory_space<vmem>>) semaphore(%arg12 : memref<!tpu.dma_semaphore, #tpu.memory_space<semaphore_mem>>)
    %dma_wait3A_389 = arith.constant 0 : i32
    %dma_wait3A_390 = arith.constant 0 : i32
    %dma_wait3A_391 = arith.constant 0 : i32
    %dma_wait3A_392 = tpu.memref_slice %arg8[%dma_wait3A_390, %dma_wait3A_391] : memref<256x128xf32, #tpu.memory_space<vmem>> -> memref<64x128xf32, #tpu.memory_space<vmem>>
    %dma_wait3A_393 = arith.constant 0 : i32
    %dma_wait3A_394 = tpu.memref_slice %arg6[%dma_wait3A_389, %dma_wait3A_393] : memref<80x64xi32, #tpu.memory_space<vmem>> -> memref<1x64xi32, #tpu.memory_space<vmem>>
    %dma_wait3A_395 = tpu.memref_squeeze %dma_wait3A_394 : memref<1x64xi32, #tpu.memory_space<vmem>> -> memref<64xi32, #tpu.memory_space<vmem>>
    %dma_wait3A_396 = arith.constant 0 : i32
    %dma_wait3A_397 = arith.constant 0 : i32
    %dma_wait3A_398 = tpu.memref_slice %arg2[%dma_wait3A_396, %dma_wait3A_397] : memref<10240x128xf32, #tpu.memory_space<hbm>> -> memref<10240x128xf32, #tpu.memory_space<hbm>>
    tpu.wait_indirect_dma semaphore(%arg10 : memref<!tpu.dma_semaphore, #tpu.memory_space<semaphore_mem>>) src(%dma_wait3A_398 : memref<10240x128xf32, #tpu.memory_space<hbm>>) dst(%dma_wait3A_392 : memref<64x128xf32, #tpu.memory_space<vmem>>)
    %dma_start3A_399 = arith.constant 0 : i32
    %dma_start3A_400 = arith.constant 0 : i32
    %dma_start3A_401 = arith.constant 0 : i32
    %dma_start3A_402 = tpu.memref_slice %arg8[%dma_start3A_400, %dma_start3A_401] : memref<256x128xf32, #tpu.memory_space<vmem>> -> memref<64x128xf32, #tpu.memory_space<vmem>>
    %dma_start3A_403 = arith.constant 0 : i32
    %dma_start3A_404 = tpu.memref_slice %arg7[%dma_start3A_399, %dma_start3A_403] : memref<80x64xi32, #tpu.memory_space<vmem>> -> memref<1x64xi32, #tpu.memory_space<vmem>>
    %dma_start3A_405 = tpu.memref_squeeze %dma_start3A_404 : memref<1x64xi32, #tpu.memory_space<vmem>> -> memref<64xi32, #tpu.memory_space<vmem>>
    %dma_start3A_406 = arith.constant 0 : i32
    %dma_start3A_407 = arith.constant 0 : i32
    %dma_start3A_408 = tpu.memref_slice %arg9[%dma_start3A_406, %dma_start3A_407] : memref<10240x128xf32, #tpu.memory_space<vmem_shared>> -> memref<10240x128xf32, #tpu.memory_space<vmem_shared>>
    tpu.enqueue_indirect_dma source(%dma_start3A_402 : memref<64x128xf32, #tpu.memory_space<vmem>>) target(%dma_start3A_408 : memref<10240x128xf32, #tpu.memory_space<vmem_shared>>) offsets(%dma_start3A_405 : memref<64xi32, #tpu.memory_space<vmem>>) semaphore(%arg14 : memref<!tpu.dma_semaphore, #tpu.memory_space<semaphore_mem>>) {add = true}
    %dma_start3A_409 = arith.constant 3 : i32
    %dma_start3A_410 = arith.constant 192 : i32
    %dma_start3A_411 = arith.constant 0 : i32
    %dma_start3A_412 = tpu.memref_slice %arg8[%dma_start3A_410, %dma_start3A_411] : memref<256x128xf32, #tpu.memory_space<vmem>> -> memref<64x128xf32, #tpu.memory_space<vmem>>
    %dma_start3A_413 = arith.constant 0 : i32
    %dma_start3A_414 = tpu.memref_slice %arg6[%dma_start3A_409, %dma_start3A_413] : memref<80x64xi32, #tpu.memory_space<vmem>> -> memref<1x64xi32, #tpu.memory_space<vmem>>
    %dma_start3A_415 = tpu.memref_squeeze %dma_start3A_414 : memref<1x64xi32, #tpu.memory_space<vmem>> -> memref<64xi32, #tpu.memory_space<vmem>>
    %dma_start3A_416 = arith.constant 0 : i32
    %dma_start3A_417 = arith.constant 0 : i32
    %dma_start3A_418 = tpu.memref_slice %arg2[%dma_start3A_416, %dma_start3A_417] : memref<10240x128xf32, #tpu.memory_space<hbm>> -> memref<10240x128xf32, #tpu.memory_space<hbm>>
    tpu.enqueue_indirect_dma source(%dma_start3A_418 : memref<10240x128xf32, #tpu.memory_space<hbm>>) target(%dma_start3A_412 : memref<64x128xf32, #tpu.memory_space<vmem>>) offsets(%dma_start3A_415 : memref<64xi32, #tpu.memory_space<vmem>>) semaphore(%arg13 : memref<!tpu.dma_semaphore, #tpu.memory_space<semaphore_mem>>)
    %dma_wait3A_419 = arith.constant 1 : i32
    %dma_wait3A_420 = arith.constant 64 : i32
    %dma_wait3A_421 = arith.constant 0 : i32
    %dma_wait3A_422 = tpu.memref_slice %arg8[%dma_wait3A_420, %dma_wait3A_421] : memref<256x128xf32, #tpu.memory_space<vmem>> -> memref<64x128xf32, #tpu.memory_space<vmem>>
    %dma_wait3A_423 = arith.constant 0 : i32
    %dma_wait3A_424 = tpu.memref_slice %arg6[%dma_wait3A_419, %dma_wait3A_423] : memref<80x64xi32, #tpu.memory_space<vmem>> -> memref<1x64xi32, #tpu.memory_space<vmem>>
    %dma_wait3A_425 = tpu.memref_squeeze %dma_wait3A_424 : memref<1x64xi32, #tpu.memory_space<vmem>> -> memref<64xi32, #tpu.memory_space<vmem>>
    %dma_wait3A_426 = arith.constant 0 : i32
    %dma_wait3A_427 = arith.constant 0 : i32
    %dma_wait3A_428 = tpu.memref_slice %arg2[%dma_wait3A_426, %dma_wait3A_427] : memref<10240x128xf32, #tpu.memory_space<hbm>> -> memref<10240x128xf32, #tpu.memory_space<hbm>>
    tpu.wait_indirect_dma semaphore(%arg11 : memref<!tpu.dma_semaphore, #tpu.memory_space<semaphore_mem>>) src(%dma_wait3A_428 : memref<10240x128xf32, #tpu.memory_space<hbm>>) dst(%dma_wait3A_422 : memref<64x128xf32, #tpu.memory_space<vmem>>)
    %dma_start3A_429 = arith.constant 1 : i32
    %dma_start3A_430 = arith.constant 64 : i32
    %dma_start3A_431 = arith.constant 0 : i32
    %dma_start3A_432 = tpu.memref_slice %arg8[%dma_start3A_430, %dma_start3A_431] : memref<256x128xf32, #tpu.memory_space<vmem>> -> memref<64x128xf32, #tpu.memory_space<vmem>>
    %dma_start3A_433 = arith.constant 0 : i32
    %dma_start3A_434 = tpu.memref_slice %arg7[%dma_start3A_429, %dma_start3A_433] : memref<80x64xi32, #tpu.memory_space<vmem>> -> memref<1x64xi32, #tpu.memory_space<vmem>>
    %dma_start3A_435 = tpu.memref_squeeze %dma_start3A_434 : memref<1x64xi32, #tpu.memory_space<vmem>> -> memref<64xi32, #tpu.memory_space<vmem>>
    %dma_start3A_436 = arith.constant 0 : i32
    %dma_start3A_437 = arith.constant 0 : i32
    %dma_start3A_438 = tpu.memref_slice %arg9[%dma_start3A_436, %dma_start3A_437] : memref<10240x128xf32, #tpu.memory_space<vmem_shared>> -> memref<10240x128xf32, #tpu.memory_space<vmem_shared>>
    tpu.enqueue_indirect_dma source(%dma_start3A_432 : memref<64x128xf32, #tpu.memory_space<vmem>>) target(%dma_start3A_438 : memref<10240x128xf32, #tpu.memory_space<vmem_shared>>) offsets(%dma_start3A_435 : memref<64xi32, #tpu.memory_space<vmem>>) semaphore(%arg15 : memref<!tpu.dma_semaphore, #tpu.memory_space<semaphore_mem>>) {add = true}
    %dma_wait3A_439 = arith.constant 0 : i32
    %dma_wait3A_440 = arith.constant 0 : i32
    %dma_wait3A_441 = arith.constant 0 : i32
    %dma_wait3A_442 = tpu.memref_slice %arg8[%dma_wait3A_440, %dma_wait3A_441] : memref<256x128xf32, #tpu.memory_space<vmem>> -> memref<64x128xf32, #tpu.memory_space<vmem>>
    %dma_wait3A_443 = arith.constant 0 : i32
    %dma_wait3A_444 = tpu.memref_slice %arg7[%dma_wait3A_439, %dma_wait3A_443] : memref<80x64xi32, #tpu.memory_space<vmem>> -> memref<1x64xi32, #tpu.memory_space<vmem>>
    %dma_wait3A_445 = tpu.memref_squeeze %dma_wait3A_444 : memref<1x64xi32, #tpu.memory_space<vmem>> -> memref<64xi32, #tpu.memory_space<vmem>>
    %dma_wait3A_446 = arith.constant 0 : i32
    %dma_wait3A_447 = arith.constant 0 : i32
    %dma_wait3A_448 = tpu.memref_slice %arg9[%dma_wait3A_446, %dma_wait3A_447] : memref<10240x128xf32, #tpu.memory_space<vmem_shared>> -> memref<10240x128xf32, #tpu.memory_space<vmem_shared>>
    tpu.wait_indirect_dma semaphore(%arg14 : memref<!tpu.dma_semaphore, #tpu.memory_space<semaphore_mem>>) src(%dma_wait3A_442 : memref<64x128xf32, #tpu.memory_space<vmem>>) dst(%dma_wait3A_448 : memref<10240x128xf32, #tpu.memory_space<vmem_shared>>)
    %dma_start3A_449 = arith.constant 4 : i32
    %dma_start3A_450 = arith.constant 0 : i32
    %dma_start3A_451 = arith.constant 0 : i32
    %dma_start3A_452 = tpu.memref_slice %arg8[%dma_start3A_450, %dma_start3A_451] : memref<256x128xf32, #tpu.memory_space<vmem>> -> memref<64x128xf32, #tpu.memory_space<vmem>>
    %dma_start3A_453 = arith.constant 0 : i32
    %dma_start3A_454 = tpu.memref_slice %arg6[%dma_start3A_449, %dma_start3A_453] : memref<80x64xi32, #tpu.memory_space<vmem>> -> memref<1x64xi32, #tpu.memory_space<vmem>>
    %dma_start3A_455 = tpu.memref_squeeze %dma_start3A_454 : memref<1x64xi32, #tpu.memory_space<vmem>> -> memref<64xi32, #tpu.memory_space<vmem>>
    %dma_start3A_456 = arith.constant 0 : i32
    %dma_start3A_457 = arith.constant 0 : i32
    %dma_start3A_458 = tpu.memref_slice %arg2[%dma_start3A_456, %dma_start3A_457] : memref<10240x128xf32, #tpu.memory_space<hbm>> -> memref<10240x128xf32, #tpu.memory_space<hbm>>
    tpu.enqueue_indirect_dma source(%dma_start3A_458 : memref<10240x128xf32, #tpu.memory_space<hbm>>) target(%dma_start3A_452 : memref<64x128xf32, #tpu.memory_space<vmem>>) offsets(%dma_start3A_455 : memref<64xi32, #tpu.memory_space<vmem>>) semaphore(%arg10 : memref<!tpu.dma_semaphore, #tpu.memory_space<semaphore_mem>>)
    %dma_wait3A_459 = arith.constant 2 : i32
    %dma_wait3A_460 = arith.constant 128 : i32
    %dma_wait3A_461 = arith.constant 0 : i32
    %dma_wait3A_462 = tpu.memref_slice %arg8[%dma_wait3A_460, %dma_wait3A_461] : memref<256x128xf32, #tpu.memory_space<vmem>> -> memref<64x128xf32, #tpu.memory_space<vmem>>
    %dma_wait3A_463 = arith.constant 0 : i32
    %dma_wait3A_464 = tpu.memref_slice %arg6[%dma_wait3A_459, %dma_wait3A_463] : memref<80x64xi32, #tpu.memory_space<vmem>> -> memref<1x64xi32, #tpu.memory_space<vmem>>
    %dma_wait3A_465 = tpu.memref_squeeze %dma_wait3A_464 : memref<1x64xi32, #tpu.memory_space<vmem>> -> memref<64xi32, #tpu.memory_space<vmem>>
    %dma_wait3A_466 = arith.constant 0 : i32
    %dma_wait3A_467 = arith.constant 0 : i32
    %dma_wait3A_468 = tpu.memref_slice %arg2[%dma_wait3A_466, %dma_wait3A_467] : memref<10240x128xf32, #tpu.memory_space<hbm>> -> memref<10240x128xf32, #tpu.memory_space<hbm>>
    tpu.wait_indirect_dma semaphore(%arg12 : memref<!tpu.dma_semaphore, #tpu.memory_space<semaphore_mem>>) src(%dma_wait3A_468 : memref<10240x128xf32, #tpu.memory_space<hbm>>) dst(%dma_wait3A_462 : memref<64x128xf32, #tpu.memory_space<vmem>>)
    %dma_start3A_469 = arith.constant 2 : i32
    %dma_start3A_470 = arith.constant 128 : i32
    %dma_start3A_471 = arith.constant 0 : i32
    %dma_start3A_472 = tpu.memref_slice %arg8[%dma_start3A_470, %dma_start3A_471] : memref<256x128xf32, #tpu.memory_space<vmem>> -> memref<64x128xf32, #tpu.memory_space<vmem>>
    %dma_start3A_473 = arith.constant 0 : i32
    %dma_start3A_474 = tpu.memref_slice %arg7[%dma_start3A_469, %dma_start3A_473] : memref<80x64xi32, #tpu.memory_space<vmem>> -> memref<1x64xi32, #tpu.memory_space<vmem>>
    %dma_start3A_475 = tpu.memref_squeeze %dma_start3A_474 : memref<1x64xi32, #tpu.memory_space<vmem>> -> memref<64xi32, #tpu.memory_space<vmem>>
    %dma_start3A_476 = arith.constant 0 : i32
    %dma_start3A_477 = arith.constant 0 : i32
    %dma_start3A_478 = tpu.memref_slice %arg9[%dma_start3A_476, %dma_start3A_477] : memref<10240x128xf32, #tpu.memory_space<vmem_shared>> -> memref<10240x128xf32, #tpu.memory_space<vmem_shared>>
    tpu.enqueue_indirect_dma source(%dma_start3A_472 : memref<64x128xf32, #tpu.memory_space<vmem>>) target(%dma_start3A_478 : memref<10240x128xf32, #tpu.memory_space<vmem_shared>>) offsets(%dma_start3A_475 : memref<64xi32, #tpu.memory_space<vmem>>) semaphore(%arg16 : memref<!tpu.dma_semaphore, #tpu.memory_space<semaphore_mem>>) {add = true}
    %dma_wait3A_479 = arith.constant 1 : i32
    %dma_wait3A_480 = arith.constant 64 : i32
    %dma_wait3A_481 = arith.constant 0 : i32
    %dma_wait3A_482 = tpu.memref_slice %arg8[%dma_wait3A_480, %dma_wait3A_481] : memref<256x128xf32, #tpu.memory_space<vmem>> -> memref<64x128xf32, #tpu.memory_space<vmem>>
    %dma_wait3A_483 = arith.constant 0 : i32
    %dma_wait3A_484 = tpu.memref_slice %arg7[%dma_wait3A_479, %dma_wait3A_483] : memref<80x64xi32, #tpu.memory_space<vmem>> -> memref<1x64xi32, #tpu.memory_space<vmem>>
    %dma_wait3A_485 = tpu.memref_squeeze %dma_wait3A_484 : memref<1x64xi32, #tpu.memory_space<vmem>> -> memref<64xi32, #tpu.memory_space<vmem>>
    %dma_wait3A_486 = arith.constant 0 : i32
    %dma_wait3A_487 = arith.constant 0 : i32
    %dma_wait3A_488 = tpu.memref_slice %arg9[%dma_wait3A_486, %dma_wait3A_487] : memref<10240x128xf32, #tpu.memory_space<vmem_shared>> -> memref<10240x128xf32, #tpu.memory_space<vmem_shared>>
    tpu.wait_indirect_dma semaphore(%arg15 : memref<!tpu.dma_semaphore, #tpu.memory_space<semaphore_mem>>) src(%dma_wait3A_482 : memref<64x128xf32, #tpu.memory_space<vmem>>) dst(%dma_wait3A_488 : memref<10240x128xf32, #tpu.memory_space<vmem_shared>>)
    %dma_start3A_489 = arith.constant 5 : i32
    %dma_start3A_490 = arith.constant 64 : i32
    %dma_start3A_491 = arith.constant 0 : i32
    %dma_start3A_492 = tpu.memref_slice %arg8[%dma_start3A_490, %dma_start3A_491] : memref<256x128xf32, #tpu.memory_space<vmem>> -> memref<64x128xf32, #tpu.memory_space<vmem>>
    %dma_start3A_493 = arith.constant 0 : i32
    %dma_start3A_494 = tpu.memref_slice %arg6[%dma_start3A_489, %dma_start3A_493] : memref<80x64xi32, #tpu.memory_space<vmem>> -> memref<1x64xi32, #tpu.memory_space<vmem>>
    %dma_start3A_495 = tpu.memref_squeeze %dma_start3A_494 : memref<1x64xi32, #tpu.memory_space<vmem>> -> memref<64xi32, #tpu.memory_space<vmem>>
    %dma_start3A_496 = arith.constant 0 : i32
    %dma_start3A_497 = arith.constant 0 : i32
    %dma_start3A_498 = tpu.memref_slice %arg2[%dma_start3A_496, %dma_start3A_497] : memref<10240x128xf32, #tpu.memory_space<hbm>> -> memref<10240x128xf32, #tpu.memory_space<hbm>>
    tpu.enqueue_indirect_dma source(%dma_start3A_498 : memref<10240x128xf32, #tpu.memory_space<hbm>>) target(%dma_start3A_492 : memref<64x128xf32, #tpu.memory_space<vmem>>) offsets(%dma_start3A_495 : memref<64xi32, #tpu.memory_space<vmem>>) semaphore(%arg11 : memref<!tpu.dma_semaphore, #tpu.memory_space<semaphore_mem>>)
    %dma_wait3A_499 = arith.constant 3 : i32
    %dma_wait3A_500 = arith.constant 192 : i32
    %dma_wait3A_501 = arith.constant 0 : i32
    %dma_wait3A_502 = tpu.memref_slice %arg8[%dma_wait3A_500, %dma_wait3A_501] : memref<256x128xf32, #tpu.memory_space<vmem>> -> memref<64x128xf32, #tpu.memory_space<vmem>>
    %dma_wait3A_503 = arith.constant 0 : i32
    %dma_wait3A_504 = tpu.memref_slice %arg6[%dma_wait3A_499, %dma_wait3A_503] : memref<80x64xi32, #tpu.memory_space<vmem>> -> memref<1x64xi32, #tpu.memory_space<vmem>>
    %dma_wait3A_505 = tpu.memref_squeeze %dma_wait3A_504 : memref<1x64xi32, #tpu.memory_space<vmem>> -> memref<64xi32, #tpu.memory_space<vmem>>
    %dma_wait3A_506 = arith.constant 0 : i32
    %dma_wait3A_507 = arith.constant 0 : i32
    %dma_wait3A_508 = tpu.memref_slice %arg2[%dma_wait3A_506, %dma_wait3A_507] : memref<10240x128xf32, #tpu.memory_space<hbm>> -> memref<10240x128xf32, #tpu.memory_space<hbm>>
    tpu.wait_indirect_dma semaphore(%arg13 : memref<!tpu.dma_semaphore, #tpu.memory_space<semaphore_mem>>) src(%dma_wait3A_508 : memref<10240x128xf32, #tpu.memory_space<hbm>>) dst(%dma_wait3A_502 : memref<64x128xf32, #tpu.memory_space<vmem>>)
    %dma_start3A_509 = arith.constant 3 : i32
    %dma_start3A_510 = arith.constant 192 : i32
    %dma_start3A_511 = arith.constant 0 : i32
    %dma_start3A_512 = tpu.memref_slice %arg8[%dma_start3A_510, %dma_start3A_511] : memref<256x128xf32, #tpu.memory_space<vmem>> -> memref<64x128xf32, #tpu.memory_space<vmem>>
    %dma_start3A_513 = arith.constant 0 : i32
    %dma_start3A_514 = tpu.memref_slice %arg7[%dma_start3A_509, %dma_start3A_513] : memref<80x64xi32, #tpu.memory_space<vmem>> -> memref<1x64xi32, #tpu.memory_space<vmem>>
    %dma_start3A_515 = tpu.memref_squeeze %dma_start3A_514 : memref<1x64xi32, #tpu.memory_space<vmem>> -> memref<64xi32, #tpu.memory_space<vmem>>
    %dma_start3A_516 = arith.constant 0 : i32
    %dma_start3A_517 = arith.constant 0 : i32
    %dma_start3A_518 = tpu.memref_slice %arg9[%dma_start3A_516, %dma_start3A_517] : memref<10240x128xf32, #tpu.memory_space<vmem_shared>> -> memref<10240x128xf32, #tpu.memory_space<vmem_shared>>
    tpu.enqueue_indirect_dma source(%dma_start3A_512 : memref<64x128xf32, #tpu.memory_space<vmem>>) target(%dma_start3A_518 : memref<10240x128xf32, #tpu.memory_space<vmem_shared>>) offsets(%dma_start3A_515 : memref<64xi32, #tpu.memory_space<vmem>>) semaphore(%arg17 : memref<!tpu.dma_semaphore, #tpu.memory_space<semaphore_mem>>) {add = true}
    %scan3A_519 = arith.constant 0 : i32
    %scan3A_520 = arith.constant 18 : i32
    %scan3A_521 = arith.addi %scan3A_519, %scan3A_520 : i32
    %scan3A_522 = arith.constant 1 : i32
    scf.for %scan3A_685 = %scan3A_519 to %scan3A_521 step %scan3A_522  : i32 {
      %mul3A_686 = arith.constant 1 : i32
      %mul3A_687 = arith.muli %scan3A_685, %mul3A_686 : i32
      %add3A_688 = arith.constant 1 : i32
      %add3A_689 = arith.addi %add3A_688, %mul3A_687 : i32
      %mul3A_690 = arith.constant 4 : i32
      %mul3A_691 = arith.muli %add3A_689, %mul3A_690 : i32
      %add3A_692 = arith.constant 0 : i32
      %add3A_693 = arith.addi %mul3A_691, %add3A_692 : i32
      %sub3A = arith.constant 2 : i32
      %sub3A_694 = arith.subi %add3A_693, %sub3A : i32
      %dma_wait3A_695 = arith.constant 128 : i32
      %dma_wait3A_696 = arith.constant 0 : i32
      %dma_wait3A_697 = tpu.memref_slice %arg8[%dma_wait3A_695, %dma_wait3A_696] : memref<256x128xf32, #tpu.memory_space<vmem>> -> memref<64x128xf32, #tpu.memory_space<vmem>>
      %dma_wait3A_698 = arith.constant 0 : i32
      %dma_wait3A_699 = tpu.memref_slice %arg7[%sub3A_694, %dma_wait3A_698] : memref<80x64xi32, #tpu.memory_space<vmem>> -> memref<1x64xi32, #tpu.memory_space<vmem>>
      %dma_wait3A_700 = tpu.memref_squeeze %dma_wait3A_699 : memref<1x64xi32, #tpu.memory_space<vmem>> -> memref<64xi32, #tpu.memory_space<vmem>>
      %dma_wait3A_701 = arith.constant 0 : i32
      %dma_wait3A_702 = arith.constant 0 : i32
      %dma_wait3A_703 = tpu.memref_slice %arg9[%dma_wait3A_701, %dma_wait3A_702] : memref<10240x128xf32, #tpu.memory_space<vmem_shared>> -> memref<10240x128xf32, #tpu.memory_space<vmem_shared>>
      tpu.wait_indirect_dma semaphore(%arg16 : memref<!tpu.dma_semaphore, #tpu.memory_space<semaphore_mem>>) src(%dma_wait3A_697 : memref<64x128xf32, #tpu.memory_space<vmem>>) dst(%dma_wait3A_703 : memref<10240x128xf32, #tpu.memory_space<vmem_shared>>)
      %add3A_704 = arith.constant 2 : i32
      %add3A_705 = arith.addi %add3A_693, %add3A_704 : i32
      %dma_start3A_706 = arith.constant 128 : i32
      %dma_start3A_707 = arith.constant 0 : i32
      %dma_start3A_708 = tpu.memref_slice %arg8[%dma_start3A_706, %dma_start3A_707] : memref<256x128xf32, #tpu.memory_space<vmem>> -> memref<64x128xf32, #tpu.memory_space<vmem>>
      %dma_start3A_709 = arith.constant 0 : i32
      %dma_start3A_710 = tpu.memref_slice %arg6[%add3A_705, %dma_start3A_709] : memref<80x64xi32, #tpu.memory_space<vmem>> -> memref<1x64xi32, #tpu.memory_space<vmem>>
      %dma_start3A_711 = tpu.memref_squeeze %dma_start3A_710 : memref<1x64xi32, #tpu.memory_space<vmem>> -> memref<64xi32, #tpu.memory_space<vmem>>
      %dma_start3A_712 = arith.constant 0 : i32
      %dma_start3A_713 = arith.constant 0 : i32
      %dma_start3A_714 = tpu.memref_slice %arg2[%dma_start3A_712, %dma_start3A_713] : memref<10240x128xf32, #tpu.memory_space<hbm>> -> memref<10240x128xf32, #tpu.memory_space<hbm>>
      tpu.enqueue_indirect_dma source(%dma_start3A_714 : memref<10240x128xf32, #tpu.memory_space<hbm>>) target(%dma_start3A_708 : memref<64x128xf32, #tpu.memory_space<vmem>>) offsets(%dma_start3A_711 : memref<64xi32, #tpu.memory_space<vmem>>) semaphore(%arg12 : memref<!tpu.dma_semaphore, #tpu.memory_space<semaphore_mem>>)
      %dma_wait3A_715 = arith.constant 0 : i32
      %dma_wait3A_716 = arith.constant 0 : i32
      %dma_wait3A_717 = tpu.memref_slice %arg8[%dma_wait3A_715, %dma_wait3A_716] : memref<256x128xf32, #tpu.memory_space<vmem>> -> memref<64x128xf32, #tpu.memory_space<vmem>>
      %dma_wait3A_718 = arith.constant 0 : i32
      %dma_wait3A_719 = tpu.memref_slice %arg6[%add3A_693, %dma_wait3A_718] : memref<80x64xi32, #tpu.memory_space<vmem>> -> memref<1x64xi32, #tpu.memory_space<vmem>>
      %dma_wait3A_720 = tpu.memref_squeeze %dma_wait3A_719 : memref<1x64xi32, #tpu.memory_space<vmem>> -> memref<64xi32, #tpu.memory_space<vmem>>
      %dma_wait3A_721 = arith.constant 0 : i32
      %dma_wait3A_722 = arith.constant 0 : i32
      %dma_wait3A_723 = tpu.memref_slice %arg2[%dma_wait3A_721, %dma_wait3A_722] : memref<10240x128xf32, #tpu.memory_space<hbm>> -> memref<10240x128xf32, #tpu.memory_space<hbm>>
      tpu.wait_indirect_dma semaphore(%arg10 : memref<!tpu.dma_semaphore, #tpu.memory_space<semaphore_mem>>) src(%dma_wait3A_723 : memref<10240x128xf32, #tpu.memory_space<hbm>>) dst(%dma_wait3A_717 : memref<64x128xf32, #tpu.memory_space<vmem>>)
      %dma_start3A_724 = arith.constant 0 : i32
      %dma_start3A_725 = arith.constant 0 : i32
      %dma_start3A_726 = tpu.memref_slice %arg8[%dma_start3A_724, %dma_start3A_725] : memref<256x128xf32, #tpu.memory_space<vmem>> -> memref<64x128xf32, #tpu.memory_space<vmem>>
      %dma_start3A_727 = arith.constant 0 : i32
      %dma_start3A_728 = tpu.memref_slice %arg7[%add3A_693, %dma_start3A_727] : memref<80x64xi32, #tpu.memory_space<vmem>> -> memref<1x64xi32, #tpu.memory_space<vmem>>
      %dma_start3A_729 = tpu.memref_squeeze %dma_start3A_728 : memref<1x64xi32, #tpu.memory_space<vmem>> -> memref<64xi32, #tpu.memory_space<vmem>>
      %dma_start3A_730 = arith.constant 0 : i32
      %dma_start3A_731 = arith.constant 0 : i32
      %dma_start3A_732 = tpu.memref_slice %arg9[%dma_start3A_730, %dma_start3A_731] : memref<10240x128xf32, #tpu.memory_space<vmem_shared>> -> memref<10240x128xf32, #tpu.memory_space<vmem_shared>>
      tpu.enqueue_indirect_dma source(%dma_start3A_726 : memref<64x128xf32, #tpu.memory_space<vmem>>) target(%dma_start3A_732 : memref<10240x128xf32, #tpu.memory_space<vmem_shared>>) offsets(%dma_start3A_729 : memref<64xi32, #tpu.memory_space<vmem>>) semaphore(%arg14 : memref<!tpu.dma_semaphore, #tpu.memory_space<semaphore_mem>>) {add = true}
      %add3A_733 = arith.constant 1 : i32
      %add3A_734 = arith.addi %mul3A_691, %add3A_733 : i32
      %sub3A_735 = arith.constant 2 : i32
      %sub3A_736 = arith.subi %add3A_734, %sub3A_735 : i32
      %dma_wait3A_737 = arith.constant 192 : i32
      %dma_wait3A_738 = arith.constant 0 : i32
      %dma_wait3A_739 = tpu.memref_slice %arg8[%dma_wait3A_737, %dma_wait3A_738] : memref<256x128xf32, #tpu.memory_space<vmem>> -> memref<64x128xf32, #tpu.memory_space<vmem>>
      %dma_wait3A_740 = arith.constant 0 : i32
      %dma_wait3A_741 = tpu.memref_slice %arg7[%sub3A_736, %dma_wait3A_740] : memref<80x64xi32, #tpu.memory_space<vmem>> -> memref<1x64xi32, #tpu.memory_space<vmem>>
      %dma_wait3A_742 = tpu.memref_squeeze %dma_wait3A_741 : memref<1x64xi32, #tpu.memory_space<vmem>> -> memref<64xi32, #tpu.memory_space<vmem>>
      %dma_wait3A_743 = arith.constant 0 : i32
      %dma_wait3A_744 = arith.constant 0 : i32
      %dma_wait3A_745 = tpu.memref_slice %arg9[%dma_wait3A_743, %dma_wait3A_744] : memref<10240x128xf32, #tpu.memory_space<vmem_shared>> -> memref<10240x128xf32, #tpu.memory_space<vmem_shared>>
      tpu.wait_indirect_dma semaphore(%arg17 : memref<!tpu.dma_semaphore, #tpu.memory_space<semaphore_mem>>) src(%dma_wait3A_739 : memref<64x128xf32, #tpu.memory_space<vmem>>) dst(%dma_wait3A_745 : memref<10240x128xf32, #tpu.memory_space<vmem_shared>>)
      %add3A_746 = arith.constant 2 : i32
      %add3A_747 = arith.addi %add3A_734, %add3A_746 : i32
      %dma_start3A_748 = arith.constant 192 : i32
      %dma_start3A_749 = arith.constant 0 : i32
      %dma_start3A_750 = tpu.memref_slice %arg8[%dma_start3A_748, %dma_start3A_749] : memref<256x128xf32, #tpu.memory_space<vmem>> -> memref<64x128xf32, #tpu.memory_space<vmem>>
      %dma_start3A_751 = arith.constant 0 : i32
      %dma_start3A_752 = tpu.memref_slice %arg6[%add3A_747, %dma_start3A_751] : memref<80x64xi32, #tpu.memory_space<vmem>> -> memref<1x64xi32, #tpu.memory_space<vmem>>
      %dma_start3A_753 = tpu.memref_squeeze %dma_start3A_752 : memref<1x64xi32, #tpu.memory_space<vmem>> -> memref<64xi32, #tpu.memory_space<vmem>>
      %dma_start3A_754 = arith.constant 0 : i32
      %dma_start3A_755 = arith.constant 0 : i32
      %dma_start3A_756 = tpu.memref_slice %arg2[%dma_start3A_754, %dma_start3A_755] : memref<10240x128xf32, #tpu.memory_space<hbm>> -> memref<10240x128xf32, #tpu.memory_space<hbm>>
      tpu.enqueue_indirect_dma source(%dma_start3A_756 : memref<10240x128xf32, #tpu.memory_space<hbm>>) target(%dma_start3A_750 : memref<64x128xf32, #tpu.memory_space<vmem>>) offsets(%dma_start3A_753 : memref<64xi32, #tpu.memory_space<vmem>>) semaphore(%arg13 : memref<!tpu.dma_semaphore, #tpu.memory_space<semaphore_mem>>)
      %dma_wait3A_757 = arith.constant 64 : i32
      %dma_wait3A_758 = arith.constant 0 : i32
      %dma_wait3A_759 = tpu.memref_slice %arg8[%dma_wait3A_757, %dma_wait3A_758] : memref<256x128xf32, #tpu.memory_space<vmem>> -> memref<64x128xf32, #tpu.memory_space<vmem>>
      %dma_wait3A_760 = arith.constant 0 : i32
      %dma_wait3A_761 = tpu.memref_slice %arg6[%add3A_734, %dma_wait3A_760] : memref<80x64xi32, #tpu.memory_space<vmem>> -> memref<1x64xi32, #tpu.memory_space<vmem>>
      %dma_wait3A_762 = tpu.memref_squeeze %dma_wait3A_761 : memref<1x64xi32, #tpu.memory_space<vmem>> -> memref<64xi32, #tpu.memory_space<vmem>>
      %dma_wait3A_763 = arith.constant 0 : i32
      %dma_wait3A_764 = arith.constant 0 : i32
      %dma_wait3A_765 = tpu.memref_slice %arg2[%dma_wait3A_763, %dma_wait3A_764] : memref<10240x128xf32, #tpu.memory_space<hbm>> -> memref<10240x128xf32, #tpu.memory_space<hbm>>
      tpu.wait_indirect_dma semaphore(%arg11 : memref<!tpu.dma_semaphore, #tpu.memory_space<semaphore_mem>>) src(%dma_wait3A_765 : memref<10240x128xf32, #tpu.memory_space<hbm>>) dst(%dma_wait3A_759 : memref<64x128xf32, #tpu.memory_space<vmem>>)
      %dma_start3A_766 = arith.constant 64 : i32
      %dma_start3A_767 = arith.constant 0 : i32
      %dma_start3A_768 = tpu.memref_slice %arg8[%dma_start3A_766, %dma_start3A_767] : memref<256x128xf32, #tpu.memory_space<vmem>> -> memref<64x128xf32, #tpu.memory_space<vmem>>
      %dma_start3A_769 = arith.constant 0 : i32
      %dma_start3A_770 = tpu.memref_slice %arg7[%add3A_734, %dma_start3A_769] : memref<80x64xi32, #tpu.memory_space<vmem>> -> memref<1x64xi32, #tpu.memory_space<vmem>>
      %dma_start3A_771 = tpu.memref_squeeze %dma_start3A_770 : memref<1x64xi32, #tpu.memory_space<vmem>> -> memref<64xi32, #tpu.memory_space<vmem>>
      %dma_start3A_772 = arith.constant 0 : i32
      %dma_start3A_773 = arith.constant 0 : i32
      %dma_start3A_774 = tpu.memref_slice %arg9[%dma_start3A_772, %dma_start3A_773] : memref<10240x128xf32, #tpu.memory_space<vmem_shared>> -> memref<10240x128xf32, #tpu.memory_space<vmem_shared>>
      tpu.enqueue_indirect_dma source(%dma_start3A_768 : memref<64x128xf32, #tpu.memory_space<vmem>>) target(%dma_start3A_774 : memref<10240x128xf32, #tpu.memory_space<vmem_shared>>) offsets(%dma_start3A_771 : memref<64xi32, #tpu.memory_space<vmem>>) semaphore(%arg15 : memref<!tpu.dma_semaphore, #tpu.memory_space<semaphore_mem>>) {add = true}
      %add3A_775 = arith.constant 2 : i32
      %add3A_776 = arith.addi %mul3A_691, %add3A_775 : i32
      %sub3A_777 = arith.constant 2 : i32
      %sub3A_778 = arith.subi %add3A_776, %sub3A_777 : i32
      %dma_wait3A_779 = arith.constant 0 : i32
      %dma_wait3A_780 = arith.constant 0 : i32
      %dma_wait3A_781 = tpu.memref_slice %arg8[%dma_wait3A_779, %dma_wait3A_780] : memref<256x128xf32, #tpu.memory_space<vmem>> -> memref<64x128xf32, #tpu.memory_space<vmem>>
      %dma_wait3A_782 = arith.constant 0 : i32
      %dma_wait3A_783 = tpu.memref_slice %arg7[%sub3A_778, %dma_wait3A_782] : memref<80x64xi32, #tpu.memory_space<vmem>> -> memref<1x64xi32, #tpu.memory_space<vmem>>
      %dma_wait3A_784 = tpu.memref_squeeze %dma_wait3A_783 : memref<1x64xi32, #tpu.memory_space<vmem>> -> memref<64xi32, #tpu.memory_space<vmem>>
      %dma_wait3A_785 = arith.constant 0 : i32
      %dma_wait3A_786 = arith.constant 0 : i32
      %dma_wait3A_787 = tpu.memref_slice %arg9[%dma_wait3A_785, %dma_wait3A_786] : memref<10240x128xf32, #tpu.memory_space<vmem_shared>> -> memref<10240x128xf32, #tpu.memory_space<vmem_shared>>
      tpu.wait_indirect_dma semaphore(%arg14 : memref<!tpu.dma_semaphore, #tpu.memory_space<semaphore_mem>>) src(%dma_wait3A_781 : memref<64x128xf32, #tpu.memory_space<vmem>>) dst(%dma_wait3A_787 : memref<10240x128xf32, #tpu.memory_space<vmem_shared>>)
      %add3A_788 = arith.constant 2 : i32
      %add3A_789 = arith.addi %add3A_776, %add3A_788 : i32
      %dma_start3A_790 = arith.constant 0 : i32
      %dma_start3A_791 = arith.constant 0 : i32
      %dma_start3A_792 = tpu.memref_slice %arg8[%dma_start3A_790, %dma_start3A_791] : memref<256x128xf32, #tpu.memory_space<vmem>> -> memref<64x128xf32, #tpu.memory_space<vmem>>
      %dma_start3A_793 = arith.constant 0 : i32
      %dma_start3A_794 = tpu.memref_slice %arg6[%add3A_789, %dma_start3A_793] : memref<80x64xi32, #tpu.memory_space<vmem>> -> memref<1x64xi32, #tpu.memory_space<vmem>>
      %dma_start3A_795 = tpu.memref_squeeze %dma_start3A_794 : memref<1x64xi32, #tpu.memory_space<vmem>> -> memref<64xi32, #tpu.memory_space<vmem>>
      %dma_start3A_796 = arith.constant 0 : i32
      %dma_start3A_797 = arith.constant 0 : i32
      %dma_start3A_798 = tpu.memref_slice %arg2[%dma_start3A_796, %dma_start3A_797] : memref<10240x128xf32, #tpu.memory_space<hbm>> -> memref<10240x128xf32, #tpu.memory_space<hbm>>
      tpu.enqueue_indirect_dma source(%dma_start3A_798 : memref<10240x128xf32, #tpu.memory_space<hbm>>) target(%dma_start3A_792 : memref<64x128xf32, #tpu.memory_space<vmem>>) offsets(%dma_start3A_795 : memref<64xi32, #tpu.memory_space<vmem>>) semaphore(%arg10 : memref<!tpu.dma_semaphore, #tpu.memory_space<semaphore_mem>>)
      %dma_wait3A_799 = arith.constant 128 : i32
      %dma_wait3A_800 = arith.constant 0 : i32
      %dma_wait3A_801 = tpu.memref_slice %arg8[%dma_wait3A_799, %dma_wait3A_800] : memref<256x128xf32, #tpu.memory_space<vmem>> -> memref<64x128xf32, #tpu.memory_space<vmem>>
      %dma_wait3A_802 = arith.constant 0 : i32
      %dma_wait3A_803 = tpu.memref_slice %arg6[%add3A_776, %dma_wait3A_802] : memref<80x64xi32, #tpu.memory_space<vmem>> -> memref<1x64xi32, #tpu.memory_space<vmem>>
      %dma_wait3A_804 = tpu.memref_squeeze %dma_wait3A_803 : memref<1x64xi32, #tpu.memory_space<vmem>> -> memref<64xi32, #tpu.memory_space<vmem>>
      %dma_wait3A_805 = arith.constant 0 : i32
      %dma_wait3A_806 = arith.constant 0 : i32
      %dma_wait3A_807 = tpu.memref_slice %arg2[%dma_wait3A_805, %dma_wait3A_806] : memref<10240x128xf32, #tpu.memory_space<hbm>> -> memref<10240x128xf32, #tpu.memory_space<hbm>>
      tpu.wait_indirect_dma semaphore(%arg12 : memref<!tpu.dma_semaphore, #tpu.memory_space<semaphore_mem>>) src(%dma_wait3A_807 : memref<10240x128xf32, #tpu.memory_space<hbm>>) dst(%dma_wait3A_801 : memref<64x128xf32, #tpu.memory_space<vmem>>)
      %dma_start3A_808 = arith.constant 128 : i32
      %dma_start3A_809 = arith.constant 0 : i32
      %dma_start3A_810 = tpu.memref_slice %arg8[%dma_start3A_808, %dma_start3A_809] : memref<256x128xf32, #tpu.memory_space<vmem>> -> memref<64x128xf32, #tpu.memory_space<vmem>>
      %dma_start3A_811 = arith.constant 0 : i32
      %dma_start3A_812 = tpu.memref_slice %arg7[%add3A_776, %dma_start3A_811] : memref<80x64xi32, #tpu.memory_space<vmem>> -> memref<1x64xi32, #tpu.memory_space<vmem>>
      %dma_start3A_813 = tpu.memref_squeeze %dma_start3A_812 : memref<1x64xi32, #tpu.memory_space<vmem>> -> memref<64xi32, #tpu.memory_space<vmem>>
      %dma_start3A_814 = arith.constant 0 : i32
      %dma_start3A_815 = arith.constant 0 : i32
      %dma_start3A_816 = tpu.memref_slice %arg9[%dma_start3A_814, %dma_start3A_815] : memref<10240x128xf32, #tpu.memory_space<vmem_shared>> -> memref<10240x128xf32, #tpu.memory_space<vmem_shared>>
      tpu.enqueue_indirect_dma source(%dma_start3A_810 : memref<64x128xf32, #tpu.memory_space<vmem>>) target(%dma_start3A_816 : memref<10240x128xf32, #tpu.memory_space<vmem_shared>>) offsets(%dma_start3A_813 : memref<64xi32, #tpu.memory_space<vmem>>) semaphore(%arg16 : memref<!tpu.dma_semaphore, #tpu.memory_space<semaphore_mem>>) {add = true}
      %add3A_817 = arith.constant 3 : i32
      %add3A_818 = arith.addi %mul3A_691, %add3A_817 : i32
      %sub3A_819 = arith.constant 2 : i32
      %sub3A_820 = arith.subi %add3A_818, %sub3A_819 : i32
      %dma_wait3A_821 = arith.constant 64 : i32
      %dma_wait3A_822 = arith.constant 0 : i32
      %dma_wait3A_823 = tpu.memref_slice %arg8[%dma_wait3A_821, %dma_wait3A_822] : memref<256x128xf32, #tpu.memory_space<vmem>> -> memref<64x128xf32, #tpu.memory_space<vmem>>
      %dma_wait3A_824 = arith.constant 0 : i32
      %dma_wait3A_825 = tpu.memref_slice %arg7[%sub3A_820, %dma_wait3A_824] : memref<80x64xi32, #tpu.memory_space<vmem>> -> memref<1x64xi32, #tpu.memory_space<vmem>>
      %dma_wait3A_826 = tpu.memref_squeeze %dma_wait3A_825 : memref<1x64xi32, #tpu.memory_space<vmem>> -> memref<64xi32, #tpu.memory_space<vmem>>
      %dma_wait3A_827 = arith.constant 0 : i32
      %dma_wait3A_828 = arith.constant 0 : i32
      %dma_wait3A_829 = tpu.memref_slice %arg9[%dma_wait3A_827, %dma_wait3A_828] : memref<10240x128xf32, #tpu.memory_space<vmem_shared>> -> memref<10240x128xf32, #tpu.memory_space<vmem_shared>>
      tpu.wait_indirect_dma semaphore(%arg15 : memref<!tpu.dma_semaphore, #tpu.memory_space<semaphore_mem>>) src(%dma_wait3A_823 : memref<64x128xf32, #tpu.memory_space<vmem>>) dst(%dma_wait3A_829 : memref<10240x128xf32, #tpu.memory_space<vmem_shared>>)
      %add3A_830 = arith.constant 2 : i32
      %add3A_831 = arith.addi %add3A_818, %add3A_830 : i32
      %dma_start3A_832 = arith.constant 64 : i32
      %dma_start3A_833 = arith.constant 0 : i32
      %dma_start3A_834 = tpu.memref_slice %arg8[%dma_start3A_832, %dma_start3A_833] : memref<256x128xf32, #tpu.memory_space<vmem>> -> memref<64x128xf32, #tpu.memory_space<vmem>>
      %dma_start3A_835 = arith.constant 0 : i32
      %dma_start3A_836 = tpu.memref_slice %arg6[%add3A_831, %dma_start3A_835] : memref<80x64xi32, #tpu.memory_space<vmem>> -> memref<1x64xi32, #tpu.memory_space<vmem>>
      %dma_start3A_837 = tpu.memref_squeeze %dma_start3A_836 : memref<1x64xi32, #tpu.memory_space<vmem>> -> memref<64xi32, #tpu.memory_space<vmem>>
      %dma_start3A_838 = arith.constant 0 : i32
      %dma_start3A_839 = arith.constant 0 : i32
      %dma_start3A_840 = tpu.memref_slice %arg2[%dma_start3A_838, %dma_start3A_839] : memref<10240x128xf32, #tpu.memory_space<hbm>> -> memref<10240x128xf32, #tpu.memory_space<hbm>>
      tpu.enqueue_indirect_dma source(%dma_start3A_840 : memref<10240x128xf32, #tpu.memory_space<hbm>>) target(%dma_start3A_834 : memref<64x128xf32, #tpu.memory_space<vmem>>) offsets(%dma_start3A_837 : memref<64xi32, #tpu.memory_space<vmem>>) semaphore(%arg11 : memref<!tpu.dma_semaphore, #tpu.memory_space<semaphore_mem>>)
      %dma_wait3A_841 = arith.constant 192 : i32
      %dma_wait3A_842 = arith.constant 0 : i32
      %dma_wait3A_843 = tpu.memref_slice %arg8[%dma_wait3A_841, %dma_wait3A_842] : memref<256x128xf32, #tpu.memory_space<vmem>> -> memref<64x128xf32, #tpu.memory_space<vmem>>
      %dma_wait3A_844 = arith.constant 0 : i32
      %dma_wait3A_845 = tpu.memref_slice %arg6[%add3A_818, %dma_wait3A_844] : memref<80x64xi32, #tpu.memory_space<vmem>> -> memref<1x64xi32, #tpu.memory_space<vmem>>
      %dma_wait3A_846 = tpu.memref_squeeze %dma_wait3A_845 : memref<1x64xi32, #tpu.memory_space<vmem>> -> memref<64xi32, #tpu.memory_space<vmem>>
      %dma_wait3A_847 = arith.constant 0 : i32
      %dma_wait3A_848 = arith.constant 0 : i32
      %dma_wait3A_849 = tpu.memref_slice %arg2[%dma_wait3A_847, %dma_wait3A_848] : memref<10240x128xf32, #tpu.memory_space<hbm>> -> memref<10240x128xf32, #tpu.memory_space<hbm>>
      tpu.wait_indirect_dma semaphore(%arg13 : memref<!tpu.dma_semaphore, #tpu.memory_space<semaphore_mem>>) src(%dma_wait3A_849 : memref<10240x128xf32, #tpu.memory_space<hbm>>) dst(%dma_wait3A_843 : memref<64x128xf32, #tpu.memory_space<vmem>>)
      %dma_start3A_850 = arith.constant 192 : i32
      %dma_start3A_851 = arith.constant 0 : i32
      %dma_start3A_852 = tpu.memref_slice %arg8[%dma_start3A_850, %dma_start3A_851] : memref<256x128xf32, #tpu.memory_space<vmem>> -> memref<64x128xf32, #tpu.memory_space<vmem>>
      %dma_start3A_853 = arith.constant 0 : i32
      %dma_start3A_854 = tpu.memref_slice %arg7[%add3A_818, %dma_start3A_853] : memref<80x64xi32, #tpu.memory_space<vmem>> -> memref<1x64xi32, #tpu.memory_space<vmem>>
      %dma_start3A_855 = tpu.memref_squeeze %dma_start3A_854 : memref<1x64xi32, #tpu.memory_space<vmem>> -> memref<64xi32, #tpu.memory_space<vmem>>
      %dma_start3A_856 = arith.constant 0 : i32
      %dma_start3A_857 = arith.constant 0 : i32
      %dma_start3A_858 = tpu.memref_slice %arg9[%dma_start3A_856, %dma_start3A_857] : memref<10240x128xf32, #tpu.memory_space<vmem_shared>> -> memref<10240x128xf32, #tpu.memory_space<vmem_shared>>
      tpu.enqueue_indirect_dma source(%dma_start3A_852 : memref<64x128xf32, #tpu.memory_space<vmem>>) target(%dma_start3A_858 : memref<10240x128xf32, #tpu.memory_space<vmem_shared>>) offsets(%dma_start3A_855 : memref<64xi32, #tpu.memory_space<vmem>>) semaphore(%arg17 : memref<!tpu.dma_semaphore, #tpu.memory_space<semaphore_mem>>) {add = true}
    }
    %scan3A_523 = arith.constant 18 : i32
    %dma_wait3A_524 = arith.constant 74 : i32
    %dma_wait3A_525 = arith.constant 128 : i32
    %dma_wait3A_526 = arith.constant 0 : i32
    %dma_wait3A_527 = tpu.memref_slice %arg8[%dma_wait3A_525, %dma_wait3A_526] : memref<256x128xf32, #tpu.memory_space<vmem>> -> memref<64x128xf32, #tpu.memory_space<vmem>>
    %dma_wait3A_528 = arith.constant 0 : i32
    %dma_wait3A_529 = tpu.memref_slice %arg7[%dma_wait3A_524, %dma_wait3A_528] : memref<80x64xi32, #tpu.memory_space<vmem>> -> memref<1x64xi32, #tpu.memory_space<vmem>>
    %dma_wait3A_530 = tpu.memref_squeeze %dma_wait3A_529 : memref<1x64xi32, #tpu.memory_space<vmem>> -> memref<64xi32, #tpu.memory_space<vmem>>
    %dma_wait3A_531 = arith.constant 0 : i32
    %dma_wait3A_532 = arith.constant 0 : i32
    %dma_wait3A_533 = tpu.memref_slice %arg9[%dma_wait3A_531, %dma_wait3A_532] : memref<10240x128xf32, #tpu.memory_space<vmem_shared>> -> memref<10240x128xf32, #tpu.memory_space<vmem_shared>>
    tpu.wait_indirect_dma semaphore(%arg16 : memref<!tpu.dma_semaphore, #tpu.memory_space<semaphore_mem>>) src(%dma_wait3A_527 : memref<64x128xf32, #tpu.memory_space<vmem>>) dst(%dma_wait3A_533 : memref<10240x128xf32, #tpu.memory_space<vmem_shared>>)
    %dma_start3A_534 = arith.constant 78 : i32
    %dma_start3A_535 = arith.constant 128 : i32
    %dma_start3A_536 = arith.constant 0 : i32
    %dma_start3A_537 = tpu.memref_slice %arg8[%dma_start3A_535, %dma_start3A_536] : memref<256x128xf32, #tpu.memory_space<vmem>> -> memref<64x128xf32, #tpu.memory_space<vmem>>
    %dma_start3A_538 = arith.constant 0 : i32
    %dma_start3A_539 = tpu.memref_slice %arg6[%dma_start3A_534, %dma_start3A_538] : memref<80x64xi32, #tpu.memory_space<vmem>> -> memref<1x64xi32, #tpu.memory_space<vmem>>
    %dma_start3A_540 = tpu.memref_squeeze %dma_start3A_539 : memref<1x64xi32, #tpu.memory_space<vmem>> -> memref<64xi32, #tpu.memory_space<vmem>>
    %dma_start3A_541 = arith.constant 0 : i32
    %dma_start3A_542 = arith.constant 0 : i32
    %dma_start3A_543 = tpu.memref_slice %arg2[%dma_start3A_541, %dma_start3A_542] : memref<10240x128xf32, #tpu.memory_space<hbm>> -> memref<10240x128xf32, #tpu.memory_space<hbm>>
    tpu.enqueue_indirect_dma source(%dma_start3A_543 : memref<10240x128xf32, #tpu.memory_space<hbm>>) target(%dma_start3A_537 : memref<64x128xf32, #tpu.memory_space<vmem>>) offsets(%dma_start3A_540 : memref<64xi32, #tpu.memory_space<vmem>>) semaphore(%arg12 : memref<!tpu.dma_semaphore, #tpu.memory_space<semaphore_mem>>)
    %dma_wait3A_544 = arith.constant 76 : i32
    %dma_wait3A_545 = arith.constant 0 : i32
    %dma_wait3A_546 = arith.constant 0 : i32
    %dma_wait3A_547 = tpu.memref_slice %arg8[%dma_wait3A_545, %dma_wait3A_546] : memref<256x128xf32, #tpu.memory_space<vmem>> -> memref<64x128xf32, #tpu.memory_space<vmem>>
    %dma_wait3A_548 = arith.constant 0 : i32
    %dma_wait3A_549 = tpu.memref_slice %arg6[%dma_wait3A_544, %dma_wait3A_548] : memref<80x64xi32, #tpu.memory_space<vmem>> -> memref<1x64xi32, #tpu.memory_space<vmem>>
    %dma_wait3A_550 = tpu.memref_squeeze %dma_wait3A_549 : memref<1x64xi32, #tpu.memory_space<vmem>> -> memref<64xi32, #tpu.memory_space<vmem>>
    %dma_wait3A_551 = arith.constant 0 : i32
    %dma_wait3A_552 = arith.constant 0 : i32
    %dma_wait3A_553 = tpu.memref_slice %arg2[%dma_wait3A_551, %dma_wait3A_552] : memref<10240x128xf32, #tpu.memory_space<hbm>> -> memref<10240x128xf32, #tpu.memory_space<hbm>>
    tpu.wait_indirect_dma semaphore(%arg10 : memref<!tpu.dma_semaphore, #tpu.memory_space<semaphore_mem>>) src(%dma_wait3A_553 : memref<10240x128xf32, #tpu.memory_space<hbm>>) dst(%dma_wait3A_547 : memref<64x128xf32, #tpu.memory_space<vmem>>)
    %dma_start3A_554 = arith.constant 76 : i32
    %dma_start3A_555 = arith.constant 0 : i32
    %dma_start3A_556 = arith.constant 0 : i32
    %dma_start3A_557 = tpu.memref_slice %arg8[%dma_start3A_555, %dma_start3A_556] : memref<256x128xf32, #tpu.memory_space<vmem>> -> memref<64x128xf32, #tpu.memory_space<vmem>>
    %dma_start3A_558 = arith.constant 0 : i32
    %dma_start3A_559 = tpu.memref_slice %arg7[%dma_start3A_554, %dma_start3A_558] : memref<80x64xi32, #tpu.memory_space<vmem>> -> memref<1x64xi32, #tpu.memory_space<vmem>>
    %dma_start3A_560 = tpu.memref_squeeze %dma_start3A_559 : memref<1x64xi32, #tpu.memory_space<vmem>> -> memref<64xi32, #tpu.memory_space<vmem>>
    %dma_start3A_561 = arith.constant 0 : i32
    %dma_start3A_562 = arith.constant 0 : i32
    %dma_start3A_563 = tpu.memref_slice %arg9[%dma_start3A_561, %dma_start3A_562] : memref<10240x128xf32, #tpu.memory_space<vmem_shared>> -> memref<10240x128xf32, #tpu.memory_space<vmem_shared>>
    tpu.enqueue_indirect_dma source(%dma_start3A_557 : memref<64x128xf32, #tpu.memory_space<vmem>>) target(%dma_start3A_563 : memref<10240x128xf32, #tpu.memory_space<vmem_shared>>) offsets(%dma_start3A_560 : memref<64xi32, #tpu.memory_space<vmem>>) semaphore(%arg14 : memref<!tpu.dma_semaphore, #tpu.memory_space<semaphore_mem>>) {add = true}
    %dma_wait3A_564 = arith.constant 75 : i32
    %dma_wait3A_565 = arith.constant 192 : i32
    %dma_wait3A_566 = arith.constant 0 : i32
    %dma_wait3A_567 = tpu.memref_slice %arg8[%dma_wait3A_565, %dma_wait3A_566] : memref<256x128xf32, #tpu.memory_space<vmem>> -> memref<64x128xf32, #tpu.memory_space<vmem>>
    %dma_wait3A_568 = arith.constant 0 : i32
    %dma_wait3A_569 = tpu.memref_slice %arg7[%dma_wait3A_564, %dma_wait3A_568] : memref<80x64xi32, #tpu.memory_space<vmem>> -> memref<1x64xi32, #tpu.memory_space<vmem>>
    %dma_wait3A_570 = tpu.memref_squeeze %dma_wait3A_569 : memref<1x64xi32, #tpu.memory_space<vmem>> -> memref<64xi32, #tpu.memory_space<vmem>>
    %dma_wait3A_571 = arith.constant 0 : i32
    %dma_wait3A_572 = arith.constant 0 : i32
    %dma_wait3A_573 = tpu.memref_slice %arg9[%dma_wait3A_571, %dma_wait3A_572] : memref<10240x128xf32, #tpu.memory_space<vmem_shared>> -> memref<10240x128xf32, #tpu.memory_space<vmem_shared>>
    tpu.wait_indirect_dma semaphore(%arg17 : memref<!tpu.dma_semaphore, #tpu.memory_space<semaphore_mem>>) src(%dma_wait3A_567 : memref<64x128xf32, #tpu.memory_space<vmem>>) dst(%dma_wait3A_573 : memref<10240x128xf32, #tpu.memory_space<vmem_shared>>)
    %dma_start3A_574 = arith.constant 79 : i32
    %dma_start3A_575 = arith.constant 192 : i32
    %dma_start3A_576 = arith.constant 0 : i32
    %dma_start3A_577 = tpu.memref_slice %arg8[%dma_start3A_575, %dma_start3A_576] : memref<256x128xf32, #tpu.memory_space<vmem>> -> memref<64x128xf32, #tpu.memory_space<vmem>>
    %dma_start3A_578 = arith.constant 0 : i32
    %dma_start3A_579 = tpu.memref_slice %arg6[%dma_start3A_574, %dma_start3A_578] : memref<80x64xi32, #tpu.memory_space<vmem>> -> memref<1x64xi32, #tpu.memory_space<vmem>>
    %dma_start3A_580 = tpu.memref_squeeze %dma_start3A_579 : memref<1x64xi32, #tpu.memory_space<vmem>> -> memref<64xi32, #tpu.memory_space<vmem>>
    %dma_start3A_581 = arith.constant 0 : i32
    %dma_start3A_582 = arith.constant 0 : i32
    %dma_start3A_583 = tpu.memref_slice %arg2[%dma_start3A_581, %dma_start3A_582] : memref<10240x128xf32, #tpu.memory_space<hbm>> -> memref<10240x128xf32, #tpu.memory_space<hbm>>
    tpu.enqueue_indirect_dma source(%dma_start3A_583 : memref<10240x128xf32, #tpu.memory_space<hbm>>) target(%dma_start3A_577 : memref<64x128xf32, #tpu.memory_space<vmem>>) offsets(%dma_start3A_580 : memref<64xi32, #tpu.memory_space<vmem>>) semaphore(%arg13 : memref<!tpu.dma_semaphore, #tpu.memory_space<semaphore_mem>>)
    %dma_wait3A_584 = arith.constant 77 : i32
    %dma_wait3A_585 = arith.constant 64 : i32
    %dma_wait3A_586 = arith.constant 0 : i32
    %dma_wait3A_587 = tpu.memref_slice %arg8[%dma_wait3A_585, %dma_wait3A_586] : memref<256x128xf32, #tpu.memory_space<vmem>> -> memref<64x128xf32, #tpu.memory_space<vmem>>
    %dma_wait3A_588 = arith.constant 0 : i32
    %dma_wait3A_589 = tpu.memref_slice %arg6[%dma_wait3A_584, %dma_wait3A_588] : memref<80x64xi32, #tpu.memory_space<vmem>> -> memref<1x64xi32, #tpu.memory_space<vmem>>
    %dma_wait3A_590 = tpu.memref_squeeze %dma_wait3A_589 : memref<1x64xi32, #tpu.memory_space<vmem>> -> memref<64xi32, #tpu.memory_space<vmem>>
    %dma_wait3A_591 = arith.constant 0 : i32
    %dma_wait3A_592 = arith.constant 0 : i32
    %dma_wait3A_593 = tpu.memref_slice %arg2[%dma_wait3A_591, %dma_wait3A_592] : memref<10240x128xf32, #tpu.memory_space<hbm>> -> memref<10240x128xf32, #tpu.memory_space<hbm>>
    tpu.wait_indirect_dma semaphore(%arg11 : memref<!tpu.dma_semaphore, #tpu.memory_space<semaphore_mem>>) src(%dma_wait3A_593 : memref<10240x128xf32, #tpu.memory_space<hbm>>) dst(%dma_wait3A_587 : memref<64x128xf32, #tpu.memory_space<vmem>>)
    %dma_start3A_594 = arith.constant 77 : i32
    %dma_start3A_595 = arith.constant 64 : i32
    %dma_start3A_596 = arith.constant 0 : i32
    %dma_start3A_597 = tpu.memref_slice %arg8[%dma_start3A_595, %dma_start3A_596] : memref<256x128xf32, #tpu.memory_space<vmem>> -> memref<64x128xf32, #tpu.memory_space<vmem>>
    %dma_start3A_598 = arith.constant 0 : i32
    %dma_start3A_599 = tpu.memref_slice %arg7[%dma_start3A_594, %dma_start3A_598] : memref<80x64xi32, #tpu.memory_space<vmem>> -> memref<1x64xi32, #tpu.memory_space<vmem>>
    %dma_start3A_600 = tpu.memref_squeeze %dma_start3A_599 : memref<1x64xi32, #tpu.memory_space<vmem>> -> memref<64xi32, #tpu.memory_space<vmem>>
    %dma_start3A_601 = arith.constant 0 : i32
    %dma_start3A_602 = arith.constant 0 : i32
    %dma_start3A_603 = tpu.memref_slice %arg9[%dma_start3A_601, %dma_start3A_602] : memref<10240x128xf32, #tpu.memory_space<vmem_shared>> -> memref<10240x128xf32, #tpu.memory_space<vmem_shared>>
    tpu.enqueue_indirect_dma source(%dma_start3A_597 : memref<64x128xf32, #tpu.memory_space<vmem>>) target(%dma_start3A_603 : memref<10240x128xf32, #tpu.memory_space<vmem_shared>>) offsets(%dma_start3A_600 : memref<64xi32, #tpu.memory_space<vmem>>) semaphore(%arg15 : memref<!tpu.dma_semaphore, #tpu.memory_space<semaphore_mem>>) {add = true}
    %dma_wait3A_604 = arith.constant 76 : i32
    %dma_wait3A_605 = arith.constant 0 : i32
    %dma_wait3A_606 = arith.constant 0 : i32
    %dma_wait3A_607 = tpu.memref_slice %arg8[%dma_wait3A_605, %dma_wait3A_606] : memref<256x128xf32, #tpu.memory_space<vmem>> -> memref<64x128xf32, #tpu.memory_space<vmem>>
    %dma_wait3A_608 = arith.constant 0 : i32
    %dma_wait3A_609 = tpu.memref_slice %arg7[%dma_wait3A_604, %dma_wait3A_608] : memref<80x64xi32, #tpu.memory_space<vmem>> -> memref<1x64xi32, #tpu.memory_space<vmem>>
    %dma_wait3A_610 = tpu.memref_squeeze %dma_wait3A_609 : memref<1x64xi32, #tpu.memory_space<vmem>> -> memref<64xi32, #tpu.memory_space<vmem>>
    %dma_wait3A_611 = arith.constant 0 : i32
    %dma_wait3A_612 = arith.constant 0 : i32
    %dma_wait3A_613 = tpu.memref_slice %arg9[%dma_wait3A_611, %dma_wait3A_612] : memref<10240x128xf32, #tpu.memory_space<vmem_shared>> -> memref<10240x128xf32, #tpu.memory_space<vmem_shared>>
    tpu.wait_indirect_dma semaphore(%arg14 : memref<!tpu.dma_semaphore, #tpu.memory_space<semaphore_mem>>) src(%dma_wait3A_607 : memref<64x128xf32, #tpu.memory_space<vmem>>) dst(%dma_wait3A_613 : memref<10240x128xf32, #tpu.memory_space<vmem_shared>>)
    %dma_wait3A_614 = arith.constant 78 : i32
    %dma_wait3A_615 = arith.constant 128 : i32
    %dma_wait3A_616 = arith.constant 0 : i32
    %dma_wait3A_617 = tpu.memref_slice %arg8[%dma_wait3A_615, %dma_wait3A_616] : memref<256x128xf32, #tpu.memory_space<vmem>> -> memref<64x128xf32, #tpu.memory_space<vmem>>
    %dma_wait3A_618 = arith.constant 0 : i32
    %dma_wait3A_619 = tpu.memref_slice %arg6[%dma_wait3A_614, %dma_wait3A_618] : memref<80x64xi32, #tpu.memory_space<vmem>> -> memref<1x64xi32, #tpu.memory_space<vmem>>
    %dma_wait3A_620 = tpu.memref_squeeze %dma_wait3A_619 : memref<1x64xi32, #tpu.memory_space<vmem>> -> memref<64xi32, #tpu.memory_space<vmem>>
    %dma_wait3A_621 = arith.constant 0 : i32
    %dma_wait3A_622 = arith.constant 0 : i32
    %dma_wait3A_623 = tpu.memref_slice %arg2[%dma_wait3A_621, %dma_wait3A_622] : memref<10240x128xf32, #tpu.memory_space<hbm>> -> memref<10240x128xf32, #tpu.memory_space<hbm>>
    tpu.wait_indirect_dma semaphore(%arg12 : memref<!tpu.dma_semaphore, #tpu.memory_space<semaphore_mem>>) src(%dma_wait3A_623 : memref<10240x128xf32, #tpu.memory_space<hbm>>) dst(%dma_wait3A_617 : memref<64x128xf32, #tpu.memory_space<vmem>>)
    %dma_start3A_624 = arith.constant 78 : i32
    %dma_start3A_625 = arith.constant 128 : i32
    %dma_start3A_626 = arith.constant 0 : i32
    %dma_start3A_627 = tpu.memref_slice %arg8[%dma_start3A_625, %dma_start3A_626] : memref<256x128xf32, #tpu.memory_space<vmem>> -> memref<64x128xf32, #tpu.memory_space<vmem>>
    %dma_start3A_628 = arith.constant 0 : i32
    %dma_start3A_629 = tpu.memref_slice %arg7[%dma_start3A_624, %dma_start3A_628] : memref<80x64xi32, #tpu.memory_space<vmem>> -> memref<1x64xi32, #tpu.memory_space<vmem>>
    %dma_start3A_630 = tpu.memref_squeeze %dma_start3A_629 : memref<1x64xi32, #tpu.memory_space<vmem>> -> memref<64xi32, #tpu.memory_space<vmem>>
    %dma_start3A_631 = arith.constant 0 : i32
    %dma_start3A_632 = arith.constant 0 : i32
    %dma_start3A_633 = tpu.memref_slice %arg9[%dma_start3A_631, %dma_start3A_632] : memref<10240x128xf32, #tpu.memory_space<vmem_shared>> -> memref<10240x128xf32, #tpu.memory_space<vmem_shared>>
    tpu.enqueue_indirect_dma source(%dma_start3A_627 : memref<64x128xf32, #tpu.memory_space<vmem>>) target(%dma_start3A_633 : memref<10240x128xf32, #tpu.memory_space<vmem_shared>>) offsets(%dma_start3A_630 : memref<64xi32, #tpu.memory_space<vmem>>) semaphore(%arg16 : memref<!tpu.dma_semaphore, #tpu.memory_space<semaphore_mem>>) {add = true}
    %dma_wait3A_634 = arith.constant 77 : i32
    %dma_wait3A_635 = arith.constant 64 : i32
    %dma_wait3A_636 = arith.constant 0 : i32
    %dma_wait3A_637 = tpu.memref_slice %arg8[%dma_wait3A_635, %dma_wait3A_636] : memref<256x128xf32, #tpu.memory_space<vmem>> -> memref<64x128xf32, #tpu.memory_space<vmem>>
    %dma_wait3A_638 = arith.constant 0 : i32
    %dma_wait3A_639 = tpu.memref_slice %arg7[%dma_wait3A_634, %dma_wait3A_638] : memref<80x64xi32, #tpu.memory_space<vmem>> -> memref<1x64xi32, #tpu.memory_space<vmem>>
    %dma_wait3A_640 = tpu.memref_squeeze %dma_wait3A_639 : memref<1x64xi32, #tpu.memory_space<vmem>> -> memref<64xi32, #tpu.memory_space<vmem>>
    %dma_wait3A_641 = arith.constant 0 : i32
    %dma_wait3A_642 = arith.constant 0 : i32
    %dma_wait3A_643 = tpu.memref_slice %arg9[%dma_wait3A_641, %dma_wait3A_642] : memref<10240x128xf32, #tpu.memory_space<vmem_shared>> -> memref<10240x128xf32, #tpu.memory_space<vmem_shared>>
    tpu.wait_indirect_dma semaphore(%arg15 : memref<!tpu.dma_semaphore, #tpu.memory_space<semaphore_mem>>) src(%dma_wait3A_637 : memref<64x128xf32, #tpu.memory_space<vmem>>) dst(%dma_wait3A_643 : memref<10240x128xf32, #tpu.memory_space<vmem_shared>>)
    %dma_wait3A_644 = arith.constant 79 : i32
    %dma_wait3A_645 = arith.constant 192 : i32
    %dma_wait3A_646 = arith.constant 0 : i32
    %dma_wait3A_647 = tpu.memref_slice %arg8[%dma_wait3A_645, %dma_wait3A_646] : memref<256x128xf32, #tpu.memory_space<vmem>> -> memref<64x128xf32, #tpu.memory_space<vmem>>
    %dma_wait3A_648 = arith.constant 0 : i32
    %dma_wait3A_649 = tpu.memref_slice %arg6[%dma_wait3A_644, %dma_wait3A_648] : memref<80x64xi32, #tpu.memory_space<vmem>> -> memref<1x64xi32, #tpu.memory_space<vmem>>
    %dma_wait3A_650 = tpu.memref_squeeze %dma_wait3A_649 : memref<1x64xi32, #tpu.memory_space<vmem>> -> memref<64xi32, #tpu.memory_space<vmem>>
    %dma_wait3A_651 = arith.constant 0 : i32
    %dma_wait3A_652 = arith.constant 0 : i32
    %dma_wait3A_653 = tpu.memref_slice %arg2[%dma_wait3A_651, %dma_wait3A_652] : memref<10240x128xf32, #tpu.memory_space<hbm>> -> memref<10240x128xf32, #tpu.memory_space<hbm>>
    tpu.wait_indirect_dma semaphore(%arg13 : memref<!tpu.dma_semaphore, #tpu.memory_space<semaphore_mem>>) src(%dma_wait3A_653 : memref<10240x128xf32, #tpu.memory_space<hbm>>) dst(%dma_wait3A_647 : memref<64x128xf32, #tpu.memory_space<vmem>>)
    %dma_start3A_654 = arith.constant 79 : i32
    %dma_start3A_655 = arith.constant 192 : i32
    %dma_start3A_656 = arith.constant 0 : i32
    %dma_start3A_657 = tpu.memref_slice %arg8[%dma_start3A_655, %dma_start3A_656] : memref<256x128xf32, #tpu.memory_space<vmem>> -> memref<64x128xf32, #tpu.memory_space<vmem>>
    %dma_start3A_658 = arith.constant 0 : i32
    %dma_start3A_659 = tpu.memref_slice %arg7[%dma_start3A_654, %dma_start3A_658] : memref<80x64xi32, #tpu.memory_space<vmem>> -> memref<1x64xi32, #tpu.memory_space<vmem>>
    %dma_start3A_660 = tpu.memref_squeeze %dma_start3A_659 : memref<1x64xi32, #tpu.memory_space<vmem>> -> memref<64xi32, #tpu.memory_space<vmem>>
    %dma_start3A_661 = arith.constant 0 : i32
    %dma_start3A_662 = arith.constant 0 : i32
    %dma_start3A_663 = tpu.memref_slice %arg9[%dma_start3A_661, %dma_start3A_662] : memref<10240x128xf32, #tpu.memory_space<vmem_shared>> -> memref<10240x128xf32, #tpu.memory_space<vmem_shared>>
    tpu.enqueue_indirect_dma source(%dma_start3A_657 : memref<64x128xf32, #tpu.memory_space<vmem>>) target(%dma_start3A_663 : memref<10240x128xf32, #tpu.memory_space<vmem_shared>>) offsets(%dma_start3A_660 : memref<64xi32, #tpu.memory_space<vmem>>) semaphore(%arg17 : memref<!tpu.dma_semaphore, #tpu.memory_space<semaphore_mem>>) {add = true}
    %dma_wait3A_664 = arith.constant 78 : i32
    %dma_wait3A_665 = arith.constant 128 : i32
    %dma_wait3A_666 = arith.constant 0 : i32
    %dma_wait3A_667 = tpu.memref_slice %arg8[%dma_wait3A_665, %dma_wait3A_666] : memref<256x128xf32, #tpu.memory_space<vmem>> -> memref<64x128xf32, #tpu.memory_space<vmem>>
    %dma_wait3A_668 = arith.constant 0 : i32
    %dma_wait3A_669 = tpu.memref_slice %arg7[%dma_wait3A_664, %dma_wait3A_668] : memref<80x64xi32, #tpu.memory_space<vmem>> -> memref<1x64xi32, #tpu.memory_space<vmem>>
    %dma_wait3A_670 = tpu.memref_squeeze %dma_wait3A_669 : memref<1x64xi32, #tpu.memory_space<vmem>> -> memref<64xi32, #tpu.memory_space<vmem>>
    %dma_wait3A_671 = arith.constant 0 : i32
    %dma_wait3A_672 = arith.constant 0 : i32
    %dma_wait3A_673 = tpu.memref_slice %arg9[%dma_wait3A_671, %dma_wait3A_672] : memref<10240x128xf32, #tpu.memory_space<vmem_shared>> -> memref<10240x128xf32, #tpu.memory_space<vmem_shared>>
    tpu.wait_indirect_dma semaphore(%arg16 : memref<!tpu.dma_semaphore, #tpu.memory_space<semaphore_mem>>) src(%dma_wait3A_667 : memref<64x128xf32, #tpu.memory_space<vmem>>) dst(%dma_wait3A_673 : memref<10240x128xf32, #tpu.memory_space<vmem_shared>>)
    %dma_wait3A_674 = arith.constant 79 : i32
    %dma_wait3A_675 = arith.constant 192 : i32
    %dma_wait3A_676 = arith.constant 0 : i32
    %dma_wait3A_677 = tpu.memref_slice %arg8[%dma_wait3A_675, %dma_wait3A_676] : memref<256x128xf32, #tpu.memory_space<vmem>> -> memref<64x128xf32, #tpu.memory_space<vmem>>
    %dma_wait3A_678 = arith.constant 0 : i32
    %dma_wait3A_679 = tpu.memref_slice %arg7[%dma_wait3A_674, %dma_wait3A_678] : memref<80x64xi32, #tpu.memory_space<vmem>> -> memref<1x64xi32, #tpu.memory_space<vmem>>
    %dma_wait3A_680 = tpu.memref_squeeze %dma_wait3A_679 : memref<1x64xi32, #tpu.memory_space<vmem>> -> memref<64xi32, #tpu.memory_space<vmem>>
    %dma_wait3A_681 = arith.constant 0 : i32
    %dma_wait3A_682 = arith.constant 0 : i32
    %dma_wait3A_683 = tpu.memref_slice %arg9[%dma_wait3A_681, %dma_wait3A_682] : memref<10240x128xf32, #tpu.memory_space<vmem_shared>> -> memref<10240x128xf32, #tpu.memory_space<vmem_shared>>
    tpu.wait_indirect_dma semaphore(%arg17 : memref<!tpu.dma_semaphore, #tpu.memory_space<semaphore_mem>>) src(%dma_wait3A_677 : memref<64x128xf32, #tpu.memory_space<vmem>>) dst(%dma_wait3A_683 : memref<10240x128xf32, #tpu.memory_space<vmem_shared>>)
    %barrier3A_684 = arith.constant 0 : index
    tpu.barrier barrier_id(%barrier3A_684)
    "tpu.region"() ({
      %run_scoped3A = tpu.sem_alloc : memref<!tpu.dma_semaphore, #tpu.memory_space<semaphore_mem>>
      %dma_start3A_685 = arith.constant 0 : i32
      %dma_start3A_686 = tpu.memref_slice %arg5[%arg0, %mul3A_7, %dma_start3A_685] : memref<2x10240x128xf32, #tpu.memory_space<hbm>> -> memref<1x640x128xf32, #tpu.memory_space<hbm>>
      %dma_start3A_687 = tpu.memref_squeeze %dma_start3A_686 : memref<1x640x128xf32, #tpu.memory_space<hbm>> -> memref<640x128xf32, #tpu.memory_space<hbm>>
      %dma_start3A_688 = arith.constant 0 : i32
      %dma_start3A_689 = tpu.memref_slice %arg9[%mul3A_7, %dma_start3A_688] : memref<10240x128xf32, #tpu.memory_space<vmem_shared>> -> memref<640x128xf32, #tpu.memory_space<vmem_shared>>
      tpu.enqueue_dma source(%dma_start3A_689 : memref<640x128xf32, #tpu.memory_space<vmem_shared>>) target(%dma_start3A_687 : memref<640x128xf32, #tpu.memory_space<hbm>>) target_semaphore(%run_scoped3A : memref<!tpu.dma_semaphore, #tpu.memory_space<semaphore_mem>>)
      %dma_wait3A_690 = arith.constant 0 : i32
      %dma_wait3A_691 = tpu.memref_slice %arg5[%arg0, %mul3A_7, %dma_wait3A_690] : memref<2x10240x128xf32, #tpu.memory_space<hbm>> -> memref<1x640x128xf32, #tpu.memory_space<hbm>>
      %dma_wait3A_692 = tpu.memref_squeeze %dma_wait3A_691 : memref<1x640x128xf32, #tpu.memory_space<hbm>> -> memref<640x128xf32, #tpu.memory_space<hbm>>
      %dma_wait3A_693 = arith.constant 0 : i32
      %dma_wait3A_694 = tpu.memref_slice %arg9[%mul3A_7, %dma_wait3A_693] : memref<10240x128xf32, #tpu.memory_space<vmem_shared>> -> memref<640x128xf32, #tpu.memory_space<vmem_shared>>
      tpu.wait_dma2 semaphore(%run_scoped3A : memref<!tpu.dma_semaphore, #tpu.memory_space<semaphore_mem>>) src(%dma_wait3A_694 : memref<640x128xf32, #tpu.memory_space<vmem_shared>>) dst(%dma_wait3A_692 : memref<640x128xf32, #tpu.memory_space<hbm>>)
      tpu.yield
    }) : () -> ()
    return
  }
}

module attributes {stable_mosaic.version = 14 : i64} {
  func.func @_prep1_body(%arg0: i32, %arg1: memref<32x2048xf32, #tpu.memory_space<vmem>>, %arg2: memref<32x2048xf32, #tpu.memory_space<vmem>>, %arg3: memref<2048x128xf32, #tpu.memory_space<vmem>>, %arg4: memref<128x128xf32, #tpu.memory_space<vmem>>, %arg5: memref<2048x128xf32, #tpu.memory_space<vmem>>, %arg6: memref<2048x1xf32, #tpu.memory_space<vmem>>, %arg7: memref<2048x1xf32, #tpu.memory_space<vmem>>) attributes {dimension_semantics = [#tpu.dimension_semantics<arbitrary>], iteration_bounds = array<i64: 5>, scalar_prefetch = 0 : i64, scratch_operands = 0 : i64, tpu.core_type = #tpu.core_type<tc>, window_params = [{transform_indices = @transform_0, window_bounds = array<i64: 32, 2048>}, {transform_indices = @transform_1, window_bounds = array<i64: 32, 2048>}, {transform_indices = @transform_2, window_bounds = array<i64: 2048, 128>}, {pipeline_mode = #tpu.pipeline_mode<synchronous>, transform_indices = @transform_3, window_bounds = array<i64: 128, 128>}, {transform_indices = @transform_4, window_bounds = array<i64: 2048, 128>}, {transform_indices = @transform_5, window_bounds = array<i64: 2048, 1>}, {transform_indices = @transform_6, window_bounds = array<i64: 2048, 1>}]} {
    %get3A = arith.constant 0 : index
    %get3A_0 = arith.constant 0 : index
    %get3A_1 = vector.load %arg1[%get3A, %get3A_0] : memref<32x2048xf32, #tpu.memory_space<vmem>>, vector<32x2048xf32>
    %reduce_sum3A = arith.constant dense<0.000000e+00> : vector<2048xf32>
    %reduce_sum3A_2 = vector.multi_reduction <add>, %get3A_1, %reduce_sum3A [0] : vector<32x2048xf32> to vector<2048xf32>
    %get3A_3 = arith.constant 0 : index
    %get3A_4 = arith.constant 0 : index
    %get3A_5 = vector.load %arg2[%get3A_3, %get3A_4] : memref<32x2048xf32, #tpu.memory_space<vmem>>, vector<32x2048xf32>
    %reduce_sum3A_6 = arith.constant dense<0.000000e+00> : vector<2048xf32>
    %reduce_sum3A_7 = vector.multi_reduction <add>, %get3A_5, %reduce_sum3A_6 [0] : vector<32x2048xf32> to vector<2048xf32>
    %max3A = arith.constant 1.000000e+00 : f32
    %max3A_8 = vector.broadcast %max3A : f32 to vector<2048xf32>
    %max3A_9 = arith.maximumf %reduce_sum3A_2, %max3A_8 : vector<2048xf32>
    %rsqrt3A = math.rsqrt %max3A_9 : vector<2048xf32>
    %max3A_10 = arith.constant 1.000000e+00 : f32
    %max3A_11 = vector.broadcast %max3A_10 : f32 to vector<2048xf32>
    %max3A_12 = arith.maximumf %reduce_sum3A_7, %max3A_11 : vector<2048xf32>
    %rsqrt3A_13 = math.rsqrt %max3A_12 : vector<2048xf32>
    %get3A_14 = arith.constant 0 : index
    %get3A_15 = arith.constant 0 : index
    %get3A_16 = vector.load %arg3[%get3A_14, %get3A_15] : memref<2048x128xf32, #tpu.memory_space<vmem>>, vector<2048x128xf32>
    %get3A_17 = arith.constant 0 : index
    %get3A_18 = arith.constant 0 : index
    %get3A_19 = vector.load %arg4[%get3A_17, %get3A_18] : memref<128x128xf32, #tpu.memory_space<vmem>>, vector<128x128xf32>
    %dot_general3A = arith.constant dense<0.000000e+00> : vector<2048x128xf32>
    %dot_general3A_20 = tpu.matmul %get3A_16, %get3A_19, %dot_general3A {dimension_numbers = #tpu.dot_dimension_numbers<[1], [0], [0], [1], [0, 0, 1, 1], [], []>, transpose_lhs_hint = false} : vector<2048x128xf32>, vector<128x128xf32>, vector<2048x128xf32> -> vector<2048x128xf32>
    %broadcast_in_dim3A = vector.shape_cast %rsqrt3A : vector<2048xf32> to vector<2048x1xf32>
    %mul3A = vector.broadcast %broadcast_in_dim3A : vector<2048x1xf32> to vector<2048x128xf32>
    %mul3A_21 = arith.mulf %dot_general3A_20, %mul3A : vector<2048x128xf32>
    %swap3A = arith.constant 0 : index
    %swap3A_22 = arith.constant 0 : index
    %swap3A_23 = vector.load %arg5[%swap3A, %swap3A_22] : memref<2048x128xf32, #tpu.memory_space<vmem>>, vector<2048x128xf32>
    tpu.vector_store %arg5[%swap3A, %swap3A_22], %mul3A_21 {strides = array<i32>} : memref<2048x128xf32, #tpu.memory_space<vmem>>, vector<2048x128xf32>,
    %broadcast_in_dim3A_24 = vector.shape_cast %rsqrt3A_13 : vector<2048xf32> to vector<2048x1xf32>
    %swap3A_25 = arith.constant 0 : index
    %swap3A_26 = arith.constant 0 : index
    %swap3A_27 = vector.load %arg6[%swap3A_25, %swap3A_26] : memref<2048x1xf32, #tpu.memory_space<vmem>>, vector<2048x1xf32>
    tpu.vector_store %arg6[%swap3A_25, %swap3A_26], %broadcast_in_dim3A_24 {strides = array<i32>} : memref<2048x1xf32, #tpu.memory_space<vmem>>, vector<2048x1xf32>,
    %broadcast_in_dim3A_28 = vector.shape_cast %rsqrt3A : vector<2048xf32> to vector<2048x1xf32>
    %swap3A_29 = arith.constant 0 : index
    %swap3A_30 = arith.constant 0 : index
    %swap3A_31 = vector.load %arg7[%swap3A_29, %swap3A_30] : memref<2048x1xf32, #tpu.memory_space<vmem>>, vector<2048x1xf32>
    tpu.vector_store %arg7[%swap3A_29, %swap3A_30], %broadcast_in_dim3A_28 {strides = array<i32>} : memref<2048x1xf32, #tpu.memory_space<vmem>>, vector<2048x1xf32>,
    return
  }
  func.func @transform_0(%arg0: i32) -> (i32, i32) {
    %c0_i32 = arith.constant 0 : i32
    %c0_i32_0 = arith.constant 0 : i32
    return %c0_i32, %arg0 : i32, i32
  }
  func.func @transform_1(%arg0: i32) -> (i32, i32) {
    %c0_i32 = arith.constant 0 : i32
    %c0_i32_0 = arith.constant 0 : i32
    return %c0_i32, %arg0 : i32, i32
  }
  func.func @transform_2(%arg0: i32) -> (i32, i32) {
    %c0_i32 = arith.constant 0 : i32
    %c0_i32_0 = arith.constant 0 : i32
    return %arg0, %c0_i32 : i32, i32
  }
  func.func @transform_3(%arg0: i32) -> (i32, i32) {
    %c0_i32 = arith.constant 0 : i32
    %c0_i32_0 = arith.constant 0 : i32
    %c0_i32_1 = arith.constant 0 : i32
    return %c0_i32, %c0_i32_0 : i32, i32
  }
  func.func @transform_4(%arg0: i32) -> (i32, i32) {
    %c0_i32 = arith.constant 0 : i32
    %c0_i32_0 = arith.constant 0 : i32
    return %arg0, %c0_i32 : i32, i32
  }
  func.func @transform_5(%arg0: i32) -> (i32, i32) {
    %c0_i32 = arith.constant 0 : i32
    %c0_i32_0 = arith.constant 0 : i32
    return %arg0, %c0_i32 : i32, i32
  }
  func.func @transform_6(%arg0: i32) -> (i32, i32) {
    %c0_i32 = arith.constant 0 : i32
    %c0_i32_0 = arith.constant 0 : i32
    return %arg0, %c0_i32 : i32, i32
  }
}

module attributes {stable_mosaic.version = 14 : i64} {
  func.func @_mid_body(%arg0: i32, %arg1: memref<2x2048x128xf32, #tpu.memory_space<vmem>>, %arg2: memref<2048x1xf32, #tpu.memory_space<vmem>>, %arg3: memref<2048x1xf32, #tpu.memory_space<vmem>>, %arg4: memref<128x64xf32, #tpu.memory_space<vmem>>, %arg5: memref<2048x64xf32, #tpu.memory_space<vmem>>) attributes {dimension_semantics = [#tpu.dimension_semantics<arbitrary>], iteration_bounds = array<i64: 5>, scalar_prefetch = 0 : i64, scratch_operands = 0 : i64, tpu.core_type = #tpu.core_type<tc>, window_params = [{transform_indices = @transform_0, window_bounds = array<i64: 2, 2048, 128>}, {transform_indices = @transform_1, window_bounds = array<i64: 2048, 1>}, {transform_indices = @transform_2, window_bounds = array<i64: 2048, 1>}, {pipeline_mode = #tpu.pipeline_mode<synchronous>, transform_indices = @transform_3, window_bounds = array<i64: 128, 64>}, {transform_indices = @transform_4, window_bounds = array<i64: 2048, 64>}]} {
    %get3A = arith.constant 0 : index
    %get3A_0 = arith.constant 0 : index
    %get3A_1 = arith.constant 0 : index
    %get3A_2 = vector.load %arg1[%get3A, %get3A_0, %get3A_1] : memref<2x2048x128xf32, #tpu.memory_space<vmem>>, vector<1x2048x128xf32>
    %get3A_3 = vector.shape_cast %get3A_2 : vector<1x2048x128xf32> to vector<2048x128xf32>
    %get3A_4 = arith.constant 1 : index
    %get3A_5 = arith.constant 0 : index
    %get3A_6 = arith.constant 0 : index
    %get3A_7 = vector.load %arg1[%get3A_4, %get3A_5, %get3A_6] : memref<2x2048x128xf32, #tpu.memory_space<vmem>>, vector<1x2048x128xf32>
    %get3A_8 = vector.shape_cast %get3A_7 : vector<1x2048x128xf32> to vector<2048x128xf32>
    %add3A = arith.addf %get3A_3, %get3A_8 : vector<2048x128xf32>
    %get3A_9 = arith.constant 0 : index
    %get3A_10 = arith.constant 0 : index
    %get3A_11 = vector.load %arg2[%get3A_9, %get3A_10] : memref<2048x1xf32, #tpu.memory_space<vmem>>, vector<2048x1xf32>
    %mul3A = vector.broadcast %get3A_11 : vector<2048x1xf32> to vector<2048x128xf32>
    %mul3A_12 = arith.mulf %add3A, %mul3A : vector<2048x128xf32>
    %max3A = arith.constant 0.000000e+00 : f32
    %max3A_13 = vector.broadcast %max3A : f32 to vector<2048x128xf32>
    %max3A_14 = arith.maximumf %mul3A_12, %max3A_13 : vector<2048x128xf32>
    %get3A_15 = arith.constant 0 : index
    %get3A_16 = arith.constant 0 : index
    %get3A_17 = vector.load %arg4[%get3A_15, %get3A_16] : memref<128x64xf32, #tpu.memory_space<vmem>>, vector<128x64xf32>
    %dot_general3A = arith.constant dense<0.000000e+00> : vector<2048x64xf32>
    %dot_general3A_18 = tpu.matmul %max3A_14, %get3A_17, %dot_general3A {dimension_numbers = #tpu.dot_dimension_numbers<[1], [0], [0], [1], [0, 0, 1, 1], [], []>, transpose_lhs_hint = false} : vector<2048x128xf32>, vector<128x64xf32>, vector<2048x64xf32> -> vector<2048x64xf32>
    %get3A_19 = arith.constant 0 : index
    %get3A_20 = arith.constant 0 : index
    %get3A_21 = vector.load %arg3[%get3A_19, %get3A_20] : memref<2048x1xf32, #tpu.memory_space<vmem>>, vector<2048x1xf32>
    %mul3A_22 = vector.broadcast %get3A_21 : vector<2048x1xf32> to vector<2048x64xf32>
    %mul3A_23 = arith.mulf %dot_general3A_18, %mul3A_22 : vector<2048x64xf32>
    %swap3A = arith.constant 0 : index
    %swap3A_24 = arith.constant 0 : index
    %swap3A_25 = vector.load %arg5[%swap3A, %swap3A_24] : memref<2048x64xf32, #tpu.memory_space<vmem>>, vector<2048x64xf32>
    tpu.vector_store %arg5[%swap3A, %swap3A_24], %mul3A_23 {strides = array<i32>} : memref<2048x64xf32, #tpu.memory_space<vmem>>, vector<2048x64xf32>,
    return
  }
  func.func @transform_0(%arg0: i32) -> (i32, i32, i32) {
    %c0_i32 = arith.constant 0 : i32
    %c0_i32_0 = arith.constant 0 : i32
    %c0_i32_1 = arith.constant 0 : i32
    return %c0_i32, %arg0, %c0_i32_0 : i32, i32, i32
  }
  func.func @transform_1(%arg0: i32) -> (i32, i32) {
    %c0_i32 = arith.constant 0 : i32
    %c0_i32_0 = arith.constant 0 : i32
    return %arg0, %c0_i32 : i32, i32
  }
  func.func @transform_2(%arg0: i32) -> (i32, i32) {
    %c0_i32 = arith.constant 0 : i32
    %c0_i32_0 = arith.constant 0 : i32
    return %arg0, %c0_i32 : i32, i32
  }
  func.func @transform_3(%arg0: i32) -> (i32, i32) {
    %c0_i32 = arith.constant 0 : i32
    %c0_i32_0 = arith.constant 0 : i32
    %c0_i32_1 = arith.constant 0 : i32
    return %c0_i32, %c0_i32_0 : i32, i32
  }
  func.func @transform_4(%arg0: i32) -> (i32, i32) {
    %c0_i32 = arith.constant 0 : i32
    %c0_i32_0 = arith.constant 0 : i32
    return %arg0, %c0_i32 : i32, i32
  }
}

module attributes {stable_mosaic.version = 14 : i64} {
  func.func @_final_body(%arg0: i32, %arg1: memref<2x2048x64xf32, #tpu.memory_space<vmem>>, %arg2: memref<2048x1xf32, #tpu.memory_space<vmem>>, %arg3: memref<2048x64xf32, #tpu.memory_space<vmem>>) attributes {dimension_semantics = [#tpu.dimension_semantics<arbitrary>], iteration_bounds = array<i64: 5>, scalar_prefetch = 0 : i64, scratch_operands = 0 : i64, tpu.core_type = #tpu.core_type<tc>, window_params = [{transform_indices = @transform_0, window_bounds = array<i64: 2, 2048, 64>}, {transform_indices = @transform_1, window_bounds = array<i64: 2048, 1>}, {transform_indices = @transform_2, window_bounds = array<i64: 2048, 64>}]} {
    %get3A = arith.constant 0 : index
    %get3A_0 = arith.constant 0 : index
    %get3A_1 = arith.constant 0 : index
    %get3A_2 = vector.load %arg1[%get3A, %get3A_0, %get3A_1] : memref<2x2048x64xf32, #tpu.memory_space<vmem>>, vector<1x2048x64xf32>
    %get3A_3 = vector.shape_cast %get3A_2 : vector<1x2048x64xf32> to vector<2048x64xf32>
    %get3A_4 = arith.constant 1 : index
    %get3A_5 = arith.constant 0 : index
    %get3A_6 = arith.constant 0 : index
    %get3A_7 = vector.load %arg1[%get3A_4, %get3A_5, %get3A_6] : memref<2x2048x64xf32, #tpu.memory_space<vmem>>, vector<1x2048x64xf32>
    %get3A_8 = vector.shape_cast %get3A_7 : vector<1x2048x64xf32> to vector<2048x64xf32>
    %add3A = arith.addf %get3A_3, %get3A_8 : vector<2048x64xf32>
    %get3A_9 = arith.constant 0 : index
    %get3A_10 = arith.constant 0 : index
    %get3A_11 = vector.load %arg2[%get3A_9, %get3A_10] : memref<2048x1xf32, #tpu.memory_space<vmem>>, vector<2048x1xf32>
    %mul3A = vector.broadcast %get3A_11 : vector<2048x1xf32> to vector<2048x64xf32>
    %mul3A_12 = arith.mulf %add3A, %mul3A : vector<2048x64xf32>
    %reduce_max3A = arith.constant dense<0xFF800000> : vector<2048xf32>
    %reduce_max3A_13 = vector.multi_reduction <maximumf>, %mul3A_12, %reduce_max3A [1] : vector<2048x64xf32> to vector<2048xf32>
    %broadcast_in_dim3A = vector.shape_cast %reduce_max3A_13 : vector<2048xf32> to vector<2048x1xf32>
    %sub3A = vector.broadcast %broadcast_in_dim3A : vector<2048x1xf32> to vector<2048x64xf32>
    %sub3A_14 = arith.subf %mul3A_12, %sub3A : vector<2048x64xf32>
    %exp3A = math.exp %sub3A_14 : vector<2048x64xf32>
    %reduce_sum3A = arith.constant dense<0.000000e+00> : vector<2048xf32>
    %reduce_sum3A_15 = vector.multi_reduction <add>, %exp3A, %reduce_sum3A [1] : vector<2048x64xf32> to vector<2048xf32>
    %broadcast_in_dim3A_16 = vector.shape_cast %reduce_sum3A_15 : vector<2048xf32> to vector<2048x1xf32>
    %div3A = vector.broadcast %broadcast_in_dim3A_16 : vector<2048x1xf32> to vector<2048x64xf32>
    %div3A_17 = arith.divf %exp3A, %div3A : vector<2048x64xf32>
    %swap3A = arith.constant 0 : index
    %swap3A_18 = arith.constant 0 : index
    %swap3A_19 = vector.load %arg3[%swap3A, %swap3A_18] : memref<2048x64xf32, #tpu.memory_space<vmem>>, vector<2048x64xf32>
    tpu.vector_store %arg3[%swap3A, %swap3A_18], %div3A_17 {strides = array<i32>} : memref<2048x64xf32, #tpu.memory_space<vmem>>, vector<2048x64xf32>,
    return
  }
  func.func @transform_0(%arg0: i32) -> (i32, i32, i32) {
    %c0_i32 = arith.constant 0 : i32
    %c0_i32_0 = arith.constant 0 : i32
    %c0_i32_1 = arith.constant 0 : i32
    return %c0_i32, %arg0, %c0_i32_0 : i32, i32, i32
  }
  func.func @transform_1(%arg0: i32) -> (i32, i32) {
    %c0_i32 = arith.constant 0 : i32
    %c0_i32_0 = arith.constant 0 : i32
    return %arg0, %c0_i32 : i32, i32
  }
  func.func @transform_2(%arg0: i32) -> (i32, i32) {
    %c0_i32 = arith.constant 0 : i32
    %c0_i32_0 = arith.constant 0 : i32
    return %arg0, %c0_i32 : i32, i32
  }
}

</mosaic_0001>

<sc_bundles>
// kernel: kernel.11.cloned.1.call-start
scs
__scs_entry_jumppad:
0x0: {  	(pc) =	sbr.rel $0x88, $3  }
0x1: {  	(tag) =	ssettag $0x0;
	lr =	simm.s32 $0x1  }
0x2: {  	[smem:$0x3F9D] =	sst lr;
	_ =	strace $0xD0000000  }
0x3: {  	_ = 	snop  }
0x4: {  	_ = 	snop  }
0x5: {  	_ = 	snop  }
0x6: {  	_ = 	snop  }
0x7: {  	_ = 	snop  }
__scs_overlays_trampoline_lowered:
0x8: {  	[smem:$0x3FAC] =	sst s0  }
0x9: {  	[smem:$0x3FAD] =	sst s1  }
0xa: {  	[smem:$0x3FAE] =	sst s2  }
0xb: {  	[smem:$0x3FAF] =	sst s3  }
0xc: {  	[smem:$0x3FB0] =	sst s4  }
0xd: {  	[smem:$0x3FB1] =	sst s5  }
0xe: {  	[smem:$0x3FB2] =	sst s6  }
0xf: {  	[smem:$0x3FB3] =	sst s7  }
0x10: {  	[smem:$0x3FB4] =	sst s8  }
0x11: {  	[smem:$0x3FB5] =	sst s9;
	s0 =	simm.s32 @!p0 $0x0  }
0x12: {  	s1 =	sld [smem:$0x3F9B];
	s0 =	simm.s32 @p0 $0x1  }
0x13: {  	[smem:$0x3FB6] =	sst s0;
	s0 =	simm.s32 @!p1 $0x0  }
0x14: {  	s2 =	sld [smem:$0x3F9A];
	s0 =	simm.s32 @p1 $0x1  }
0x15: {  	[smem:$0x3FB7] =	sst s0;
	s0 =	simm.s32 @!p2 $0x0  }
0x16: {  	s3 =	sld [smem:$0x3FDB];
	s0 =	simm.s32 @p2 $0x1  }
0x17: {  	s4 =	simm.s32 $0x1BF5;
	[smem:$0x3FB9] =	sst s0  }
0x18: {  	s0 =	sld [smem:$0x3F9C];
	_ =	swait.ge [sflag:s4], $0x0  }
0x19: {  	s7 =	sld [smem:$0x3F9D]  }
0x1a: {  	s8 =	sadd.s32 $0xFFFFE003, lr  }
0x1b: {  	s9 =	sadd.s32 $0xFFFFFEF7, lr;
	s5 =	simm.s32 $0xFFFFFFFF;
	p2 =	slt.u32 s8, $0xFFFFF086  }
0x1c: {  	p1 =	slt.u32 s9, $0xF7A;
	s5 =	simm.s32 @!p2 $0x0  }
0x1d: {  	s5 =	simm.s32 @p1 $0x1;
	p0 =	seq.s32 s7, s2  }
0x1e: {  	s7 =	smul.u32 @!p0 $0xF7A, s2;
	p2 =	seq.s32 @!p0 s5, $0x0  }
0x1f: {  	s9 =	smul.u32 $0xF7A, s1;
	s8 =	simm.s32 @!p0 $0x1BF5;
	p2 =	por !p2, p0  }
0x20: {  	[sflag:s8] =	ssyncset.s32 @!p0 $0xFFFFF086;
	s6 =	sadd.s32 @!p0 s3, s7;
	s7 =	simm.s32 @!p0 $0x108  }
0x21: {  	s3 =	sadd.s32 s3, s9;
	s6 =	sadd.s32 @!p0 $0x88, s6;
	s7 =	simm.s32 @p2 $0x1082  }
0x22: {  	[simem:s7], [sflag:s8] =	dma.local @!p0 [hbm:s6], $0xF7A  }
0x23: {  	s9 =	sor.u32 $0xD0000000, s2;
	s6 =	simm.s32 $0x108;
	_ =	swait.ge @!p0 [sflag:s8], $0x0  }
0x24: {  	s3 =	sadd.s32 $0x88, s3;
	s6 =	simm.s32 @!p1 $0x1082;
	[sflag:s4] =	ssyncset.s32 $0xFFFFF086  }
0x25: {  	[simem:s6], [sflag:s4] =	dma.local [hbm:s3], $0xF7A  }
0x26: {  	[smem:$0x3F9D] =	sst s1;
	(tag) =	ssettag s2;
	_ =	strace s9  }
0x27: {  	s1 =	sld [smem:$0x3FAD]  }
0x28: {  	s2 =	sld [smem:$0x3FAE]  }
0x29: {  	s4 =	sld [smem:$0x3FB0]  }
0x2a: {  	p0 =	seq.s32 s5, $0x0;
	s5 =	sld [smem:$0x3FB1]  }
0x2b: {  	s6 =	sld [smem:$0x3FB2]  }
0x2c: {  	s7 =	sld [smem:$0x3FB3]  }
0x2d: {  	s3 =	simm.s32 $0x108;
	s8 =	sld [smem:$0x3FB4]  }
0x2e: {  	s3 =	simm.s32 @!p0 $0x1082;
	s9 =	sld [smem:$0x3FB5]  }
0x2f: {  	lr =	sadd.s32 s0, s3;
	s0 =	sld [smem:$0x3FAC]  }
0x30: {  	s3 =	sld [smem:$0x3FAF]  }
0x31: {  	[smem:$0x3FB8] =	sst s10  }
0x32: {  	s10 =	sld [smem:$0x3FB6];
	_ =	sdelay $0x3  }
0x33: {  	p0 =	seq.s32 s10, $0x1;
	s10 =	sld [smem:$0x3FB8];
	_ =	sdelay $0x3  }
0x34: {  	[smem:$0x3FB8] =	sst s10  }
0x35: {  	s10 =	sld [smem:$0x3FB7];
	_ =	sdelay $0x3  }
0x36: {  	p1 =	seq.s32 s10, $0x1;
	s10 =	sld [smem:$0x3FB8];
	_ =	sdelay $0x3  }
0x37: {  	[smem:$0x3FB8] =	sst s10  }
0x38: {  	s10 =	sld [smem:$0x3FB9]  }
0x39: {  	_ = 	snop;
	(pc) =	sbr.ind lr, $3  }
0x3a: {  	_ = 	snop  }
0x3b: {  	_ = 	snop  }
0x3c: {  	p2 =	seq.s32 s10, $0x1;
	s10 =	sld [smem:$0x3FB8]  }
0x3d: {  	_ =	shalt  }
0x3e: {  	_ =	shalt  }
0x3f: {  	_ =	shalt  }
0x40: {  	_ =	shalt  }
0x41: {  	_ =	shalt  }
0x42: {  	_ =	shalt  }
0x43: {  	_ =	shalt  }
0x44: {  	_ =	shalt  }
0x45: {  	_ =	shalt  }
0x46: {  	_ =	shalt  }
0x47: {  	_ =	shalt  }
0x48: {  	_ =	shalt  }
0x49: {  	_ =	shalt  }
0x4a: {  	_ =	shalt  }
0x4b: {  	_ =	shalt  }
0x4c: {  	_ =	shalt  }
0x4d: {  	_ =	shalt  }
0x4e: {  	_ =	shalt  }
0x4f: {  	_ =	shalt  }
0x50: {  	_ =	shalt  }
0x51: {  	_ =	shalt  }
0x52: {  	_ =	shalt  }
0x53: {  	_ =	shalt  }
0x54: {  	_ =	shalt  }
0x55: {  	_ =	shalt  }
0x56: {  	_ =	shalt  }
0x57: {  	_ =	shalt  }
0x58: {  	_ =	shalt  }
0x59: {  	_ =	shalt  }
0x5a: {  	_ =	shalt  }
0x5b: {  	_ =	shalt  }
0x5c: {  	_ =	shalt  }
0x5d: {  	_ =	shalt  }
0x5e: {  	_ =	shalt  }
0x5f: {  	_ =	shalt  }
0x60: {  	_ =	shalt  }
0x61: {  	_ =	shalt  }
0x62: {  	_ =	shalt  }
0x63: {  	_ =	shalt  }
0x64: {  	_ =	shalt  }
0x65: {  	_ =	shalt  }
0x66: {  	_ =	shalt  }
0x67: {  	_ =	shalt  }
0x68: {  	_ =	shalt  }
0x69: {  	_ =	shalt  }
0x6a: {  	_ =	shalt  }
0x6b: {  	_ =	shalt  }
0x6c: {  	_ =	shalt  }
0x6d: {  	_ =	shalt  }
0x6e: {  	_ =	shalt  }
0x6f: {  	_ =	shalt  }
0x70: {  	_ =	shalt  }
0x71: {  	_ =	shalt  }
0x72: {  	_ =	shalt  }
0x73: {  	_ =	shalt  }
0x74: {  	_ =	shalt  }
0x75: {  	_ =	shalt  }
0x76: {  	_ =	shalt  }
0x77: {  	_ =	shalt  }
0x78: {  	_ =	shalt  }
0x79: {  	_ =	shalt  }
0x7a: {  	_ =	shalt  }
0x7b: {  	_ =	shalt  }
0x7c: {  	_ =	shalt  }
0x7d: {  	_ =	shalt  }
0x7e: {  	_ =	shalt  }
0x7f: {  	_ =	shalt  }
0x80: {  	_ =	shalt  }
0x81: {  	_ =	shalt  }
0x82: {  	_ =	shalt  }
0x83: {  	_ =	shalt  }
0x84: {  	_ =	shalt  }
0x85: {  	_ =	shalt  }
0x86: {  	_ =	shalt  }
0x87: {  	_ =	shalt  }
.Lfunc_end0:
.L_simem_size_0:
called_computation.1_lowered:
.L_overlay_start_0:
0x88: {  	s2 =	sld [smem:$0x3FD9]  }
0x89: {  	s3 =	sld [smem:$0x3FFE];
	_ =	sdelay $0x1  }
0x8a: {  	s1 =	srdreg.scid  }
0x8b: {  	s0 =	sand.u32 $0x1, s1  }
0x8c: {  	s17 =	sshll.u32 s0, $0xA;
	s2 =	sadd.s32 s3, s2  }
0x8d: {  	s2 =	sadd.s32 s2, s17  }
0x8e: {  	[smem:$0x3FC4] =	sst s2  }
0x8f: {  	_ = 	snop  }
0x90: {  	s2 =	sld [smem:$0x3FD0];
	(tm) =	ssettm $0x1  }
0x91: {  	s18 =	sld [smem:$0x3FFB];
	_ =	sdelay $0x3  }
0x92: {  	_ =	strace s18  }
0x93: {  	s3 =	sld [smem:$0x3FFC];
	_ =	sdelay $0x3  }
0x94: {  	_ =	strace s3  }
0x95: {  	s3 =	sld [smem:$0x3FFD];
	_ =	sdelay $0x3  }
0x96: {  	_ =	strace s3  }
0x97: {  	_ =	strace $0x8FFFFFFF  }
0x98: {  	s19 =	sld [smem:$0x3FDB];
	_ =	sdelay $0x1  }
0x99: {  	s4 =	simm.s32 $_scs_section_size  }
0x9a: {  	s5 =	simm.s32 $_size__tile_overlayer_lowered;
	s6 =	simm.s32 $_tile_overlayer_lowered  }
0x9b: {  	s22 =	simm.s32 $0x1BFF;
	s21 =	sshll.u32 s6, $0x1;
	s3 =	sadd.s32 s4, s19  }
0x9c: {  	s7 =	simm.s32 $0x0;
	s20 =	sshll.u32 s5, $0x1;
	s5 =	sadd.s32 s21, s3  }
0x9d: {  	[timem:s7], [sflag:s22] =	dma.local [hbm:s5], s20  }
0x9e: {  	_ =	swait.ge [sflag:s22], s20  }
0x9f: {  	s4 =	ssub.s32 $0x0, s20;
	[sflag:s22] =	ssyncset.done $0x0  }
0xa0: {  	[sflag:s22] =	ssyncadd.s32 s4;
	_ =	sdelay $0x1  }
0xa1: {  	s23 =	simm.s32 $0x1B8B  }
0xa2: {  	_ =	swait.ge [sflag:s23], $0x1  }
0xa3: {  	[sflag:s23] =	ssyncset.done $0x0  }
0xa4: {  	s25 =	simm.s32 $0x1B8E;
	s24 =	sld [smem:$0x3FFE];
	[sflag:s23] =	ssyncadd.s32 $0xFFFFFFFF  }
0xa5: {  	s26 =	simm.s32 $execute0_lowered;
	[smem:$0x3FD2] =	sst s25  }
0xa6: {  	s5 =	sshll.u32 s26, $0x1;
	_ =	strace $0x80000049;
	[dreg:$0x1] =	wrdreg $0xFFFFFFFF  }
0xa7: {  	s28 =	simm.s32 $_size_execute0_lowered;
	s3 =	sadd.s32 s3, s5;
	[dreg:$0x0] =	wrdreg $0x0  }
0xa8: {  	s5 =	sshll.u32 s28, $0x1;
	[dreg:$0x2] =	wrdreg s3  }
0xa9: {  	[dreg:$0x3] =	wrdreg s5  }
0xaa: {  	[dreg:$0x4] =	wrdreg $0xC0  }
0xab: {  	_ =	task [dreg:s7], $0x5FFFF  }
0xac: {  	[dreg:$0x1] =	wrdreg $0xFFFFFFFF  }
0xad: {  	[dreg:$0x0] =	wrdreg $0x60  }
0xae: {  	[dreg:$0x2] =	wrdreg s24  }
0xaf: {  	[dreg:$0x3] =	wrdreg s2  }
0xb0: {  	[dreg:$0x4] =	wrdreg $0xA8000  }
0xb1: {  	[dreg:$0x5] =	wrdreg $0x9  }
0xb2: {  	_ =	task.clear_ibuf [dreg:s7], $0x6FFFF;
	_ =	strace $0x90000049  }
0xb3: {  	s29 =	simm.s32 $0x9;
	_ =	strace $0x8000004B  }
0xb4: {  	_ =	swait.ge [sflag:s29], $0x1  }
0xb5: {  	[sflag:s29] =	ssyncadd.s32 $0xFFFFFFFF  }
0xb6: {  	_ =	strace $0x9000004B  }
0xb7: {  	_ =	sfence  }
0xb8: {  	s30 =	sld [smem:$0x0];
	_ =	sdelay $0x2  }
0xb9: {  	s31 =	sshll.u32 s1, $0xD;
	s1 =	sshrl.u32 s1, $0x2  }
0xba: {  	s3 =	sand.u32 $0x4000, s31;
	s1 =	sadd.s32 s1, s30  }
0xbb: {  	s0 =	sor.u32 s3, s0;
	s1 =	sshll.u32 s1, $0x11  }
0xbc: {  	s0 =	sor.u32 s1, s0  }
0xbd: {  	s0 =	sadd.s32 $0x8F2B, s0  }
0xbe: {  	[sflag:s0] =	ssyncadd.remote.s32 $0x1  }
0xbf: {  	_ =	sfence.sel $0xFFFF  }
0xc0: {  	[dreg:$0x0] =	wrdreg $0xFFFFFFFF;
	(pc) =	sbr.abs _section_cstart, $3  }
0xc1: {  	[dreg:$0x1] =	wrdreg $0xFFFFFFFF  }
0xc2: {  	_ =	task.clear_ibuf [dreg:s7], $0x2FFFF;
	_ =	strace $0x9FFFFFFF  }
0xc3: {  	(tm) =	ssettm $0x7FFFFFFF  }
tec
execute0_lowered:
.L_overlay_start_1:
0x0: {  	(tag) =	ssettag $0x1  }
0x1: {  	s0 =	rddreg [dreg:$0x0]  }
0x2: {  	s1 =	rddreg [dreg:$0x1];
	s3 =	srdreg.scid  }
0x3: {  	s11 =	stileid.u32;
	s2 =	rddreg [dreg:$0x2]  }
0x4: {  	s28 =	simm.s32 $0x6800;
	s29 =	simm.s32 $0x1;
	s31 =	simm.s32 $0x8800  }
0x5: {  	s12 =	simm.s32 $0x4;
	s5 =	sand.u32 $0x1, s3;
	s6 =	smul.u32 $0x14000, s11  }
0x6: {  	s3 =	simm.s32 $0x0;
	s8 =	smul.u32 $0x50000, s11;
	s9 =	sadd.s32 $0xBA00, s0  }
0x7: {  	s11 =	sshll.u32 s11, $0x1;
	s4 =	smul.u32 $0x140000, s5;
	[smem:$0x7FF] =	sst s3  }
0x8: {  	s13 =	ssub.s32 $0x2, s5;
	s14 =	sor.u32 s5, s11;
	s8 =	sshrl.u32 s8, $0x2  }
0x9: {  	s11 =	simm.s32 $0x140;
	_ =	strace $0x8000004A;
	s8 =	sadd.s32 s8, s2  }
0xa: {  	s10 =	sshrl.u32 s13, $0x1;
	s5 =	sadd.s32 s6, s2;
	s15 =	sadd.s32 $0x2000, s8  }
0xb: {  	s19 =	smul.u32 $0x2800, s14;
	s16 =	sadd.s32 $0x4000, s8;
	[dreg:$0x4] =	wrdreg s15  }
0xc: {  	s7 =	sadd.s32 s6, s4;
	s17 =	sadd.s32 $0x6000, s8;
	[dreg:$0x5] =	wrdreg s16  }
0xd: {  	s4 =	sadd.s32 $0x15A00, s0;
	s18 =	sadd.s32 $0x8000, s8;
	[dreg:$0x6] =	wrdreg s17  }
0xe: {  	s7 =	sshrl.u32 s7, $0x3;
	s20 =	sadd.s32 $0xA000, s8;
	[dreg:$0x7] =	wrdreg s18  }
0xf: {  	s21 =	sadd.s32 $0xC000, s8;
	s22 =	sadd.s32 $0xE000, s8;
	[dreg:$0x8] =	wrdreg s20  }
0x10: {  	s23 =	sadd.s32 $0x10000, s8;
	s6 =	sshrl.u32 s19, $0x3;
	[dreg:$0x9] =	wrdreg s21  }
0x11: {  	s8 =	sadd.s32 $0x12000, s8;
	s19 =	simm.s32 $0x2780;
	[dreg:$0xa] =	wrdreg s22  }
0x12: {  	s0 =	sadd.s32 s7, s0;
	s7 =	ssub.s32 s13, s10;
	[dreg:$0xb] =	wrdreg s23  }
0x13: {  	s10 =	smul.u32 $0x500, s14;
	[dreg:$0xc] =	wrdreg s8;
	s6 =	sadd.s32 $0x280, s6  }
0x14: {  	s21 =	simm.s32 $0x2800;
	s22 =	simm.s32 $0x9;
	s23 =	simm.s32 $0x1400  }
0x15: {  	s8 =	simm.s32 $0x3;
	s13 =	simm.s32 $0x14C0;
	s14 =	simm.s32 $0x7  }
0x16: {  	s15 =	simm.s32 $0x8;
	s16 =	simm.s32 $0x1380;
	s26 =	sadd.s32 s9, s6  }
0x17: {  	s17 =	simm.s32 $0x2700;
	s0 =	sadd.s32 $0x3DA00, s0;
	[dreg:$0xf] =	wrdreg s26  }
0x18: {  	s18 =	simm.s32 $0x2740;
	s30 =	smax.u32 s7, $0x1;
	[dreg:$0x11] =	wrdreg s0  }
0x19: {  	s20 =	simm.s32 $0x27C0;
	s24 =	sadd.s32 s9, s10;
	[dreg:$0x12] =	wrdreg s30  }
0x1a: {  	s25 =	sadd.s32 s1, s10;
	s1 =	sadd.s32 s1, s6;
	[dreg:$0xd] =	wrdreg s24  }
0x1b: {  	s6 =	simm.s32 $0x5;
	s9 =	simm.s32 $0x1480;
	[dreg:$0xe] =	wrdreg s25  }
0x1c: {  	s10 =	simm.s32 $0x6;
	s26 =	simm.s32 $0x13C0;
	[dreg:$0x10] =	wrdreg s1  }
0x1d: {  	v0 =	vimm.f32 $0.0e+00;
	s24 =	simm.s32 $0x40;
	s25 =	simm.s32 $0x4800;
	s1 =	simm.s32 $0x2  }
.LBB2_1:
0x1e: {  	s0 =	simm.s32 $0x0;
	s30 =	simm.s32 $0x200  }
.LBB2_2:
0x1f: {  	p0 =	sne.s32 s30, $0x7E00;
	[tilespmem:s0+$0x2870] =	vst v0  }
0x20: {  	[tilespmem:s0+$0x2800] =	vst v0  }
0x21: {  	[tilespmem:s0+$0x2810] =	vst v0  }
.Ltmp0:
0x22: {  	[tilespmem:s0+$0x2820] =	vst v0;
	(pc) =	sbr.rel @p0 .LBB2_2-.Ltmp0, $4  }
0x23: {  	[tilespmem:s0+$0x2830] =	vst v0  }
0x24: {  	[tilespmem:s0+$0x2840] =	vst v0  }
0x25: {  	[tilespmem:s0+$0x2850] =	vst v0  }
0x26: {  	[tilespmem:s0+$0x2860] =	vst v0;
	s0 =	sshra.s32 s30, $0x2;
	s30 =	sadd.s32 $0x200, s30  }
0x27: {  	[tilespmem:s0+$0x2870] =	vst v0  }
0x28: {  	[tilespmem:s0+$0x2800] =	vst v0  }
0x29: {  	[tilespmem:s0+$0x2810] =	vst v0  }
0x2a: {  	[tilespmem:s0+$0x2820] =	vst v0  }
0x2b: {  	[tilespmem:s0+$0x2830] =	vst v0  }
0x2c: {  	[tilespmem:s0+$0x2840] =	vst v0  }
0x2d: {  	[tilespmem:s0+$0x2850] =	vst v0  }
0x2e: {  	[tilespmem:s0+$0x2860] =	vst v0  }
0x2f: {  	[spmem:s5] =	stream.linear.scatter [tilespmem:s21], [sflag:$0x9], $0x2000, $0x38;
	[tilespmem:$0x1E800] =	vst v63  }
0x30: {  	_ =	swait.ge [sflag:s22], $0x2000  }
0x31: {  	[sflag:s22] =	ssyncset.done $0x0  }
0x32: {  	s7 =	rddreg [dreg:$0x4];
	[sflag:s22] =	ssyncadd.s32 $0xFFFFE000  }
0x33: {  	[spmem:s7] =	stream.linear.scatter [tilespmem:s21], [sflag:$0x9], $0x2000, $0x38;
	[tilespmem:$0x1E800] =	vst v63  }
0x34: {  	_ =	swait.ge [sflag:s22], $0x2000  }
0x35: {  	[sflag:s22] =	ssyncset.done $0x0  }
0x36: {  	s7 =	rddreg [dreg:$0x5];
	[sflag:s22] =	ssyncadd.s32 $0xFFFFE000  }
0x37: {  	[spmem:s7] =	stream.linear.scatter [tilespmem:s21], [sflag:$0x9], $0x2000, $0x38;
	[tilespmem:$0x1E800] =	vst v63  }
0x38: {  	_ =	swait.ge [sflag:s22], $0x2000  }
0x39: {  	[sflag:s22] =	ssyncset.done $0x0  }
0x3a: {  	s7 =	rddreg [dreg:$0x6];
	[sflag:s22] =	ssyncadd.s32 $0xFFFFE000  }
0x3b: {  	[spmem:s7] =	stream.linear.scatter [tilespmem:s21], [sflag:$0x9], $0x2000, $0x38;
	[tilespmem:$0x1E800] =	vst v63  }
0x3c: {  	_ =	swait.ge [sflag:s22], $0x2000  }
0x3d: {  	[sflag:s22] =	ssyncset.done $0x0  }
0x3e: {  	s7 =	rddreg [dreg:$0x7];
	[sflag:s22] =	ssyncadd.s32 $0xFFFFE000  }
0x3f: {  	[spmem:s7] =	stream.linear.scatter [tilespmem:s21], [sflag:$0x9], $0x2000, $0x38;
	[tilespmem:$0x1E800] =	vst v63  }
0x40: {  	_ =	swait.ge [sflag:s22], $0x2000  }
0x41: {  	[sflag:s22] =	ssyncset.done $0x0  }
0x42: {  	s7 =	rddreg [dreg:$0x8];
	[sflag:s22] =	ssyncadd.s32 $0xFFFFE000  }
0x43: {  	[spmem:s7] =	stream.linear.scatter [tilespmem:s21], [sflag:$0x9], $0x2000, $0x38;
	[tilespmem:$0x1E800] =	vst v63  }
0x44: {  	_ =	swait.ge [sflag:s22], $0x2000  }
0x45: {  	[sflag:s22] =	ssyncset.done $0x0  }
0x46: {  	s7 =	rddreg [dreg:$0x9];
	[sflag:s22] =	ssyncadd.s32 $0xFFFFE000  }
0x47: {  	[spmem:s7] =	stream.linear.scatter [tilespmem:s21], [sflag:$0x9], $0x2000, $0x38;
	[tilespmem:$0x1E800] =	vst v63  }
0x48: {  	_ =	swait.ge [sflag:s22], $0x2000  }
0x49: {  	[sflag:s22] =	ssyncset.done $0x0  }
0x4a: {  	s7 =	rddreg [dreg:$0xa];
	[sflag:s22] =	ssyncadd.s32 $0xFFFFE000  }
0x4b: {  	[spmem:s7] =	stream.linear.scatter [tilespmem:s21], [sflag:$0x9], $0x2000, $0x38;
	[tilespmem:$0x1E800] =	vst v63  }
0x4c: {  	_ =	swait.ge [sflag:s22], $0x2000  }
0x4d: {  	[sflag:s22] =	ssyncset.done $0x0  }
0x4e: {  	s7 =	rddreg [dreg:$0xb];
	[sflag:s22] =	ssyncadd.s32 $0xFFFFE000  }
0x4f: {  	[spmem:s7] =	stream.linear.scatter [tilespmem:s21], [sflag:$0x9], $0x2000, $0x38;
	[tilespmem:$0x1E800] =	vst v63  }
0x50: {  	_ =	swait.ge [sflag:s22], $0x2000  }
0x51: {  	[sflag:s22] =	ssyncset.done $0x0  }
0x52: {  	s7 =	rddreg [dreg:$0xc];
	[sflag:s22] =	ssyncadd.s32 $0xFFFFE000  }
0x53: {  	[spmem:s7] =	stream.linear.scatter [tilespmem:s21], [sflag:$0x9], $0x2000, $0x38;
	[tilespmem:$0x1E800] =	vst v63  }
0x54: {  	_ =	swait.ge [sflag:s22], $0x2000  }
0x55: {  	[sflag:s22] =	ssyncset.done $0x0  }
0x56: {  	[sflag:s22] =	ssyncadd.s32 $0xFFFFE000  }
0x57: {  	[bflag:$0x0] =	sbarrier.arrive $0xFFFF  }
0x58: {  	s0 =	simm.s32 $0x0;
	s7 =	rddreg [dreg:$0xd]  }
0x59: {  	[tilespmem:s0], [sflag:$0x9] =	stream.linear.gather [hbm4b:s7+s0], $0x1400, $0x38;
	[tilespmem:$0x1E800] =	vst v63  }
0x5a: {  	_ =	swait.ge [sflag:s22], $0x1400  }
0x5b: {  	[sflag:s22] =	ssyncset.done $0x0  }
0x5c: {  	s7 =	rddreg [dreg:$0xe];
	[sflag:s22] =	ssyncadd.s32 $0xFFFFEC00  }
0x5d: {  	[tilespmem:s23], [sflag:$0x9] =	stream.linear.gather [hbm4b:s7+s0], $0x1400, $0x38;
	[tilespmem:$0x1E800] =	vst v63  }
0x5e: {  	_ =	swait.ge [sflag:s22], $0x1400  }
0x5f: {  	[sflag:s22] =	ssyncset.done $0x0  }
0x60: {  	[sflag:s22] =	ssyncadd.s32 $0xFFFFEC00  }
0x61: {  	[tilespmem:s21], [sflag:$0x1] =	stream.indirect.gather [hbm4b:s4+s24], $0x80, s0, s24, $0xb8;
	[tilespmem:$0x1E800] =	vst v63  }
0x62: {  	_ = 	snop  }
0x63: {  	[tilespmem:s25], [sflag:$0x2] =	stream.indirect.gather [hbm4b:s4+s24], $0x80, s24, s24, $0xb8;
	[tilespmem:$0x1E800] =	vst v63  }
0x64: {  	s7 =	simm.s32 $0x80  }
0x65: {  	[tilespmem:s28], [sflag:$0x3] =	stream.indirect.gather [hbm4b:s4+s24], $0x80, s7, s24, $0xb8;
	[tilespmem:$0x1E800] =	vst v63  }
0x66: {  	_ =	swait.ge [sflag:s29], $0x2000  }
0x67: {  	[sflag:s29] =	ssyncset.done $0x0  }
0x68: {  	[sflag:s29] =	ssyncadd.s32 $0xFFFFE000  }
0x69: {  	[spmem:s2] =	stream.indirect.scatter.add.f32 [tilespmem:s21], [sflag:$0x5], $0x80, s23, s24, $0xb8;
	[tilespmem:$0x1E800] =	vst v63  }
0x6a: {  	s7 =	simm.s32 $0xC0  }
0x6b: {  	[tilespmem:s31], [sflag:$0x4] =	stream.indirect.gather [hbm4b:s4+s24], $0x80, s7, s24, $0xb8;
	[tilespmem:$0x1E800] =	vst v63  }
0x6c: {  	_ =	swait.ge [sflag:s1], $0x2000  }
0x6d: {  	[sflag:s1] =	ssyncset.done $0x0  }
0x6e: {  	s7 =	simm.s32 $0x1440;
	[sflag:s1] =	ssyncadd.s32 $0xFFFFE000  }
0x6f: {  	[spmem:s2] =	stream.indirect.scatter.add.f32 [tilespmem:s25], [sflag:$0x6], $0x80, s7, s24, $0xb8;
	[tilespmem:$0x1E800] =	vst v63  }
0x70: {  	_ =	swait.ge [sflag:s6], $0x2000  }
0x71: {  	[sflag:s6] =	ssyncset.done $0x0  }
0x72: {  	s7 =	simm.s32 $0x100;
	[sflag:s6] =	ssyncadd.s32 $0xFFFFE000  }
0x73: {  	[tilespmem:s21], [sflag:$0x1] =	stream.indirect.gather [hbm4b:s4+s24], $0x80, s7, s24, $0xb8;
	[tilespmem:$0x1E800] =	vst v63  }
0x74: {  	_ =	swait.ge [sflag:s8], $0x2000  }
0x75: {  	[sflag:s8] =	ssyncset.done $0x0  }
0x76: {  	[sflag:s8] =	ssyncadd.s32 $0xFFFFE000  }
0x77: {  	[spmem:s2] =	stream.indirect.scatter.add.f32 [tilespmem:s28], [sflag:$0x7], $0x80, s9, s24, $0xb8;
	[tilespmem:$0x1E800] =	vst v63  }
0x78: {  	_ =	swait.ge [sflag:s10], $0x2000  }
0x79: {  	[sflag:s10] =	ssyncset.done $0x0  }
0x7a: {  	[sflag:s10] =	ssyncadd.s32 $0xFFFFE000  }
0x7b: {  	[tilespmem:s25], [sflag:$0x2] =	stream.indirect.gather [hbm4b:s4+s24], $0x80, s11, s24, $0xb8;
	[tilespmem:$0x1E800] =	vst v63  }
0x7c: {  	_ =	swait.ge [sflag:s12], $0x2000  }
0x7d: {  	[sflag:s12] =	ssyncset.done $0x0  }
0x7e: {  	[sflag:s12] =	ssyncadd.s32 $0xFFFFE000  }
0x7f: {  	[spmem:s2] =	stream.indirect.scatter.add.f32 [tilespmem:s31], [sflag:$0x8], $0x80, s13, s24, $0xb8;
	[tilespmem:$0x1E800] =	vst v63  }
0x80: {  	_ =	swait.ge [sflag:s14], $0x2000  }
0x81: {  	[sflag:s14] =	ssyncset.done $0x0  }
0x82: {  	s7 =	simm.s32 $0x180;
	[sflag:s14] =	ssyncadd.s32 $0xFFFFE000  }
0x83: {  	[tilespmem:s28], [sflag:$0x3] =	stream.indirect.gather [hbm4b:s4+s24], $0x80, s7, s24, $0xb8;
	[tilespmem:$0x1E800] =	vst v63  }
0x84: {  	_ =	swait.ge [sflag:s29], $0x2000  }
0x85: {  	[sflag:s29] =	ssyncset.done $0x0  }
0x86: {  	s7 =	simm.s32 $0x1500;
	[sflag:s29] =	ssyncadd.s32 $0xFFFFE000  }
0x87: {  	[spmem:s2] =	stream.indirect.scatter.add.f32 [tilespmem:s21], [sflag:$0x5], $0x80, s7, s24, $0xb8;
	[tilespmem:$0x1E800] =	vst v63  }
0x88: {  	_ =	swait.ge [sflag:s15], $0x2000  }
0x89: {  	[sflag:s15] =	ssyncset.done $0x0  }
0x8a: {  	s7 =	simm.s32 $0x1C0;
	[sflag:s15] =	ssyncadd.s32 $0xFFFFE000  }
0x8b: {  	[tilespmem:s31], [sflag:$0x4] =	stream.indirect.gather [hbm4b:s4+s24], $0x80, s7, s24, $0xb8;
	[tilespmem:$0x1E800] =	vst v63  }
0x8c: {  	_ =	swait.ge [sflag:s1], $0x2000  }
0x8d: {  	[sflag:s1] =	ssyncset.done $0x0  }
0x8e: {  	s7 =	simm.s32 $0x1540;
	[sflag:s1] =	ssyncadd.s32 $0xFFFFE000  }
0x8f: {  	[spmem:s2] =	stream.indirect.scatter.add.f32 [tilespmem:s25], [sflag:$0x6], $0x80, s7, s24, $0xb8;
	[tilespmem:$0x1E800] =	vst v63  }
0x90: {  	_ =	swait.ge [sflag:s6], $0x2000  }
0x91: {  	[sflag:s6] =	ssyncset.done $0x0  }
0x92: {  	s7 =	simm.s32 $0x200;
	[sflag:s6] =	ssyncadd.s32 $0xFFFFE000  }
0x93: {  	[tilespmem:s21], [sflag:$0x1] =	stream.indirect.gather [hbm4b:s4+s24], $0x80, s7, s24, $0xb8;
	[tilespmem:$0x1E800] =	vst v63  }
0x94: {  	_ =	swait.ge [sflag:s8], $0x2000  }
0x95: {  	[sflag:s8] =	ssyncset.done $0x0  }
0x96: {  	s7 =	simm.s32 $0x1580;
	[sflag:s8] =	ssyncadd.s32 $0xFFFFE000  }
0x97: {  	[spmem:s2] =	stream.indirect.scatter.add.f32 [tilespmem:s28], [sflag:$0x7], $0x80, s7, s24, $0xb8;
	[tilespmem:$0x1E800] =	vst v63  }
0x98: {  	_ =	swait.ge [sflag:s10], $0x2000  }
0x99: {  	[sflag:s10] =	ssyncset.done $0x0  }
0x9a: {  	s7 =	simm.s32 $0x240;
	[sflag:s10] =	ssyncadd.s32 $0xFFFFE000  }
0x9b: {  	[tilespmem:s25], [sflag:$0x2] =	stream.indirect.gather [hbm4b:s4+s24], $0x80, s7, s24, $0xb8;
	[tilespmem:$0x1E800] =	vst v63  }
0x9c: {  	_ =	swait.ge [sflag:s12], $0x2000  }
0x9d: {  	[sflag:s12] =	ssyncset.done $0x0  }
0x9e: {  	s30 =	simm.s32 $0x400;
	s0 =	simm.s32 $0x15C0;
	[sflag:s12] =	ssyncadd.s32 $0xFFFFE000  }
.LBB2_4:
0x9f: {  	[spmem:s2] =	stream.indirect.scatter.add.f32 [tilespmem:s31], [sflag:$0x8], $0x80, s0, s24, $0xb8;
	[tilespmem:$0x1E800] =	vst v63  }
0xa0: {  	s0 =	smov.u32 s30  }
0xa1: {  	p0 =	sne.s32 s30, $0x4400;
	s30 =	sadd.s32 $0x400, s30;
	_ =	swait.ge [sflag:s14], $0x2000  }
0xa2: {  	s0 =	sshra.s32 s0, $0x2;
	[sflag:s14] =	ssyncset.done $0x0  }
0xa3: {  	s7 =	sadd.s32 $0x180, s0;
	[sflag:s14] =	ssyncadd.s32 $0xFFFFE000  }
0xa4: {  	[tilespmem:s28], [sflag:$0x3] =	stream.indirect.gather [hbm4b:s4+s24], $0x80, s7, s24, $0xb8;
	[tilespmem:$0x1E800] =	vst v63  }
0xa5: {  	_ =	swait.ge [sflag:s29], $0x2000  }
0xa6: {  	[sflag:s29] =	ssyncset.done $0x0  }
0xa7: {  	s7 =	sadd.s32 $0x1500, s0;
	[sflag:s29] =	ssyncadd.s32 $0xFFFFE000  }
0xa8: {  	[spmem:s2] =	stream.indirect.scatter.add.f32 [tilespmem:s21], [sflag:$0x5], $0x80, s7, s24, $0xb8;
	[tilespmem:$0x1E800] =	vst v63  }
0xa9: {  	_ =	swait.ge [sflag:s15], $0x2000  }
0xaa: {  	[sflag:s15] =	ssyncset.done $0x0  }
0xab: {  	s7 =	sadd.s32 $0x1C0, s0;
	[sflag:s15] =	ssyncadd.s32 $0xFFFFE000  }
0xac: {  	[tilespmem:s31], [sflag:$0x4] =	stream.indirect.gather [hbm4b:s4+s24], $0x80, s7, s24, $0xb8;
	[tilespmem:$0x1E800] =	vst v63  }
0xad: {  	_ =	swait.ge [sflag:s1], $0x2000  }
0xae: {  	[sflag:s1] =	ssyncset.done $0x0  }
0xaf: {  	s7 =	sadd.s32 $0x1540, s0;
	[sflag:s1] =	ssyncadd.s32 $0xFFFFE000  }
0xb0: {  	[spmem:s2] =	stream.indirect.scatter.add.f32 [tilespmem:s25], [sflag:$0x6], $0x80, s7, s24, $0xb8;
	[tilespmem:$0x1E800] =	vst v63  }
0xb1: {  	_ =	swait.ge [sflag:s6], $0x2000  }
0xb2: {  	[sflag:s6] =	ssyncset.done $0x0  }
0xb3: {  	s7 =	sadd.s32 $0x200, s0;
	[sflag:s6] =	ssyncadd.s32 $0xFFFFE000  }
0xb4: {  	[tilespmem:s21], [sflag:$0x1] =	stream.indirect.gather [hbm4b:s4+s24], $0x80, s7, s24, $0xb8;
	[tilespmem:$0x1E800] =	vst v63  }
0xb5: {  	_ =	swait.ge [sflag:s8], $0x2000  }
0xb6: {  	[sflag:s8] =	ssyncset.done $0x0  }
0xb7: {  	s7 =	sadd.s32 $0x1580, s0;
	[sflag:s8] =	ssyncadd.s32 $0xFFFFE000  }
0xb8: {  	[spmem:s2] =	stream.indirect.scatter.add.f32 [tilespmem:s28], [sflag:$0x7], $0x80, s7, s24, $0xb8;
	[tilespmem:$0x1E800] =	vst v63  }
0xb9: {  	_ =	swait.ge [sflag:s10], $0x2000  }
0xba: {  	[sflag:s10] =	ssyncset.done $0x0  }
.Ltmp1:
0xbb: {  	s7 =	sadd.s32 $0x240, s0;
	[sflag:s10] =	ssyncadd.s32 $0xFFFFE000;
	(pc) =	sbr.rel @p0 .LBB2_4-.Ltmp1, $4  }
0xbc: {  	[tilespmem:s25], [sflag:$0x2] =	stream.indirect.gather [hbm4b:s4+s24], $0x80, s7, s24, $0xb8;
	[tilespmem:$0x1E800] =	vst v63  }
0xbd: {  	_ =	swait.ge [sflag:s12], $0x2000  }
0xbe: {  	[sflag:s12] =	ssyncset.done $0x0  }
0xbf: {  	s0 =	sadd.s32 $0x15C0, s0;
	[sflag:s12] =	ssyncadd.s32 $0xFFFFE000  }
0xc0: {  	[spmem:s2] =	stream.indirect.scatter.add.f32 [tilespmem:s31], [sflag:$0x8], $0x80, s0, s24, $0xb8;
	[tilespmem:$0x1E800] =	vst v63  }
0xc1: {  	_ =	swait.ge [sflag:s14], $0x2000  }
0xc2: {  	[sflag:s14] =	ssyncset.done $0x0  }
0xc3: {  	[sflag:s14] =	ssyncadd.s32 $0xFFFFE000  }
0xc4: {  	[tilespmem:s28], [sflag:$0x3] =	stream.indirect.gather [hbm4b:s4+s24], $0x80, s16, s24, $0xb8;
	[tilespmem:$0x1E800] =	vst v63  }
0xc5: {  	_ =	swait.ge [sflag:s29], $0x2000  }
0xc6: {  	[sflag:s29] =	ssyncset.done $0x0  }
0xc7: {  	[sflag:s29] =	ssyncadd.s32 $0xFFFFE000  }
0xc8: {  	[spmem:s2] =	stream.indirect.scatter.add.f32 [tilespmem:s21], [sflag:$0x5], $0x80, s17, s24, $0xb8;
	[tilespmem:$0x1E800] =	vst v63  }
0xc9: {  	_ =	swait.ge [sflag:s15], $0x2000  }
0xca: {  	[sflag:s15] =	ssyncset.done $0x0  }
0xcb: {  	[sflag:s15] =	ssyncadd.s32 $0xFFFFE000  }
0xcc: {  	[tilespmem:s31], [sflag:$0x4] =	stream.indirect.gather [hbm4b:s4+s24], $0x80, s26, s24, $0xb8;
	[tilespmem:$0x1E800] =	vst v63  }
0xcd: {  	_ =	swait.ge [sflag:s1], $0x2000  }
0xce: {  	[sflag:s1] =	ssyncset.done $0x0  }
0xcf: {  	[sflag:s1] =	ssyncadd.s32 $0xFFFFE000  }
0xd0: {  	[spmem:s2] =	stream.indirect.scatter.add.f32 [tilespmem:s25], [sflag:$0x6], $0x80, s18, s24, $0xb8;
	[tilespmem:$0x1E800] =	vst v63  }
0xd1: {  	_ =	swait.ge [sflag:s6], $0x2000  }
0xd2: {  	[sflag:s6] =	ssyncset.done $0x0  }
0xd3: {  	[sflag:s6] =	ssyncadd.s32 $0xFFFFE000  }
0xd4: {  	_ =	swait.ge [sflag:s8], $0x2000  }
0xd5: {  	[sflag:s8] =	ssyncset.done $0x0  }
0xd6: {  	[sflag:s8] =	ssyncadd.s32 $0xFFFFE000  }
0xd7: {  	[spmem:s2] =	stream.indirect.scatter.add.f32 [tilespmem:s28], [sflag:$0x7], $0x80, s19, s24, $0xb8;
	[tilespmem:$0x1E800] =	vst v63  }
0xd8: {  	_ =	swait.ge [sflag:s10], $0x2000  }
0xd9: {  	[sflag:s10] =	ssyncset.done $0x0  }
0xda: {  	[sflag:s10] =	ssyncadd.s32 $0xFFFFE000  }
0xdb: {  	_ =	swait.ge [sflag:s12], $0x2000  }
0xdc: {  	[sflag:s12] =	ssyncset.done $0x0  }
0xdd: {  	[sflag:s12] =	ssyncadd.s32 $0xFFFFE000  }
0xde: {  	[spmem:s2] =	stream.indirect.scatter.add.f32 [tilespmem:s31], [sflag:$0x8], $0x80, s20, s24, $0xb8;
	[tilespmem:$0x1E800] =	vst v63  }
0xdf: {  	_ =	swait.ge [sflag:s14], $0x2000  }
0xe0: {  	[sflag:s14] =	ssyncset.done $0x0  }
0xe1: {  	[sflag:s14] =	ssyncadd.s32 $0xFFFFE000  }
0xe2: {  	_ =	swait.ge [sflag:s15], $0x2000  }
0xe3: {  	[sflag:s15] =	ssyncset.done $0x0  }
0xe4: {  	s0 =	simm.s32 $0x0;
	s7 =	rddreg [dreg:$0xf];
	[sflag:s15] =	ssyncadd.s32 $0xFFFFE000  }
0xe5: {  	[tilespmem:s0], [sflag:$0x9] =	stream.linear.gather [hbm4b:s7+s0], $0x1400, $0x38;
	[tilespmem:$0x1E800] =	vst v63  }
0xe6: {  	_ =	swait.ge [sflag:s22], $0x1400  }
0xe7: {  	[sflag:s22] =	ssyncset.done $0x0  }
0xe8: {  	s7 =	rddreg [dreg:$0x10];
	[sflag:s22] =	ssyncadd.s32 $0xFFFFEC00  }
0xe9: {  	[tilespmem:s23], [sflag:$0x9] =	stream.linear.gather [hbm4b:s7+s0], $0x1400, $0x38;
	[tilespmem:$0x1E800] =	vst v63  }
0xea: {  	_ =	swait.ge [sflag:s22], $0x1400  }
0xeb: {  	[sflag:s22] =	ssyncset.done $0x0  }
0xec: {  	[sflag:s22] =	ssyncadd.s32 $0xFFFFEC00  }
0xed: {  	[tilespmem:s21], [sflag:$0x1] =	stream.indirect.gather [hbm4b:s4+s24], $0x80, s0, s24, $0xb8;
	[tilespmem:$0x1E800] =	vst v63  }
0xee: {  	_ = 	snop  }
0xef: {  	[tilespmem:s25], [sflag:$0x2] =	stream.indirect.gather [hbm4b:s4+s24], $0x80, s24, s24, $0xb8;
	[tilespmem:$0x1E800] =	vst v63  }
0xf0: {  	s7 =	simm.s32 $0x80  }
0xf1: {  	[tilespmem:s28], [sflag:$0x3] =	stream.indirect.gather [hbm4b:s4+s24], $0x80, s7, s24, $0xb8;
	[tilespmem:$0x1E800] =	vst v63  }
0xf2: {  	_ =	swait.ge [sflag:s29], $0x2000  }
0xf3: {  	[sflag:s29] =	ssyncset.done $0x0  }
0xf4: {  	[sflag:s29] =	ssyncadd.s32 $0xFFFFE000  }
0xf5: {  	[spmem:s2] =	stream.indirect.scatter.add.f32 [tilespmem:s21], [sflag:$0x5], $0x80, s23, s24, $0xb8;
	[tilespmem:$0x1E800] =	vst v63  }
0xf6: {  	s7 =	simm.s32 $0xC0  }
0xf7: {  	[tilespmem:s31], [sflag:$0x4] =	stream.indirect.gather [hbm4b:s4+s24], $0x80, s7, s24, $0xb8;
	[tilespmem:$0x1E800] =	vst v63  }
0xf8: {  	_ =	swait.ge [sflag:s1], $0x2000  }
0xf9: {  	[sflag:s1] =	ssyncset.done $0x0  }
0xfa: {  	s7 =	simm.s32 $0x1440;
	[sflag:s1] =	ssyncadd.s32 $0xFFFFE000  }
0xfb: {  	[spmem:s2] =	stream.indirect.scatter.add.f32 [tilespmem:s25], [sflag:$0x6], $0x80, s7, s24, $0xb8;
	[tilespmem:$0x1E800] =	vst v63  }
0xfc: {  	_ =	swait.ge [sflag:s6], $0x2000  }
0xfd: {  	[sflag:s6] =	ssyncset.done $0x0  }
0xfe: {  	s7 =	simm.s32 $0x100;
	[sflag:s6] =	ssyncadd.s32 $0xFFFFE000  }
0xff: {  	[tilespmem:s21], [sflag:$0x1] =	stream.indirect.gather [hbm4b:s4+s24], $0x80, s7, s24, $0xb8;
	[tilespmem:$0x1E800] =	vst v63  }
0x100: {  	_ =	swait.ge [sflag:s8], $0x2000  }
0x101: {  	[sflag:s8] =	ssyncset.done $0x0  }
0x102: {  	[sflag:s8] =	ssyncadd.s32 $0xFFFFE000  }
0x103: {  	[spmem:s2] =	stream.indirect.scatter.add.f32 [tilespmem:s28], [sflag:$0x7], $0x80, s9, s24, $0xb8;
	[tilespmem:$0x1E800] =	vst v63  }
0x104: {  	_ =	swait.ge [sflag:s10], $0x2000  }
0x105: {  	[sflag:s10] =	ssyncset.done $0x0  }
0x106: {  	[sflag:s10] =	ssyncadd.s32 $0xFFFFE000  }
0x107: {  	[tilespmem:s25], [sflag:$0x2] =	stream.indirect.gather [hbm4b:s4+s24], $0x80, s11, s24, $0xb8;
	[tilespmem:$0x1E800] =	vst v63  }
0x108: {  	_ =	swait.ge [sflag:s12], $0x2000  }
0x109: {  	[sflag:s12] =	ssyncset.done $0x0  }
0x10a: {  	[sflag:s12] =	ssyncadd.s32 $0xFFFFE000  }
0x10b: {  	[spmem:s2] =	stream.indirect.scatter.add.f32 [tilespmem:s31], [sflag:$0x8], $0x80, s13, s24, $0xb8;
	[tilespmem:$0x1E800] =	vst v63  }
0x10c: {  	_ =	swait.ge [sflag:s14], $0x2000  }
0x10d: {  	[sflag:s14] =	ssyncset.done $0x0  }
0x10e: {  	s7 =	simm.s32 $0x180;
	[sflag:s14] =	ssyncadd.s32 $0xFFFFE000  }
0x10f: {  	[tilespmem:s28], [sflag:$0x3] =	stream.indirect.gather [hbm4b:s4+s24], $0x80, s7, s24, $0xb8;
	[tilespmem:$0x1E800] =	vst v63  }
0x110: {  	_ =	swait.ge [sflag:s29], $0x2000  }
0x111: {  	[sflag:s29] =	ssyncset.done $0x0  }
0x112: {  	s7 =	simm.s32 $0x1500;
	[sflag:s29] =	ssyncadd.s32 $0xFFFFE000  }
0x113: {  	[spmem:s2] =	stream.indirect.scatter.add.f32 [tilespmem:s21], [sflag:$0x5], $0x80, s7, s24, $0xb8;
	[tilespmem:$0x1E800] =	vst v63  }
0x114: {  	_ =	swait.ge [sflag:s15], $0x2000  }
0x115: {  	[sflag:s15] =	ssyncset.done $0x0  }
0x116: {  	s7 =	simm.s32 $0x1C0;
	[sflag:s15] =	ssyncadd.s32 $0xFFFFE000  }
0x117: {  	[tilespmem:s31], [sflag:$0x4] =	stream.indirect.gather [hbm4b:s4+s24], $0x80, s7, s24, $0xb8;
	[tilespmem:$0x1E800] =	vst v63  }
0x118: {  	_ =	swait.ge [sflag:s1], $0x2000  }
0x119: {  	[sflag:s1] =	ssyncset.done $0x0  }
0x11a: {  	s7 =	simm.s32 $0x1540;
	[sflag:s1] =	ssyncadd.s32 $0xFFFFE000  }
0x11b: {  	[spmem:s2] =	stream.indirect.scatter.add.f32 [tilespmem:s25], [sflag:$0x6], $0x80, s7, s24, $0xb8;
	[tilespmem:$0x1E800] =	vst v63  }
0x11c: {  	_ =	swait.ge [sflag:s6], $0x2000  }
0x11d: {  	[sflag:s6] =	ssyncset.done $0x0  }
0x11e: {  	s7 =	simm.s32 $0x200;
	[sflag:s6] =	ssyncadd.s32 $0xFFFFE000  }
0x11f: {  	[tilespmem:s21], [sflag:$0x1] =	stream.indirect.gather [hbm4b:s4+s24], $0x80, s7, s24, $0xb8;
	[tilespmem:$0x1E800] =	vst v63  }
0x120: {  	_ =	swait.ge [sflag:s8], $0x2000  }
0x121: {  	[sflag:s8] =	ssyncset.done $0x0  }
0x122: {  	s7 =	simm.s32 $0x1580;
	[sflag:s8] =	ssyncadd.s32 $0xFFFFE000  }
0x123: {  	[spmem:s2] =	stream.indirect.scatter.add.f32 [tilespmem:s28], [sflag:$0x7], $0x80, s7, s24, $0xb8;
	[tilespmem:$0x1E800] =	vst v63  }
0x124: {  	_ =	swait.ge [sflag:s10], $0x2000  }
0x125: {  	[sflag:s10] =	ssyncset.done $0x0  }
0x126: {  	s7 =	simm.s32 $0x240;
	[sflag:s10] =	ssyncadd.s32 $0xFFFFE000  }
0x127: {  	[tilespmem:s25], [sflag:$0x2] =	stream.indirect.gather [hbm4b:s4+s24], $0x80, s7, s24, $0xb8;
	[tilespmem:$0x1E800] =	vst v63  }
0x128: {  	_ =	swait.ge [sflag:s12], $0x2000  }
0x129: {  	[sflag:s12] =	ssyncset.done $0x0  }
0x12a: {  	s30 =	simm.s32 $0x400;
	s0 =	simm.s32 $0x15C0;
	[sflag:s12] =	ssyncadd.s32 $0xFFFFE000  }
.LBB2_6:
0x12b: {  	[spmem:s2] =	stream.indirect.scatter.add.f32 [tilespmem:s31], [sflag:$0x8], $0x80, s0, s24, $0xb8;
	[tilespmem:$0x1E800] =	vst v63  }
0x12c: {  	s0 =	smov.u32 s30  }
0x12d: {  	p0 =	sne.s32 s30, $0x4400;
	s30 =	sadd.s32 $0x400, s30;
	_ =	swait.ge [sflag:s14], $0x2000  }
0x12e: {  	s0 =	sshra.s32 s0, $0x2;
	[sflag:s14] =	ssyncset.done $0x0  }
0x12f: {  	s7 =	sadd.s32 $0x180, s0;
	[sflag:s14] =	ssyncadd.s32 $0xFFFFE000  }
0x130: {  	[tilespmem:s28], [sflag:$0x3] =	stream.indirect.gather [hbm4b:s4+s24], $0x80, s7, s24, $0xb8;
	[tilespmem:$0x1E800] =	vst v63  }
0x131: {  	_ =	swait.ge [sflag:s29], $0x2000  }
0x132: {  	[sflag:s29] =	ssyncset.done $0x0  }
0x133: {  	s7 =	sadd.s32 $0x1500, s0;
	[sflag:s29] =	ssyncadd.s32 $0xFFFFE000  }
0x134: {  	[spmem:s2] =	stream.indirect.scatter.add.f32 [tilespmem:s21], [sflag:$0x5], $0x80, s7, s24, $0xb8;
	[tilespmem:$0x1E800] =	vst v63  }
0x135: {  	_ =	swait.ge [sflag:s15], $0x2000  }
0x136: {  	[sflag:s15] =	ssyncset.done $0x0  }
0x137: {  	s7 =	sadd.s32 $0x1C0, s0;
	[sflag:s15] =	ssyncadd.s32 $0xFFFFE000  }
0x138: {  	[tilespmem:s31], [sflag:$0x4] =	stream.indirect.gather [hbm4b:s4+s24], $0x80, s7, s24, $0xb8;
	[tilespmem:$0x1E800] =	vst v63  }
0x139: {  	_ =	swait.ge [sflag:s1], $0x2000  }
0x13a: {  	[sflag:s1] =	ssyncset.done $0x0  }
0x13b: {  	s7 =	sadd.s32 $0x1540, s0;
	[sflag:s1] =	ssyncadd.s32 $0xFFFFE000  }
0x13c: {  	[spmem:s2] =	stream.indirect.scatter.add.f32 [tilespmem:s25], [sflag:$0x6], $0x80, s7, s24, $0xb8;
	[tilespmem:$0x1E800] =	vst v63  }
0x13d: {  	_ =	swait.ge [sflag:s6], $0x2000  }
0x13e: {  	[sflag:s6] =	ssyncset.done $0x0  }
0x13f: {  	s7 =	sadd.s32 $0x200, s0;
	[sflag:s6] =	ssyncadd.s32 $0xFFFFE000  }
0x140: {  	[tilespmem:s21], [sflag:$0x1] =	stream.indirect.gather [hbm4b:s4+s24], $0x80, s7, s24, $0xb8;
	[tilespmem:$0x1E800] =	vst v63  }
0x141: {  	_ =	swait.ge [sflag:s8], $0x2000  }
0x142: {  	[sflag:s8] =	ssyncset.done $0x0  }
0x143: {  	s7 =	sadd.s32 $0x1580, s0;
	[sflag:s8] =	ssyncadd.s32 $0xFFFFE000  }
0x144: {  	[spmem:s2] =	stream.indirect.scatter.add.f32 [tilespmem:s28], [sflag:$0x7], $0x80, s7, s24, $0xb8;
	[tilespmem:$0x1E800] =	vst v63  }
0x145: {  	_ =	swait.ge [sflag:s10], $0x2000  }
0x146: {  	[sflag:s10] =	ssyncset.done $0x0  }
.Ltmp2:
0x147: {  	s7 =	sadd.s32 $0x240, s0;
	[sflag:s10] =	ssyncadd.s32 $0xFFFFE000;
	(pc) =	sbr.rel @p0 .LBB2_6-.Ltmp2, $4  }
0x148: {  	[tilespmem:s25], [sflag:$0x2] =	stream.indirect.gather [hbm4b:s4+s24], $0x80, s7, s24, $0xb8;
	[tilespmem:$0x1E800] =	vst v63  }
0x149: {  	_ =	swait.ge [sflag:s12], $0x2000  }
0x14a: {  	[sflag:s12] =	ssyncset.done $0x0  }
0x14b: {  	s0 =	sadd.s32 $0x15C0, s0;
	[sflag:s12] =	ssyncadd.s32 $0xFFFFE000  }
0x14c: {  	[spmem:s2] =	stream.indirect.scatter.add.f32 [tilespmem:s31], [sflag:$0x8], $0x80, s0, s24, $0xb8;
	[tilespmem:$0x1E800] =	vst v63  }
0x14d: {  	_ =	swait.ge [sflag:s14], $0x2000  }
0x14e: {  	[sflag:s14] =	ssyncset.done $0x0  }
0x14f: {  	[sflag:s14] =	ssyncadd.s32 $0xFFFFE000  }
0x150: {  	[tilespmem:s28], [sflag:$0x3] =	stream.indirect.gather [hbm4b:s4+s24], $0x80, s16, s24, $0xb8;
	[tilespmem:$0x1E800] =	vst v63  }
0x151: {  	_ =	swait.ge [sflag:s29], $0x2000  }
0x152: {  	[sflag:s29] =	ssyncset.done $0x0  }
0x153: {  	[sflag:s29] =	ssyncadd.s32 $0xFFFFE000  }
0x154: {  	[spmem:s2] =	stream.indirect.scatter.add.f32 [tilespmem:s21], [sflag:$0x5], $0x80, s17, s24, $0xb8;
	[tilespmem:$0x1E800] =	vst v63  }
0x155: {  	_ =	swait.ge [sflag:s15], $0x2000  }
0x156: {  	[sflag:s15] =	ssyncset.done $0x0  }
0x157: {  	[sflag:s15] =	ssyncadd.s32 $0xFFFFE000  }
0x158: {  	[tilespmem:s31], [sflag:$0x4] =	stream.indirect.gather [hbm4b:s4+s24], $0x80, s26, s24, $0xb8;
	[tilespmem:$0x1E800] =	vst v63  }
0x159: {  	_ =	swait.ge [sflag:s1], $0x2000  }
0x15a: {  	[sflag:s1] =	ssyncset.done $0x0  }
0x15b: {  	[sflag:s1] =	ssyncadd.s32 $0xFFFFE000  }
0x15c: {  	[spmem:s2] =	stream.indirect.scatter.add.f32 [tilespmem:s25], [sflag:$0x6], $0x80, s18, s24, $0xb8;
	[tilespmem:$0x1E800] =	vst v63  }
0x15d: {  	_ =	swait.ge [sflag:s6], $0x2000  }
0x15e: {  	[sflag:s6] =	ssyncset.done $0x0  }
0x15f: {  	[sflag:s6] =	ssyncadd.s32 $0xFFFFE000  }
0x160: {  	_ =	swait.ge [sflag:s8], $0x2000  }
0x161: {  	[sflag:s8] =	ssyncset.done $0x0  }
0x162: {  	[sflag:s8] =	ssyncadd.s32 $0xFFFFE000  }
0x163: {  	[spmem:s2] =	stream.indirect.scatter.add.f32 [tilespmem:s28], [sflag:$0x7], $0x80, s19, s24, $0xb8;
	[tilespmem:$0x1E800] =	vst v63  }
0x164: {  	_ =	swait.ge [sflag:s10], $0x2000  }
0x165: {  	[sflag:s10] =	ssyncset.done $0x0  }
0x166: {  	[sflag:s10] =	ssyncadd.s32 $0xFFFFE000  }
0x167: {  	_ =	swait.ge [sflag:s12], $0x2000  }
0x168: {  	[sflag:s12] =	ssyncset.done $0x0  }
0x169: {  	[sflag:s12] =	ssyncadd.s32 $0xFFFFE000  }
0x16a: {  	[spmem:s2] =	stream.indirect.scatter.add.f32 [tilespmem:s31], [sflag:$0x8], $0x80, s20, s24, $0xb8;
	[tilespmem:$0x1E800] =	vst v63  }
0x16b: {  	_ =	swait.ge [sflag:s14], $0x2000  }
0x16c: {  	[sflag:s14] =	ssyncset.done $0x0  }
0x16d: {  	[sflag:s14] =	ssyncadd.s32 $0xFFFFE000  }
0x16e: {  	_ =	swait.ge [sflag:s15], $0x2000  }
0x16f: {  	[sflag:s15] =	ssyncset.done $0x0  }
0x170: {  	s7 =	stileid.u32;
	[sflag:s15] =	ssyncadd.s32 $0xFFFFE000  }
0x171: {  	s0 =	sshll.u32 s7, $0x6;
	[bflag:$0x0] =	sbarrier.arrive $0xFFFF  }
0x172: {  	s7 =	sshrl.u32 s5, $0x3;
	s0 =	sor.u32 $0x1C09, s0;
	s30 =	rddreg [dreg:$0x11]  }
0x173: {  	[hbm:s30], [sflag:s0] =	dma.local [spmem:s7], $0x2800  }
0x174: {  	_ =	swait.ge [sflag:s22], $0x2800  }
0x175: {  	s3 =	sadd.s32 $0x1, s3;
	s30 =	rddreg [dreg:$0x12]  }
0x176: {  	p0 =	sne.s32 s3, s30  }
.Ltmp3:
0x177: {  	_ = 	snop;
	(pc) =	sbr.rel @p0 .LBB2_1-.Ltmp3, $3  }
0x178: {  	_ =	sdelay $0x1  }
0x179: {  	[sflag:s22] =	ssyncset.done $0x0  }
0x17a: {  	[sflag:s22] =	ssyncadd.s32 $0xFFFFD800  }
0x17b: {  	_ =	sfence.sel $0x180000  }
0x17c: {  	[bflag:$0x0] =	sbarrier.arrive $0xFFFF  }
0x17d: {  	_ =	strace $0x9000004A  }
0x17e: {  	s0 =	stileid.u32;
	[bflag:$0x2] =	sbarrier.arrive $0xFFFF  }
0x17f: {  	p0 =	sne.s32 s0, $0x0;
	s0 =	rddreg [dreg:$0x3]  }
0x180: {  	s0 =	sadd.s32 @!p0 $0x100000, s0  }
0x181: {  	[sflag:s0] =	ssyncadd.tile.s32 @!p0 $0x1;
	_ =	shalt  }
.Lfunc_end2:
_tile_overlayer_lowered:
.L_overlay_start_2:
0x182: {  	(tag) =	ssettag $0x2  }
0x183: {  	s0 =	rddreg [dreg:$0x0];
	s2 =	stileid.u32  }
0x184: {  	s1 =	rddreg [dreg:$0x1];
	p0 =	sne.s32 s2, $0x0  }
0x185: {  	s3 =	rddreg [dreg:$0x2];
	[bflag:$0x3] =	sbarrier.arrive $0xFFFF;
	s2 =	simm.s32 @!p0 $0x1C09  }
0x186: {  	[timem:s3], [sflag:s2] =	dma.local @!p0 [hbm:s0], s1  }
0x187: {  	s0 =	simm.s32 @!p0 $0x9  }
0x188: {  	_ =	swait.ge @!p0 [sflag:s0], s1  }
0x189: {  	s1 =	ssub.s32 @!p0 $0x0, s1;
	[sflag:s0] =	ssyncset.done @!p0 $0x0  }
0x18a: {  	[sflag:s0] =	ssyncadd.s32 @!p0 s1  }
0x18b: {  	[bflag:$0x3] =	sbarrier.arrive $0xFFFF  }
0x18c: {  	_ =	shalt  }

// kernel: kernel.14.cloned.1.call-start
scs
__scs_entry_jumppad:
0x0: {  	(pc) =	sbr.rel $0x88, $3  }
0x1: {  	(tag) =	ssettag $0x0;
	lr =	simm.s32 $0x1  }
0x2: {  	[smem:$0x3F9D] =	sst lr;
	_ =	strace $0xD0000000  }
0x3: {  	_ = 	snop  }
0x4: {  	_ = 	snop  }
0x5: {  	_ = 	snop  }
0x6: {  	_ = 	snop  }
0x7: {  	_ = 	snop  }
__scs_overlays_trampoline_lowered:
0x8: {  	[smem:$0x3FAC] =	sst s0  }
0x9: {  	[smem:$0x3FAD] =	sst s1  }
0xa: {  	[smem:$0x3FAE] =	sst s2  }
0xb: {  	[smem:$0x3FAF] =	sst s3  }
0xc: {  	[smem:$0x3FB0] =	sst s4  }
0xd: {  	[smem:$0x3FB1] =	sst s5  }
0xe: {  	[smem:$0x3FB2] =	sst s6  }
0xf: {  	[smem:$0x3FB3] =	sst s7  }
0x10: {  	[smem:$0x3FB4] =	sst s8  }
0x11: {  	[smem:$0x3FB5] =	sst s9;
	s0 =	simm.s32 @!p0 $0x0  }
0x12: {  	s1 =	sld [smem:$0x3F9B];
	s0 =	simm.s32 @p0 $0x1  }
0x13: {  	[smem:$0x3FB6] =	sst s0;
	s0 =	simm.s32 @!p1 $0x0  }
0x14: {  	s2 =	sld [smem:$0x3F9A];
	s0 =	simm.s32 @p1 $0x1  }
0x15: {  	[smem:$0x3FB7] =	sst s0;
	s0 =	simm.s32 @!p2 $0x0  }
0x16: {  	s3 =	sld [smem:$0x3FDB];
	s0 =	simm.s32 @p2 $0x1  }
0x17: {  	s4 =	simm.s32 $0x1BF5;
	[smem:$0x3FB9] =	sst s0  }
0x18: {  	s0 =	sld [smem:$0x3F9C];
	_ =	swait.ge [sflag:s4], $0x0  }
0x19: {  	s7 =	sld [smem:$0x3F9D]  }
0x1a: {  	s8 =	sadd.s32 $0xFFFFE003, lr  }
0x1b: {  	s9 =	sadd.s32 $0xFFFFFEF7, lr;
	s5 =	simm.s32 $0xFFFFFFFF;
	p2 =	slt.u32 s8, $0xFFFFF086  }
0x1c: {  	p1 =	slt.u32 s9, $0xF7A;
	s5 =	simm.s32 @!p2 $0x0  }
0x1d: {  	s5 =	simm.s32 @p1 $0x1;
	p0 =	seq.s32 s7, s2  }
0x1e: {  	s7 =	smul.u32 @!p0 $0xF7A, s2;
	p2 =	seq.s32 @!p0 s5, $0x0  }
0x1f: {  	s9 =	smul.u32 $0xF7A, s1;
	s8 =	simm.s32 @!p0 $0x1BF5;
	p2 =	por !p2, p0  }
0x20: {  	[sflag:s8] =	ssyncset.s32 @!p0 $0xFFFFF086;
	s6 =	sadd.s32 @!p0 s3, s7;
	s7 =	simm.s32 @!p0 $0x108  }
0x21: {  	s3 =	sadd.s32 s3, s9;
	s6 =	sadd.s32 @!p0 $0x88, s6;
	s7 =	simm.s32 @p2 $0x1082  }
0x22: {  	[simem:s7], [sflag:s8] =	dma.local @!p0 [hbm:s6], $0xF7A  }
0x23: {  	s9 =	sor.u32 $0xD0000000, s2;
	s6 =	simm.s32 $0x108;
	_ =	swait.ge @!p0 [sflag:s8], $0x0  }
0x24: {  	s3 =	sadd.s32 $0x88, s3;
	s6 =	simm.s32 @!p1 $0x1082;
	[sflag:s4] =	ssyncset.s32 $0xFFFFF086  }
0x25: {  	[simem:s6], [sflag:s4] =	dma.local [hbm:s3], $0xF7A  }
0x26: {  	[smem:$0x3F9D] =	sst s1;
	(tag) =	ssettag s2;
	_ =	strace s9  }
0x27: {  	s1 =	sld [smem:$0x3FAD]  }
0x28: {  	s2 =	sld [smem:$0x3FAE]  }
0x29: {  	s4 =	sld [smem:$0x3FB0]  }
0x2a: {  	p0 =	seq.s32 s5, $0x0;
	s5 =	sld [smem:$0x3FB1]  }
0x2b: {  	s6 =	sld [smem:$0x3FB2]  }
0x2c: {  	s7 =	sld [smem:$0x3FB3]  }
0x2d: {  	s3 =	simm.s32 $0x108;
	s8 =	sld [smem:$0x3FB4]  }
0x2e: {  	s3 =	simm.s32 @!p0 $0x1082;
	s9 =	sld [smem:$0x3FB5]  }
0x2f: {  	lr =	sadd.s32 s0, s3;
	s0 =	sld [smem:$0x3FAC]  }
0x30: {  	s3 =	sld [smem:$0x3FAF]  }
0x31: {  	[smem:$0x3FB8] =	sst s10  }
0x32: {  	s10 =	sld [smem:$0x3FB6];
	_ =	sdelay $0x3  }
0x33: {  	p0 =	seq.s32 s10, $0x1;
	s10 =	sld [smem:$0x3FB8];
	_ =	sdelay $0x3  }
0x34: {  	[smem:$0x3FB8] =	sst s10  }
0x35: {  	s10 =	sld [smem:$0x3FB7];
	_ =	sdelay $0x3  }
0x36: {  	p1 =	seq.s32 s10, $0x1;
	s10 =	sld [smem:$0x3FB8];
	_ =	sdelay $0x3  }
0x37: {  	[smem:$0x3FB8] =	sst s10  }
0x38: {  	s10 =	sld [smem:$0x3FB9]  }
0x39: {  	_ = 	snop;
	(pc) =	sbr.ind lr, $3  }
0x3a: {  	_ = 	snop  }
0x3b: {  	_ = 	snop  }
0x3c: {  	p2 =	seq.s32 s10, $0x1;
	s10 =	sld [smem:$0x3FB8]  }
0x3d: {  	_ =	shalt  }
0x3e: {  	_ =	shalt  }
0x3f: {  	_ =	shalt  }
0x40: {  	_ =	shalt  }
0x41: {  	_ =	shalt  }
0x42: {  	_ =	shalt  }
0x43: {  	_ =	shalt  }
0x44: {  	_ =	shalt  }
0x45: {  	_ =	shalt  }
0x46: {  	_ =	shalt  }
0x47: {  	_ =	shalt  }
0x48: {  	_ =	shalt  }
0x49: {  	_ =	shalt  }
0x4a: {  	_ =	shalt  }
0x4b: {  	_ =	shalt  }
0x4c: {  	_ =	shalt  }
0x4d: {  	_ =	shalt  }
0x4e: {  	_ =	shalt  }
0x4f: {  	_ =	shalt  }
0x50: {  	_ =	shalt  }
0x51: {  	_ =	shalt  }
0x52: {  	_ =	shalt  }
0x53: {  	_ =	shalt  }
0x54: {  	_ =	shalt  }
0x55: {  	_ =	shalt  }
0x56: {  	_ =	shalt  }
0x57: {  	_ =	shalt  }
0x58: {  	_ =	shalt  }
0x59: {  	_ =	shalt  }
0x5a: {  	_ =	shalt  }
0x5b: {  	_ =	shalt  }
0x5c: {  	_ =	shalt  }
0x5d: {  	_ =	shalt  }
0x5e: {  	_ =	shalt  }
0x5f: {  	_ =	shalt  }
0x60: {  	_ =	shalt  }
0x61: {  	_ =	shalt  }
0x62: {  	_ =	shalt  }
0x63: {  	_ =	shalt  }
0x64: {  	_ =	shalt  }
0x65: {  	_ =	shalt  }
0x66: {  	_ =	shalt  }
0x67: {  	_ =	shalt  }
0x68: {  	_ =	shalt  }
0x69: {  	_ =	shalt  }
0x6a: {  	_ =	shalt  }
0x6b: {  	_ =	shalt  }
0x6c: {  	_ =	shalt  }
0x6d: {  	_ =	shalt  }
0x6e: {  	_ =	shalt  }
0x6f: {  	_ =	shalt  }
0x70: {  	_ =	shalt  }
0x71: {  	_ =	shalt  }
0x72: {  	_ =	shalt  }
0x73: {  	_ =	shalt  }
0x74: {  	_ =	shalt  }
0x75: {  	_ =	shalt  }
0x76: {  	_ =	shalt  }
0x77: {  	_ =	shalt  }
0x78: {  	_ =	shalt  }
0x79: {  	_ =	shalt  }
0x7a: {  	_ =	shalt  }
0x7b: {  	_ =	shalt  }
0x7c: {  	_ =	shalt  }
0x7d: {  	_ =	shalt  }
0x7e: {  	_ =	shalt  }
0x7f: {  	_ =	shalt  }
0x80: {  	_ =	shalt  }
0x81: {  	_ =	shalt  }
0x82: {  	_ =	shalt  }
0x83: {  	_ =	shalt  }
0x84: {  	_ =	shalt  }
0x85: {  	_ =	shalt  }
0x86: {  	_ =	shalt  }
0x87: {  	_ =	shalt  }
.Lfunc_end0:
.L_simem_size_0:
called_computation.2_lowered:
.L_overlay_start_0:
0x88: {  	s2 =	sld [smem:$0x3FD9]  }
0x89: {  	s3 =	sld [smem:$0x3FFE];
	_ =	sdelay $0x1  }
0x8a: {  	s1 =	srdreg.scid  }
0x8b: {  	s0 =	sand.u32 $0x1, s1  }
0x8c: {  	s17 =	sshll.u32 s0, $0xA;
	s2 =	sadd.s32 s3, s2  }
0x8d: {  	s2 =	sadd.s32 s2, s17  }
0x8e: {  	[smem:$0x3FC4] =	sst s2  }
0x8f: {  	_ = 	snop  }
0x90: {  	s2 =	sld [smem:$0x3FD0];
	(tm) =	ssettm $0x1  }
0x91: {  	s18 =	sld [smem:$0x3FFB];
	_ =	sdelay $0x3  }
0x92: {  	_ =	strace s18  }
0x93: {  	s3 =	sld [smem:$0x3FFC];
	_ =	sdelay $0x3  }
0x94: {  	_ =	strace s3  }
0x95: {  	s3 =	sld [smem:$0x3FFD];
	_ =	sdelay $0x3  }
0x96: {  	_ =	strace s3  }
0x97: {  	_ =	strace $0x8FFFFFFF  }
0x98: {  	s19 =	sld [smem:$0x3FDB];
	_ =	sdelay $0x1  }
0x99: {  	s4 =	simm.s32 $_scs_section_size  }
0x9a: {  	s5 =	simm.s32 $_size__tile_overlayer_lowered;
	s6 =	simm.s32 $_tile_overlayer_lowered  }
0x9b: {  	s22 =	simm.s32 $0x1BFF;
	s21 =	sshll.u32 s6, $0x1;
	s3 =	sadd.s32 s4, s19  }
0x9c: {  	s7 =	simm.s32 $0x0;
	s20 =	sshll.u32 s5, $0x1;
	s5 =	sadd.s32 s21, s3  }
0x9d: {  	[timem:s7], [sflag:s22] =	dma.local [hbm:s5], s20  }
0x9e: {  	_ =	swait.ge [sflag:s22], s20  }
0x9f: {  	s4 =	ssub.s32 $0x0, s20;
	[sflag:s22] =	ssyncset.done $0x0  }
0xa0: {  	[sflag:s22] =	ssyncadd.s32 s4;
	_ =	sdelay $0x1  }
0xa1: {  	s23 =	simm.s32 $0x1B8B  }
0xa2: {  	_ =	swait.ge [sflag:s23], $0x1  }
0xa3: {  	[sflag:s23] =	ssyncset.done $0x0  }
0xa4: {  	s25 =	simm.s32 $0x1B8E;
	s24 =	sld [smem:$0x3FFE];
	[sflag:s23] =	ssyncadd.s32 $0xFFFFFFFF  }
0xa5: {  	s26 =	simm.s32 $execute0_lowered;
	[smem:$0x3FD2] =	sst s25  }
0xa6: {  	s5 =	sshll.u32 s26, $0x1;
	_ =	strace $0x8000004C;
	[dreg:$0x1] =	wrdreg $0xFFFFFFFF  }
0xa7: {  	s28 =	simm.s32 $_size_execute0_lowered;
	s3 =	sadd.s32 s3, s5;
	[dreg:$0x0] =	wrdreg $0x0  }
0xa8: {  	s5 =	sshll.u32 s28, $0x1;
	[dreg:$0x2] =	wrdreg s3  }
0xa9: {  	[dreg:$0x3] =	wrdreg s5  }
0xaa: {  	[dreg:$0x4] =	wrdreg $0xC0  }
0xab: {  	_ =	task [dreg:s7], $0x5FFFF  }
0xac: {  	[dreg:$0x1] =	wrdreg $0xFFFFFFFF  }
0xad: {  	[dreg:$0x0] =	wrdreg $0x60  }
0xae: {  	[dreg:$0x2] =	wrdreg s24  }
0xaf: {  	[dreg:$0x3] =	wrdreg s2  }
0xb0: {  	[dreg:$0x4] =	wrdreg $0x150000  }
0xb1: {  	[dreg:$0x5] =	wrdreg $0x9  }
0xb2: {  	_ =	task.clear_ibuf [dreg:s7], $0x6FFFF;
	_ =	strace $0x9000004C  }
0xb3: {  	s29 =	simm.s32 $0x9;
	_ =	strace $0x8000004E  }
0xb4: {  	_ =	swait.ge [sflag:s29], $0x1  }
0xb5: {  	[sflag:s29] =	ssyncadd.s32 $0xFFFFFFFF  }
0xb6: {  	_ =	strace $0x9000004E  }
0xb7: {  	_ =	sfence  }
0xb8: {  	s30 =	sld [smem:$0x0];
	_ =	sdelay $0x2  }
0xb9: {  	s31 =	sshll.u32 s1, $0xD;
	s1 =	sshrl.u32 s1, $0x2  }
0xba: {  	s3 =	sand.u32 $0x4000, s31;
	s1 =	sadd.s32 s1, s30  }
0xbb: {  	s0 =	sor.u32 s3, s0;
	s1 =	sshll.u32 s1, $0x11  }
0xbc: {  	s0 =	sor.u32 s1, s0  }
0xbd: {  	s0 =	sadd.s32 $0x8F2B, s0  }
0xbe: {  	[sflag:s0] =	ssyncadd.remote.s32 $0x1  }
0xbf: {  	_ =	sfence.sel $0xFFFF  }
0xc0: {  	[dreg:$0x0] =	wrdreg $0xFFFFFFFF;
	(pc) =	sbr.abs _section_cstart, $3  }
0xc1: {  	[dreg:$0x1] =	wrdreg $0xFFFFFFFF  }
0xc2: {  	_ =	task.clear_ibuf [dreg:s7], $0x2FFFF;
	_ =	strace $0x9FFFFFFF  }
0xc3: {  	(tm) =	ssettm $0x7FFFFFFF  }
tec
execute0_lowered:
.L_overlay_start_1:
0x0: {  	(tag) =	ssettag $0x1  }
0x1: {  	s0 =	srdreg.scid  }
0x2: {  	s4 =	stileid.u32;
	s1 =	rddreg [dreg:$0x0]  }
0x3: {  	s5 =	rddreg [dreg:$0x1];
	s14 =	simm.s32 $0x5000;
	s15 =	simm.s32 $0x11  }
0x4: {  	s17 =	simm.s32 $0x80;
	s18 =	simm.s32 $0x7000;
	s20 =	simm.s32 $0x9000  }
0x5: {  	s29 =	simm.s32 $0x11000;
	s30 =	simm.s32 $0x1;
	s19 =	simm.s32 $0x2  }
0x6: {  	s28 =	simm.s32 $0x3;
	s31 =	simm.s32 $0x5;
	s16 =	simm.s32 $0x7  }
0x7: {  	s11 =	simm.s32 $0xF;
	s12 =	simm.s32 $0x10;
	s7 =	smul.u32 $0xA000, s4  }
0x8: {  	s0 =	sand.u32 $0x1, s0;
	s2 =	sshll.u32 s4, $0x1;
	s9 =	smul.u32 $0x28000, s4  }
0x9: {  	s4 =	sadd.s32 $0x15A00, s1;
	s3 =	sor.u32 s0, s2;
	s8 =	smul.u32 $0xA0000, s0  }
0xa: {  	s2 =	rddreg [dreg:$0x2];
	s0 =	ssub.s32 $0x2, s0;
	s6 =	smul.u32 $0x500, s3  }
0xb: {  	s3 =	simm.s32 $0x0;
	s9 =	sshrl.u32 s9, $0x2;
	s21 =	sshrl.u32 s0, $0x1  }
0xc: {  	[smem:$0x7FF] =	sst s3;
	s8 =	sadd.s32 s7, s8;
	s9 =	sadd.s32 s9, s2  }
0xd: {  	s0 =	ssub.s32 s0, s21;
	s7 =	sadd.s32 s7, s2;
	s21 =	simm.s32 $0xA  }
0xe: {  	_ =	strace $0x8000004D;
	[dreg:$0x5] =	wrdreg s7;
	s22 =	sadd.s32 $0x2000, s9  }
0xf: {  	s10 =	sadd.s32 s6, s1;
	s23 =	sadd.s32 $0x4000, s9;
	[dreg:$0x6] =	wrdreg s22  }
0x10: {  	s8 =	sshrl.u32 s8, $0x3;
	s24 =	sadd.s32 $0x6000, s9;
	[dreg:$0x7] =	wrdreg s23  }
0x11: {  	s25 =	sadd.s32 $0x8000, s9;
	s5 =	sadd.s32 s5, s6;
	[dreg:$0x8] =	wrdreg s24  }
0x12: {  	s0 =	smax.u32 s0, $0x1;
	s6 =	simm.s32 $0xC;
	[dreg:$0x9] =	wrdreg s25  }
0x13: {  	s7 =	simm.s32 $0x6;
	s9 =	simm.s32 $0xE;
	[dreg:$0xb] =	wrdreg s5  }
0x14: {  	s1 =	sadd.s32 s8, s1;
	s26 =	sadd.s32 $0xBA00, s10;
	[dreg:$0xd] =	wrdreg s0  }
0x15: {  	s22 =	simm.s32 $0xB000;
	s24 =	simm.s32 $0xD000;
	s23 =	simm.s32 $0x9  }
0x16: {  	s0 =	simm.s32 $0x4;
	s25 =	simm.s32 $0xB;
	s8 =	simm.s32 $0xD  }
0x17: {  	s10 =	simm.s32 $0x8;
	[dreg:$0xa] =	wrdreg s26;
	s1 =	sadd.s32 $0x29A00, s1  }
0x18: {  	v0 =	vimm.f32 $0.0e+00;
	s26 =	simm.s32 $0xF000;
	[dreg:$0xc] =	wrdreg s1;
	s1 =	simm.s32 $0x13000  }
.LBB2_1:
0x19: {  	[dreg:$0x4] =	wrdreg s3;
	s13 =	simm.s32 $0x100;
	s5 =	simm.s32 $0x0  }
.LBB2_2:
0x1a: {  	p0 =	sne.s32 s13, $0x7F00;
	[tilespmem:s5+$0x5030] =	vst v0;
	s3 =	smov.u32 s13;
	s13 =	sadd.s32 $0x100, s13  }
.Ltmp0:
0x1b: {  	[tilespmem:s5+$0x5020] =	vst v0;
	(pc) =	sbr.rel @p0 .LBB2_2-.Ltmp0, $3  }
0x1c: {  	[tilespmem:s5+$0x5000] =	vst v0  }
0x1d: {  	[tilespmem:s5+$0x5010] =	vst v0;
	_ =	sdelay $0x1  }
0x1e: {  	s5 =	sshra.s32 s3, $0x2  }
0x1f: {  	[tilespmem:s5+$0x5030] =	vst v0  }
0x20: {  	[tilespmem:s5+$0x5020] =	vst v0  }
0x21: {  	[tilespmem:s5+$0x5000] =	vst v0  }
0x22: {  	[tilespmem:s5+$0x5010] =	vst v0;
	s3 =	rddreg [dreg:$0x5]  }
0x23: {  	[spmem:s3] =	stream.linear.scatter [tilespmem:s14], [sflag:$0x11], $0x2000, $0x38;
	[tilespmem:$0x1F000] =	vst v63  }
0x24: {  	_ =	swait.ge [sflag:s15], $0x2000  }
0x25: {  	[sflag:s15] =	ssyncset.done $0x0  }
0x26: {  	s13 =	rddreg [dreg:$0x6];
	[sflag:s15] =	ssyncadd.s32 $0xFFFFE000  }
0x27: {  	[spmem:s13] =	stream.linear.scatter [tilespmem:s14], [sflag:$0x11], $0x2000, $0x38;
	[tilespmem:$0x1F000] =	vst v63  }
0x28: {  	_ =	swait.ge [sflag:s15], $0x2000  }
0x29: {  	[sflag:s15] =	ssyncset.done $0x0  }
0x2a: {  	s5 =	rddreg [dreg:$0x7];
	[sflag:s15] =	ssyncadd.s32 $0xFFFFE000  }
0x2b: {  	[spmem:s5] =	stream.linear.scatter [tilespmem:s14], [sflag:$0x11], $0x2000, $0x38;
	[tilespmem:$0x1F000] =	vst v63  }
0x2c: {  	_ =	swait.ge [sflag:s15], $0x2000  }
0x2d: {  	[sflag:s15] =	ssyncset.done $0x0  }
0x2e: {  	s13 =	rddreg [dreg:$0x8];
	[sflag:s15] =	ssyncadd.s32 $0xFFFFE000  }
0x2f: {  	[spmem:s13] =	stream.linear.scatter [tilespmem:s14], [sflag:$0x11], $0x2000, $0x38;
	[tilespmem:$0x1F000] =	vst v63  }
0x30: {  	_ =	swait.ge [sflag:s15], $0x2000  }
0x31: {  	[sflag:s15] =	ssyncset.done $0x0  }
0x32: {  	s5 =	rddreg [dreg:$0x9];
	[sflag:s15] =	ssyncadd.s32 $0xFFFFE000  }
0x33: {  	[spmem:s5] =	stream.linear.scatter [tilespmem:s14], [sflag:$0x11], $0x2000, $0x38;
	[tilespmem:$0x1F000] =	vst v63  }
0x34: {  	_ =	swait.ge [sflag:s15], $0x2000  }
0x35: {  	[sflag:s15] =	ssyncset.done $0x0  }
0x36: {  	[sflag:s15] =	ssyncadd.s32 $0xFFFFE000  }
0x37: {  	[bflag:$0x0] =	sbarrier.arrive $0xFFFF  }
0x38: {  	s3 =	simm.s32 $0x0;
	s13 =	rddreg [dreg:$0xa]  }
0x39: {  	[tilespmem:s3], [sflag:$0x11] =	stream.linear.gather [hbm4b:s13+s3], $0x2800, $0x38;
	[tilespmem:$0x1F000] =	vst v63  }
0x3a: {  	_ =	swait.ge [sflag:s15], $0x2800  }
0x3b: {  	[sflag:s15] =	ssyncset.done $0x0  }
0x3c: {  	s13 =	simm.s32 $0x2800;
	s5 =	rddreg [dreg:$0xb];
	[sflag:s15] =	ssyncadd.s32 $0xFFFFD800  }
0x3d: {  	[tilespmem:s13], [sflag:$0x11] =	stream.linear.gather [hbm4b:s5+s3], $0x2800, $0x38;
	[tilespmem:$0x1F000] =	vst v63  }
0x3e: {  	_ =	swait.ge [sflag:s15], $0x2800  }
0x3f: {  	[sflag:s15] =	ssyncset.done $0x0  }
0x40: {  	[sflag:s15] =	ssyncadd.s32 $0xFFFFD800  }
0x41: {  	[tilespmem:s14], [sflag:$0x1] =	stream.indirect.gather [hbm4b:s4+s17], $0x40, s3, s17, $0xb8;
	[tilespmem:$0x1F000] =	vst v63  }
0x42: {  	_ = 	snop  }
0x43: {  	[tilespmem:s18], [sflag:$0x2] =	stream.indirect.gather [hbm4b:s4+s17], $0x40, s17, s17, $0xb8;
	[tilespmem:$0x1F000] =	vst v63  }
0x44: {  	s5 =	simm.s32 $0x100  }
0x45: {  	[tilespmem:s20], [sflag:$0x3] =	stream.indirect.gather [hbm4b:s4+s17], $0x40, s5, s17, $0xb8;
	[tilespmem:$0x1F000] =	vst v63  }
0x46: {  	s5 =	simm.s32 $0x180  }
0x47: {  	[tilespmem:s22], [sflag:$0x4] =	stream.indirect.gather [hbm4b:s4+s17], $0x40, s5, s17, $0xb8;
	[tilespmem:$0x1F000] =	vst v63  }
0x48: {  	s5 =	simm.s32 $0x200  }
0x49: {  	[tilespmem:s24], [sflag:$0x5] =	stream.indirect.gather [hbm4b:s4+s17], $0x40, s5, s17, $0xb8;
	[tilespmem:$0x1F000] =	vst v63  }
0x4a: {  	s5 =	simm.s32 $0x280  }
0x4b: {  	[tilespmem:s26], [sflag:$0x6] =	stream.indirect.gather [hbm4b:s4+s17], $0x40, s5, s17, $0xb8;
	[tilespmem:$0x1F000] =	vst v63  }
0x4c: {  	s5 =	simm.s32 $0x300  }
0x4d: {  	[tilespmem:s29], [sflag:$0x7] =	stream.indirect.gather [hbm4b:s4+s17], $0x40, s5, s17, $0xb8;
	[tilespmem:$0x1F000] =	vst v63  }
0x4e: {  	_ =	swait.ge [sflag:s30], $0x2000  }
0x4f: {  	[sflag:s30] =	ssyncset.done $0x0  }
0x50: {  	[sflag:s30] =	ssyncadd.s32 $0xFFFFE000  }
0x51: {  	[spmem:s2] =	stream.indirect.scatter.add.f32 [tilespmem:s14], [sflag:$0x9], $0x40, s13, s17, $0xb8;
	[tilespmem:$0x1F000] =	vst v63  }
0x52: {  	s13 =	simm.s32 $0x380  }
0x53: {  	[tilespmem:s1], [sflag:$0x8] =	stream.indirect.gather [hbm4b:s4+s17], $0x40, s13, s17, $0xb8;
	[tilespmem:$0x1F000] =	vst v63  }
0x54: {  	_ =	swait.ge [sflag:s19], $0x2000  }
0x55: {  	[sflag:s19] =	ssyncset.done $0x0  }
0x56: {  	s5 =	simm.s32 $0x2880;
	[sflag:s19] =	ssyncadd.s32 $0xFFFFE000  }
0x57: {  	[spmem:s2] =	stream.indirect.scatter.add.f32 [tilespmem:s18], [sflag:$0xA], $0x40, s5, s17, $0xb8;
	[tilespmem:$0x1F000] =	vst v63  }
0x58: {  	_ =	swait.ge [sflag:s23], $0x2000  }
0x59: {  	[sflag:s23] =	ssyncset.done $0x0  }
0x5a: {  	s13 =	simm.s32 $0x400;
	[sflag:s23] =	ssyncadd.s32 $0xFFFFE000  }
0x5b: {  	[tilespmem:s14], [sflag:$0x1] =	stream.indirect.gather [hbm4b:s4+s17], $0x40, s13, s17, $0xb8;
	[tilespmem:$0x1F000] =	vst v63  }
0x5c: {  	_ =	swait.ge [sflag:s28], $0x2000  }
0x5d: {  	[sflag:s28] =	ssyncset.done $0x0  }
0x5e: {  	s5 =	simm.s32 $0x2900;
	[sflag:s28] =	ssyncadd.s32 $0xFFFFE000  }
0x5f: {  	[spmem:s2] =	stream.indirect.scatter.add.f32 [tilespmem:s20], [sflag:$0xB], $0x40, s5, s17, $0xb8;
	[tilespmem:$0x1F000] =	vst v63  }
0x60: {  	_ =	swait.ge [sflag:s21], $0x2000  }
0x61: {  	[sflag:s21] =	ssyncset.done $0x0  }
0x62: {  	s13 =	simm.s32 $0x480;
	[sflag:s21] =	ssyncadd.s32 $0xFFFFE000  }
0x63: {  	[tilespmem:s18], [sflag:$0x2] =	stream.indirect.gather [hbm4b:s4+s17], $0x40, s13, s17, $0xb8;
	[tilespmem:$0x1F000] =	vst v63  }
0x64: {  	_ =	swait.ge [sflag:s0], $0x2000  }
0x65: {  	[sflag:s0] =	ssyncset.done $0x0  }
0x66: {  	s5 =	simm.s32 $0x2980;
	[sflag:s0] =	ssyncadd.s32 $0xFFFFE000  }
0x67: {  	[spmem:s2] =	stream.indirect.scatter.add.f32 [tilespmem:s22], [sflag:$0xC], $0x40, s5, s17, $0xb8;
	[tilespmem:$0x1F000] =	vst v63  }
0x68: {  	_ =	swait.ge [sflag:s25], $0x2000  }
0x69: {  	[sflag:s25] =	ssyncset.done $0x0  }
0x6a: {  	s13 =	simm.s32 $0x500;
	[sflag:s25] =	ssyncadd.s32 $0xFFFFE000  }
0x6b: {  	[tilespmem:s20], [sflag:$0x3] =	stream.indirect.gather [hbm4b:s4+s17], $0x40, s13, s17, $0xb8;
	[tilespmem:$0x1F000] =	vst v63  }
0x6c: {  	_ =	swait.ge [sflag:s31], $0x2000  }
0x6d: {  	[sflag:s31] =	ssyncset.done $0x0  }
0x6e: {  	s5 =	simm.s32 $0x2A00;
	[sflag:s31] =	ssyncadd.s32 $0xFFFFE000  }
0x6f: {  	[spmem:s2] =	stream.indirect.scatter.add.f32 [tilespmem:s24], [sflag:$0xD], $0x40, s5, s17, $0xb8;
	[tilespmem:$0x1F000] =	vst v63  }
0x70: {  	_ =	swait.ge [sflag:s6], $0x2000  }
0x71: {  	[sflag:s6] =	ssyncset.done $0x0  }
0x72: {  	s13 =	simm.s32 $0x580;
	[sflag:s6] =	ssyncadd.s32 $0xFFFFE000  }
0x73: {  	[tilespmem:s22], [sflag:$0x4] =	stream.indirect.gather [hbm4b:s4+s17], $0x40, s13, s17, $0xb8;
	[tilespmem:$0x1F000] =	vst v63  }
0x74: {  	_ =	swait.ge [sflag:s7], $0x2000  }
0x75: {  	[sflag:s7] =	ssyncset.done $0x0  }
0x76: {  	s5 =	simm.s32 $0x2A80;
	[sflag:s7] =	ssyncadd.s32 $0xFFFFE000  }
0x77: {  	[spmem:s2] =	stream.indirect.scatter.add.f32 [tilespmem:s26], [sflag:$0xE], $0x40, s5, s17, $0xb8;
	[tilespmem:$0x1F000] =	vst v63  }
0x78: {  	_ =	swait.ge [sflag:s8], $0x2000  }
0x79: {  	[sflag:s8] =	ssyncset.done $0x0  }
0x7a: {  	s13 =	simm.s32 $0x600;
	[sflag:s8] =	ssyncadd.s32 $0xFFFFE000  }
0x7b: {  	[tilespmem:s24], [sflag:$0x5] =	stream.indirect.gather [hbm4b:s4+s17], $0x40, s13, s17, $0xb8;
	[tilespmem:$0x1F000] =	vst v63  }
0x7c: {  	_ =	swait.ge [sflag:s16], $0x2000  }
0x7d: {  	[sflag:s16] =	ssyncset.done $0x0  }
0x7e: {  	s5 =	simm.s32 $0x2B00;
	[sflag:s16] =	ssyncadd.s32 $0xFFFFE000  }
0x7f: {  	[spmem:s2] =	stream.indirect.scatter.add.f32 [tilespmem:s29], [sflag:$0xF], $0x40, s5, s17, $0xb8;
	[tilespmem:$0x1F000] =	vst v63  }
0x80: {  	_ =	swait.ge [sflag:s9], $0x2000  }
0x81: {  	[sflag:s9] =	ssyncset.done $0x0  }
0x82: {  	s13 =	simm.s32 $0x680;
	[sflag:s9] =	ssyncadd.s32 $0xFFFFE000  }
0x83: {  	[tilespmem:s26], [sflag:$0x6] =	stream.indirect.gather [hbm4b:s4+s17], $0x40, s13, s17, $0xb8;
	[tilespmem:$0x1F000] =	vst v63  }
0x84: {  	_ =	swait.ge [sflag:s10], $0x2000  }
0x85: {  	[sflag:s10] =	ssyncset.done $0x0  }
0x86: {  	s5 =	simm.s32 $0x2B80;
	[sflag:s10] =	ssyncadd.s32 $0xFFFFE000  }
0x87: {  	[spmem:s2] =	stream.indirect.scatter.add.f32 [tilespmem:s1], [sflag:$0x10], $0x40, s5, s17, $0xb8;
	[tilespmem:$0x1F000] =	vst v63  }
0x88: {  	_ =	swait.ge [sflag:s11], $0x2000  }
0x89: {  	[sflag:s11] =	ssyncset.done $0x0  }
0x8a: {  	s13 =	simm.s32 $0x700;
	[sflag:s11] =	ssyncadd.s32 $0xFFFFE000  }
0x8b: {  	[tilespmem:s29], [sflag:$0x7] =	stream.indirect.gather [hbm4b:s4+s17], $0x40, s13, s17, $0xb8;
	[tilespmem:$0x1F000] =	vst v63  }
0x8c: {  	_ =	swait.ge [sflag:s30], $0x2000  }
0x8d: {  	[sflag:s30] =	ssyncset.done $0x0  }
0x8e: {  	s5 =	simm.s32 $0x2C00;
	[sflag:s30] =	ssyncadd.s32 $0xFFFFE000  }
0x8f: {  	[spmem:s2] =	stream.indirect.scatter.add.f32 [tilespmem:s14], [sflag:$0x9], $0x40, s5, s17, $0xb8;
	[tilespmem:$0x1F000] =	vst v63  }
0x90: {  	_ =	swait.ge [sflag:s12], $0x2000  }
0x91: {  	[sflag:s12] =	ssyncset.done $0x0  }
0x92: {  	s13 =	simm.s32 $0x780;
	[sflag:s12] =	ssyncadd.s32 $0xFFFFE000  }
0x93: {  	[tilespmem:s1], [sflag:$0x8] =	stream.indirect.gather [hbm4b:s4+s17], $0x40, s13, s17, $0xb8;
	[tilespmem:$0x1F000] =	vst v63  }
0x94: {  	_ =	swait.ge [sflag:s19], $0x2000  }
0x95: {  	[sflag:s19] =	ssyncset.done $0x0  }
0x96: {  	s5 =	simm.s32 $0x2C80;
	[sflag:s19] =	ssyncadd.s32 $0xFFFFE000  }
0x97: {  	[spmem:s2] =	stream.indirect.scatter.add.f32 [tilespmem:s18], [sflag:$0xA], $0x40, s5, s17, $0xb8;
	[tilespmem:$0x1F000] =	vst v63  }
0x98: {  	_ =	swait.ge [sflag:s23], $0x2000  }
0x99: {  	[sflag:s23] =	ssyncset.done $0x0  }
0x9a: {  	s13 =	simm.s32 $0x800;
	[sflag:s23] =	ssyncadd.s32 $0xFFFFE000  }
0x9b: {  	[tilespmem:s14], [sflag:$0x1] =	stream.indirect.gather [hbm4b:s4+s17], $0x40, s13, s17, $0xb8;
	[tilespmem:$0x1F000] =	vst v63  }
0x9c: {  	_ =	swait.ge [sflag:s28], $0x2000  }
0x9d: {  	[sflag:s28] =	ssyncset.done $0x0  }
0x9e: {  	s5 =	simm.s32 $0x2D00;
	[sflag:s28] =	ssyncadd.s32 $0xFFFFE000  }
0x9f: {  	[spmem:s2] =	stream.indirect.scatter.add.f32 [tilespmem:s20], [sflag:$0xB], $0x40, s5, s17, $0xb8;
	[tilespmem:$0x1F000] =	vst v63  }
0xa0: {  	_ =	swait.ge [sflag:s21], $0x2000  }
0xa1: {  	[sflag:s21] =	ssyncset.done $0x0  }
0xa2: {  	s13 =	simm.s32 $0x880;
	[sflag:s21] =	ssyncadd.s32 $0xFFFFE000  }
0xa3: {  	[tilespmem:s18], [sflag:$0x2] =	stream.indirect.gather [hbm4b:s4+s17], $0x40, s13, s17, $0xb8;
	[tilespmem:$0x1F000] =	vst v63  }
0xa4: {  	_ =	swait.ge [sflag:s0], $0x2000  }
0xa5: {  	[sflag:s0] =	ssyncset.done $0x0  }
0xa6: {  	s5 =	simm.s32 $0x2D80;
	[sflag:s0] =	ssyncadd.s32 $0xFFFFE000  }
0xa7: {  	[spmem:s2] =	stream.indirect.scatter.add.f32 [tilespmem:s22], [sflag:$0xC], $0x40, s5, s17, $0xb8;
	[tilespmem:$0x1F000] =	vst v63  }
0xa8: {  	_ =	swait.ge [sflag:s25], $0x2000  }
0xa9: {  	[sflag:s25] =	ssyncset.done $0x0  }
0xaa: {  	s13 =	simm.s32 $0x900;
	[sflag:s25] =	ssyncadd.s32 $0xFFFFE000  }
0xab: {  	[tilespmem:s20], [sflag:$0x3] =	stream.indirect.gather [hbm4b:s4+s17], $0x40, s13, s17, $0xb8;
	[tilespmem:$0x1F000] =	vst v63  }
0xac: {  	_ =	swait.ge [sflag:s31], $0x2000  }
0xad: {  	[sflag:s31] =	ssyncset.done $0x0  }
0xae: {  	s5 =	simm.s32 $0x2E00;
	[sflag:s31] =	ssyncadd.s32 $0xFFFFE000  }
0xaf: {  	[spmem:s2] =	stream.indirect.scatter.add.f32 [tilespmem:s24], [sflag:$0xD], $0x40, s5, s17, $0xb8;
	[tilespmem:$0x1F000] =	vst v63  }
0xb0: {  	_ =	swait.ge [sflag:s6], $0x2000  }
0xb1: {  	[sflag:s6] =	ssyncset.done $0x0  }
0xb2: {  	s13 =	simm.s32 $0x980;
	[sflag:s6] =	ssyncadd.s32 $0xFFFFE000  }
0xb3: {  	[tilespmem:s22], [sflag:$0x4] =	stream.indirect.gather [hbm4b:s4+s17], $0x40, s13, s17, $0xb8;
	[tilespmem:$0x1F000] =	vst v63  }
0xb4: {  	_ =	swait.ge [sflag:s7], $0x2000  }
0xb5: {  	[sflag:s7] =	ssyncset.done $0x0  }
0xb6: {  	s5 =	simm.s32 $0x2E80;
	[sflag:s7] =	ssyncadd.s32 $0xFFFFE000  }
0xb7: {  	[spmem:s2] =	stream.indirect.scatter.add.f32 [tilespmem:s26], [sflag:$0xE], $0x40, s5, s17, $0xb8;
	[tilespmem:$0x1F000] =	vst v63  }
0xb8: {  	_ =	swait.ge [sflag:s8], $0x2000  }
0xb9: {  	[sflag:s8] =	ssyncset.done $0x0  }
0xba: {  	s13 =	simm.s32 $0xA00;
	[sflag:s8] =	ssyncadd.s32 $0xFFFFE000  }
0xbb: {  	[tilespmem:s24], [sflag:$0x5] =	stream.indirect.gather [hbm4b:s4+s17], $0x40, s13, s17, $0xb8;
	[tilespmem:$0x1F000] =	vst v63  }
0xbc: {  	_ =	swait.ge [sflag:s16], $0x2000  }
0xbd: {  	[sflag:s16] =	ssyncset.done $0x0  }
0xbe: {  	s5 =	simm.s32 $0x2F00;
	[sflag:s16] =	ssyncadd.s32 $0xFFFFE000  }
0xbf: {  	[spmem:s2] =	stream.indirect.scatter.add.f32 [tilespmem:s29], [sflag:$0xF], $0x40, s5, s17, $0xb8;
	[tilespmem:$0x1F000] =	vst v63  }
0xc0: {  	_ =	swait.ge [sflag:s9], $0x2000  }
0xc1: {  	[sflag:s9] =	ssyncset.done $0x0  }
0xc2: {  	s13 =	simm.s32 $0xA80;
	[sflag:s9] =	ssyncadd.s32 $0xFFFFE000  }
0xc3: {  	[tilespmem:s26], [sflag:$0x6] =	stream.indirect.gather [hbm4b:s4+s17], $0x40, s13, s17, $0xb8;
	[tilespmem:$0x1F000] =	vst v63  }
0xc4: {  	_ =	swait.ge [sflag:s10], $0x2000  }
0xc5: {  	[sflag:s10] =	ssyncset.done $0x0  }
0xc6: {  	s5 =	simm.s32 $0x2F80;
	s13 =	simm.s32 $0x1000;
	[sflag:s10] =	ssyncadd.s32 $0xFFFFE000  }
.LBB2_4:
0xc7: {  	[spmem:s2] =	stream.indirect.scatter.add.f32 [tilespmem:s1], [sflag:$0x10], $0x40, s5, s17, $0xb8;
	[tilespmem:$0x1F000] =	vst v63  }
0xc8: {  	s3 =	smov.u32 s13  }
0xc9: {  	p0 =	sne.s32 s13, $0x7000;
	s13 =	sadd.s32 $0x1000, s13;
	_ =	swait.ge [sflag:s11], $0x2000  }
0xca: {  	s5 =	sshra.s32 s3, $0x2;
	[sflag:s11] =	ssyncset.done $0x0  }
0xcb: {  	s3 =	sadd.s32 $0x700, s5;
	[sflag:s11] =	ssyncadd.s32 $0xFFFFE000  }
0xcc: {  	[tilespmem:s29], [sflag:$0x7] =	stream.indirect.gather [hbm4b:s4+s17], $0x40, s3, s17, $0xb8;
	[tilespmem:$0x1F000] =	vst v63  }
0xcd: {  	_ =	swait.ge [sflag:s30], $0x2000  }
0xce: {  	[sflag:s30] =	ssyncset.done $0x0  }
0xcf: {  	s3 =	sadd.s32 $0x2C00, s5;
	[sflag:s30] =	ssyncadd.s32 $0xFFFFE000  }
0xd0: {  	[spmem:s2] =	stream.indirect.scatter.add.f32 [tilespmem:s14], [sflag:$0x9], $0x40, s3, s17, $0xb8;
	[tilespmem:$0x1F000] =	vst v63  }
0xd1: {  	_ =	swait.ge [sflag:s12], $0x2000  }
0xd2: {  	[sflag:s12] =	ssyncset.done $0x0  }
0xd3: {  	s3 =	sadd.s32 $0x780, s5;
	[sflag:s12] =	ssyncadd.s32 $0xFFFFE000  }
0xd4: {  	[tilespmem:s1], [sflag:$0x8] =	stream.indirect.gather [hbm4b:s4+s17], $0x40, s3, s17, $0xb8;
	[tilespmem:$0x1F000] =	vst v63  }
0xd5: {  	_ =	swait.ge [sflag:s19], $0x2000  }
0xd6: {  	[sflag:s19] =	ssyncset.done $0x0  }
0xd7: {  	s3 =	sadd.s32 $0x2C80, s5;
	[sflag:s19] =	ssyncadd.s32 $0xFFFFE000  }
0xd8: {  	[spmem:s2] =	stream.indirect.scatter.add.f32 [tilespmem:s18], [sflag:$0xA], $0x40, s3, s17, $0xb8;
	[tilespmem:$0x1F000] =	vst v63  }
0xd9: {  	_ =	swait.ge [sflag:s23], $0x2000  }
0xda: {  	[sflag:s23] =	ssyncset.done $0x0  }
0xdb: {  	s3 =	sadd.s32 $0x800, s5;
	[sflag:s23] =	ssyncadd.s32 $0xFFFFE000  }
0xdc: {  	[tilespmem:s14], [sflag:$0x1] =	stream.indirect.gather [hbm4b:s4+s17], $0x40, s3, s17, $0xb8;
	[tilespmem:$0x1F000] =	vst v63  }
0xdd: {  	_ =	swait.ge [sflag:s28], $0x2000  }
0xde: {  	[sflag:s28] =	ssyncset.done $0x0  }
0xdf: {  	s3 =	sadd.s32 $0x2D00, s5;
	[sflag:s28] =	ssyncadd.s32 $0xFFFFE000  }
0xe0: {  	[spmem:s2] =	stream.indirect.scatter.add.f32 [tilespmem:s20], [sflag:$0xB], $0x40, s3, s17, $0xb8;
	[tilespmem:$0x1F000] =	vst v63  }
0xe1: {  	_ =	swait.ge [sflag:s21], $0x2000  }
0xe2: {  	[sflag:s21] =	ssyncset.done $0x0  }
0xe3: {  	s3 =	sadd.s32 $0x880, s5;
	[sflag:s21] =	ssyncadd.s32 $0xFFFFE000  }
0xe4: {  	[tilespmem:s18], [sflag:$0x2] =	stream.indirect.gather [hbm4b:s4+s17], $0x40, s3, s17, $0xb8;
	[tilespmem:$0x1F000] =	vst v63  }
0xe5: {  	_ =	swait.ge [sflag:s0], $0x2000  }
0xe6: {  	[sflag:s0] =	ssyncset.done $0x0  }
0xe7: {  	s3 =	sadd.s32 $0x2D80, s5;
	[sflag:s0] =	ssyncadd.s32 $0xFFFFE000  }
0xe8: {  	[spmem:s2] =	stream.indirect.scatter.add.f32 [tilespmem:s22], [sflag:$0xC], $0x40, s3, s17, $0xb8;
	[tilespmem:$0x1F000] =	vst v63  }
0xe9: {  	_ =	swait.ge [sflag:s25], $0x2000  }
0xea: {  	[sflag:s25] =	ssyncset.done $0x0  }
0xeb: {  	s3 =	sadd.s32 $0x900, s5;
	[sflag:s25] =	ssyncadd.s32 $0xFFFFE000  }
0xec: {  	[tilespmem:s20], [sflag:$0x3] =	stream.indirect.gather [hbm4b:s4+s17], $0x40, s3, s17, $0xb8;
	[tilespmem:$0x1F000] =	vst v63  }
0xed: {  	_ =	swait.ge [sflag:s31], $0x2000  }
0xee: {  	[sflag:s31] =	ssyncset.done $0x0  }
0xef: {  	s3 =	sadd.s32 $0x2E00, s5;
	[sflag:s31] =	ssyncadd.s32 $0xFFFFE000  }
0xf0: {  	[spmem:s2] =	stream.indirect.scatter.add.f32 [tilespmem:s24], [sflag:$0xD], $0x40, s3, s17, $0xb8;
	[tilespmem:$0x1F000] =	vst v63  }
0xf1: {  	_ =	swait.ge [sflag:s6], $0x2000  }
0xf2: {  	[sflag:s6] =	ssyncset.done $0x0  }
0xf3: {  	s3 =	sadd.s32 $0x980, s5;
	[sflag:s6] =	ssyncadd.s32 $0xFFFFE000  }
0xf4: {  	[tilespmem:s22], [sflag:$0x4] =	stream.indirect.gather [hbm4b:s4+s17], $0x40, s3, s17, $0xb8;
	[tilespmem:$0x1F000] =	vst v63  }
0xf5: {  	_ =	swait.ge [sflag:s7], $0x2000  }
0xf6: {  	[sflag:s7] =	ssyncset.done $0x0  }
0xf7: {  	s3 =	sadd.s32 $0x2E80, s5;
	[sflag:s7] =	ssyncadd.s32 $0xFFFFE000  }
0xf8: {  	[spmem:s2] =	stream.indirect.scatter.add.f32 [tilespmem:s26], [sflag:$0xE], $0x40, s3, s17, $0xb8;
	[tilespmem:$0x1F000] =	vst v63  }
0xf9: {  	_ =	swait.ge [sflag:s8], $0x2000  }
0xfa: {  	[sflag:s8] =	ssyncset.done $0x0  }
0xfb: {  	s3 =	sadd.s32 $0xA00, s5;
	[sflag:s8] =	ssyncadd.s32 $0xFFFFE000  }
0xfc: {  	[tilespmem:s24], [sflag:$0x5] =	stream.indirect.gather [hbm4b:s4+s17], $0x40, s3, s17, $0xb8;
	[tilespmem:$0x1F000] =	vst v63  }
0xfd: {  	_ =	swait.ge [sflag:s16], $0x2000  }
0xfe: {  	[sflag:s16] =	ssyncset.done $0x0  }
0xff: {  	s3 =	sadd.s32 $0x2F00, s5;
	[sflag:s16] =	ssyncadd.s32 $0xFFFFE000  }
0x100: {  	[spmem:s2] =	stream.indirect.scatter.add.f32 [tilespmem:s29], [sflag:$0xF], $0x40, s3, s17, $0xb8;
	[tilespmem:$0x1F000] =	vst v63  }
0x101: {  	_ =	swait.ge [sflag:s9], $0x2000  }
0x102: {  	[sflag:s9] =	ssyncset.done $0x0  }
.Ltmp1:
0x103: {  	s3 =	sadd.s32 $0xA80, s5;
	[sflag:s9] =	ssyncadd.s32 $0xFFFFE000;
	(pc) =	sbr.rel @p0 .LBB2_4-.Ltmp1, $4  }
0x104: {  	[tilespmem:s26], [sflag:$0x6] =	stream.indirect.gather [hbm4b:s4+s17], $0x40, s3, s17, $0xb8;
	[tilespmem:$0x1F000] =	vst v63  }
0x105: {  	_ =	swait.ge [sflag:s10], $0x2000  }
0x106: {  	[sflag:s10] =	ssyncset.done $0x0  }
0x107: {  	s5 =	sadd.s32 $0x2F80, s5;
	[sflag:s10] =	ssyncadd.s32 $0xFFFFE000  }
0x108: {  	[spmem:s2] =	stream.indirect.scatter.add.f32 [tilespmem:s1], [sflag:$0x10], $0x40, s5, s17, $0xb8;
	[tilespmem:$0x1F000] =	vst v63  }
0x109: {  	_ =	swait.ge [sflag:s11], $0x2000  }
0x10a: {  	[sflag:s11] =	ssyncset.done $0x0  }
0x10b: {  	s3 =	simm.s32 $0x2700;
	[sflag:s11] =	ssyncadd.s32 $0xFFFFE000  }
0x10c: {  	[tilespmem:s29], [sflag:$0x7] =	stream.indirect.gather [hbm4b:s4+s17], $0x40, s3, s17, $0xb8;
	[tilespmem:$0x1F000] =	vst v63  }
0x10d: {  	_ =	swait.ge [sflag:s30], $0x2000  }
0x10e: {  	[sflag:s30] =	ssyncset.done $0x0  }
0x10f: {  	s13 =	simm.s32 $0x4C00;
	[sflag:s30] =	ssyncadd.s32 $0xFFFFE000  }
0x110: {  	[spmem:s2] =	stream.indirect.scatter.add.f32 [tilespmem:s14], [sflag:$0x9], $0x40, s13, s17, $0xb8;
	[tilespmem:$0x1F000] =	vst v63  }
0x111: {  	_ =	swait.ge [sflag:s12], $0x2000  }
0x112: {  	[sflag:s12] =	ssyncset.done $0x0  }
0x113: {  	s5 =	simm.s32 $0x2780;
	[sflag:s12] =	ssyncadd.s32 $0xFFFFE000  }
0x114: {  	[tilespmem:s1], [sflag:$0x8] =	stream.indirect.gather [hbm4b:s4+s17], $0x40, s5, s17, $0xb8;
	[tilespmem:$0x1F000] =	vst v63  }
0x115: {  	_ =	swait.ge [sflag:s19], $0x2000  }
0x116: {  	[sflag:s19] =	ssyncset.done $0x0  }
0x117: {  	s13 =	simm.s32 $0x4C80;
	[sflag:s19] =	ssyncadd.s32 $0xFFFFE000  }
0x118: {  	[spmem:s2] =	stream.indirect.scatter.add.f32 [tilespmem:s18], [sflag:$0xA], $0x40, s13, s17, $0xb8;
	[tilespmem:$0x1F000] =	vst v63  }
0x119: {  	_ =	swait.ge [sflag:s23], $0x2000  }
0x11a: {  	[sflag:s23] =	ssyncset.done $0x0  }
0x11b: {  	[sflag:s23] =	ssyncadd.s32 $0xFFFFE000  }
0x11c: {  	_ =	swait.ge [sflag:s28], $0x2000  }
0x11d: {  	[sflag:s28] =	ssyncset.done $0x0  }
0x11e: {  	s5 =	simm.s32 $0x4D00;
	[sflag:s28] =	ssyncadd.s32 $0xFFFFE000  }
0x11f: {  	[spmem:s2] =	stream.indirect.scatter.add.f32 [tilespmem:s20], [sflag:$0xB], $0x40, s5, s17, $0xb8;
	[tilespmem:$0x1F000] =	vst v63  }
0x120: {  	_ =	swait.ge [sflag:s21], $0x2000  }
0x121: {  	[sflag:s21] =	ssyncset.done $0x0  }
0x122: {  	[sflag:s21] =	ssyncadd.s32 $0xFFFFE000  }
0x123: {  	_ =	swait.ge [sflag:s0], $0x2000  }
0x124: {  	[sflag:s0] =	ssyncset.done $0x0  }
0x125: {  	s13 =	simm.s32 $0x4D80;
	[sflag:s0] =	ssyncadd.s32 $0xFFFFE000  }
0x126: {  	[spmem:s2] =	stream.indirect.scatter.add.f32 [tilespmem:s22], [sflag:$0xC], $0x40, s13, s17, $0xb8;
	[tilespmem:$0x1F000] =	vst v63  }
0x127: {  	_ =	swait.ge [sflag:s25], $0x2000  }
0x128: {  	[sflag:s25] =	ssyncset.done $0x0  }
0x129: {  	[sflag:s25] =	ssyncadd.s32 $0xFFFFE000  }
0x12a: {  	_ =	swait.ge [sflag:s31], $0x2000  }
0x12b: {  	[sflag:s31] =	ssyncset.done $0x0  }
0x12c: {  	s5 =	simm.s32 $0x4E00;
	[sflag:s31] =	ssyncadd.s32 $0xFFFFE000  }
0x12d: {  	[spmem:s2] =	stream.indirect.scatter.add.f32 [tilespmem:s24], [sflag:$0xD], $0x40, s5, s17, $0xb8;
	[tilespmem:$0x1F000] =	vst v63  }
0x12e: {  	_ =	swait.ge [sflag:s6], $0x2000  }
0x12f: {  	[sflag:s6] =	ssyncset.done $0x0  }
0x130: {  	[sflag:s6] =	ssyncadd.s32 $0xFFFFE000  }
0x131: {  	_ =	swait.ge [sflag:s7], $0x2000  }
0x132: {  	[sflag:s7] =	ssyncset.done $0x0  }
0x133: {  	s13 =	simm.s32 $0x4E80;
	[sflag:s7] =	ssyncadd.s32 $0xFFFFE000  }
0x134: {  	[spmem:s2] =	stream.indirect.scatter.add.f32 [tilespmem:s26], [sflag:$0xE], $0x40, s13, s17, $0xb8;
	[tilespmem:$0x1F000] =	vst v63  }
0x135: {  	_ =	swait.ge [sflag:s8], $0x2000  }
0x136: {  	[sflag:s8] =	ssyncset.done $0x0  }
0x137: {  	[sflag:s8] =	ssyncadd.s32 $0xFFFFE000  }
0x138: {  	_ =	swait.ge [sflag:s16], $0x2000  }
0x139: {  	[sflag:s16] =	ssyncset.done $0x0  }
0x13a: {  	s5 =	simm.s32 $0x4F00;
	[sflag:s16] =	ssyncadd.s32 $0xFFFFE000  }
0x13b: {  	[spmem:s2] =	stream.indirect.scatter.add.f32 [tilespmem:s29], [sflag:$0xF], $0x40, s5, s17, $0xb8;
	[tilespmem:$0x1F000] =	vst v63  }
0x13c: {  	_ =	swait.ge [sflag:s9], $0x2000  }
0x13d: {  	[sflag:s9] =	ssyncset.done $0x0  }
0x13e: {  	[sflag:s9] =	ssyncadd.s32 $0xFFFFE000  }
0x13f: {  	_ =	swait.ge [sflag:s10], $0x2000  }
0x140: {  	[sflag:s10] =	ssyncset.done $0x0  }
0x141: {  	s13 =	simm.s32 $0x4F80;
	[sflag:s10] =	ssyncadd.s32 $0xFFFFE000  }
0x142: {  	[spmem:s2] =	stream.indirect.scatter.add.f32 [tilespmem:s1], [sflag:$0x10], $0x40, s13, s17, $0xb8;
	[tilespmem:$0x1F000] =	vst v63  }
0x143: {  	_ =	swait.ge [sflag:s11], $0x2000  }
0x144: {  	[sflag:s11] =	ssyncset.done $0x0  }
0x145: {  	[sflag:s11] =	ssyncadd.s32 $0xFFFFE000  }
0x146: {  	_ =	swait.ge [sflag:s12], $0x2000  }
0x147: {  	[sflag:s12] =	ssyncset.done $0x0  }
0x148: {  	[sflag:s12] =	ssyncadd.s32 $0xFFFFE000  }
0x149: {  	s5 =	stileid.u32;
	[bflag:$0x0] =	sbarrier.arrive $0xFFFF  }
0x14a: {  	s3 =	sshll.u32 s5, $0x6;
	s13 =	rddreg [dreg:$0x5]  }
0x14b: {  	s3 =	sor.u32 $0x1C11, s3;
	s5 =	sshrl.u32 s13, $0x3;
	s13 =	rddreg [dreg:$0xc]  }
0x14c: {  	[hbm:s13], [sflag:s3] =	dma.local [spmem:s5], $0x1400  }
0x14d: {  	_ =	swait.ge [sflag:s15], $0x1400  }
0x14e: {  	s5 =	rddreg [dreg:$0x4]  }
0x14f: {  	s13 =	rddreg [dreg:$0xd];
	s3 =	sadd.s32 $0x1, s5  }
0x150: {  	p0 =	sne.s32 s3, s13  }
.Ltmp2:
0x151: {  	_ = 	snop;
	(pc) =	sbr.rel @p0 .LBB2_1-.Ltmp2, $3  }
0x152: {  	_ =	sdelay $0x1  }
0x153: {  	[sflag:s15] =	ssyncset.done $0x0  }
0x154: {  	[sflag:s15] =	ssyncadd.s32 $0xFFFFEC00  }
0x155: {  	_ =	sfence.sel $0x180000  }
0x156: {  	[bflag:$0x0] =	sbarrier.arrive $0xFFFF  }
0x157: {  	_ =	strace $0x9000004D  }
0x158: {  	s0 =	stileid.u32;
	[bflag:$0x2] =	sbarrier.arrive $0xFFFF  }
0x159: {  	p0 =	sne.s32 s0, $0x0;
	s0 =	rddreg [dreg:$0x3]  }
0x15a: {  	s0 =	sadd.s32 @!p0 $0x100000, s0  }
0x15b: {  	[sflag:s0] =	ssyncadd.tile.s32 @!p0 $0x1;
	_ =	shalt  }
.Lfunc_end2:
_tile_overlayer_lowered:
.L_overlay_start_2:
0x15c: {  	(tag) =	ssettag $0x2  }
0x15d: {  	s0 =	rddreg [dreg:$0x0];
	s2 =	stileid.u32  }
0x15e: {  	s1 =	rddreg [dreg:$0x1];
	p0 =	sne.s32 s2, $0x0  }
0x15f: {  	s3 =	rddreg [dreg:$0x2];
	[bflag:$0x3] =	sbarrier.arrive $0xFFFF;
	s2 =	simm.s32 @!p0 $0x1C11  }
0x160: {  	[timem:s3], [sflag:s2] =	dma.local @!p0 [hbm:s0], s1  }
0x161: {  	s0 =	simm.s32 @!p0 $0x11  }
0x162: {  	_ =	swait.ge @!p0 [sflag:s0], s1  }
0x163: {  	s1 =	ssub.s32 @!p0 $0x0, s1;
	[sflag:s0] =	ssyncset.done @!p0 $0x0  }
0x164: {  	[sflag:s0] =	ssyncadd.s32 @!p0 s1  }
0x165: {  	[bflag:$0x3] =	sbarrier.arrive $0xFFFF  }
0x166: {  	_ =	shalt  }

// kernel: kernel.8.cloned.1.call-start
scs
__scs_entry_jumppad:
0x0: {  	(pc) =	sbr.rel $0x88, $3  }
0x1: {  	(tag) =	ssettag $0x0;
	lr =	simm.s32 $0x1  }
0x2: {  	[smem:$0x3F9D] =	sst lr;
	_ =	strace $0xD0000000  }
0x3: {  	_ = 	snop  }
0x4: {  	_ = 	snop  }
0x5: {  	_ = 	snop  }
0x6: {  	_ = 	snop  }
0x7: {  	_ = 	snop  }
__scs_overlays_trampoline_lowered:
0x8: {  	[smem:$0x3FAC] =	sst s0  }
0x9: {  	[smem:$0x3FAD] =	sst s1  }
0xa: {  	[smem:$0x3FAE] =	sst s2  }
0xb: {  	[smem:$0x3FAF] =	sst s3  }
0xc: {  	[smem:$0x3FB0] =	sst s4  }
0xd: {  	[smem:$0x3FB1] =	sst s5  }
0xe: {  	[smem:$0x3FB2] =	sst s6  }
0xf: {  	[smem:$0x3FB3] =	sst s7  }
0x10: {  	[smem:$0x3FB4] =	sst s8  }
0x11: {  	[smem:$0x3FB5] =	sst s9;
	s0 =	simm.s32 @!p0 $0x0  }
0x12: {  	s1 =	sld [smem:$0x3F9B];
	s0 =	simm.s32 @p0 $0x1  }
0x13: {  	[smem:$0x3FB6] =	sst s0;
	s0 =	simm.s32 @!p1 $0x0  }
0x14: {  	s2 =	sld [smem:$0x3F9A];
	s0 =	simm.s32 @p1 $0x1  }
0x15: {  	[smem:$0x3FB7] =	sst s0;
	s0 =	simm.s32 @!p2 $0x0  }
0x16: {  	s3 =	sld [smem:$0x3FDB];
	s0 =	simm.s32 @p2 $0x1  }
0x17: {  	s4 =	simm.s32 $0x1BF5;
	[smem:$0x3FB9] =	sst s0  }
0x18: {  	s0 =	sld [smem:$0x3F9C];
	_ =	swait.ge [sflag:s4], $0x0  }
0x19: {  	s7 =	sld [smem:$0x3F9D]  }
0x1a: {  	s8 =	sadd.s32 $0xFFFFE003, lr  }
0x1b: {  	s9 =	sadd.s32 $0xFFFFFEF7, lr;
	s5 =	simm.s32 $0xFFFFFFFF;
	p2 =	slt.u32 s8, $0xFFFFF086  }
0x1c: {  	p1 =	slt.u32 s9, $0xF7A;
	s5 =	simm.s32 @!p2 $0x0  }
0x1d: {  	s5 =	simm.s32 @p1 $0x1;
	p0 =	seq.s32 s7, s2  }
0x1e: {  	s7 =	smul.u32 @!p0 $0xF7A, s2;
	p2 =	seq.s32 @!p0 s5, $0x0  }
0x1f: {  	s9 =	smul.u32 $0xF7A, s1;
	s8 =	simm.s32 @!p0 $0x1BF5;
	p2 =	por !p2, p0  }
0x20: {  	[sflag:s8] =	ssyncset.s32 @!p0 $0xFFFFF086;
	s6 =	sadd.s32 @!p0 s3, s7;
	s7 =	simm.s32 @!p0 $0x108  }
0x21: {  	s3 =	sadd.s32 s3, s9;
	s6 =	sadd.s32 @!p0 $0x88, s6;
	s7 =	simm.s32 @p2 $0x1082  }
0x22: {  	[simem:s7], [sflag:s8] =	dma.local @!p0 [hbm:s6], $0xF7A  }
0x23: {  	s9 =	sor.u32 $0xD0000000, s2;
	s6 =	simm.s32 $0x108;
	_ =	swait.ge @!p0 [sflag:s8], $0x0  }
0x24: {  	s3 =	sadd.s32 $0x88, s3;
	s6 =	simm.s32 @!p1 $0x1082;
	[sflag:s4] =	ssyncset.s32 $0xFFFFF086  }
0x25: {  	[simem:s6], [sflag:s4] =	dma.local [hbm:s3], $0xF7A  }
0x26: {  	[smem:$0x3F9D] =	sst s1;
	(tag) =	ssettag s2;
	_ =	strace s9  }
0x27: {  	s1 =	sld [smem:$0x3FAD]  }
0x28: {  	s2 =	sld [smem:$0x3FAE]  }
0x29: {  	s4 =	sld [smem:$0x3FB0]  }
0x2a: {  	p0 =	seq.s32 s5, $0x0;
	s5 =	sld [smem:$0x3FB1]  }
0x2b: {  	s6 =	sld [smem:$0x3FB2]  }
0x2c: {  	s7 =	sld [smem:$0x3FB3]  }
0x2d: {  	s3 =	simm.s32 $0x108;
	s8 =	sld [smem:$0x3FB4]  }
0x2e: {  	s3 =	simm.s32 @!p0 $0x1082;
	s9 =	sld [smem:$0x3FB5]  }
0x2f: {  	lr =	sadd.s32 s0, s3;
	s0 =	sld [smem:$0x3FAC]  }
0x30: {  	s3 =	sld [smem:$0x3FAF]  }
0x31: {  	[smem:$0x3FB8] =	sst s10  }
0x32: {  	s10 =	sld [smem:$0x3FB6];
	_ =	sdelay $0x3  }
0x33: {  	p0 =	seq.s32 s10, $0x1;
	s10 =	sld [smem:$0x3FB8];
	_ =	sdelay $0x3  }
0x34: {  	[smem:$0x3FB8] =	sst s10  }
0x35: {  	s10 =	sld [smem:$0x3FB7];
	_ =	sdelay $0x3  }
0x36: {  	p1 =	seq.s32 s10, $0x1;
	s10 =	sld [smem:$0x3FB8];
	_ =	sdelay $0x3  }
0x37: {  	[smem:$0x3FB8] =	sst s10  }
0x38: {  	s10 =	sld [smem:$0x3FB9]  }
0x39: {  	_ = 	snop;
	(pc) =	sbr.ind lr, $3  }
0x3a: {  	_ = 	snop  }
0x3b: {  	_ = 	snop  }
0x3c: {  	p2 =	seq.s32 s10, $0x1;
	s10 =	sld [smem:$0x3FB8]  }
0x3d: {  	_ =	shalt  }
0x3e: {  	_ =	shalt  }
0x3f: {  	_ =	shalt  }
0x40: {  	_ =	shalt  }
0x41: {  	_ =	shalt  }
0x42: {  	_ =	shalt  }
0x43: {  	_ =	shalt  }
0x44: {  	_ =	shalt  }
0x45: {  	_ =	shalt  }
0x46: {  	_ =	shalt  }
0x47: {  	_ =	shalt  }
0x48: {  	_ =	shalt  }
0x49: {  	_ =	shalt  }
0x4a: {  	_ =	shalt  }
0x4b: {  	_ =	shalt  }
0x4c: {  	_ =	shalt  }
0x4d: {  	_ =	shalt  }
0x4e: {  	_ =	shalt  }
0x4f: {  	_ =	shalt  }
0x50: {  	_ =	shalt  }
0x51: {  	_ =	shalt  }
0x52: {  	_ =	shalt  }
0x53: {  	_ =	shalt  }
0x54: {  	_ =	shalt  }
0x55: {  	_ =	shalt  }
0x56: {  	_ =	shalt  }
0x57: {  	_ =	shalt  }
0x58: {  	_ =	shalt  }
0x59: {  	_ =	shalt  }
0x5a: {  	_ =	shalt  }
0x5b: {  	_ =	shalt  }
0x5c: {  	_ =	shalt  }
0x5d: {  	_ =	shalt  }
0x5e: {  	_ =	shalt  }
0x5f: {  	_ =	shalt  }
0x60: {  	_ =	shalt  }
0x61: {  	_ =	shalt  }
0x62: {  	_ =	shalt  }
0x63: {  	_ =	shalt  }
0x64: {  	_ =	shalt  }
0x65: {  	_ =	shalt  }
0x66: {  	_ =	shalt  }
0x67: {  	_ =	shalt  }
0x68: {  	_ =	shalt  }
0x69: {  	_ =	shalt  }
0x6a: {  	_ =	shalt  }
0x6b: {  	_ =	shalt  }
0x6c: {  	_ =	shalt  }
0x6d: {  	_ =	shalt  }
0x6e: {  	_ =	shalt  }
0x6f: {  	_ =	shalt  }
0x70: {  	_ =	shalt  }
0x71: {  	_ =	shalt  }
0x72: {  	_ =	shalt  }
0x73: {  	_ =	shalt  }
0x74: {  	_ =	shalt  }
0x75: {  	_ =	shalt  }
0x76: {  	_ =	shalt  }
0x77: {  	_ =	shalt  }
0x78: {  	_ =	shalt  }
0x79: {  	_ =	shalt  }
0x7a: {  	_ =	shalt  }
0x7b: {  	_ =	shalt  }
0x7c: {  	_ =	shalt  }
0x7d: {  	_ =	shalt  }
0x7e: {  	_ =	shalt  }
0x7f: {  	_ =	shalt  }
0x80: {  	_ =	shalt  }
0x81: {  	_ =	shalt  }
0x82: {  	_ =	shalt  }
0x83: {  	_ =	shalt  }
0x84: {  	_ =	shalt  }
0x85: {  	_ =	shalt  }
0x86: {  	_ =	shalt  }
0x87: {  	_ =	shalt  }
.Lfunc_end0:
.L_simem_size_0:
called_computation_lowered:
.L_overlay_start_0:
0x88: {  	s2 =	sld [smem:$0x3FD9]  }
0x89: {  	s3 =	sld [smem:$0x3FFE];
	_ =	sdelay $0x1  }
0x8a: {  	s1 =	srdreg.scid  }
0x8b: {  	s0 =	sand.u32 $0x1, s1  }
0x8c: {  	s16 =	sshll.u32 s0, $0xA;
	s2 =	sadd.s32 s3, s2  }
0x8d: {  	s2 =	sadd.s32 s2, s16  }
0x8e: {  	[smem:$0x3FC4] =	sst s2  }
0x8f: {  	_ = 	snop  }
0x90: {  	(tm) =	ssettm $0x1  }
0x91: {  	s17 =	sld [smem:$0x3FFB];
	_ =	sdelay $0x3  }
0x92: {  	_ =	strace s17  }
0x93: {  	s2 =	sld [smem:$0x3FFC];
	_ =	sdelay $0x3  }
0x94: {  	_ =	strace s2  }
0x95: {  	s2 =	sld [smem:$0x3FFD];
	_ =	sdelay $0x3  }
0x96: {  	_ =	strace s2  }
0x97: {  	_ =	strace $0x8FFFFFFF  }
0x98: {  	s18 =	sld [smem:$0x3FDB];
	_ =	sdelay $0x1  }
0x99: {  	s19 =	simm.s32 $_scs_section_size  }
0x9a: {  	s4 =	simm.s32 $_size__tile_overlayer_lowered;
	s5 =	simm.s32 $_tile_overlayer_lowered  }
0x9b: {  	s22 =	simm.s32 $0x1BFF;
	s21 =	sshll.u32 s5, $0x1;
	s2 =	sadd.s32 s19, s18  }
0x9c: {  	s6 =	simm.s32 $0x0;
	s20 =	sshll.u32 s4, $0x1;
	s4 =	sadd.s32 s21, s2  }
0x9d: {  	[timem:s6], [sflag:s22] =	dma.local [hbm:s4], s20  }
0x9e: {  	_ =	swait.ge [sflag:s22], s20  }
0x9f: {  	s3 =	ssub.s32 $0x0, s20;
	[sflag:s22] =	ssyncset.done $0x0  }
0xa0: {  	[sflag:s22] =	ssyncadd.s32 s3;
	_ =	sdelay $0x1  }
0xa1: {  	s23 =	simm.s32 $0x1B8B  }
0xa2: {  	_ =	swait.ge [sflag:s23], $0x1  }
0xa3: {  	[sflag:s23] =	ssyncset.done $0x0  }
0xa4: {  	s25 =	simm.s32 $0x1B8E;
	s24 =	sld [smem:$0x3FFE];
	[sflag:s23] =	ssyncadd.s32 $0xFFFFFFFF  }
0xa5: {  	s26 =	simm.s32 $execute0_lowered;
	[smem:$0x3FD2] =	sst s25  }
0xa6: {  	s4 =	sshll.u32 s26, $0x1;
	_ =	strace $0x80000046;
	[dreg:$0x1] =	wrdreg $0xFFFFFFFF  }
0xa7: {  	s28 =	simm.s32 $_size_execute0_lowered;
	s2 =	sadd.s32 s2, s4;
	[dreg:$0x0] =	wrdreg $0x0  }
0xa8: {  	s4 =	sshll.u32 s28, $0x1;
	[dreg:$0x2] =	wrdreg s2  }
0xa9: {  	[dreg:$0x3] =	wrdreg s4  }
0xaa: {  	[dreg:$0x4] =	wrdreg $0xC0  }
0xab: {  	_ =	task [dreg:s6], $0x5FFFF  }
0xac: {  	[dreg:$0x1] =	wrdreg $0xFFFFFFFF  }
0xad: {  	[dreg:$0x0] =	wrdreg $0x60  }
0xae: {  	[dreg:$0x2] =	wrdreg s24  }
0xaf: {  	[dreg:$0x3] =	wrdreg $0x9  }
0xb0: {  	_ =	task.clear_ibuf [dreg:s6], $0x4FFFF;
	_ =	strace $0x90000046  }
0xb1: {  	s29 =	simm.s32 $0x9;
	_ =	strace $0x80000048  }
0xb2: {  	_ =	swait.ge [sflag:s29], $0x1  }
0xb3: {  	[sflag:s29] =	ssyncadd.s32 $0xFFFFFFFF  }
0xb4: {  	_ =	strace $0x90000048  }
0xb5: {  	_ =	sfence  }
0xb6: {  	s30 =	sld [smem:$0x0];
	_ =	sdelay $0x2  }
0xb7: {  	s31 =	sshll.u32 s1, $0xD;
	s1 =	sshrl.u32 s1, $0x2  }
0xb8: {  	s3 =	sand.u32 $0x4000, s31;
	s1 =	sadd.s32 s1, s30  }
0xb9: {  	s0 =	sor.u32 s3, s0;
	s1 =	sshll.u32 s1, $0x11  }
0xba: {  	s0 =	sor.u32 s1, s0  }
0xbb: {  	s0 =	sadd.s32 $0x8F2B, s0  }
0xbc: {  	[sflag:s0] =	ssyncadd.remote.s32 $0x1  }
0xbd: {  	_ =	sfence.sel $0xFFFF  }
0xbe: {  	[dreg:$0x0] =	wrdreg $0xFFFFFFFF;
	(pc) =	sbr.abs _section_cstart, $3  }
0xbf: {  	[dreg:$0x1] =	wrdreg $0xFFFFFFFF  }
0xc0: {  	_ =	task.clear_ibuf [dreg:s6], $0x2FFFF;
	_ =	strace $0x9FFFFFFF  }
0xc1: {  	(tm) =	ssettm $0x7FFFFFFF  }
tec
execute0_lowered:
.L_overlay_start_1:
0x0: {  	(tag) =	ssettag $0x1  }
0x1: {  	s1 =	srdreg.scid;
	s0 =	stileid.u32  }
0x2: {  	s4 =	rddreg [dreg:$0x0];
	s3 =	sand.u32 $0x1, s1;
	s30 =	sshll.u32 s0, $0x1  }
0x3: {  	s2 =	simm.s32 $0x0;
	s8 =	simm.s32 $0x2800;
	s5 =	sor.u32 s3, s30  }
0x4: {  	s9 =	simm.s32 $0x5000;
	s1 =	rddreg [dreg:$0x1];
	s6 =	smul.u32 $0x2800, s5  }
0x5: {  	s10 =	simm.s32 $0x0;
	[smem:$0x7FF] =	sst s2;
	s5 =	smul.u32 $0x500, s5  }
0x6: {  	_ =	strace $0x80000047;
	s3 =	ssub.s32 $0x2, s3;
	s6 =	sshrl.u32 s6, $0x3  }
0x7: {  	s31 =	sshrl.u32 s3, $0x1;
	s5 =	sadd.s32 s5, s4;
	s6 =	sadd.s32 s6, s4  }
0x8: {  	s7 =	ssub.s32 s3, s31;
	s3 =	sadd.s32 $0x1A00, s5;
	s4 =	sadd.s32 $0x15A00, s6  }
0x9: {  	v0 =	vimm.f32 $0.0e+00;
	v1 =	vimm.f32 $1.000000000e+00;
	v2 =	vimm.s32 $0x0;
	s5 =	sadd.s32 $0x1FA00, s6;
	s6 =	smax.u32 s7, $0x1;
	s7 =	simm.s32 $0x1  }
.LBB2_1:
0xa: {  	[tilespmem:s2], [sflag:$0x1] =	stream.linear.gather [hbm4b:s3+s2], $0x2800, $0x38;
	[tilespmem:$0x7800] =	vst v63  }
0xb: {  	_ =	swait.ge [sflag:s7], $0x2800  }
0xc: {  	[sflag:s7] =	ssyncset.done $0x0  }
0xd: {  	s11 =	simm.s32 $0x0;
	s12 =	simm.s32 $0x200;
	[sflag:s7] =	ssyncadd.s32 $0xFFFFD800  }
.LBB2_2:
0xe: {  	p0 =	sne.s32 s12, $0x9E00;
	[tilespmem:s11+$0x5070] =	vst v0  }
0xf: {  	[tilespmem:s11+$0x2800] =	vst v0  }
0x10: {  	[tilespmem:s11+$0x5000] =	vst v0  }
0x11: {  	[tilespmem:s11+$0x2810] =	vst v0  }
0x12: {  	[tilespmem:s11+$0x5010] =	vst v0  }
0x13: {  	[tilespmem:s11+$0x2820] =	vst v0  }
0x14: {  	[tilespmem:s11+$0x5020] =	vst v0  }
0x15: {  	[tilespmem:s11+$0x2830] =	vst v0  }
0x16: {  	[tilespmem:s11+$0x5030] =	vst v0  }
0x17: {  	[tilespmem:s11+$0x2840] =	vst v0  }
0x18: {  	[tilespmem:s11+$0x5040] =	vst v0  }
.Ltmp0:
0x19: {  	[tilespmem:s11+$0x2850] =	vst v0;
	(pc) =	sbr.rel @p0 .LBB2_2-.Ltmp0, $4  }
0x1a: {  	[tilespmem:s11+$0x5050] =	vst v0  }
0x1b: {  	[tilespmem:s11+$0x2860] =	vst v0  }
0x1c: {  	[tilespmem:s11+$0x5060] =	vst v0  }
0x1d: {  	[tilespmem:s11+$0x2870] =	vst v0;
	s11 =	sshra.s32 s12, $0x2;
	s12 =	sadd.s32 $0x200, s12  }
0x1e: {  	[tilespmem:s11+$0x5070] =	vst v0  }
0x1f: {  	[tilespmem:s11+$0x2800] =	vst v0  }
0x20: {  	[tilespmem:s11+$0x5000] =	vst v0  }
0x21: {  	[tilespmem:s11+$0x2810] =	vst v0  }
0x22: {  	[tilespmem:s11+$0x5010] =	vst v0  }
0x23: {  	[tilespmem:s11+$0x2820] =	vst v0  }
0x24: {  	[tilespmem:s11+$0x5020] =	vst v0  }
0x25: {  	[tilespmem:s11+$0x2830] =	vst v0  }
0x26: {  	[tilespmem:s11+$0x5030] =	vst v0  }
0x27: {  	[tilespmem:s11+$0x2840] =	vst v0  }
0x28: {  	[tilespmem:s11+$0x5040] =	vst v0  }
0x29: {  	[tilespmem:s11+$0x2850] =	vst v0  }
0x2a: {  	[tilespmem:s11+$0x5050] =	vst v0  }
0x2b: {  	[tilespmem:s11+$0x2860] =	vst v0  }
0x2c: {  	[tilespmem:s11+$0x5060] =	vst v0  }
0x2d: {  	[tilespmem:s11+$0x2870] =	vst v0;
	s11 =	simm.s32 $0x0  }
.LBB2_4:
0x2e: {  	s12 =	sshra.s32 s11, $0x2  }
0x2f: {  	v3 =	vld [tilespmem:s12+$0x0];
	_ =	sdelay $0x4  }
0x30: {  	v4 =	vshra.s32 v3, $0x10  }
0x31: {  	v5 =	vshrl.u32 v4, $0x18  }
0x32: {  	vm0 =	vgt.s32 v4, $0x0;
	v5 =	vand.u32 $0x7F, v5  }
0x33: {  	v7 =	vshra.s32 v3, $0x1F;
	v6 =	vsel vm0, $0x1, v2;
	v5 =	vadd.s32 v5, v4  }
0x34: {  	v8 =	vand.u32 $0xFFFF, v4;
	v6 =	vadd.s32 v6, v7;
	v13 =	vand.u32 $0xFF80, v5  }
0x35: {  	vm6 =	vne.s32 v6, $0x1;
	vm1 =	vne.s32 v13, v8  }
0x36: {  	v5 =	vshll.u32 v5, $0x10;
	vm0 =	vmand vm1, vm6  }
0x37: {  	v5 =	vshra.s32 v5, $0x17;
	v14 =	vsel vm0, $0xFFFFFFFF, v2  }
0x38: {  	v5 =	vadd.s32 v5, v14  }
0x39: {  	v3 =	vand.u32 $0xFFFF, v3;
	v4 =	vand.u32 $0x7F, v4;
	v5 =	vshll.u32 v5, $0x7  }
0x3a: {  	v4 =	vor.u32 v4, v5;
	_ =	sdelay $0x3  }
0x3b: {  	[tilespmem:v3+s8+$0x0] =	vst.idx.add.f32.msk $0xffff, v1  }
0x3c: {  	[tilespmem:v4+s9+$0x0] =	vst.idx.add.f32.msk $0xffff, v1  }
0x3d: {  	v3 =	vld [tilespmem:s12+$0x10];
	_ =	sdelay $0x4  }
0x3e: {  	v15 =	vshra.s32 v3, $0x10  }
0x3f: {  	v16 =	vshrl.u32 v15, $0x18  }
0x40: {  	vm7 =	vgt.s32 v15, $0x0;
	v5 =	vand.u32 $0x7F, v16  }
0x41: {  	v18 =	vshra.s32 v3, $0x1F;
	v17 =	vsel vm7, $0x1, v2;
	v5 =	vadd.s32 v5, v15  }
0x42: {  	v19 =	vand.u32 $0xFFFF, v15;
	v6 =	vadd.s32 v17, v18;
	v20 =	vand.u32 $0xFF80, v5  }
0x43: {  	vm8 =	vne.s32 v6, $0x1;
	vm9 =	vne.s32 v20, v19  }
0x44: {  	v5 =	vshll.u32 v5, $0x10;
	vm0 =	vmand vm9, vm8  }
0x45: {  	v5 =	vshra.s32 v5, $0x17;
	v21 =	vsel vm0, $0xFFFFFFFF, v2  }
0x46: {  	v5 =	vadd.s32 v5, v21  }
0x47: {  	v3 =	vand.u32 $0xFFFF, v3;
	v4 =	vand.u32 $0x7F, v15;
	v5 =	vshll.u32 v5, $0x7  }
0x48: {  	v4 =	vor.u32 v4, v5;
	_ =	sdelay $0x3  }
0x49: {  	[tilespmem:v3+s8+$0x0] =	vst.idx.add.f32.msk $0xffff, v1  }
0x4a: {  	[tilespmem:v4+s9+$0x0] =	vst.idx.add.f32.msk $0xffff, v1  }
0x4b: {  	v3 =	vld [tilespmem:s12+$0x20];
	_ =	sdelay $0x4  }
0x4c: {  	v22 =	vshra.s32 v3, $0x10  }
0x4d: {  	v23 =	vshrl.u32 v22, $0x18  }
0x4e: {  	vm10 =	vgt.s32 v22, $0x0;
	v5 =	vand.u32 $0x7F, v23  }
0x4f: {  	v25 =	vshra.s32 v3, $0x1F;
	v24 =	vsel vm10, $0x1, v2;
	v5 =	vadd.s32 v5, v22  }
0x50: {  	v26 =	vand.u32 $0xFFFF, v22;
	v6 =	vadd.s32 v24, v25;
	v27 =	vand.u32 $0xFF80, v5  }
0x51: {  	vm11 =	vne.s32 v6, $0x1;
	vm12 =	vne.s32 v27, v26  }
0x52: {  	v5 =	vshll.u32 v5, $0x10;
	vm0 =	vmand vm12, vm11  }
0x53: {  	v5 =	vshra.s32 v5, $0x17;
	v28 =	vsel vm0, $0xFFFFFFFF, v2  }
0x54: {  	v5 =	vadd.s32 v5, v28  }
0x55: {  	v3 =	vand.u32 $0xFFFF, v3;
	v4 =	vand.u32 $0x7F, v22;
	v5 =	vshll.u32 v5, $0x7  }
0x56: {  	v4 =	vor.u32 v4, v5;
	_ =	sdelay $0x3  }
0x57: {  	[tilespmem:v3+s8+$0x0] =	vst.idx.add.f32.msk $0xffff, v1  }
0x58: {  	[tilespmem:v4+s9+$0x0] =	vst.idx.add.f32.msk $0xffff, v1  }
0x59: {  	v3 =	vld [tilespmem:s12+$0x30];
	_ =	sdelay $0x4  }
0x5a: {  	v29 =	vshra.s32 v3, $0x10  }
0x5b: {  	v30 =	vshrl.u32 v29, $0x18  }
0x5c: {  	vm13 =	vgt.s32 v29, $0x0;
	v5 =	vand.u32 $0x7F, v30  }
0x5d: {  	v32 =	vshra.s32 v3, $0x1F;
	v31 =	vsel vm13, $0x1, v2;
	v5 =	vadd.s32 v5, v29  }
0x5e: {  	v33 =	vand.u32 $0xFFFF, v29;
	v6 =	vadd.s32 v31, v32;
	v34 =	vand.u32 $0xFF80, v5  }
0x5f: {  	vm14 =	vne.s32 v6, $0x1;
	vm15 =	vne.s32 v34, v33  }
0x60: {  	v5 =	vshll.u32 v5, $0x10;
	vm0 =	vmand vm15, vm14  }
0x61: {  	v5 =	vshra.s32 v5, $0x17;
	v35 =	vsel vm0, $0xFFFFFFFF, v2  }
0x62: {  	v5 =	vadd.s32 v5, v35  }
0x63: {  	v3 =	vand.u32 $0xFFFF, v3;
	v4 =	vand.u32 $0x7F, v29;
	v5 =	vshll.u32 v5, $0x7  }
0x64: {  	v4 =	vor.u32 v4, v5;
	_ =	sdelay $0x3  }
0x65: {  	[tilespmem:v3+s8+$0x0] =	vst.idx.add.f32.msk $0xffff, v1  }
0x66: {  	[tilespmem:v4+s9+$0x0] =	vst.idx.add.f32.msk $0xffff, v1  }
0x67: {  	v3 =	vld [tilespmem:s12+$0x40];
	_ =	sdelay $0x4  }
0x68: {  	v36 =	vshra.s32 v3, $0x10  }
0x69: {  	v37 =	vshrl.u32 v36, $0x18  }
0x6a: {  	vm4 =	vgt.s32 v36, $0x0;
	v5 =	vand.u32 $0x7F, v37  }
0x6b: {  	v39 =	vshra.s32 v3, $0x1F;
	v38 =	vsel vm4, $0x1, v2;
	v5 =	vadd.s32 v5, v36  }
0x6c: {  	v40 =	vand.u32 $0xFFFF, v36;
	v6 =	vadd.s32 v38, v39;
	v41 =	vand.u32 $0xFF80, v5  }
0x6d: {  	vm5 =	vne.s32 v6, $0x1;
	vm6 =	vne.s32 v41, v40  }
0x6e: {  	v5 =	vshll.u32 v5, $0x10;
	vm0 =	vmand vm6, vm5  }
0x6f: {  	v5 =	vshra.s32 v5, $0x17;
	v42 =	vsel vm0, $0xFFFFFFFF, v2  }
0x70: {  	v5 =	vadd.s32 v5, v42  }
0x71: {  	v3 =	vand.u32 $0xFFFF, v3;
	v4 =	vand.u32 $0x7F, v36;
	v5 =	vshll.u32 v5, $0x7  }
0x72: {  	v4 =	vor.u32 v4, v5;
	_ =	sdelay $0x3  }
0x73: {  	[tilespmem:v3+s8+$0x0] =	vst.idx.add.f32.msk $0xffff, v1  }
0x74: {  	[tilespmem:v4+s9+$0x0] =	vst.idx.add.f32.msk $0xffff, v1  }
0x75: {  	v3 =	vld [tilespmem:s12+$0x50];
	_ =	sdelay $0x4  }
0x76: {  	v43 =	vshra.s32 v3, $0x10  }
0x77: {  	v44 =	vshrl.u32 v43, $0x18  }
0x78: {  	vm7 =	vgt.s32 v43, $0x0;
	v5 =	vand.u32 $0x7F, v44  }
0x79: {  	v46 =	vshra.s32 v3, $0x1F;
	v45 =	vsel vm7, $0x1, v2;
	v5 =	vadd.s32 v5, v43  }
0x7a: {  	v47 =	vand.u32 $0xFFFF, v43;
	v6 =	vadd.s32 v45, v46;
	v48 =	vand.u32 $0xFF80, v5  }
0x7b: {  	vm8 =	vne.s32 v6, $0x1;
	vm9 =	vne.s32 v48, v47  }
0x7c: {  	v5 =	vshll.u32 v5, $0x10;
	vm0 =	vmand vm9, vm8  }
0x7d: {  	v5 =	vshra.s32 v5, $0x17;
	v49 =	vsel vm0, $0xFFFFFFFF, v2  }
0x7e: {  	v5 =	vadd.s32 v5, v49  }
0x7f: {  	v3 =	vand.u32 $0xFFFF, v3;
	v4 =	vand.u32 $0x7F, v43;
	v5 =	vshll.u32 v5, $0x7  }
0x80: {  	v4 =	vor.u32 v4, v5;
	_ =	sdelay $0x3  }
0x81: {  	[tilespmem:v3+s8+$0x0] =	vst.idx.add.f32.msk $0xffff, v1  }
0x82: {  	[tilespmem:v4+s9+$0x0] =	vst.idx.add.f32.msk $0xffff, v1  }
0x83: {  	v3 =	vld [tilespmem:s12+$0x60];
	_ =	sdelay $0x4  }
0x84: {  	v50 =	vshra.s32 v3, $0x10  }
0x85: {  	v51 =	vshrl.u32 v50, $0x18  }
0x86: {  	vm10 =	vgt.s32 v50, $0x0;
	v5 =	vand.u32 $0x7F, v51  }
0x87: {  	v53 =	vshra.s32 v3, $0x1F;
	v52 =	vsel vm10, $0x1, v2;
	v5 =	vadd.s32 v5, v50  }
0x88: {  	v54 =	vand.u32 $0xFFFF, v50;
	v6 =	vadd.s32 v52, v53;
	v55 =	vand.u32 $0xFF80, v5  }
0x89: {  	vm11 =	vne.s32 v6, $0x1;
	vm12 =	vne.s32 v55, v54  }
0x8a: {  	v5 =	vshll.u32 v5, $0x10;
	vm0 =	vmand vm12, vm11  }
0x8b: {  	v5 =	vshra.s32 v5, $0x17;
	v56 =	vsel vm0, $0xFFFFFFFF, v2  }
0x8c: {  	v5 =	vadd.s32 v5, v56  }
0x8d: {  	v3 =	vand.u32 $0xFFFF, v3;
	v4 =	vand.u32 $0x7F, v50;
	v5 =	vshll.u32 v5, $0x7  }
0x8e: {  	v4 =	vor.u32 v4, v5;
	_ =	sdelay $0x3  }
0x8f: {  	[tilespmem:v3+s8+$0x0] =	vst.idx.add.f32.msk $0xffff, v1  }
0x90: {  	[tilespmem:v4+s9+$0x0] =	vst.idx.add.f32.msk $0xffff, v1  }
0x91: {  	v3 =	vld [tilespmem:s12+$0x70];
	_ =	sdelay $0x4  }
0x92: {  	v57 =	vshra.s32 v3, $0x10  }
0x93: {  	v58 =	vshrl.u32 v57, $0x18  }
0x94: {  	vm13 =	vgt.s32 v57, $0x0;
	v5 =	vand.u32 $0x7F, v58  }
0x95: {  	v60 =	vshra.s32 v3, $0x1F;
	v59 =	vsel vm13, $0x1, v2;
	v5 =	vadd.s32 v5, v57  }
0x96: {  	v61 =	vand.u32 $0xFFFF, v57;
	v6 =	vadd.s32 v59, v60;
	v62 =	vand.u32 $0xFF80, v5  }
0x97: {  	vm14 =	vne.s32 v6, $0x1;
	vm15 =	vne.s32 v62, v61  }
0x98: {  	v5 =	vshll.u32 v5, $0x10;
	vm0 =	vmand vm15, vm14  }
0x99: {  	v5 =	vshra.s32 v5, $0x17;
	v63 =	vsel vm0, $0xFFFFFFFF, v2  }
0x9a: {  	v5 =	vadd.s32 v5, v63  }
0x9b: {  	v3 =	vand.u32 $0xFFFF, v3;
	v4 =	vand.u32 $0x7F, v57;
	v5 =	vshll.u32 v5, $0x7  }
0x9c: {  	p0 =	sne.s32 s11, $0x9E00;
	v4 =	vor.u32 v4, v5  }
.Ltmp1:
0x9d: {  	_ = 	snop;
	(pc) =	sbr.rel @p0 .LBB2_4-.Ltmp1, $3  }
0x9e: {  	_ =	sdelay $0x1  }
0x9f: {  	[tilespmem:v3+s8+$0x0] =	vst.idx.add.f32.msk $0xffff, v1  }
0xa0: {  	s11 =	sadd.s32 $0x200, s11;
	[tilespmem:v4+s9+$0x0] =	vst.idx.add.f32.msk $0xffff, v1  }
0xa1: {  	[hbm4b:s4+s2] =	stream.linear.scatter [tilespmem:s8], [sflag:$0x1], $0x2800, $0x38;
	[tilespmem:$0x7800] =	vst v63  }
0xa2: {  	s10 =	sadd.s32 $0x1, s10;
	_ =	swait.ge [sflag:s7], $0x2800  }
0xa3: {  	p0 =	sne.s32 s10, s6;
	[sflag:s7] =	ssyncset.done $0x0  }
.Ltmp2:
0xa4: {  	[sflag:s7] =	ssyncadd.s32 $0xFFFFD800;
	(pc) =	sbr.rel @p0 .LBB2_1-.Ltmp2, $4  }
0xa5: {  	[hbm4b:s5+s2] =	stream.linear.scatter [tilespmem:s9], [sflag:$0x1], $0x2800, $0x38;
	[tilespmem:$0x7800] =	vst v63  }
0xa6: {  	_ =	swait.ge [sflag:s7], $0x2800  }
0xa7: {  	[sflag:s7] =	ssyncset.done $0x0  }
0xa8: {  	[sflag:s7] =	ssyncadd.s32 $0xFFFFD800  }
0xa9: {  	_ =	sfence.sel $0x180000  }
0xaa: {  	[bflag:$0x0] =	sbarrier.arrive $0xFFFF  }
0xab: {  	p0 =	sne.s32 s0, $0x0;
	_ =	strace $0x90000047  }
0xac: {  	s0 =	sadd.s32 @!p0 $0x100000, s1;
	[bflag:$0x2] =	sbarrier.arrive $0xFFFF  }
0xad: {  	[sflag:s0] =	ssyncadd.tile.s32 @!p0 $0x1;
	_ =	shalt  }
.Lfunc_end2:
_tile_overlayer_lowered:
.L_overlay_start_2:
0xae: {  	(tag) =	ssettag $0x2  }
0xaf: {  	s0 =	rddreg [dreg:$0x0];
	s2 =	stileid.u32  }
0xb0: {  	s1 =	rddreg [dreg:$0x1];
	p0 =	sne.s32 s2, $0x0  }
0xb1: {  	s3 =	rddreg [dreg:$0x2];
	[bflag:$0x3] =	sbarrier.arrive $0xFFFF;
	s2 =	simm.s32 @!p0 $0x1C01  }
0xb2: {  	[timem:s3], [sflag:s2] =	dma.local @!p0 [hbm:s0], s1  }
0xb3: {  	s0 =	simm.s32 @!p0 $0x1  }
0xb4: {  	_ =	swait.ge @!p0 [sflag:s0], s1  }
0xb5: {  	s1 =	ssub.s32 @!p0 $0x0, s1;
	[sflag:s0] =	ssyncset.done @!p0 $0x0  }
0xb6: {  	[sflag:s0] =	ssyncadd.s32 @!p0 s1  }
0xb7: {  	[bflag:$0x3] =	sbarrier.arrive $0xFFFF  }
0xb8: {  	_ =	shalt  }

</sc_bundles>
